<compile_context>
chip_gen: v7x
topology: tpu7x:2x2x1
jax: 0.10.2.dev20260603
libtpu: 0.0.44.dev20260713+nightly
codegen_flags: <defaults>
</compile_context>

<pallas_src>
import jax
import jax.numpy as jnp
from jax import lax
from jax.experimental import pallas as pl
from jax.experimental.pallas import tpu as pltpu
from jax.experimental.pallas import tpu_sc as plsc

_MEM_SIZE = 100000
_B = 16384
_D1 = 128
_D2 = 128
_H = 128
_O = 128

_NC = 2
_NS = 16
_LANES = 16
_NW = _NC * _NS
_BPW = _B // _NW
_GCH = 32
_NCH = _BPW // _GCH


def _sc_gather_body(src_ids_hbm, dst_ids_hbm, mem_hbm, hist_hbm,
                    sid_v, did_v, keys_v, rows_v, sem, wsem):
    wid = lax.axis_index("s") * _NC + lax.axis_index("c")
    base = wid * _BPW
    cs = pltpu.async_copy(src_ids_hbm.at[pl.ds(base, _BPW)], sid_v, sem)
    cd = pltpu.async_copy(dst_ids_hbm.at[pl.ds(base, _BPW)], did_v, sem)
    cs.wait()
    cd.wait()
    gathers = []
    for j in range(_NCH):
        for i in range(_GCH // _LANES):
            off = j * _GCH + i * _LANES
            s = sid_v[pl.ds(off, _LANES)]
            d = did_v[pl.ds(off, _LANES)]
            keys_v[j, pl.ds(i * _LANES, _LANES)] = (s * 31 + d) % _MEM_SIZE
        gathers.append(pltpu.async_copy(
            mem_hbm.at[keys_v.at[j]],
            rows_v.at[pl.ds(j * _GCH, _GCH)], sem))
    writes = []
    for j in range(_NCH):
        gathers[j].wait()
        writes.append(pltpu.async_copy(
            rows_v.at[pl.ds(j * _GCH, _GCH)],
            hist_hbm.at[pl.ds(base + j * _GCH, _GCH)], wsem))
    for w in writes:
        w.wait()


@jax.jit
def _sc_gather(src_ids, dst_ids, mem):
    mesh = plsc.VectorSubcoreMesh(core_axis_name="c", subcore_axis_name="s")
    f = pl.kernel(
        _sc_gather_body,
        out_type=jax.ShapeDtypeStruct((_B, _H), jnp.float32),
        mesh=mesh,
        scratch_types=[
            pltpu.VMEM((_BPW,), jnp.int32),
            pltpu.VMEM((_BPW,), jnp.int32),
            pltpu.VMEM((_NCH, _GCH), jnp.int32),
            pltpu.VMEM((_BPW, _H), jnp.float32),
            pltpu.SemaphoreType.DMA,
            pltpu.SemaphoreType.DMA,
        ],
    )
    return f(src_ids, dst_ids, mem)


def _dense_body(src_ref, dst_ref, w1_ref, w2_ref, b1_ref, b2_ref, out_ref):
    h = jnp.dot(src_ref[...], w1_ref[:_D1, :],
                preferred_element_type=jnp.float32)
    h = h + jnp.dot(dst_ref[...], w1_ref[_D1:, :],
                    preferred_element_type=jnp.float32)
    h = jnp.maximum(h + b1_ref[...], 0.0)
    o = jnp.dot(h, w2_ref[:_H, :], preferred_element_type=jnp.float32)
    out_ref[...] = (o + b2_ref[...]).astype(jnp.bfloat16)


def _merge_body(out1_ref, hist_ref, w2_ref, out_ref):
    out_ref[...] = out1_ref[...].astype(jnp.float32) + jnp.dot(
        hist_ref[...], w2_ref[_H:, :], preferred_element_type=jnp.float32)


_BLK = 8192


@jax.jit
def _dense(src_emb, dst_emb, w1, w2, b1, b2):
    return pl.pallas_call(
        _dense_body,
        grid=(_B // _BLK,),
        in_specs=[
            pl.BlockSpec((_BLK, _D1), lambda i: (i, 0)),
            pl.BlockSpec((_BLK, _D2), lambda i: (i, 0)),
            pl.BlockSpec((_D1 + _D2, _H), lambda i: (0, 0)),
            pl.BlockSpec((2 * _H, _O), lambda i: (0, 0)),
            pl.BlockSpec((_H,), lambda i: (0,)),
            pl.BlockSpec((_O,), lambda i: (0,)),
        ],
        out_specs=pl.BlockSpec((_BLK, _O), lambda i: (i, 0)),
        out_shape=jax.ShapeDtypeStruct((_B, _O), jnp.bfloat16),
        compiler_params=pltpu.CompilerParams(
            dimension_semantics=("parallel",)),
    )(src_emb, dst_emb, w1, w2, b1, b2)


_MBLK = 8192


@jax.jit
def _merge(out1, hist, w2):
    return pl.pallas_call(
        _merge_body,
        grid=(_B // _MBLK,),
        in_specs=[
            pl.BlockSpec((_MBLK, _O), lambda i: (i, 0)),
            pl.BlockSpec((_MBLK, _H), lambda i: (i, 0)),
            pl.BlockSpec((2 * _H, _O), lambda i: (0, 0)),
        ],
        out_specs=pl.BlockSpec((_MBLK, _O), lambda i: (i, 0)),
        out_shape=jax.ShapeDtypeStruct((_B, _O), jnp.float32),
        input_output_aliases={1: 0},
        compiler_params=pltpu.CompilerParams(
            dimension_semantics=("parallel",)),
    )(out1, hist, w2)


def kernel(src_emb, dst_emb, W1, b1, W2, b2, mem, src_ids, dst_ids):
    hist = _sc_gather(src_ids, dst_ids, mem)
    out1 = _dense(src_emb, dst_emb, W1, W2, b1, b2)
    return _merge(out1, hist, W2)

# --- scband reference (transcript-rebuilt; emitter-appended) ---
"""Pipeline reference for scband-historical-decoder-5377299054978 (READ-ONLY COPY).

The authoritative reference and input builder live on the scoring server;
editing this copy changes nothing except your own understanding.
"""

import jax, jax.numpy as jnp
import numpy as np

GAMMA = 0.9
MEM_SIZE = 100000
B = 16384
D1 = 128
D2 = 128
H = 128
O = 128


def setup_inputs(seed: int = 0) -> dict:
    key = jax.random.key(seed)
    k1, k2, k3, k4, k5, k6 = jax.random.split(key, 6)
    src_ids = jax.random.randint(k1, (B,), 0, 1000000)
    dst_ids = jax.random.randint(k2, (B,), 0, 1000000)
    src_emb = jax.random.normal(k3, (B, D1), dtype=jnp.float32)
    dst_emb = jax.random.normal(k4, (B, D2), dtype=jnp.float32)
    W1 = jax.random.normal(k5, (D1 + D2, H), dtype=jnp.float32) * 0.05
    b1 = jnp.zeros((H,), dtype=jnp.float32)
    W2 = jax.random.normal(k6, (2 * H, O), dtype=jnp.float32) * 0.05
    b2 = jnp.zeros((O,), dtype=jnp.float32)
    # TRC memory bank: empty at forward time in torch (dict), so all lookups
    # return PAD_ZERO. Modeled as a zero-initialized dense table gathered by
    # a hashed (src, dst) edge key -- same math, explicit gather.
    mem = jnp.zeros((MEM_SIZE, H), dtype=jnp.float32)
    return {
        'src_emb': src_emb,
        'dst_emb': dst_emb,
        'W1': W1,
        'b1': b1,
        'W2': W2,
        'b2': b2,
        'mem': mem,
        'src_ids': src_ids,
        'dst_ids': dst_ids,
    }


def reference(src_emb, dst_emb, W1, b1, W2, b2, mem, src_ids, dst_ids):
    # fc1 over concatenated src/dst embeddings
    x = jnp.concatenate([src_emb, dst_emb], axis=1)
    h_current = jax.nn.relu(x @ W1 + b1)
    # gather historical edge embeddings by hashed edge key
    keys = (src_ids * 31 + dst_ids) % MEM_SIZE
    h_most_recent_emb = jnp.take(mem, keys, axis=0)
    # weighted-sum aggregator (Eq. 4): updated hist emb (used for memory writes)
    updated_weighted_hist_emb = GAMMA * h_current + (1.0 - GAMMA) * h_most_recent_emb
    h_historical = h_most_recent_emb
    # fc2 over (current, historical)
    h = jnp.concatenate([h_current, h_historical], axis=1) @ W2 + b2
    return h

if __name__ == "__main__":
    import jax
    _d = setup_inputs()
    print(jax.jit(kernel)(*tuple(_d.values())))

</pallas_src>

<mosaic_0001>
#map = affine_map<(d0, d1) -> (0)>
#map1 = affine_map<(d0, d1) -> (0, 0)>
module attributes {stable_mosaic.version = 14 : i64} {
  func.func @_sc_gather_body(%arg0: i32, %arg1: i32, %arg2: memref<16384xi32, #tpu.memory_space<hbm>>, %arg3: memref<16384xi32, #tpu.memory_space<hbm>>, %arg4: memref<100000x128xf32, #tpu.memory_space<hbm>>, %arg5: memref<16384x128xf32, #tpu.memory_space<hbm>>, %arg6: memref<512xi32, #tpu.memory_space<vmem>>, %arg7: memref<512xi32, #tpu.memory_space<vmem>>, %arg8: memref<16x32xi32, #tpu.memory_space<vmem>>, %arg9: memref<512x128xf32, #tpu.memory_space<vmem>>, %arg10: memref<!tpu.dma_semaphore, #tpu.memory_space<semaphore_mem>>, %arg11: memref<!tpu.dma_semaphore, #tpu.memory_space<semaphore_mem>>) attributes {dimension_semantics = [#tpu.dimension_semantics<core_parallel>, #tpu.dimension_semantics<subcore_parallel>], iteration_bounds = array<i64: 2, 16>, scalar_prefetch = 0 : i64, scratch_operands = 6 : i64, tpu.core_type = #tpu.core_type<sc_vector_subcore>, window_params = [{transform_indices = #map}, {transform_indices = #map}, {transform_indices = #map1}, {transform_indices = #map1}]} {
    %mul3A = arith.constant 2 : i32
    %mul3A_0 = arith.muli %arg1, %mul3A : i32
    %add3A = arith.addi %mul3A_0, %arg0 : i32
    %mul3A_1 = arith.constant 512 : i32
    %mul3A_2 = arith.muli %add3A, %mul3A_1 : i32
    %dma_start3A = tpu.memref_slice %arg2[%mul3A_2] : memref<16384xi32, #tpu.memory_space<hbm>> -> memref<512xi32, #tpu.memory_space<hbm>>
    %dma_start3A_3 = tpu.memref_slice %arg2[%mul3A_2] : memref<16384xi32, #tpu.memory_space<hbm>> -> memref<512xi32, #tpu.memory_space<hbm>>
    tpu.enqueue_dma source(%dma_start3A_3 : memref<512xi32, #tpu.memory_space<hbm>>) target(%arg6 : memref<512xi32, #tpu.memory_space<vmem>>) target_semaphore(%arg10 : memref<!tpu.dma_semaphore, #tpu.memory_space<semaphore_mem>>)
    %dma_start3A_4 = tpu.memref_slice %arg3[%mul3A_2] : memref<16384xi32, #tpu.memory_space<hbm>> -> memref<512xi32, #tpu.memory_space<hbm>>
    %dma_start3A_5 = tpu.memref_slice %arg3[%mul3A_2] : memref<16384xi32, #tpu.memory_space<hbm>> -> memref<512xi32, #tpu.memory_space<hbm>>
    tpu.enqueue_dma source(%dma_start3A_5 : memref<512xi32, #tpu.memory_space<hbm>>) target(%arg7 : memref<512xi32, #tpu.memory_space<vmem>>) target_semaphore(%arg10 : memref<!tpu.dma_semaphore, #tpu.memory_space<semaphore_mem>>)
    %dma_wait3A = tpu.memref_slice %arg2[%mul3A_2] : memref<16384xi32, #tpu.memory_space<hbm>> -> memref<512xi32, #tpu.memory_space<hbm>>
    %dma_wait3A_6 = tpu.memref_slice %arg2[%mul3A_2] : memref<16384xi32, #tpu.memory_space<hbm>> -> memref<512xi32, #tpu.memory_space<hbm>>
    tpu.wait_dma2 semaphore(%arg10 : memref<!tpu.dma_semaphore, #tpu.memory_space<semaphore_mem>>) src(%dma_wait3A_6 : memref<512xi32, #tpu.memory_space<hbm>>) dst(%arg6 : memref<512xi32, #tpu.memory_space<vmem>>)
    %dma_wait3A_7 = tpu.memref_slice %arg3[%mul3A_2] : memref<16384xi32, #tpu.memory_space<hbm>> -> memref<512xi32, #tpu.memory_space<hbm>>
    %dma_wait3A_8 = tpu.memref_slice %arg3[%mul3A_2] : memref<16384xi32, #tpu.memory_space<hbm>> -> memref<512xi32, #tpu.memory_space<hbm>>
    tpu.wait_dma2 semaphore(%arg10 : memref<!tpu.dma_semaphore, #tpu.memory_space<semaphore_mem>>) src(%dma_wait3A_8 : memref<512xi32, #tpu.memory_space<hbm>>) dst(%arg7 : memref<512xi32, #tpu.memory_space<vmem>>)
    %get3A = arith.constant 0 : index
    %get3A_9 = tpu.vector_load %arg6[%get3A] {strides = array<i32>} : memref<512xi32, #tpu.memory_space<vmem>>, vector<16xi32>,
    %get3A_10 = vector.shape_cast %get3A_9 : vector<16xi32> to vector<16xi32>
    %get3A_11 = arith.constant 0 : index
    %get3A_12 = tpu.vector_load %arg7[%get3A_11] {strides = array<i32>} : memref<512xi32, #tpu.memory_space<vmem>>, vector<16xi32>,
    %get3A_13 = vector.shape_cast %get3A_12 : vector<16xi32> to vector<16xi32>
    %mul3A_14 = arith.constant 31 : i32
    %mul3A_15 = vector.broadcast %mul3A_14 : i32 to vector<16xi32>
    %mul3A_16 = arith.muli %get3A_10, %mul3A_15 : vector<16xi32>
    %add3A_17 = arith.addi %mul3A_16, %get3A_13 : vector<16xi32>
    %jit3A = arith.constant 100000 : i32
    %eq3A = arith.constant 0 : i32
    %eq3A_18 = arith.cmpi eq, %jit3A, %eq3A : i32
    %jit3A_19 = arith.constant 1 : i32
    %select_n3A = arith.select %eq3A_18, %jit3A_19, %jit3A : i32
    %rem3A = vector.broadcast %select_n3A : i32 to vector<16xi32>
    %rem3A_20 = arith.remsi %add3A_17, %rem3A : vector<16xi32>
    %ne3A = arith.constant 0 : i32
    %ne3A_21 = vector.broadcast %ne3A : i32 to vector<16xi32>
    %ne3A_22 = arith.cmpi ne, %rem3A_20, %ne3A_21 : vector<16xi32>
    %lt3A = arith.constant 0 : i32
    %lt3A_23 = vector.broadcast %lt3A : i32 to vector<16xi32>
    %lt3A_24 = arith.cmpi slt, %rem3A_20, %lt3A_23 : vector<16xi32>
    %lt3A_25 = arith.constant 0 : i32
    %lt3A_26 = arith.cmpi slt, %select_n3A, %lt3A_25 : i32
    %ne3A_27 = vector.broadcast %lt3A_26 : i1 to vector<16xi1>
    %ne3A_28 = vector.broadcast %ne3A_27 : vector<16xi1> to vector<16xi1>
    %ne3A_29 = arith.xori %lt3A_24, %ne3A_28 : vector<16xi1>
    %and3A = arith.andi %ne3A_29, %ne3A_22 : vector<16xi1>
    %add3A_30 = vector.broadcast %select_n3A : i32 to vector<16xi32>
    %add3A_31 = arith.addi %rem3A_20, %add3A_30 : vector<16xi32>
    %select_n3A_32 = arith.select %and3A, %add3A_31, %rem3A_20 : vector<16xi1>, vector<16xi32>
    %swap3A = arith.constant 0 : i32
    %swap3A_33 = arith.index_cast %swap3A : i32 to index
    %swap3A_34 = arith.constant 0 : index
    %swap3A_35 = tpu.vector_load %arg8[%swap3A_33, %swap3A_34] {strides = array<i32>} : memref<16x32xi32, #tpu.memory_space<vmem>>, vector<1x16xi32>,
    %swap3A_36 = vector.shape_cast %swap3A_35 : vector<1x16xi32> to vector<16xi32>
    %swap3A_37 = vector.shape_cast %select_n3A_32 : vector<16xi32> to vector<1x16xi32>
    tpu.vector_store %arg8[%swap3A_33, %swap3A_34], %swap3A_37 {strides = array<i32>} : memref<16x32xi32, #tpu.memory_space<vmem>>, vector<1x16xi32>,
    %get3A_38 = arith.constant 16 : index
    %get3A_39 = tpu.vector_load %arg6[%get3A_38] {strides = array<i32>} : memref<512xi32, #tpu.memory_space<vmem>>, vector<16xi32>,
    %get3A_40 = vector.shape_cast %get3A_39 : vector<16xi32> to vector<16xi32>
    %get3A_41 = arith.constant 16 : index
    %get3A_42 = tpu.vector_load %arg7[%get3A_41] {strides = array<i32>} : memref<512xi32, #tpu.memory_space<vmem>>, vector<16xi32>,
    %get3A_43 = vector.shape_cast %get3A_42 : vector<16xi32> to vector<16xi32>
    %mul3A_44 = arith.constant 31 : i32
    %mul3A_45 = vector.broadcast %mul3A_44 : i32 to vector<16xi32>
    %mul3A_46 = arith.muli %get3A_40, %mul3A_45 : vector<16xi32>
    %add3A_47 = arith.addi %mul3A_46, %get3A_43 : vector<16xi32>
    %jit3A_48 = arith.constant 100000 : i32
    %eq3A_49 = arith.constant 0 : i32
    %eq3A_50 = arith.cmpi eq, %jit3A_48, %eq3A_49 : i32
    %jit3A_51 = arith.constant 1 : i32
    %select_n3A_52 = arith.select %eq3A_50, %jit3A_51, %jit3A_48 : i32
    %rem3A_53 = vector.broadcast %select_n3A_52 : i32 to vector<16xi32>
    %rem3A_54 = arith.remsi %add3A_47, %rem3A_53 : vector<16xi32>
    %ne3A_55 = arith.constant 0 : i32
    %ne3A_56 = vector.broadcast %ne3A_55 : i32 to vector<16xi32>
    %ne3A_57 = arith.cmpi ne, %rem3A_54, %ne3A_56 : vector<16xi32>
    %lt3A_58 = arith.constant 0 : i32
    %lt3A_59 = vector.broadcast %lt3A_58 : i32 to vector<16xi32>
    %lt3A_60 = arith.cmpi slt, %rem3A_54, %lt3A_59 : vector<16xi32>
    %lt3A_61 = arith.constant 0 : i32
    %lt3A_62 = arith.cmpi slt, %select_n3A_52, %lt3A_61 : i32
    %ne3A_63 = vector.broadcast %lt3A_62 : i1 to vector<16xi1>
    %ne3A_64 = vector.broadcast %ne3A_63 : vector<16xi1> to vector<16xi1>
    %ne3A_65 = arith.xori %lt3A_60, %ne3A_64 : vector<16xi1>
    %and3A_66 = arith.andi %ne3A_65, %ne3A_57 : vector<16xi1>
    %add3A_67 = vector.broadcast %select_n3A_52 : i32 to vector<16xi32>
    %add3A_68 = arith.addi %rem3A_54, %add3A_67 : vector<16xi32>
    %select_n3A_69 = arith.select %and3A_66, %add3A_68, %rem3A_54 : vector<16xi1>, vector<16xi32>
    %swap3A_70 = arith.constant 0 : i32
    %swap3A_71 = arith.index_cast %swap3A_70 : i32 to index
    %swap3A_72 = arith.constant 16 : index
    %swap3A_73 = tpu.vector_load %arg8[%swap3A_71, %swap3A_72] {strides = array<i32>} : memref<16x32xi32, #tpu.memory_space<vmem>>, vector<1x16xi32>,
    %swap3A_74 = vector.shape_cast %swap3A_73 : vector<1x16xi32> to vector<16xi32>
    %swap3A_75 = vector.shape_cast %select_n3A_69 : vector<16xi32> to vector<1x16xi32>
    tpu.vector_store %arg8[%swap3A_71, %swap3A_72], %swap3A_75 {strides = array<i32>} : memref<16x32xi32, #tpu.memory_space<vmem>>, vector<1x16xi32>,
    %dma_start3A_76 = arith.constant 0 : i32
    %dma_start3A_77 = arith.constant 0 : i32
    %dma_start3A_78 = arith.constant 0 : i32
    %dma_start3A_79 = tpu.memref_slice %arg9[%dma_start3A_77, %dma_start3A_78] : memref<512x128xf32, #tpu.memory_space<vmem>> -> memref<32x128xf32, #tpu.memory_space<vmem>>
    %dma_start3A_80 = arith.constant 0 : i32
    %dma_start3A_81 = tpu.memref_slice %arg8[%dma_start3A_76, %dma_start3A_80] : memref<16x32xi32, #tpu.memory_space<vmem>> -> memref<1x32xi32, #tpu.memory_space<vmem>>
    %dma_start3A_82 = tpu.memref_squeeze %dma_start3A_81 : memref<1x32xi32, #tpu.memory_space<vmem>> -> memref<32xi32, #tpu.memory_space<vmem>>
    %dma_start3A_83 = arith.constant 0 : i32
    %dma_start3A_84 = arith.constant 0 : i32
    %dma_start3A_85 = tpu.memref_slice %arg4[%dma_start3A_83, %dma_start3A_84] : memref<100000x128xf32, #tpu.memory_space<hbm>> -> memref<100000x128xf32, #tpu.memory_space<hbm>>
    tpu.enqueue_indirect_dma source(%dma_start3A_85 : memref<100000x128xf32, #tpu.memory_space<hbm>>) target(%dma_start3A_79 : memref<32x128xf32, #tpu.memory_space<vmem>>) offsets(%dma_start3A_82 : memref<32xi32, #tpu.memory_space<vmem>>) semaphore(%arg10 : memref<!tpu.dma_semaphore, #tpu.memory_space<semaphore_mem>>)
    %get3A_86 = arith.constant 32 : index
    %get3A_87 = tpu.vector_load %arg6[%get3A_86] {strides = array<i32>} : memref<512xi32, #tpu.memory_space<vmem>>, vector<16xi32>,
    %get3A_88 = vector.shape_cast %get3A_87 : vector<16xi32> to vector<16xi32>
    %get3A_89 = arith.constant 32 : index
    %get3A_90 = tpu.vector_load %arg7[%get3A_89] {strides = array<i32>} : memref<512xi32, #tpu.memory_space<vmem>>, vector<16xi32>,
    %get3A_91 = vector.shape_cast %get3A_90 : vector<16xi32> to vector<16xi32>
    %mul3A_92 = arith.constant 31 : i32
    %mul3A_93 = vector.broadcast %mul3A_92 : i32 to vector<16xi32>
    %mul3A_94 = arith.muli %get3A_88, %mul3A_93 : vector<16xi32>
    %add3A_95 = arith.addi %mul3A_94, %get3A_91 : vector<16xi32>
    %jit3A_96 = arith.constant 100000 : i32
    %eq3A_97 = arith.constant 0 : i32
    %eq3A_98 = arith.cmpi eq, %jit3A_96, %eq3A_97 : i32
    %jit3A_99 = arith.constant 1 : i32
    %select_n3A_100 = arith.select %eq3A_98, %jit3A_99, %jit3A_96 : i32
    %rem3A_101 = vector.broadcast %select_n3A_100 : i32 to vector<16xi32>
    %rem3A_102 = arith.remsi %add3A_95, %rem3A_101 : vector<16xi32>
    %ne3A_103 = arith.constant 0 : i32
    %ne3A_104 = vector.broadcast %ne3A_103 : i32 to vector<16xi32>
    %ne3A_105 = arith.cmpi ne, %rem3A_102, %ne3A_104 : vector<16xi32>
    %lt3A_106 = arith.constant 0 : i32
    %lt3A_107 = vector.broadcast %lt3A_106 : i32 to vector<16xi32>
    %lt3A_108 = arith.cmpi slt, %rem3A_102, %lt3A_107 : vector<16xi32>
    %lt3A_109 = arith.constant 0 : i32
    %lt3A_110 = arith.cmpi slt, %select_n3A_100, %lt3A_109 : i32
    %ne3A_111 = vector.broadcast %lt3A_110 : i1 to vector<16xi1>
    %ne3A_112 = vector.broadcast %ne3A_111 : vector<16xi1> to vector<16xi1>
    %ne3A_113 = arith.xori %lt3A_108, %ne3A_112 : vector<16xi1>
    %and3A_114 = arith.andi %ne3A_113, %ne3A_105 : vector<16xi1>
    %add3A_115 = vector.broadcast %select_n3A_100 : i32 to vector<16xi32>
    %add3A_116 = arith.addi %rem3A_102, %add3A_115 : vector<16xi32>
    %select_n3A_117 = arith.select %and3A_114, %add3A_116, %rem3A_102 : vector<16xi1>, vector<16xi32>
    %swap3A_118 = arith.constant 1 : i32
    %swap3A_119 = arith.index_cast %swap3A_118 : i32 to index
    %swap3A_120 = arith.constant 0 : index
    %swap3A_121 = tpu.vector_load %arg8[%swap3A_119, %swap3A_120] {strides = array<i32>} : memref<16x32xi32, #tpu.memory_space<vmem>>, vector<1x16xi32>,
    %swap3A_122 = vector.shape_cast %swap3A_121 : vector<1x16xi32> to vector<16xi32>
    %swap3A_123 = vector.shape_cast %select_n3A_117 : vector<16xi32> to vector<1x16xi32>
    tpu.vector_store %arg8[%swap3A_119, %swap3A_120], %swap3A_123 {strides = array<i32>} : memref<16x32xi32, #tpu.memory_space<vmem>>, vector<1x16xi32>,
    %get3A_124 = arith.constant 48 : index
    %get3A_125 = tpu.vector_load %arg6[%get3A_124] {strides = array<i32>} : memref<512xi32, #tpu.memory_space<vmem>>, vector<16xi32>,
    %get3A_126 = vector.shape_cast %get3A_125 : vector<16xi32> to vector<16xi32>
    %get3A_127 = arith.constant 48 : index
    %get3A_128 = tpu.vector_load %arg7[%get3A_127] {strides = array<i32>} : memref<512xi32, #tpu.memory_space<vmem>>, vector<16xi32>,
    %get3A_129 = vector.shape_cast %get3A_128 : vector<16xi32> to vector<16xi32>
    %mul3A_130 = arith.constant 31 : i32
    %mul3A_131 = vector.broadcast %mul3A_130 : i32 to vector<16xi32>
    %mul3A_132 = arith.muli %get3A_126, %mul3A_131 : vector<16xi32>
    %add3A_133 = arith.addi %mul3A_132, %get3A_129 : vector<16xi32>
    %jit3A_134 = arith.constant 100000 : i32
    %eq3A_135 = arith.constant 0 : i32
    %eq3A_136 = arith.cmpi eq, %jit3A_134, %eq3A_135 : i32
    %jit3A_137 = arith.constant 1 : i32
    %select_n3A_138 = arith.select %eq3A_136, %jit3A_137, %jit3A_134 : i32
    %rem3A_139 = vector.broadcast %select_n3A_138 : i32 to vector<16xi32>
    %rem3A_140 = arith.remsi %add3A_133, %rem3A_139 : vector<16xi32>
    %ne3A_141 = arith.constant 0 : i32
    %ne3A_142 = vector.broadcast %ne3A_141 : i32 to vector<16xi32>
    %ne3A_143 = arith.cmpi ne, %rem3A_140, %ne3A_142 : vector<16xi32>
    %lt3A_144 = arith.constant 0 : i32
    %lt3A_145 = vector.broadcast %lt3A_144 : i32 to vector<16xi32>
    %lt3A_146 = arith.cmpi slt, %rem3A_140, %lt3A_145 : vector<16xi32>
    %lt3A_147 = arith.constant 0 : i32
    %lt3A_148 = arith.cmpi slt, %select_n3A_138, %lt3A_147 : i32
    %ne3A_149 = vector.broadcast %lt3A_148 : i1 to vector<16xi1>
    %ne3A_150 = vector.broadcast %ne3A_149 : vector<16xi1> to vector<16xi1>
    %ne3A_151 = arith.xori %lt3A_146, %ne3A_150 : vector<16xi1>
    %and3A_152 = arith.andi %ne3A_151, %ne3A_143 : vector<16xi1>
    %add3A_153 = vector.broadcast %select_n3A_138 : i32 to vector<16xi32>
    %add3A_154 = arith.addi %rem3A_140, %add3A_153 : vector<16xi32>
    %select_n3A_155 = arith.select %and3A_152, %add3A_154, %rem3A_140 : vector<16xi1>, vector<16xi32>
    %swap3A_156 = arith.constant 1 : i32
    %swap3A_157 = arith.index_cast %swap3A_156 : i32 to index
    %swap3A_158 = arith.constant 16 : index
    %swap3A_159 = tpu.vector_load %arg8[%swap3A_157, %swap3A_158] {strides = array<i32>} : memref<16x32xi32, #tpu.memory_space<vmem>>, vector<1x16xi32>,
    %swap3A_160 = vector.shape_cast %swap3A_159 : vector<1x16xi32> to vector<16xi32>
    %swap3A_161 = vector.shape_cast %select_n3A_155 : vector<16xi32> to vector<1x16xi32>
    tpu.vector_store %arg8[%swap3A_157, %swap3A_158], %swap3A_161 {strides = array<i32>} : memref<16x32xi32, #tpu.memory_space<vmem>>, vector<1x16xi32>,
    %dma_start3A_162 = arith.constant 1 : i32
    %dma_start3A_163 = arith.constant 32 : i32
    %dma_start3A_164 = arith.constant 0 : i32
    %dma_start3A_165 = tpu.memref_slice %arg9[%dma_start3A_163, %dma_start3A_164] : memref<512x128xf32, #tpu.memory_space<vmem>> -> memref<32x128xf32, #tpu.memory_space<vmem>>
    %dma_start3A_166 = arith.constant 0 : i32
    %dma_start3A_167 = tpu.memref_slice %arg8[%dma_start3A_162, %dma_start3A_166] : memref<16x32xi32, #tpu.memory_space<vmem>> -> memref<1x32xi32, #tpu.memory_space<vmem>>
    %dma_start3A_168 = tpu.memref_squeeze %dma_start3A_167 : memref<1x32xi32, #tpu.memory_space<vmem>> -> memref<32xi32, #tpu.memory_space<vmem>>
    %dma_start3A_169 = arith.constant 0 : i32
    %dma_start3A_170 = arith.constant 0 : i32
    %dma_start3A_171 = tpu.memref_slice %arg4[%dma_start3A_169, %dma_start3A_170] : memref<100000x128xf32, #tpu.memory_space<hbm>> -> memref<100000x128xf32, #tpu.memory_space<hbm>>
    tpu.enqueue_indirect_dma source(%dma_start3A_171 : memref<100000x128xf32, #tpu.memory_space<hbm>>) target(%dma_start3A_165 : memref<32x128xf32, #tpu.memory_space<vmem>>) offsets(%dma_start3A_168 : memref<32xi32, #tpu.memory_space<vmem>>) semaphore(%arg10 : memref<!tpu.dma_semaphore, #tpu.memory_space<semaphore_mem>>)
    %get3A_172 = arith.constant 64 : index
    %get3A_173 = tpu.vector_load %arg6[%get3A_172] {strides = array<i32>} : memref<512xi32, #tpu.memory_space<vmem>>, vector<16xi32>,
    %get3A_174 = vector.shape_cast %get3A_173 : vector<16xi32> to vector<16xi32>
    %get3A_175 = arith.constant 64 : index
    %get3A_176 = tpu.vector_load %arg7[%get3A_175] {strides = array<i32>} : memref<512xi32, #tpu.memory_space<vmem>>, vector<16xi32>,
    %get3A_177 = vector.shape_cast %get3A_176 : vector<16xi32> to vector<16xi32>
    %mul3A_178 = arith.constant 31 : i32
    %mul3A_179 = vector.broadcast %mul3A_178 : i32 to vector<16xi32>
    %mul3A_180 = arith.muli %get3A_174, %mul3A_179 : vector<16xi32>
    %add3A_181 = arith.addi %mul3A_180, %get3A_177 : vector<16xi32>
    %jit3A_182 = arith.constant 100000 : i32
    %eq3A_183 = arith.constant 0 : i32
    %eq3A_184 = arith.cmpi eq, %jit3A_182, %eq3A_183 : i32
    %jit3A_185 = arith.constant 1 : i32
    %select_n3A_186 = arith.select %eq3A_184, %jit3A_185, %jit3A_182 : i32
    %rem3A_187 = vector.broadcast %select_n3A_186 : i32 to vector<16xi32>
    %rem3A_188 = arith.remsi %add3A_181, %rem3A_187 : vector<16xi32>
    %ne3A_189 = arith.constant 0 : i32
    %ne3A_190 = vector.broadcast %ne3A_189 : i32 to vector<16xi32>
    %ne3A_191 = arith.cmpi ne, %rem3A_188, %ne3A_190 : vector<16xi32>
    %lt3A_192 = arith.constant 0 : i32
    %lt3A_193 = vector.broadcast %lt3A_192 : i32 to vector<16xi32>
    %lt3A_194 = arith.cmpi slt, %rem3A_188, %lt3A_193 : vector<16xi32>
    %lt3A_195 = arith.constant 0 : i32
    %lt3A_196 = arith.cmpi slt, %select_n3A_186, %lt3A_195 : i32
    %ne3A_197 = vector.broadcast %lt3A_196 : i1 to vector<16xi1>
    %ne3A_198 = vector.broadcast %ne3A_197 : vector<16xi1> to vector<16xi1>
    %ne3A_199 = arith.xori %lt3A_194, %ne3A_198 : vector<16xi1>
    %and3A_200 = arith.andi %ne3A_199, %ne3A_191 : vector<16xi1>
    %add3A_201 = vector.broadcast %select_n3A_186 : i32 to vector<16xi32>
    %add3A_202 = arith.addi %rem3A_188, %add3A_201 : vector<16xi32>
    %select_n3A_203 = arith.select %and3A_200, %add3A_202, %rem3A_188 : vector<16xi1>, vector<16xi32>
    %swap3A_204 = arith.constant 2 : i32
    %swap3A_205 = arith.index_cast %swap3A_204 : i32 to index
    %swap3A_206 = arith.constant 0 : index
    %swap3A_207 = tpu.vector_load %arg8[%swap3A_205, %swap3A_206] {strides = array<i32>} : memref<16x32xi32, #tpu.memory_space<vmem>>, vector<1x16xi32>,
    %swap3A_208 = vector.shape_cast %swap3A_207 : vector<1x16xi32> to vector<16xi32>
    %swap3A_209 = vector.shape_cast %select_n3A_203 : vector<16xi32> to vector<1x16xi32>
    tpu.vector_store %arg8[%swap3A_205, %swap3A_206], %swap3A_209 {strides = array<i32>} : memref<16x32xi32, #tpu.memory_space<vmem>>, vector<1x16xi32>,
    %get3A_210 = arith.constant 80 : index
    %get3A_211 = tpu.vector_load %arg6[%get3A_210] {strides = array<i32>} : memref<512xi32, #tpu.memory_space<vmem>>, vector<16xi32>,
    %get3A_212 = vector.shape_cast %get3A_211 : vector<16xi32> to vector<16xi32>
    %get3A_213 = arith.constant 80 : index
    %get3A_214 = tpu.vector_load %arg7[%get3A_213] {strides = array<i32>} : memref<512xi32, #tpu.memory_space<vmem>>, vector<16xi32>,
    %get3A_215 = vector.shape_cast %get3A_214 : vector<16xi32> to vector<16xi32>
    %mul3A_216 = arith.constant 31 : i32
    %mul3A_217 = vector.broadcast %mul3A_216 : i32 to vector<16xi32>
    %mul3A_218 = arith.muli %get3A_212, %mul3A_217 : vector<16xi32>
    %add3A_219 = arith.addi %mul3A_218, %get3A_215 : vector<16xi32>
    %jit3A_220 = arith.constant 100000 : i32
    %eq3A_221 = arith.constant 0 : i32
    %eq3A_222 = arith.cmpi eq, %jit3A_220, %eq3A_221 : i32
    %jit3A_223 = arith.constant 1 : i32
    %select_n3A_224 = arith.select %eq3A_222, %jit3A_223, %jit3A_220 : i32
    %rem3A_225 = vector.broadcast %select_n3A_224 : i32 to vector<16xi32>
    %rem3A_226 = arith.remsi %add3A_219, %rem3A_225 : vector<16xi32>
    %ne3A_227 = arith.constant 0 : i32
    %ne3A_228 = vector.broadcast %ne3A_227 : i32 to vector<16xi32>
    %ne3A_229 = arith.cmpi ne, %rem3A_226, %ne3A_228 : vector<16xi32>
    %lt3A_230 = arith.constant 0 : i32
    %lt3A_231 = vector.broadcast %lt3A_230 : i32 to vector<16xi32>
    %lt3A_232 = arith.cmpi slt, %rem3A_226, %lt3A_231 : vector<16xi32>
    %lt3A_233 = arith.constant 0 : i32
    %lt3A_234 = arith.cmpi slt, %select_n3A_224, %lt3A_233 : i32
    %ne3A_235 = vector.broadcast %lt3A_234 : i1 to vector<16xi1>
    %ne3A_236 = vector.broadcast %ne3A_235 : vector<16xi1> to vector<16xi1>
    %ne3A_237 = arith.xori %lt3A_232, %ne3A_236 : vector<16xi1>
    %and3A_238 = arith.andi %ne3A_237, %ne3A_229 : vector<16xi1>
    %add3A_239 = vector.broadcast %select_n3A_224 : i32 to vector<16xi32>
    %add3A_240 = arith.addi %rem3A_226, %add3A_239 : vector<16xi32>
    %select_n3A_241 = arith.select %and3A_238, %add3A_240, %rem3A_226 : vector<16xi1>, vector<16xi32>
    %swap3A_242 = arith.constant 2 : i32
    %swap3A_243 = arith.index_cast %swap3A_242 : i32 to index
    %swap3A_244 = arith.constant 16 : index
    %swap3A_245 = tpu.vector_load %arg8[%swap3A_243, %swap3A_244] {strides = array<i32>} : memref<16x32xi32, #tpu.memory_space<vmem>>, vector<1x16xi32>,
    %swap3A_246 = vector.shape_cast %swap3A_245 : vector<1x16xi32> to vector<16xi32>
    %swap3A_247 = vector.shape_cast %select_n3A_241 : vector<16xi32> to vector<1x16xi32>
    tpu.vector_store %arg8[%swap3A_243, %swap3A_244], %swap3A_247 {strides = array<i32>} : memref<16x32xi32, #tpu.memory_space<vmem>>, vector<1x16xi32>,
    %dma_start3A_248 = arith.constant 2 : i32
    %dma_start3A_249 = arith.constant 64 : i32
    %dma_start3A_250 = arith.constant 0 : i32
    %dma_start3A_251 = tpu.memref_slice %arg9[%dma_start3A_249, %dma_start3A_250] : memref<512x128xf32, #tpu.memory_space<vmem>> -> memref<32x128xf32, #tpu.memory_space<vmem>>
    %dma_start3A_252 = arith.constant 0 : i32
    %dma_start3A_253 = tpu.memref_slice %arg8[%dma_start3A_248, %dma_start3A_252] : memref<16x32xi32, #tpu.memory_space<vmem>> -> memref<1x32xi32, #tpu.memory_space<vmem>>
    %dma_start3A_254 = tpu.memref_squeeze %dma_start3A_253 : memref<1x32xi32, #tpu.memory_space<vmem>> -> memref<32xi32, #tpu.memory_space<vmem>>
    %dma_start3A_255 = arith.constant 0 : i32
    %dma_start3A_256 = arith.constant 0 : i32
    %dma_start3A_257 = tpu.memref_slice %arg4[%dma_start3A_255, %dma_start3A_256] : memref<100000x128xf32, #tpu.memory_space<hbm>> -> memref<100000x128xf32, #tpu.memory_space<hbm>>
    tpu.enqueue_indirect_dma source(%dma_start3A_257 : memref<100000x128xf32, #tpu.memory_space<hbm>>) target(%dma_start3A_251 : memref<32x128xf32, #tpu.memory_space<vmem>>) offsets(%dma_start3A_254 : memref<32xi32, #tpu.memory_space<vmem>>) semaphore(%arg10 : memref<!tpu.dma_semaphore, #tpu.memory_space<semaphore_mem>>)
    %get3A_258 = arith.constant 96 : index
    %get3A_259 = tpu.vector_load %arg6[%get3A_258] {strides = array<i32>} : memref<512xi32, #tpu.memory_space<vmem>>, vector<16xi32>,
    %get3A_260 = vector.shape_cast %get3A_259 : vector<16xi32> to vector<16xi32>
    %get3A_261 = arith.constant 96 : index
    %get3A_262 = tpu.vector_load %arg7[%get3A_261] {strides = array<i32>} : memref<512xi32, #tpu.memory_space<vmem>>, vector<16xi32>,
    %get3A_263 = vector.shape_cast %get3A_262 : vector<16xi32> to vector<16xi32>
    %mul3A_264 = arith.constant 31 : i32
    %mul3A_265 = vector.broadcast %mul3A_264 : i32 to vector<16xi32>
    %mul3A_266 = arith.muli %get3A_260, %mul3A_265 : vector<16xi32>
    %add3A_267 = arith.addi %mul3A_266, %get3A_263 : vector<16xi32>
    %jit3A_268 = arith.constant 100000 : i32
    %eq3A_269 = arith.constant 0 : i32
    %eq3A_270 = arith.cmpi eq, %jit3A_268, %eq3A_269 : i32
    %jit3A_271 = arith.constant 1 : i32
    %select_n3A_272 = arith.select %eq3A_270, %jit3A_271, %jit3A_268 : i32
    %rem3A_273 = vector.broadcast %select_n3A_272 : i32 to vector<16xi32>
    %rem3A_274 = arith.remsi %add3A_267, %rem3A_273 : vector<16xi32>
    %ne3A_275 = arith.constant 0 : i32
    %ne3A_276 = vector.broadcast %ne3A_275 : i32 to vector<16xi32>
    %ne3A_277 = arith.cmpi ne, %rem3A_274, %ne3A_276 : vector<16xi32>
    %lt3A_278 = arith.constant 0 : i32
    %lt3A_279 = vector.broadcast %lt3A_278 : i32 to vector<16xi32>
    %lt3A_280 = arith.cmpi slt, %rem3A_274, %lt3A_279 : vector<16xi32>
    %lt3A_281 = arith.constant 0 : i32
    %lt3A_282 = arith.cmpi slt, %select_n3A_272, %lt3A_281 : i32
    %ne3A_283 = vector.broadcast %lt3A_282 : i1 to vector<16xi1>
    %ne3A_284 = vector.broadcast %ne3A_283 : vector<16xi1> to vector<16xi1>
    %ne3A_285 = arith.xori %lt3A_280, %ne3A_284 : vector<16xi1>
    %and3A_286 = arith.andi %ne3A_285, %ne3A_277 : vector<16xi1>
    %add3A_287 = vector.broadcast %select_n3A_272 : i32 to vector<16xi32>
    %add3A_288 = arith.addi %rem3A_274, %add3A_287 : vector<16xi32>
    %select_n3A_289 = arith.select %and3A_286, %add3A_288, %rem3A_274 : vector<16xi1>, vector<16xi32>
    %swap3A_290 = arith.constant 3 : i32
    %swap3A_291 = arith.index_cast %swap3A_290 : i32 to index
    %swap3A_292 = arith.constant 0 : index
    %swap3A_293 = tpu.vector_load %arg8[%swap3A_291, %swap3A_292] {strides = array<i32>} : memref<16x32xi32, #tpu.memory_space<vmem>>, vector<1x16xi32>,
    %swap3A_294 = vector.shape_cast %swap3A_293 : vector<1x16xi32> to vector<16xi32>
    %swap3A_295 = vector.shape_cast %select_n3A_289 : vector<16xi32> to vector<1x16xi32>
    tpu.vector_store %arg8[%swap3A_291, %swap3A_292], %swap3A_295 {strides = array<i32>} : memref<16x32xi32, #tpu.memory_space<vmem>>, vector<1x16xi32>,
    %get3A_296 = arith.constant 112 : index
    %get3A_297 = tpu.vector_load %arg6[%get3A_296] {strides = array<i32>} : memref<512xi32, #tpu.memory_space<vmem>>, vector<16xi32>,
    %get3A_298 = vector.shape_cast %get3A_297 : vector<16xi32> to vector<16xi32>
    %get3A_299 = arith.constant 112 : index
    %get3A_300 = tpu.vector_load %arg7[%get3A_299] {strides = array<i32>} : memref<512xi32, #tpu.memory_space<vmem>>, vector<16xi32>,
    %get3A_301 = vector.shape_cast %get3A_300 : vector<16xi32> to vector<16xi32>
    %mul3A_302 = arith.constant 31 : i32
    %mul3A_303 = vector.broadcast %mul3A_302 : i32 to vector<16xi32>
    %mul3A_304 = arith.muli %get3A_298, %mul3A_303 : vector<16xi32>
    %add3A_305 = arith.addi %mul3A_304, %get3A_301 : vector<16xi32>
    %jit3A_306 = arith.constant 100000 : i32
    %eq3A_307 = arith.constant 0 : i32
    %eq3A_308 = arith.cmpi eq, %jit3A_306, %eq3A_307 : i32
    %jit3A_309 = arith.constant 1 : i32
    %select_n3A_310 = arith.select %eq3A_308, %jit3A_309, %jit3A_306 : i32
    %rem3A_311 = vector.broadcast %select_n3A_310 : i32 to vector<16xi32>
    %rem3A_312 = arith.remsi %add3A_305, %rem3A_311 : vector<16xi32>
    %ne3A_313 = arith.constant 0 : i32
    %ne3A_314 = vector.broadcast %ne3A_313 : i32 to vector<16xi32>
    %ne3A_315 = arith.cmpi ne, %rem3A_312, %ne3A_314 : vector<16xi32>
    %lt3A_316 = arith.constant 0 : i32
    %lt3A_317 = vector.broadcast %lt3A_316 : i32 to vector<16xi32>
    %lt3A_318 = arith.cmpi slt, %rem3A_312, %lt3A_317 : vector<16xi32>
    %lt3A_319 = arith.constant 0 : i32
    %lt3A_320 = arith.cmpi slt, %select_n3A_310, %lt3A_319 : i32
    %ne3A_321 = vector.broadcast %lt3A_320 : i1 to vector<16xi1>
    %ne3A_322 = vector.broadcast %ne3A_321 : vector<16xi1> to vector<16xi1>
    %ne3A_323 = arith.xori %lt3A_318, %ne3A_322 : vector<16xi1>
    %and3A_324 = arith.andi %ne3A_323, %ne3A_315 : vector<16xi1>
    %add3A_325 = vector.broadcast %select_n3A_310 : i32 to vector<16xi32>
    %add3A_326 = arith.addi %rem3A_312, %add3A_325 : vector<16xi32>
    %select_n3A_327 = arith.select %and3A_324, %add3A_326, %rem3A_312 : vector<16xi1>, vector<16xi32>
    %swap3A_328 = arith.constant 3 : i32
    %swap3A_329 = arith.index_cast %swap3A_328 : i32 to index
    %swap3A_330 = arith.constant 16 : index
    %swap3A_331 = tpu.vector_load %arg8[%swap3A_329, %swap3A_330] {strides = array<i32>} : memref<16x32xi32, #tpu.memory_space<vmem>>, vector<1x16xi32>,
    %swap3A_332 = vector.shape_cast %swap3A_331 : vector<1x16xi32> to vector<16xi32>
    %swap3A_333 = vector.shape_cast %select_n3A_327 : vector<16xi32> to vector<1x16xi32>
    tpu.vector_store %arg8[%swap3A_329, %swap3A_330], %swap3A_333 {strides = array<i32>} : memref<16x32xi32, #tpu.memory_space<vmem>>, vector<1x16xi32>,
    %dma_start3A_334 = arith.constant 3 : i32
    %dma_start3A_335 = arith.constant 96 : i32
    %dma_start3A_336 = arith.constant 0 : i32
    %dma_start3A_337 = tpu.memref_slice %arg9[%dma_start3A_335, %dma_start3A_336] : memref<512x128xf32, #tpu.memory_space<vmem>> -> memref<32x128xf32, #tpu.memory_space<vmem>>
    %dma_start3A_338 = arith.constant 0 : i32
    %dma_start3A_339 = tpu.memref_slice %arg8[%dma_start3A_334, %dma_start3A_338] : memref<16x32xi32, #tpu.memory_space<vmem>> -> memref<1x32xi32, #tpu.memory_space<vmem>>
    %dma_start3A_340 = tpu.memref_squeeze %dma_start3A_339 : memref<1x32xi32, #tpu.memory_space<vmem>> -> memref<32xi32, #tpu.memory_space<vmem>>
    %dma_start3A_341 = arith.constant 0 : i32
    %dma_start3A_342 = arith.constant 0 : i32
    %dma_start3A_343 = tpu.memref_slice %arg4[%dma_start3A_341, %dma_start3A_342] : memref<100000x128xf32, #tpu.memory_space<hbm>> -> memref<100000x128xf32, #tpu.memory_space<hbm>>
    tpu.enqueue_indirect_dma source(%dma_start3A_343 : memref<100000x128xf32, #tpu.memory_space<hbm>>) target(%dma_start3A_337 : memref<32x128xf32, #tpu.memory_space<vmem>>) offsets(%dma_start3A_340 : memref<32xi32, #tpu.memory_space<vmem>>) semaphore(%arg10 : memref<!tpu.dma_semaphore, #tpu.memory_space<semaphore_mem>>)
    %get3A_344 = arith.constant 128 : index
    %get3A_345 = tpu.vector_load %arg6[%get3A_344] {strides = array<i32>} : memref<512xi32, #tpu.memory_space<vmem>>, vector<16xi32>,
    %get3A_346 = vector.shape_cast %get3A_345 : vector<16xi32> to vector<16xi32>
    %get3A_347 = arith.constant 128 : index
    %get3A_348 = tpu.vector_load %arg7[%get3A_347] {strides = array<i32>} : memref<512xi32, #tpu.memory_space<vmem>>, vector<16xi32>,
    %get3A_349 = vector.shape_cast %get3A_348 : vector<16xi32> to vector<16xi32>
    %mul3A_350 = arith.constant 31 : i32
    %mul3A_351 = vector.broadcast %mul3A_350 : i32 to vector<16xi32>
    %mul3A_352 = arith.muli %get3A_346, %mul3A_351 : vector<16xi32>
    %add3A_353 = arith.addi %mul3A_352, %get3A_349 : vector<16xi32>
    %jit3A_354 = arith.constant 100000 : i32
    %eq3A_355 = arith.constant 0 : i32
    %eq3A_356 = arith.cmpi eq, %jit3A_354, %eq3A_355 : i32
    %jit3A_357 = arith.constant 1 : i32
    %select_n3A_358 = arith.select %eq3A_356, %jit3A_357, %jit3A_354 : i32
    %rem3A_359 = vector.broadcast %select_n3A_358 : i32 to vector<16xi32>
    %rem3A_360 = arith.remsi %add3A_353, %rem3A_359 : vector<16xi32>
    %ne3A_361 = arith.constant 0 : i32
    %ne3A_362 = vector.broadcast %ne3A_361 : i32 to vector<16xi32>
    %ne3A_363 = arith.cmpi ne, %rem3A_360, %ne3A_362 : vector<16xi32>
    %lt3A_364 = arith.constant 0 : i32
    %lt3A_365 = vector.broadcast %lt3A_364 : i32 to vector<16xi32>
    %lt3A_366 = arith.cmpi slt, %rem3A_360, %lt3A_365 : vector<16xi32>
    %lt3A_367 = arith.constant 0 : i32
    %lt3A_368 = arith.cmpi slt, %select_n3A_358, %lt3A_367 : i32
    %ne3A_369 = vector.broadcast %lt3A_368 : i1 to vector<16xi1>
    %ne3A_370 = vector.broadcast %ne3A_369 : vector<16xi1> to vector<16xi1>
    %ne3A_371 = arith.xori %lt3A_366, %ne3A_370 : vector<16xi1>
    %and3A_372 = arith.andi %ne3A_371, %ne3A_363 : vector<16xi1>
    %add3A_373 = vector.broadcast %select_n3A_358 : i32 to vector<16xi32>
    %add3A_374 = arith.addi %rem3A_360, %add3A_373 : vector<16xi32>
    %select_n3A_375 = arith.select %and3A_372, %add3A_374, %rem3A_360 : vector<16xi1>, vector<16xi32>
    %swap3A_376 = arith.constant 4 : i32
    %swap3A_377 = arith.index_cast %swap3A_376 : i32 to index
    %swap3A_378 = arith.constant 0 : index
    %swap3A_379 = tpu.vector_load %arg8[%swap3A_377, %swap3A_378] {strides = array<i32>} : memref<16x32xi32, #tpu.memory_space<vmem>>, vector<1x16xi32>,
    %swap3A_380 = vector.shape_cast %swap3A_379 : vector<1x16xi32> to vector<16xi32>
    %swap3A_381 = vector.shape_cast %select_n3A_375 : vector<16xi32> to vector<1x16xi32>
    tpu.vector_store %arg8[%swap3A_377, %swap3A_378], %swap3A_381 {strides = array<i32>} : memref<16x32xi32, #tpu.memory_space<vmem>>, vector<1x16xi32>,
    %get3A_382 = arith.constant 144 : index
    %get3A_383 = tpu.vector_load %arg6[%get3A_382] {strides = array<i32>} : memref<512xi32, #tpu.memory_space<vmem>>, vector<16xi32>,
    %get3A_384 = vector.shape_cast %get3A_383 : vector<16xi32> to vector<16xi32>
    %get3A_385 = arith.constant 144 : index
    %get3A_386 = tpu.vector_load %arg7[%get3A_385] {strides = array<i32>} : memref<512xi32, #tpu.memory_space<vmem>>, vector<16xi32>,
    %get3A_387 = vector.shape_cast %get3A_386 : vector<16xi32> to vector<16xi32>
    %mul3A_388 = arith.constant 31 : i32
    %mul3A_389 = vector.broadcast %mul3A_388 : i32 to vector<16xi32>
    %mul3A_390 = arith.muli %get3A_384, %mul3A_389 : vector<16xi32>
    %add3A_391 = arith.addi %mul3A_390, %get3A_387 : vector<16xi32>
    %jit3A_392 = arith.constant 100000 : i32
    %eq3A_393 = arith.constant 0 : i32
    %eq3A_394 = arith.cmpi eq, %jit3A_392, %eq3A_393 : i32
    %jit3A_395 = arith.constant 1 : i32
    %select_n3A_396 = arith.select %eq3A_394, %jit3A_395, %jit3A_392 : i32
    %rem3A_397 = vector.broadcast %select_n3A_396 : i32 to vector<16xi32>
    %rem3A_398 = arith.remsi %add3A_391, %rem3A_397 : vector<16xi32>
    %ne3A_399 = arith.constant 0 : i32
    %ne3A_400 = vector.broadcast %ne3A_399 : i32 to vector<16xi32>
    %ne3A_401 = arith.cmpi ne, %rem3A_398, %ne3A_400 : vector<16xi32>
    %lt3A_402 = arith.constant 0 : i32
    %lt3A_403 = vector.broadcast %lt3A_402 : i32 to vector<16xi32>
    %lt3A_404 = arith.cmpi slt, %rem3A_398, %lt3A_403 : vector<16xi32>
    %lt3A_405 = arith.constant 0 : i32
    %lt3A_406 = arith.cmpi slt, %select_n3A_396, %lt3A_405 : i32
    %ne3A_407 = vector.broadcast %lt3A_406 : i1 to vector<16xi1>
    %ne3A_408 = vector.broadcast %ne3A_407 : vector<16xi1> to vector<16xi1>
    %ne3A_409 = arith.xori %lt3A_404, %ne3A_408 : vector<16xi1>
    %and3A_410 = arith.andi %ne3A_409, %ne3A_401 : vector<16xi1>
    %add3A_411 = vector.broadcast %select_n3A_396 : i32 to vector<16xi32>
    %add3A_412 = arith.addi %rem3A_398, %add3A_411 : vector<16xi32>
    %select_n3A_413 = arith.select %and3A_410, %add3A_412, %rem3A_398 : vector<16xi1>, vector<16xi32>
    %swap3A_414 = arith.constant 4 : i32
    %swap3A_415 = arith.index_cast %swap3A_414 : i32 to index
    %swap3A_416 = arith.constant 16 : index
    %swap3A_417 = tpu.vector_load %arg8[%swap3A_415, %swap3A_416] {strides = array<i32>} : memref<16x32xi32, #tpu.memory_space<vmem>>, vector<1x16xi32>,
    %swap3A_418 = vector.shape_cast %swap3A_417 : vector<1x16xi32> to vector<16xi32>
    %swap3A_419 = vector.shape_cast %select_n3A_413 : vector<16xi32> to vector<1x16xi32>
    tpu.vector_store %arg8[%swap3A_415, %swap3A_416], %swap3A_419 {strides = array<i32>} : memref<16x32xi32, #tpu.memory_space<vmem>>, vector<1x16xi32>,
    %dma_start3A_420 = arith.constant 4 : i32
    %dma_start3A_421 = arith.constant 128 : i32
    %dma_start3A_422 = arith.constant 0 : i32
    %dma_start3A_423 = tpu.memref_slice %arg9[%dma_start3A_421, %dma_start3A_422] : memref<512x128xf32, #tpu.memory_space<vmem>> -> memref<32x128xf32, #tpu.memory_space<vmem>>
    %dma_start3A_424 = arith.constant 0 : i32
    %dma_start3A_425 = tpu.memref_slice %arg8[%dma_start3A_420, %dma_start3A_424] : memref<16x32xi32, #tpu.memory_space<vmem>> -> memref<1x32xi32, #tpu.memory_space<vmem>>
    %dma_start3A_426 = tpu.memref_squeeze %dma_start3A_425 : memref<1x32xi32, #tpu.memory_space<vmem>> -> memref<32xi32, #tpu.memory_space<vmem>>
    %dma_start3A_427 = arith.constant 0 : i32
    %dma_start3A_428 = arith.constant 0 : i32
    %dma_start3A_429 = tpu.memref_slice %arg4[%dma_start3A_427, %dma_start3A_428] : memref<100000x128xf32, #tpu.memory_space<hbm>> -> memref<100000x128xf32, #tpu.memory_space<hbm>>
    tpu.enqueue_indirect_dma source(%dma_start3A_429 : memref<100000x128xf32, #tpu.memory_space<hbm>>) target(%dma_start3A_423 : memref<32x128xf32, #tpu.memory_space<vmem>>) offsets(%dma_start3A_426 : memref<32xi32, #tpu.memory_space<vmem>>) semaphore(%arg10 : memref<!tpu.dma_semaphore, #tpu.memory_space<semaphore_mem>>)
    %get3A_430 = arith.constant 160 : index
    %get3A_431 = tpu.vector_load %arg6[%get3A_430] {strides = array<i32>} : memref<512xi32, #tpu.memory_space<vmem>>, vector<16xi32>,
    %get3A_432 = vector.shape_cast %get3A_431 : vector<16xi32> to vector<16xi32>
    %get3A_433 = arith.constant 160 : index
    %get3A_434 = tpu.vector_load %arg7[%get3A_433] {strides = array<i32>} : memref<512xi32, #tpu.memory_space<vmem>>, vector<16xi32>,
    %get3A_435 = vector.shape_cast %get3A_434 : vector<16xi32> to vector<16xi32>
    %mul3A_436 = arith.constant 31 : i32
    %mul3A_437 = vector.broadcast %mul3A_436 : i32 to vector<16xi32>
    %mul3A_438 = arith.muli %get3A_432, %mul3A_437 : vector<16xi32>
    %add3A_439 = arith.addi %mul3A_438, %get3A_435 : vector<16xi32>
    %jit3A_440 = arith.constant 100000 : i32
    %eq3A_441 = arith.constant 0 : i32
    %eq3A_442 = arith.cmpi eq, %jit3A_440, %eq3A_441 : i32
    %jit3A_443 = arith.constant 1 : i32
    %select_n3A_444 = arith.select %eq3A_442, %jit3A_443, %jit3A_440 : i32
    %rem3A_445 = vector.broadcast %select_n3A_444 : i32 to vector<16xi32>
    %rem3A_446 = arith.remsi %add3A_439, %rem3A_445 : vector<16xi32>
    %ne3A_447 = arith.constant 0 : i32
    %ne3A_448 = vector.broadcast %ne3A_447 : i32 to vector<16xi32>
    %ne3A_449 = arith.cmpi ne, %rem3A_446, %ne3A_448 : vector<16xi32>
    %lt3A_450 = arith.constant 0 : i32
    %lt3A_451 = vector.broadcast %lt3A_450 : i32 to vector<16xi32>
    %lt3A_452 = arith.cmpi slt, %rem3A_446, %lt3A_451 : vector<16xi32>
    %lt3A_453 = arith.constant 0 : i32
    %lt3A_454 = arith.cmpi slt, %select_n3A_444, %lt3A_453 : i32
    %ne3A_455 = vector.broadcast %lt3A_454 : i1 to vector<16xi1>
    %ne3A_456 = vector.broadcast %ne3A_455 : vector<16xi1> to vector<16xi1>
    %ne3A_457 = arith.xori %lt3A_452, %ne3A_456 : vector<16xi1>
    %and3A_458 = arith.andi %ne3A_457, %ne3A_449 : vector<16xi1>
    %add3A_459 = vector.broadcast %select_n3A_444 : i32 to vector<16xi32>
    %add3A_460 = arith.addi %rem3A_446, %add3A_459 : vector<16xi32>
    %select_n3A_461 = arith.select %and3A_458, %add3A_460, %rem3A_446 : vector<16xi1>, vector<16xi32>
    %swap3A_462 = arith.constant 5 : i32
    %swap3A_463 = arith.index_cast %swap3A_462 : i32 to index
    %swap3A_464 = arith.constant 0 : index
    %swap3A_465 = tpu.vector_load %arg8[%swap3A_463, %swap3A_464] {strides = array<i32>} : memref<16x32xi32, #tpu.memory_space<vmem>>, vector<1x16xi32>,
    %swap3A_466 = vector.shape_cast %swap3A_465 : vector<1x16xi32> to vector<16xi32>
    %swap3A_467 = vector.shape_cast %select_n3A_461 : vector<16xi32> to vector<1x16xi32>
    tpu.vector_store %arg8[%swap3A_463, %swap3A_464], %swap3A_467 {strides = array<i32>} : memref<16x32xi32, #tpu.memory_space<vmem>>, vector<1x16xi32>,
    %get3A_468 = arith.constant 176 : index
    %get3A_469 = tpu.vector_load %arg6[%get3A_468] {strides = array<i32>} : memref<512xi32, #tpu.memory_space<vmem>>, vector<16xi32>,
    %get3A_470 = vector.shape_cast %get3A_469 : vector<16xi32> to vector<16xi32>
    %get3A_471 = arith.constant 176 : index
    %get3A_472 = tpu.vector_load %arg7[%get3A_471] {strides = array<i32>} : memref<512xi32, #tpu.memory_space<vmem>>, vector<16xi32>,
    %get3A_473 = vector.shape_cast %get3A_472 : vector<16xi32> to vector<16xi32>
    %mul3A_474 = arith.constant 31 : i32
    %mul3A_475 = vector.broadcast %mul3A_474 : i32 to vector<16xi32>
    %mul3A_476 = arith.muli %get3A_470, %mul3A_475 : vector<16xi32>
    %add3A_477 = arith.addi %mul3A_476, %get3A_473 : vector<16xi32>
    %jit3A_478 = arith.constant 100000 : i32
    %eq3A_479 = arith.constant 0 : i32
    %eq3A_480 = arith.cmpi eq, %jit3A_478, %eq3A_479 : i32
    %jit3A_481 = arith.constant 1 : i32
    %select_n3A_482 = arith.select %eq3A_480, %jit3A_481, %jit3A_478 : i32
    %rem3A_483 = vector.broadcast %select_n3A_482 : i32 to vector<16xi32>
    %rem3A_484 = arith.remsi %add3A_477, %rem3A_483 : vector<16xi32>
    %ne3A_485 = arith.constant 0 : i32
    %ne3A_486 = vector.broadcast %ne3A_485 : i32 to vector<16xi32>
    %ne3A_487 = arith.cmpi ne, %rem3A_484, %ne3A_486 : vector<16xi32>
    %lt3A_488 = arith.constant 0 : i32
    %lt3A_489 = vector.broadcast %lt3A_488 : i32 to vector<16xi32>
    %lt3A_490 = arith.cmpi slt, %rem3A_484, %lt3A_489 : vector<16xi32>
    %lt3A_491 = arith.constant 0 : i32
    %lt3A_492 = arith.cmpi slt, %select_n3A_482, %lt3A_491 : i32
    %ne3A_493 = vector.broadcast %lt3A_492 : i1 to vector<16xi1>
    %ne3A_494 = vector.broadcast %ne3A_493 : vector<16xi1> to vector<16xi1>
    %ne3A_495 = arith.xori %lt3A_490, %ne3A_494 : vector<16xi1>
    %and3A_496 = arith.andi %ne3A_495, %ne3A_487 : vector<16xi1>
    %add3A_497 = vector.broadcast %select_n3A_482 : i32 to vector<16xi32>
    %add3A_498 = arith.addi %rem3A_484, %add3A_497 : vector<16xi32>
    %select_n3A_499 = arith.select %and3A_496, %add3A_498, %rem3A_484 : vector<16xi1>, vector<16xi32>
    %swap3A_500 = arith.constant 5 : i32
    %swap3A_501 = arith.index_cast %swap3A_500 : i32 to index
    %swap3A_502 = arith.constant 16 : index
    %swap3A_503 = tpu.vector_load %arg8[%swap3A_501, %swap3A_502] {strides = array<i32>} : memref<16x32xi32, #tpu.memory_space<vmem>>, vector<1x16xi32>,
    %swap3A_504 = vector.shape_cast %swap3A_503 : vector<1x16xi32> to vector<16xi32>
    %swap3A_505 = vector.shape_cast %select_n3A_499 : vector<16xi32> to vector<1x16xi32>
    tpu.vector_store %arg8[%swap3A_501, %swap3A_502], %swap3A_505 {strides = array<i32>} : memref<16x32xi32, #tpu.memory_space<vmem>>, vector<1x16xi32>,
    %dma_start3A_506 = arith.constant 5 : i32
    %dma_start3A_507 = arith.constant 160 : i32
    %dma_start3A_508 = arith.constant 0 : i32
    %dma_start3A_509 = tpu.memref_slice %arg9[%dma_start3A_507, %dma_start3A_508] : memref<512x128xf32, #tpu.memory_space<vmem>> -> memref<32x128xf32, #tpu.memory_space<vmem>>
    %dma_start3A_510 = arith.constant 0 : i32
    %dma_start3A_511 = tpu.memref_slice %arg8[%dma_start3A_506, %dma_start3A_510] : memref<16x32xi32, #tpu.memory_space<vmem>> -> memref<1x32xi32, #tpu.memory_space<vmem>>
    %dma_start3A_512 = tpu.memref_squeeze %dma_start3A_511 : memref<1x32xi32, #tpu.memory_space<vmem>> -> memref<32xi32, #tpu.memory_space<vmem>>
    %dma_start3A_513 = arith.constant 0 : i32
    %dma_start3A_514 = arith.constant 0 : i32
    %dma_start3A_515 = tpu.memref_slice %arg4[%dma_start3A_513, %dma_start3A_514] : memref<100000x128xf32, #tpu.memory_space<hbm>> -> memref<100000x128xf32, #tpu.memory_space<hbm>>
    tpu.enqueue_indirect_dma source(%dma_start3A_515 : memref<100000x128xf32, #tpu.memory_space<hbm>>) target(%dma_start3A_509 : memref<32x128xf32, #tpu.memory_space<vmem>>) offsets(%dma_start3A_512 : memref<32xi32, #tpu.memory_space<vmem>>) semaphore(%arg10 : memref<!tpu.dma_semaphore, #tpu.memory_space<semaphore_mem>>)
    %get3A_516 = arith.constant 192 : index
    %get3A_517 = tpu.vector_load %arg6[%get3A_516] {strides = array<i32>} : memref<512xi32, #tpu.memory_space<vmem>>, vector<16xi32>,
    %get3A_518 = vector.shape_cast %get3A_517 : vector<16xi32> to vector<16xi32>
    %get3A_519 = arith.constant 192 : index
    %get3A_520 = tpu.vector_load %arg7[%get3A_519] {strides = array<i32>} : memref<512xi32, #tpu.memory_space<vmem>>, vector<16xi32>,
    %get3A_521 = vector.shape_cast %get3A_520 : vector<16xi32> to vector<16xi32>
    %mul3A_522 = arith.constant 31 : i32
    %mul3A_523 = vector.broadcast %mul3A_522 : i32 to vector<16xi32>
    %mul3A_524 = arith.muli %get3A_518, %mul3A_523 : vector<16xi32>
    %add3A_525 = arith.addi %mul3A_524, %get3A_521 : vector<16xi32>
    %jit3A_526 = arith.constant 100000 : i32
    %eq3A_527 = arith.constant 0 : i32
    %eq3A_528 = arith.cmpi eq, %jit3A_526, %eq3A_527 : i32
    %jit3A_529 = arith.constant 1 : i32
    %select_n3A_530 = arith.select %eq3A_528, %jit3A_529, %jit3A_526 : i32
    %rem3A_531 = vector.broadcast %select_n3A_530 : i32 to vector<16xi32>
    %rem3A_532 = arith.remsi %add3A_525, %rem3A_531 : vector<16xi32>
    %ne3A_533 = arith.constant 0 : i32
    %ne3A_534 = vector.broadcast %ne3A_533 : i32 to vector<16xi32>
    %ne3A_535 = arith.cmpi ne, %rem3A_532, %ne3A_534 : vector<16xi32>
    %lt3A_536 = arith.constant 0 : i32
    %lt3A_537 = vector.broadcast %lt3A_536 : i32 to vector<16xi32>
    %lt3A_538 = arith.cmpi slt, %rem3A_532, %lt3A_537 : vector<16xi32>
    %lt3A_539 = arith.constant 0 : i32
    %lt3A_540 = arith.cmpi slt, %select_n3A_530, %lt3A_539 : i32
    %ne3A_541 = vector.broadcast %lt3A_540 : i1 to vector<16xi1>
    %ne3A_542 = vector.broadcast %ne3A_541 : vector<16xi1> to vector<16xi1>
    %ne3A_543 = arith.xori %lt3A_538, %ne3A_542 : vector<16xi1>
    %and3A_544 = arith.andi %ne3A_543, %ne3A_535 : vector<16xi1>
    %add3A_545 = vector.broadcast %select_n3A_530 : i32 to vector<16xi32>
    %add3A_546 = arith.addi %rem3A_532, %add3A_545 : vector<16xi32>
    %select_n3A_547 = arith.select %and3A_544, %add3A_546, %rem3A_532 : vector<16xi1>, vector<16xi32>
    %swap3A_548 = arith.constant 6 : i32
    %swap3A_549 = arith.index_cast %swap3A_548 : i32 to index
    %swap3A_550 = arith.constant 0 : index
    %swap3A_551 = tpu.vector_load %arg8[%swap3A_549, %swap3A_550] {strides = array<i32>} : memref<16x32xi32, #tpu.memory_space<vmem>>, vector<1x16xi32>,
    %swap3A_552 = vector.shape_cast %swap3A_551 : vector<1x16xi32> to vector<16xi32>
    %swap3A_553 = vector.shape_cast %select_n3A_547 : vector<16xi32> to vector<1x16xi32>
    tpu.vector_store %arg8[%swap3A_549, %swap3A_550], %swap3A_553 {strides = array<i32>} : memref<16x32xi32, #tpu.memory_space<vmem>>, vector<1x16xi32>,
    %get3A_554 = arith.constant 208 : index
    %get3A_555 = tpu.vector_load %arg6[%get3A_554] {strides = array<i32>} : memref<512xi32, #tpu.memory_space<vmem>>, vector<16xi32>,
    %get3A_556 = vector.shape_cast %get3A_555 : vector<16xi32> to vector<16xi32>
    %get3A_557 = arith.constant 208 : index
    %get3A_558 = tpu.vector_load %arg7[%get3A_557] {strides = array<i32>} : memref<512xi32, #tpu.memory_space<vmem>>, vector<16xi32>,
    %get3A_559 = vector.shape_cast %get3A_558 : vector<16xi32> to vector<16xi32>
    %mul3A_560 = arith.constant 31 : i32
    %mul3A_561 = vector.broadcast %mul3A_560 : i32 to vector<16xi32>
    %mul3A_562 = arith.muli %get3A_556, %mul3A_561 : vector<16xi32>
    %add3A_563 = arith.addi %mul3A_562, %get3A_559 : vector<16xi32>
    %jit3A_564 = arith.constant 100000 : i32
    %eq3A_565 = arith.constant 0 : i32
    %eq3A_566 = arith.cmpi eq, %jit3A_564, %eq3A_565 : i32
    %jit3A_567 = arith.constant 1 : i32
    %select_n3A_568 = arith.select %eq3A_566, %jit3A_567, %jit3A_564 : i32
    %rem3A_569 = vector.broadcast %select_n3A_568 : i32 to vector<16xi32>
    %rem3A_570 = arith.remsi %add3A_563, %rem3A_569 : vector<16xi32>
    %ne3A_571 = arith.constant 0 : i32
    %ne3A_572 = vector.broadcast %ne3A_571 : i32 to vector<16xi32>
    %ne3A_573 = arith.cmpi ne, %rem3A_570, %ne3A_572 : vector<16xi32>
    %lt3A_574 = arith.constant 0 : i32
    %lt3A_575 = vector.broadcast %lt3A_574 : i32 to vector<16xi32>
    %lt3A_576 = arith.cmpi slt, %rem3A_570, %lt3A_575 : vector<16xi32>
    %lt3A_577 = arith.constant 0 : i32
    %lt3A_578 = arith.cmpi slt, %select_n3A_568, %lt3A_577 : i32
    %ne3A_579 = vector.broadcast %lt3A_578 : i1 to vector<16xi1>
    %ne3A_580 = vector.broadcast %ne3A_579 : vector<16xi1> to vector<16xi1>
    %ne3A_581 = arith.xori %lt3A_576, %ne3A_580 : vector<16xi1>
    %and3A_582 = arith.andi %ne3A_581, %ne3A_573 : vector<16xi1>
    %add3A_583 = vector.broadcast %select_n3A_568 : i32 to vector<16xi32>
    %add3A_584 = arith.addi %rem3A_570, %add3A_583 : vector<16xi32>
    %select_n3A_585 = arith.select %and3A_582, %add3A_584, %rem3A_570 : vector<16xi1>, vector<16xi32>
    %swap3A_586 = arith.constant 6 : i32
    %swap3A_587 = arith.index_cast %swap3A_586 : i32 to index
    %swap3A_588 = arith.constant 16 : index
    %swap3A_589 = tpu.vector_load %arg8[%swap3A_587, %swap3A_588] {strides = array<i32>} : memref<16x32xi32, #tpu.memory_space<vmem>>, vector<1x16xi32>,
    %swap3A_590 = vector.shape_cast %swap3A_589 : vector<1x16xi32> to vector<16xi32>
    %swap3A_591 = vector.shape_cast %select_n3A_585 : vector<16xi32> to vector<1x16xi32>
    tpu.vector_store %arg8[%swap3A_587, %swap3A_588], %swap3A_591 {strides = array<i32>} : memref<16x32xi32, #tpu.memory_space<vmem>>, vector<1x16xi32>,
    %dma_start3A_592 = arith.constant 6 : i32
    %dma_start3A_593 = arith.constant 192 : i32
    %dma_start3A_594 = arith.constant 0 : i32
    %dma_start3A_595 = tpu.memref_slice %arg9[%dma_start3A_593, %dma_start3A_594] : memref<512x128xf32, #tpu.memory_space<vmem>> -> memref<32x128xf32, #tpu.memory_space<vmem>>
    %dma_start3A_596 = arith.constant 0 : i32
    %dma_start3A_597 = tpu.memref_slice %arg8[%dma_start3A_592, %dma_start3A_596] : memref<16x32xi32, #tpu.memory_space<vmem>> -> memref<1x32xi32, #tpu.memory_space<vmem>>
    %dma_start3A_598 = tpu.memref_squeeze %dma_start3A_597 : memref<1x32xi32, #tpu.memory_space<vmem>> -> memref<32xi32, #tpu.memory_space<vmem>>
    %dma_start3A_599 = arith.constant 0 : i32
    %dma_start3A_600 = arith.constant 0 : i32
    %dma_start3A_601 = tpu.memref_slice %arg4[%dma_start3A_599, %dma_start3A_600] : memref<100000x128xf32, #tpu.memory_space<hbm>> -> memref<100000x128xf32, #tpu.memory_space<hbm>>
    tpu.enqueue_indirect_dma source(%dma_start3A_601 : memref<100000x128xf32, #tpu.memory_space<hbm>>) target(%dma_start3A_595 : memref<32x128xf32, #tpu.memory_space<vmem>>) offsets(%dma_start3A_598 : memref<32xi32, #tpu.memory_space<vmem>>) semaphore(%arg10 : memref<!tpu.dma_semaphore, #tpu.memory_space<semaphore_mem>>)
    %get3A_602 = arith.constant 224 : index
    %get3A_603 = tpu.vector_load %arg6[%get3A_602] {strides = array<i32>} : memref<512xi32, #tpu.memory_space<vmem>>, vector<16xi32>,
    %get3A_604 = vector.shape_cast %get3A_603 : vector<16xi32> to vector<16xi32>
    %get3A_605 = arith.constant 224 : index
    %get3A_606 = tpu.vector_load %arg7[%get3A_605] {strides = array<i32>} : memref<512xi32, #tpu.memory_space<vmem>>, vector<16xi32>,
    %get3A_607 = vector.shape_cast %get3A_606 : vector<16xi32> to vector<16xi32>
    %mul3A_608 = arith.constant 31 : i32
    %mul3A_609 = vector.broadcast %mul3A_608 : i32 to vector<16xi32>
    %mul3A_610 = arith.muli %get3A_604, %mul3A_609 : vector<16xi32>
    %add3A_611 = arith.addi %mul3A_610, %get3A_607 : vector<16xi32>
    %jit3A_612 = arith.constant 100000 : i32
    %eq3A_613 = arith.constant 0 : i32
    %eq3A_614 = arith.cmpi eq, %jit3A_612, %eq3A_613 : i32
    %jit3A_615 = arith.constant 1 : i32
    %select_n3A_616 = arith.select %eq3A_614, %jit3A_615, %jit3A_612 : i32
    %rem3A_617 = vector.broadcast %select_n3A_616 : i32 to vector<16xi32>
    %rem3A_618 = arith.remsi %add3A_611, %rem3A_617 : vector<16xi32>
    %ne3A_619 = arith.constant 0 : i32
    %ne3A_620 = vector.broadcast %ne3A_619 : i32 to vector<16xi32>
    %ne3A_621 = arith.cmpi ne, %rem3A_618, %ne3A_620 : vector<16xi32>
    %lt3A_622 = arith.constant 0 : i32
    %lt3A_623 = vector.broadcast %lt3A_622 : i32 to vector<16xi32>
    %lt3A_624 = arith.cmpi slt, %rem3A_618, %lt3A_623 : vector<16xi32>
    %lt3A_625 = arith.constant 0 : i32
    %lt3A_626 = arith.cmpi slt, %select_n3A_616, %lt3A_625 : i32
    %ne3A_627 = vector.broadcast %lt3A_626 : i1 to vector<16xi1>
    %ne3A_628 = vector.broadcast %ne3A_627 : vector<16xi1> to vector<16xi1>
    %ne3A_629 = arith.xori %lt3A_624, %ne3A_628 : vector<16xi1>
    %and3A_630 = arith.andi %ne3A_629, %ne3A_621 : vector<16xi1>
    %add3A_631 = vector.broadcast %select_n3A_616 : i32 to vector<16xi32>
    %add3A_632 = arith.addi %rem3A_618, %add3A_631 : vector<16xi32>
    %select_n3A_633 = arith.select %and3A_630, %add3A_632, %rem3A_618 : vector<16xi1>, vector<16xi32>
    %swap3A_634 = arith.constant 7 : i32
    %swap3A_635 = arith.index_cast %swap3A_634 : i32 to index
    %swap3A_636 = arith.constant 0 : index
    %swap3A_637 = tpu.vector_load %arg8[%swap3A_635, %swap3A_636] {strides = array<i32>} : memref<16x32xi32, #tpu.memory_space<vmem>>, vector<1x16xi32>,
    %swap3A_638 = vector.shape_cast %swap3A_637 : vector<1x16xi32> to vector<16xi32>
    %swap3A_639 = vector.shape_cast %select_n3A_633 : vector<16xi32> to vector<1x16xi32>
    tpu.vector_store %arg8[%swap3A_635, %swap3A_636], %swap3A_639 {strides = array<i32>} : memref<16x32xi32, #tpu.memory_space<vmem>>, vector<1x16xi32>,
    %get3A_640 = arith.constant 240 : index
    %get3A_641 = tpu.vector_load %arg6[%get3A_640] {strides = array<i32>} : memref<512xi32, #tpu.memory_space<vmem>>, vector<16xi32>,
    %get3A_642 = vector.shape_cast %get3A_641 : vector<16xi32> to vector<16xi32>
    %get3A_643 = arith.constant 240 : index
    %get3A_644 = tpu.vector_load %arg7[%get3A_643] {strides = array<i32>} : memref<512xi32, #tpu.memory_space<vmem>>, vector<16xi32>,
    %get3A_645 = vector.shape_cast %get3A_644 : vector<16xi32> to vector<16xi32>
    %mul3A_646 = arith.constant 31 : i32
    %mul3A_647 = vector.broadcast %mul3A_646 : i32 to vector<16xi32>
    %mul3A_648 = arith.muli %get3A_642, %mul3A_647 : vector<16xi32>
    %add3A_649 = arith.addi %mul3A_648, %get3A_645 : vector<16xi32>
    %jit3A_650 = arith.constant 100000 : i32
    %eq3A_651 = arith.constant 0 : i32
    %eq3A_652 = arith.cmpi eq, %jit3A_650, %eq3A_651 : i32
    %jit3A_653 = arith.constant 1 : i32
    %select_n3A_654 = arith.select %eq3A_652, %jit3A_653, %jit3A_650 : i32
    %rem3A_655 = vector.broadcast %select_n3A_654 : i32 to vector<16xi32>
    %rem3A_656 = arith.remsi %add3A_649, %rem3A_655 : vector<16xi32>
    %ne3A_657 = arith.constant 0 : i32
    %ne3A_658 = vector.broadcast %ne3A_657 : i32 to vector<16xi32>
    %ne3A_659 = arith.cmpi ne, %rem3A_656, %ne3A_658 : vector<16xi32>
    %lt3A_660 = arith.constant 0 : i32
    %lt3A_661 = vector.broadcast %lt3A_660 : i32 to vector<16xi32>
    %lt3A_662 = arith.cmpi slt, %rem3A_656, %lt3A_661 : vector<16xi32>
    %lt3A_663 = arith.constant 0 : i32
    %lt3A_664 = arith.cmpi slt, %select_n3A_654, %lt3A_663 : i32
    %ne3A_665 = vector.broadcast %lt3A_664 : i1 to vector<16xi1>
    %ne3A_666 = vector.broadcast %ne3A_665 : vector<16xi1> to vector<16xi1>
    %ne3A_667 = arith.xori %lt3A_662, %ne3A_666 : vector<16xi1>
    %and3A_668 = arith.andi %ne3A_667, %ne3A_659 : vector<16xi1>
    %add3A_669 = vector.broadcast %select_n3A_654 : i32 to vector<16xi32>
    %add3A_670 = arith.addi %rem3A_656, %add3A_669 : vector<16xi32>
    %select_n3A_671 = arith.select %and3A_668, %add3A_670, %rem3A_656 : vector<16xi1>, vector<16xi32>
    %swap3A_672 = arith.constant 7 : i32
    %swap3A_673 = arith.index_cast %swap3A_672 : i32 to index
    %swap3A_674 = arith.constant 16 : index
    %swap3A_675 = tpu.vector_load %arg8[%swap3A_673, %swap3A_674] {strides = array<i32>} : memref<16x32xi32, #tpu.memory_space<vmem>>, vector<1x16xi32>,
    %swap3A_676 = vector.shape_cast %swap3A_675 : vector<1x16xi32> to vector<16xi32>
    %swap3A_677 = vector.shape_cast %select_n3A_671 : vector<16xi32> to vector<1x16xi32>
    tpu.vector_store %arg8[%swap3A_673, %swap3A_674], %swap3A_677 {strides = array<i32>} : memref<16x32xi32, #tpu.memory_space<vmem>>, vector<1x16xi32>,
    %dma_start3A_678 = arith.constant 7 : i32
    %dma_start3A_679 = arith.constant 224 : i32
    %dma_start3A_680 = arith.constant 0 : i32
    %dma_start3A_681 = tpu.memref_slice %arg9[%dma_start3A_679, %dma_start3A_680] : memref<512x128xf32, #tpu.memory_space<vmem>> -> memref<32x128xf32, #tpu.memory_space<vmem>>
    %dma_start3A_682 = arith.constant 0 : i32
    %dma_start3A_683 = tpu.memref_slice %arg8[%dma_start3A_678, %dma_start3A_682] : memref<16x32xi32, #tpu.memory_space<vmem>> -> memref<1x32xi32, #tpu.memory_space<vmem>>
    %dma_start3A_684 = tpu.memref_squeeze %dma_start3A_683 : memref<1x32xi32, #tpu.memory_space<vmem>> -> memref<32xi32, #tpu.memory_space<vmem>>
    %dma_start3A_685 = arith.constant 0 : i32
    %dma_start3A_686 = arith.constant 0 : i32
    %dma_start3A_687 = tpu.memref_slice %arg4[%dma_start3A_685, %dma_start3A_686] : memref<100000x128xf32, #tpu.memory_space<hbm>> -> memref<100000x128xf32, #tpu.memory_space<hbm>>
    tpu.enqueue_indirect_dma source(%dma_start3A_687 : memref<100000x128xf32, #tpu.memory_space<hbm>>) target(%dma_start3A_681 : memref<32x128xf32, #tpu.memory_space<vmem>>) offsets(%dma_start3A_684 : memref<32xi32, #tpu.memory_space<vmem>>) semaphore(%arg10 : memref<!tpu.dma_semaphore, #tpu.memory_space<semaphore_mem>>)
    %get3A_688 = arith.constant 256 : index
    %get3A_689 = tpu.vector_load %arg6[%get3A_688] {strides = array<i32>} : memref<512xi32, #tpu.memory_space<vmem>>, vector<16xi32>,
    %get3A_690 = vector.shape_cast %get3A_689 : vector<16xi32> to vector<16xi32>
    %get3A_691 = arith.constant 256 : index
    %get3A_692 = tpu.vector_load %arg7[%get3A_691] {strides = array<i32>} : memref<512xi32, #tpu.memory_space<vmem>>, vector<16xi32>,
    %get3A_693 = vector.shape_cast %get3A_692 : vector<16xi32> to vector<16xi32>
    %mul3A_694 = arith.constant 31 : i32
    %mul3A_695 = vector.broadcast %mul3A_694 : i32 to vector<16xi32>
    %mul3A_696 = arith.muli %get3A_690, %mul3A_695 : vector<16xi32>
    %add3A_697 = arith.addi %mul3A_696, %get3A_693 : vector<16xi32>
    %jit3A_698 = arith.constant 100000 : i32
    %eq3A_699 = arith.constant 0 : i32
    %eq3A_700 = arith.cmpi eq, %jit3A_698, %eq3A_699 : i32
    %jit3A_701 = arith.constant 1 : i32
    %select_n3A_702 = arith.select %eq3A_700, %jit3A_701, %jit3A_698 : i32
    %rem3A_703 = vector.broadcast %select_n3A_702 : i32 to vector<16xi32>
    %rem3A_704 = arith.remsi %add3A_697, %rem3A_703 : vector<16xi32>
    %ne3A_705 = arith.constant 0 : i32
    %ne3A_706 = vector.broadcast %ne3A_705 : i32 to vector<16xi32>
    %ne3A_707 = arith.cmpi ne, %rem3A_704, %ne3A_706 : vector<16xi32>
    %lt3A_708 = arith.constant 0 : i32
    %lt3A_709 = vector.broadcast %lt3A_708 : i32 to vector<16xi32>
    %lt3A_710 = arith.cmpi slt, %rem3A_704, %lt3A_709 : vector<16xi32>
    %lt3A_711 = arith.constant 0 : i32
    %lt3A_712 = arith.cmpi slt, %select_n3A_702, %lt3A_711 : i32
    %ne3A_713 = vector.broadcast %lt3A_712 : i1 to vector<16xi1>
    %ne3A_714 = vector.broadcast %ne3A_713 : vector<16xi1> to vector<16xi1>
    %ne3A_715 = arith.xori %lt3A_710, %ne3A_714 : vector<16xi1>
    %and3A_716 = arith.andi %ne3A_715, %ne3A_707 : vector<16xi1>
    %add3A_717 = vector.broadcast %select_n3A_702 : i32 to vector<16xi32>
    %add3A_718 = arith.addi %rem3A_704, %add3A_717 : vector<16xi32>
    %select_n3A_719 = arith.select %and3A_716, %add3A_718, %rem3A_704 : vector<16xi1>, vector<16xi32>
    %swap3A_720 = arith.constant 8 : i32
    %swap3A_721 = arith.index_cast %swap3A_720 : i32 to index
    %swap3A_722 = arith.constant 0 : index
    %swap3A_723 = tpu.vector_load %arg8[%swap3A_721, %swap3A_722] {strides = array<i32>} : memref<16x32xi32, #tpu.memory_space<vmem>>, vector<1x16xi32>,
    %swap3A_724 = vector.shape_cast %swap3A_723 : vector<1x16xi32> to vector<16xi32>
    %swap3A_725 = vector.shape_cast %select_n3A_719 : vector<16xi32> to vector<1x16xi32>
    tpu.vector_store %arg8[%swap3A_721, %swap3A_722], %swap3A_725 {strides = array<i32>} : memref<16x32xi32, #tpu.memory_space<vmem>>, vector<1x16xi32>,
    %get3A_726 = arith.constant 272 : index
    %get3A_727 = tpu.vector_load %arg6[%get3A_726] {strides = array<i32>} : memref<512xi32, #tpu.memory_space<vmem>>, vector<16xi32>,
    %get3A_728 = vector.shape_cast %get3A_727 : vector<16xi32> to vector<16xi32>
    %get3A_729 = arith.constant 272 : index
    %get3A_730 = tpu.vector_load %arg7[%get3A_729] {strides = array<i32>} : memref<512xi32, #tpu.memory_space<vmem>>, vector<16xi32>,
    %get3A_731 = vector.shape_cast %get3A_730 : vector<16xi32> to vector<16xi32>
    %mul3A_732 = arith.constant 31 : i32
    %mul3A_733 = vector.broadcast %mul3A_732 : i32 to vector<16xi32>
    %mul3A_734 = arith.muli %get3A_728, %mul3A_733 : vector<16xi32>
    %add3A_735 = arith.addi %mul3A_734, %get3A_731 : vector<16xi32>
    %jit3A_736 = arith.constant 100000 : i32
    %eq3A_737 = arith.constant 0 : i32
    %eq3A_738 = arith.cmpi eq, %jit3A_736, %eq3A_737 : i32
    %jit3A_739 = arith.constant 1 : i32
    %select_n3A_740 = arith.select %eq3A_738, %jit3A_739, %jit3A_736 : i32
    %rem3A_741 = vector.broadcast %select_n3A_740 : i32 to vector<16xi32>
    %rem3A_742 = arith.remsi %add3A_735, %rem3A_741 : vector<16xi32>
    %ne3A_743 = arith.constant 0 : i32
    %ne3A_744 = vector.broadcast %ne3A_743 : i32 to vector<16xi32>
    %ne3A_745 = arith.cmpi ne, %rem3A_742, %ne3A_744 : vector<16xi32>
    %lt3A_746 = arith.constant 0 : i32
    %lt3A_747 = vector.broadcast %lt3A_746 : i32 to vector<16xi32>
    %lt3A_748 = arith.cmpi slt, %rem3A_742, %lt3A_747 : vector<16xi32>
    %lt3A_749 = arith.constant 0 : i32
    %lt3A_750 = arith.cmpi slt, %select_n3A_740, %lt3A_749 : i32
    %ne3A_751 = vector.broadcast %lt3A_750 : i1 to vector<16xi1>
    %ne3A_752 = vector.broadcast %ne3A_751 : vector<16xi1> to vector<16xi1>
    %ne3A_753 = arith.xori %lt3A_748, %ne3A_752 : vector<16xi1>
    %and3A_754 = arith.andi %ne3A_753, %ne3A_745 : vector<16xi1>
    %add3A_755 = vector.broadcast %select_n3A_740 : i32 to vector<16xi32>
    %add3A_756 = arith.addi %rem3A_742, %add3A_755 : vector<16xi32>
    %select_n3A_757 = arith.select %and3A_754, %add3A_756, %rem3A_742 : vector<16xi1>, vector<16xi32>
    %swap3A_758 = arith.constant 8 : i32
    %swap3A_759 = arith.index_cast %swap3A_758 : i32 to index
    %swap3A_760 = arith.constant 16 : index
    %swap3A_761 = tpu.vector_load %arg8[%swap3A_759, %swap3A_760] {strides = array<i32>} : memref<16x32xi32, #tpu.memory_space<vmem>>, vector<1x16xi32>,
    %swap3A_762 = vector.shape_cast %swap3A_761 : vector<1x16xi32> to vector<16xi32>
    %swap3A_763 = vector.shape_cast %select_n3A_757 : vector<16xi32> to vector<1x16xi32>
    tpu.vector_store %arg8[%swap3A_759, %swap3A_760], %swap3A_763 {strides = array<i32>} : memref<16x32xi32, #tpu.memory_space<vmem>>, vector<1x16xi32>,
    %dma_start3A_764 = arith.constant 8 : i32
    %dma_start3A_765 = arith.constant 256 : i32
    %dma_start3A_766 = arith.constant 0 : i32
    %dma_start3A_767 = tpu.memref_slice %arg9[%dma_start3A_765, %dma_start3A_766] : memref<512x128xf32, #tpu.memory_space<vmem>> -> memref<32x128xf32, #tpu.memory_space<vmem>>
    %dma_start3A_768 = arith.constant 0 : i32
    %dma_start3A_769 = tpu.memref_slice %arg8[%dma_start3A_764, %dma_start3A_768] : memref<16x32xi32, #tpu.memory_space<vmem>> -> memref<1x32xi32, #tpu.memory_space<vmem>>
    %dma_start3A_770 = tpu.memref_squeeze %dma_start3A_769 : memref<1x32xi32, #tpu.memory_space<vmem>> -> memref<32xi32, #tpu.memory_space<vmem>>
    %dma_start3A_771 = arith.constant 0 : i32
    %dma_start3A_772 = arith.constant 0 : i32
    %dma_start3A_773 = tpu.memref_slice %arg4[%dma_start3A_771, %dma_start3A_772] : memref<100000x128xf32, #tpu.memory_space<hbm>> -> memref<100000x128xf32, #tpu.memory_space<hbm>>
    tpu.enqueue_indirect_dma source(%dma_start3A_773 : memref<100000x128xf32, #tpu.memory_space<hbm>>) target(%dma_start3A_767 : memref<32x128xf32, #tpu.memory_space<vmem>>) offsets(%dma_start3A_770 : memref<32xi32, #tpu.memory_space<vmem>>) semaphore(%arg10 : memref<!tpu.dma_semaphore, #tpu.memory_space<semaphore_mem>>)
    %get3A_774 = arith.constant 288 : index
    %get3A_775 = tpu.vector_load %arg6[%get3A_774] {strides = array<i32>} : memref<512xi32, #tpu.memory_space<vmem>>, vector<16xi32>,
    %get3A_776 = vector.shape_cast %get3A_775 : vector<16xi32> to vector<16xi32>
    %get3A_777 = arith.constant 288 : index
    %get3A_778 = tpu.vector_load %arg7[%get3A_777] {strides = array<i32>} : memref<512xi32, #tpu.memory_space<vmem>>, vector<16xi32>,
    %get3A_779 = vector.shape_cast %get3A_778 : vector<16xi32> to vector<16xi32>
    %mul3A_780 = arith.constant 31 : i32
    %mul3A_781 = vector.broadcast %mul3A_780 : i32 to vector<16xi32>
    %mul3A_782 = arith.muli %get3A_776, %mul3A_781 : vector<16xi32>
    %add3A_783 = arith.addi %mul3A_782, %get3A_779 : vector<16xi32>
    %jit3A_784 = arith.constant 100000 : i32
    %eq3A_785 = arith.constant 0 : i32
    %eq3A_786 = arith.cmpi eq, %jit3A_784, %eq3A_785 : i32
    %jit3A_787 = arith.constant 1 : i32
    %select_n3A_788 = arith.select %eq3A_786, %jit3A_787, %jit3A_784 : i32
    %rem3A_789 = vector.broadcast %select_n3A_788 : i32 to vector<16xi32>
    %rem3A_790 = arith.remsi %add3A_783, %rem3A_789 : vector<16xi32>
    %ne3A_791 = arith.constant 0 : i32
    %ne3A_792 = vector.broadcast %ne3A_791 : i32 to vector<16xi32>
    %ne3A_793 = arith.cmpi ne, %rem3A_790, %ne3A_792 : vector<16xi32>
    %lt3A_794 = arith.constant 0 : i32
    %lt3A_795 = vector.broadcast %lt3A_794 : i32 to vector<16xi32>
    %lt3A_796 = arith.cmpi slt, %rem3A_790, %lt3A_795 : vector<16xi32>
    %lt3A_797 = arith.constant 0 : i32
    %lt3A_798 = arith.cmpi slt, %select_n3A_788, %lt3A_797 : i32
    %ne3A_799 = vector.broadcast %lt3A_798 : i1 to vector<16xi1>
    %ne3A_800 = vector.broadcast %ne3A_799 : vector<16xi1> to vector<16xi1>
    %ne3A_801 = arith.xori %lt3A_796, %ne3A_800 : vector<16xi1>
    %and3A_802 = arith.andi %ne3A_801, %ne3A_793 : vector<16xi1>
    %add3A_803 = vector.broadcast %select_n3A_788 : i32 to vector<16xi32>
    %add3A_804 = arith.addi %rem3A_790, %add3A_803 : vector<16xi32>
    %select_n3A_805 = arith.select %and3A_802, %add3A_804, %rem3A_790 : vector<16xi1>, vector<16xi32>
    %swap3A_806 = arith.constant 9 : i32
    %swap3A_807 = arith.index_cast %swap3A_806 : i32 to index
    %swap3A_808 = arith.constant 0 : index
    %swap3A_809 = tpu.vector_load %arg8[%swap3A_807, %swap3A_808] {strides = array<i32>} : memref<16x32xi32, #tpu.memory_space<vmem>>, vector<1x16xi32>,
    %swap3A_810 = vector.shape_cast %swap3A_809 : vector<1x16xi32> to vector<16xi32>
    %swap3A_811 = vector.shape_cast %select_n3A_805 : vector<16xi32> to vector<1x16xi32>
    tpu.vector_store %arg8[%swap3A_807, %swap3A_808], %swap3A_811 {strides = array<i32>} : memref<16x32xi32, #tpu.memory_space<vmem>>, vector<1x16xi32>,
    %get3A_812 = arith.constant 304 : index
    %get3A_813 = tpu.vector_load %arg6[%get3A_812] {strides = array<i32>} : memref<512xi32, #tpu.memory_space<vmem>>, vector<16xi32>,
    %get3A_814 = vector.shape_cast %get3A_813 : vector<16xi32> to vector<16xi32>
    %get3A_815 = arith.constant 304 : index
    %get3A_816 = tpu.vector_load %arg7[%get3A_815] {strides = array<i32>} : memref<512xi32, #tpu.memory_space<vmem>>, vector<16xi32>,
    %get3A_817 = vector.shape_cast %get3A_816 : vector<16xi32> to vector<16xi32>
    %mul3A_818 = arith.constant 31 : i32
    %mul3A_819 = vector.broadcast %mul3A_818 : i32 to vector<16xi32>
    %mul3A_820 = arith.muli %get3A_814, %mul3A_819 : vector<16xi32>
    %add3A_821 = arith.addi %mul3A_820, %get3A_817 : vector<16xi32>
    %jit3A_822 = arith.constant 100000 : i32
    %eq3A_823 = arith.constant 0 : i32
    %eq3A_824 = arith.cmpi eq, %jit3A_822, %eq3A_823 : i32
    %jit3A_825 = arith.constant 1 : i32
    %select_n3A_826 = arith.select %eq3A_824, %jit3A_825, %jit3A_822 : i32
    %rem3A_827 = vector.broadcast %select_n3A_826 : i32 to vector<16xi32>
    %rem3A_828 = arith.remsi %add3A_821, %rem3A_827 : vector<16xi32>
    %ne3A_829 = arith.constant 0 : i32
    %ne3A_830 = vector.broadcast %ne3A_829 : i32 to vector<16xi32>
    %ne3A_831 = arith.cmpi ne, %rem3A_828, %ne3A_830 : vector<16xi32>
    %lt3A_832 = arith.constant 0 : i32
    %lt3A_833 = vector.broadcast %lt3A_832 : i32 to vector<16xi32>
    %lt3A_834 = arith.cmpi slt, %rem3A_828, %lt3A_833 : vector<16xi32>
    %lt3A_835 = arith.constant 0 : i32
    %lt3A_836 = arith.cmpi slt, %select_n3A_826, %lt3A_835 : i32
    %ne3A_837 = vector.broadcast %lt3A_836 : i1 to vector<16xi1>
    %ne3A_838 = vector.broadcast %ne3A_837 : vector<16xi1> to vector<16xi1>
    %ne3A_839 = arith.xori %lt3A_834, %ne3A_838 : vector<16xi1>
    %and3A_840 = arith.andi %ne3A_839, %ne3A_831 : vector<16xi1>
    %add3A_841 = vector.broadcast %select_n3A_826 : i32 to vector<16xi32>
    %add3A_842 = arith.addi %rem3A_828, %add3A_841 : vector<16xi32>
    %select_n3A_843 = arith.select %and3A_840, %add3A_842, %rem3A_828 : vector<16xi1>, vector<16xi32>
    %swap3A_844 = arith.constant 9 : i32
    %swap3A_845 = arith.index_cast %swap3A_844 : i32 to index
    %swap3A_846 = arith.constant 16 : index
    %swap3A_847 = tpu.vector_load %arg8[%swap3A_845, %swap3A_846] {strides = array<i32>} : memref<16x32xi32, #tpu.memory_space<vmem>>, vector<1x16xi32>,
    %swap3A_848 = vector.shape_cast %swap3A_847 : vector<1x16xi32> to vector<16xi32>
    %swap3A_849 = vector.shape_cast %select_n3A_843 : vector<16xi32> to vector<1x16xi32>
    tpu.vector_store %arg8[%swap3A_845, %swap3A_846], %swap3A_849 {strides = array<i32>} : memref<16x32xi32, #tpu.memory_space<vmem>>, vector<1x16xi32>,
    %dma_start3A_850 = arith.constant 9 : i32
    %dma_start3A_851 = arith.constant 288 : i32
    %dma_start3A_852 = arith.constant 0 : i32
    %dma_start3A_853 = tpu.memref_slice %arg9[%dma_start3A_851, %dma_start3A_852] : memref<512x128xf32, #tpu.memory_space<vmem>> -> memref<32x128xf32, #tpu.memory_space<vmem>>
    %dma_start3A_854 = arith.constant 0 : i32
    %dma_start3A_855 = tpu.memref_slice %arg8[%dma_start3A_850, %dma_start3A_854] : memref<16x32xi32, #tpu.memory_space<vmem>> -> memref<1x32xi32, #tpu.memory_space<vmem>>
    %dma_start3A_856 = tpu.memref_squeeze %dma_start3A_855 : memref<1x32xi32, #tpu.memory_space<vmem>> -> memref<32xi32, #tpu.memory_space<vmem>>
    %dma_start3A_857 = arith.constant 0 : i32
    %dma_start3A_858 = arith.constant 0 : i32
    %dma_start3A_859 = tpu.memref_slice %arg4[%dma_start3A_857, %dma_start3A_858] : memref<100000x128xf32, #tpu.memory_space<hbm>> -> memref<100000x128xf32, #tpu.memory_space<hbm>>
    tpu.enqueue_indirect_dma source(%dma_start3A_859 : memref<100000x128xf32, #tpu.memory_space<hbm>>) target(%dma_start3A_853 : memref<32x128xf32, #tpu.memory_space<vmem>>) offsets(%dma_start3A_856 : memref<32xi32, #tpu.memory_space<vmem>>) semaphore(%arg10 : memref<!tpu.dma_semaphore, #tpu.memory_space<semaphore_mem>>)
    %get3A_860 = arith.constant 320 : index
    %get3A_861 = tpu.vector_load %arg6[%get3A_860] {strides = array<i32>} : memref<512xi32, #tpu.memory_space<vmem>>, vector<16xi32>,
    %get3A_862 = vector.shape_cast %get3A_861 : vector<16xi32> to vector<16xi32>
    %get3A_863 = arith.constant 320 : index
    %get3A_864 = tpu.vector_load %arg7[%get3A_863] {strides = array<i32>} : memref<512xi32, #tpu.memory_space<vmem>>, vector<16xi32>,
    %get3A_865 = vector.shape_cast %get3A_864 : vector<16xi32> to vector<16xi32>
    %mul3A_866 = arith.constant 31 : i32
    %mul3A_867 = vector.broadcast %mul3A_866 : i32 to vector<16xi32>
    %mul3A_868 = arith.muli %get3A_862, %mul3A_867 : vector<16xi32>
    %add3A_869 = arith.addi %mul3A_868, %get3A_865 : vector<16xi32>
    %jit3A_870 = arith.constant 100000 : i32
    %eq3A_871 = arith.constant 0 : i32
    %eq3A_872 = arith.cmpi eq, %jit3A_870, %eq3A_871 : i32
    %jit3A_873 = arith.constant 1 : i32
    %select_n3A_874 = arith.select %eq3A_872, %jit3A_873, %jit3A_870 : i32
    %rem3A_875 = vector.broadcast %select_n3A_874 : i32 to vector<16xi32>
    %rem3A_876 = arith.remsi %add3A_869, %rem3A_875 : vector<16xi32>
    %ne3A_877 = arith.constant 0 : i32
    %ne3A_878 = vector.broadcast %ne3A_877 : i32 to vector<16xi32>
    %ne3A_879 = arith.cmpi ne, %rem3A_876, %ne3A_878 : vector<16xi32>
    %lt3A_880 = arith.constant 0 : i32
    %lt3A_881 = vector.broadcast %lt3A_880 : i32 to vector<16xi32>
    %lt3A_882 = arith.cmpi slt, %rem3A_876, %lt3A_881 : vector<16xi32>
    %lt3A_883 = arith.constant 0 : i32
    %lt3A_884 = arith.cmpi slt, %select_n3A_874, %lt3A_883 : i32
    %ne3A_885 = vector.broadcast %lt3A_884 : i1 to vector<16xi1>
    %ne3A_886 = vector.broadcast %ne3A_885 : vector<16xi1> to vector<16xi1>
    %ne3A_887 = arith.xori %lt3A_882, %ne3A_886 : vector<16xi1>
    %and3A_888 = arith.andi %ne3A_887, %ne3A_879 : vector<16xi1>
    %add3A_889 = vector.broadcast %select_n3A_874 : i32 to vector<16xi32>
    %add3A_890 = arith.addi %rem3A_876, %add3A_889 : vector<16xi32>
    %select_n3A_891 = arith.select %and3A_888, %add3A_890, %rem3A_876 : vector<16xi1>, vector<16xi32>
    %swap3A_892 = arith.constant 10 : i32
    %swap3A_893 = arith.index_cast %swap3A_892 : i32 to index
    %swap3A_894 = arith.constant 0 : index
    %swap3A_895 = tpu.vector_load %arg8[%swap3A_893, %swap3A_894] {strides = array<i32>} : memref<16x32xi32, #tpu.memory_space<vmem>>, vector<1x16xi32>,
    %swap3A_896 = vector.shape_cast %swap3A_895 : vector<1x16xi32> to vector<16xi32>
    %swap3A_897 = vector.shape_cast %select_n3A_891 : vector<16xi32> to vector<1x16xi32>
    tpu.vector_store %arg8[%swap3A_893, %swap3A_894], %swap3A_897 {strides = array<i32>} : memref<16x32xi32, #tpu.memory_space<vmem>>, vector<1x16xi32>,
    %get3A_898 = arith.constant 336 : index
    %get3A_899 = tpu.vector_load %arg6[%get3A_898] {strides = array<i32>} : memref<512xi32, #tpu.memory_space<vmem>>, vector<16xi32>,
    %get3A_900 = vector.shape_cast %get3A_899 : vector<16xi32> to vector<16xi32>
    %get3A_901 = arith.constant 336 : index
    %get3A_902 = tpu.vector_load %arg7[%get3A_901] {strides = array<i32>} : memref<512xi32, #tpu.memory_space<vmem>>, vector<16xi32>,
    %get3A_903 = vector.shape_cast %get3A_902 : vector<16xi32> to vector<16xi32>
    %mul3A_904 = arith.constant 31 : i32
    %mul3A_905 = vector.broadcast %mul3A_904 : i32 to vector<16xi32>
    %mul3A_906 = arith.muli %get3A_900, %mul3A_905 : vector<16xi32>
    %add3A_907 = arith.addi %mul3A_906, %get3A_903 : vector<16xi32>
    %jit3A_908 = arith.constant 100000 : i32
    %eq3A_909 = arith.constant 0 : i32
    %eq3A_910 = arith.cmpi eq, %jit3A_908, %eq3A_909 : i32
    %jit3A_911 = arith.constant 1 : i32
    %select_n3A_912 = arith.select %eq3A_910, %jit3A_911, %jit3A_908 : i32
    %rem3A_913 = vector.broadcast %select_n3A_912 : i32 to vector<16xi32>
    %rem3A_914 = arith.remsi %add3A_907, %rem3A_913 : vector<16xi32>
    %ne3A_915 = arith.constant 0 : i32
    %ne3A_916 = vector.broadcast %ne3A_915 : i32 to vector<16xi32>
    %ne3A_917 = arith.cmpi ne, %rem3A_914, %ne3A_916 : vector<16xi32>
    %lt3A_918 = arith.constant 0 : i32
    %lt3A_919 = vector.broadcast %lt3A_918 : i32 to vector<16xi32>
    %lt3A_920 = arith.cmpi slt, %rem3A_914, %lt3A_919 : vector<16xi32>
    %lt3A_921 = arith.constant 0 : i32
    %lt3A_922 = arith.cmpi slt, %select_n3A_912, %lt3A_921 : i32
    %ne3A_923 = vector.broadcast %lt3A_922 : i1 to vector<16xi1>
    %ne3A_924 = vector.broadcast %ne3A_923 : vector<16xi1> to vector<16xi1>
    %ne3A_925 = arith.xori %lt3A_920, %ne3A_924 : vector<16xi1>
    %and3A_926 = arith.andi %ne3A_925, %ne3A_917 : vector<16xi1>
    %add3A_927 = vector.broadcast %select_n3A_912 : i32 to vector<16xi32>
    %add3A_928 = arith.addi %rem3A_914, %add3A_927 : vector<16xi32>
    %select_n3A_929 = arith.select %and3A_926, %add3A_928, %rem3A_914 : vector<16xi1>, vector<16xi32>
    %swap3A_930 = arith.constant 10 : i32
    %swap3A_931 = arith.index_cast %swap3A_930 : i32 to index
    %swap3A_932 = arith.constant 16 : index
    %swap3A_933 = tpu.vector_load %arg8[%swap3A_931, %swap3A_932] {strides = array<i32>} : memref<16x32xi32, #tpu.memory_space<vmem>>, vector<1x16xi32>,
    %swap3A_934 = vector.shape_cast %swap3A_933 : vector<1x16xi32> to vector<16xi32>
    %swap3A_935 = vector.shape_cast %select_n3A_929 : vector<16xi32> to vector<1x16xi32>
    tpu.vector_store %arg8[%swap3A_931, %swap3A_932], %swap3A_935 {strides = array<i32>} : memref<16x32xi32, #tpu.memory_space<vmem>>, vector<1x16xi32>,
    %dma_start3A_936 = arith.constant 10 : i32
    %dma_start3A_937 = arith.constant 320 : i32
    %dma_start3A_938 = arith.constant 0 : i32
    %dma_start3A_939 = tpu.memref_slice %arg9[%dma_start3A_937, %dma_start3A_938] : memref<512x128xf32, #tpu.memory_space<vmem>> -> memref<32x128xf32, #tpu.memory_space<vmem>>
    %dma_start3A_940 = arith.constant 0 : i32
    %dma_start3A_941 = tpu.memref_slice %arg8[%dma_start3A_936, %dma_start3A_940] : memref<16x32xi32, #tpu.memory_space<vmem>> -> memref<1x32xi32, #tpu.memory_space<vmem>>
    %dma_start3A_942 = tpu.memref_squeeze %dma_start3A_941 : memref<1x32xi32, #tpu.memory_space<vmem>> -> memref<32xi32, #tpu.memory_space<vmem>>
    %dma_start3A_943 = arith.constant 0 : i32
    %dma_start3A_944 = arith.constant 0 : i32
    %dma_start3A_945 = tpu.memref_slice %arg4[%dma_start3A_943, %dma_start3A_944] : memref<100000x128xf32, #tpu.memory_space<hbm>> -> memref<100000x128xf32, #tpu.memory_space<hbm>>
    tpu.enqueue_indirect_dma source(%dma_start3A_945 : memref<100000x128xf32, #tpu.memory_space<hbm>>) target(%dma_start3A_939 : memref<32x128xf32, #tpu.memory_space<vmem>>) offsets(%dma_start3A_942 : memref<32xi32, #tpu.memory_space<vmem>>) semaphore(%arg10 : memref<!tpu.dma_semaphore, #tpu.memory_space<semaphore_mem>>)
    %get3A_946 = arith.constant 352 : index
    %get3A_947 = tpu.vector_load %arg6[%get3A_946] {strides = array<i32>} : memref<512xi32, #tpu.memory_space<vmem>>, vector<16xi32>,
    %get3A_948 = vector.shape_cast %get3A_947 : vector<16xi32> to vector<16xi32>
    %get3A_949 = arith.constant 352 : index
    %get3A_950 = tpu.vector_load %arg7[%get3A_949] {strides = array<i32>} : memref<512xi32, #tpu.memory_space<vmem>>, vector<16xi32>,
    %get3A_951 = vector.shape_cast %get3A_950 : vector<16xi32> to vector<16xi32>
    %mul3A_952 = arith.constant 31 : i32
    %mul3A_953 = vector.broadcast %mul3A_952 : i32 to vector<16xi32>
    %mul3A_954 = arith.muli %get3A_948, %mul3A_953 : vector<16xi32>
    %add3A_955 = arith.addi %mul3A_954, %get3A_951 : vector<16xi32>
    %jit3A_956 = arith.constant 100000 : i32
    %eq3A_957 = arith.constant 0 : i32
    %eq3A_958 = arith.cmpi eq, %jit3A_956, %eq3A_957 : i32
    %jit3A_959 = arith.constant 1 : i32
    %select_n3A_960 = arith.select %eq3A_958, %jit3A_959, %jit3A_956 : i32
    %rem3A_961 = vector.broadcast %select_n3A_960 : i32 to vector<16xi32>
    %rem3A_962 = arith.remsi %add3A_955, %rem3A_961 : vector<16xi32>
    %ne3A_963 = arith.constant 0 : i32
    %ne3A_964 = vector.broadcast %ne3A_963 : i32 to vector<16xi32>
    %ne3A_965 = arith.cmpi ne, %rem3A_962, %ne3A_964 : vector<16xi32>
    %lt3A_966 = arith.constant 0 : i32
    %lt3A_967 = vector.broadcast %lt3A_966 : i32 to vector<16xi32>
    %lt3A_968 = arith.cmpi slt, %rem3A_962, %lt3A_967 : vector<16xi32>
    %lt3A_969 = arith.constant 0 : i32
    %lt3A_970 = arith.cmpi slt, %select_n3A_960, %lt3A_969 : i32
    %ne3A_971 = vector.broadcast %lt3A_970 : i1 to vector<16xi1>
    %ne3A_972 = vector.broadcast %ne3A_971 : vector<16xi1> to vector<16xi1>
    %ne3A_973 = arith.xori %lt3A_968, %ne3A_972 : vector<16xi1>
    %and3A_974 = arith.andi %ne3A_973, %ne3A_965 : vector<16xi1>
    %add3A_975 = vector.broadcast %select_n3A_960 : i32 to vector<16xi32>
    %add3A_976 = arith.addi %rem3A_962, %add3A_975 : vector<16xi32>
    %select_n3A_977 = arith.select %and3A_974, %add3A_976, %rem3A_962 : vector<16xi1>, vector<16xi32>
    %swap3A_978 = arith.constant 11 : i32
    %swap3A_979 = arith.index_cast %swap3A_978 : i32 to index
    %swap3A_980 = arith.constant 0 : index
    %swap3A_981 = tpu.vector_load %arg8[%swap3A_979, %swap3A_980] {strides = array<i32>} : memref<16x32xi32, #tpu.memory_space<vmem>>, vector<1x16xi32>,
    %swap3A_982 = vector.shape_cast %swap3A_981 : vector<1x16xi32> to vector<16xi32>
    %swap3A_983 = vector.shape_cast %select_n3A_977 : vector<16xi32> to vector<1x16xi32>
    tpu.vector_store %arg8[%swap3A_979, %swap3A_980], %swap3A_983 {strides = array<i32>} : memref<16x32xi32, #tpu.memory_space<vmem>>, vector<1x16xi32>,
    %get3A_984 = arith.constant 368 : index
    %get3A_985 = tpu.vector_load %arg6[%get3A_984] {strides = array<i32>} : memref<512xi32, #tpu.memory_space<vmem>>, vector<16xi32>,
    %get3A_986 = vector.shape_cast %get3A_985 : vector<16xi32> to vector<16xi32>
    %get3A_987 = arith.constant 368 : index
    %get3A_988 = tpu.vector_load %arg7[%get3A_987] {strides = array<i32>} : memref<512xi32, #tpu.memory_space<vmem>>, vector<16xi32>,
    %get3A_989 = vector.shape_cast %get3A_988 : vector<16xi32> to vector<16xi32>
    %mul3A_990 = arith.constant 31 : i32
    %mul3A_991 = vector.broadcast %mul3A_990 : i32 to vector<16xi32>
    %mul3A_992 = arith.muli %get3A_986, %mul3A_991 : vector<16xi32>
    %add3A_993 = arith.addi %mul3A_992, %get3A_989 : vector<16xi32>
    %jit3A_994 = arith.constant 100000 : i32
    %eq3A_995 = arith.constant 0 : i32
    %eq3A_996 = arith.cmpi eq, %jit3A_994, %eq3A_995 : i32
    %jit3A_997 = arith.constant 1 : i32
    %select_n3A_998 = arith.select %eq3A_996, %jit3A_997, %jit3A_994 : i32
    %rem3A_999 = vector.broadcast %select_n3A_998 : i32 to vector<16xi32>
    %rem3A_1000 = arith.remsi %add3A_993, %rem3A_999 : vector<16xi32>
    %ne3A_1001 = arith.constant 0 : i32
    %ne3A_1002 = vector.broadcast %ne3A_1001 : i32 to vector<16xi32>
    %ne3A_1003 = arith.cmpi ne, %rem3A_1000, %ne3A_1002 : vector<16xi32>
    %lt3A_1004 = arith.constant 0 : i32
    %lt3A_1005 = vector.broadcast %lt3A_1004 : i32 to vector<16xi32>
    %lt3A_1006 = arith.cmpi slt, %rem3A_1000, %lt3A_1005 : vector<16xi32>
    %lt3A_1007 = arith.constant 0 : i32
    %lt3A_1008 = arith.cmpi slt, %select_n3A_998, %lt3A_1007 : i32
    %ne3A_1009 = vector.broadcast %lt3A_1008 : i1 to vector<16xi1>
    %ne3A_1010 = vector.broadcast %ne3A_1009 : vector<16xi1> to vector<16xi1>
    %ne3A_1011 = arith.xori %lt3A_1006, %ne3A_1010 : vector<16xi1>
    %and3A_1012 = arith.andi %ne3A_1011, %ne3A_1003 : vector<16xi1>
    %add3A_1013 = vector.broadcast %select_n3A_998 : i32 to vector<16xi32>
    %add3A_1014 = arith.addi %rem3A_1000, %add3A_1013 : vector<16xi32>
    %select_n3A_1015 = arith.select %and3A_1012, %add3A_1014, %rem3A_1000 : vector<16xi1>, vector<16xi32>
    %swap3A_1016 = arith.constant 11 : i32
    %swap3A_1017 = arith.index_cast %swap3A_1016 : i32 to index
    %swap3A_1018 = arith.constant 16 : index
    %swap3A_1019 = tpu.vector_load %arg8[%swap3A_1017, %swap3A_1018] {strides = array<i32>} : memref<16x32xi32, #tpu.memory_space<vmem>>, vector<1x16xi32>,
    %swap3A_1020 = vector.shape_cast %swap3A_1019 : vector<1x16xi32> to vector<16xi32>
    %swap3A_1021 = vector.shape_cast %select_n3A_1015 : vector<16xi32> to vector<1x16xi32>
    tpu.vector_store %arg8[%swap3A_1017, %swap3A_1018], %swap3A_1021 {strides = array<i32>} : memref<16x32xi32, #tpu.memory_space<vmem>>, vector<1x16xi32>,
    %dma_start3A_1022 = arith.constant 11 : i32
    %dma_start3A_1023 = arith.constant 352 : i32
    %dma_start3A_1024 = arith.constant 0 : i32
    %dma_start3A_1025 = tpu.memref_slice %arg9[%dma_start3A_1023, %dma_start3A_1024] : memref<512x128xf32, #tpu.memory_space<vmem>> -> memref<32x128xf32, #tpu.memory_space<vmem>>
    %dma_start3A_1026 = arith.constant 0 : i32
    %dma_start3A_1027 = tpu.memref_slice %arg8[%dma_start3A_1022, %dma_start3A_1026] : memref<16x32xi32, #tpu.memory_space<vmem>> -> memref<1x32xi32, #tpu.memory_space<vmem>>
    %dma_start3A_1028 = tpu.memref_squeeze %dma_start3A_1027 : memref<1x32xi32, #tpu.memory_space<vmem>> -> memref<32xi32, #tpu.memory_space<vmem>>
    %dma_start3A_1029 = arith.constant 0 : i32
    %dma_start3A_1030 = arith.constant 0 : i32
    %dma_start3A_1031 = tpu.memref_slice %arg4[%dma_start3A_1029, %dma_start3A_1030] : memref<100000x128xf32, #tpu.memory_space<hbm>> -> memref<100000x128xf32, #tpu.memory_space<hbm>>
    tpu.enqueue_indirect_dma source(%dma_start3A_1031 : memref<100000x128xf32, #tpu.memory_space<hbm>>) target(%dma_start3A_1025 : memref<32x128xf32, #tpu.memory_space<vmem>>) offsets(%dma_start3A_1028 : memref<32xi32, #tpu.memory_space<vmem>>) semaphore(%arg10 : memref<!tpu.dma_semaphore, #tpu.memory_space<semaphore_mem>>)
    %get3A_1032 = arith.constant 384 : index
    %get3A_1033 = tpu.vector_load %arg6[%get3A_1032] {strides = array<i32>} : memref<512xi32, #tpu.memory_space<vmem>>, vector<16xi32>,
    %get3A_1034 = vector.shape_cast %get3A_1033 : vector<16xi32> to vector<16xi32>
    %get3A_1035 = arith.constant 384 : index
    %get3A_1036 = tpu.vector_load %arg7[%get3A_1035] {strides = array<i32>} : memref<512xi32, #tpu.memory_space<vmem>>, vector<16xi32>,
    %get3A_1037 = vector.shape_cast %get3A_1036 : vector<16xi32> to vector<16xi32>
    %mul3A_1038 = arith.constant 31 : i32
    %mul3A_1039 = vector.broadcast %mul3A_1038 : i32 to vector<16xi32>
    %mul3A_1040 = arith.muli %get3A_1034, %mul3A_1039 : vector<16xi32>
    %add3A_1041 = arith.addi %mul3A_1040, %get3A_1037 : vector<16xi32>
    %jit3A_1042 = arith.constant 100000 : i32
    %eq3A_1043 = arith.constant 0 : i32
    %eq3A_1044 = arith.cmpi eq, %jit3A_1042, %eq3A_1043 : i32
    %jit3A_1045 = arith.constant 1 : i32
    %select_n3A_1046 = arith.select %eq3A_1044, %jit3A_1045, %jit3A_1042 : i32
    %rem3A_1047 = vector.broadcast %select_n3A_1046 : i32 to vector<16xi32>
    %rem3A_1048 = arith.remsi %add3A_1041, %rem3A_1047 : vector<16xi32>
    %ne3A_1049 = arith.constant 0 : i32
    %ne3A_1050 = vector.broadcast %ne3A_1049 : i32 to vector<16xi32>
    %ne3A_1051 = arith.cmpi ne, %rem3A_1048, %ne3A_1050 : vector<16xi32>
    %lt3A_1052 = arith.constant 0 : i32
    %lt3A_1053 = vector.broadcast %lt3A_1052 : i32 to vector<16xi32>
    %lt3A_1054 = arith.cmpi slt, %rem3A_1048, %lt3A_1053 : vector<16xi32>
    %lt3A_1055 = arith.constant 0 : i32
    %lt3A_1056 = arith.cmpi slt, %select_n3A_1046, %lt3A_1055 : i32
    %ne3A_1057 = vector.broadcast %lt3A_1056 : i1 to vector<16xi1>
    %ne3A_1058 = vector.broadcast %ne3A_1057 : vector<16xi1> to vector<16xi1>
    %ne3A_1059 = arith.xori %lt3A_1054, %ne3A_1058 : vector<16xi1>
    %and3A_1060 = arith.andi %ne3A_1059, %ne3A_1051 : vector<16xi1>
    %add3A_1061 = vector.broadcast %select_n3A_1046 : i32 to vector<16xi32>
    %add3A_1062 = arith.addi %rem3A_1048, %add3A_1061 : vector<16xi32>
    %select_n3A_1063 = arith.select %and3A_1060, %add3A_1062, %rem3A_1048 : vector<16xi1>, vector<16xi32>
    %swap3A_1064 = arith.constant 12 : i32
    %swap3A_1065 = arith.index_cast %swap3A_1064 : i32 to index
    %swap3A_1066 = arith.constant 0 : index
    %swap3A_1067 = tpu.vector_load %arg8[%swap3A_1065, %swap3A_1066] {strides = array<i32>} : memref<16x32xi32, #tpu.memory_space<vmem>>, vector<1x16xi32>,
    %swap3A_1068 = vector.shape_cast %swap3A_1067 : vector<1x16xi32> to vector<16xi32>
    %swap3A_1069 = vector.shape_cast %select_n3A_1063 : vector<16xi32> to vector<1x16xi32>
    tpu.vector_store %arg8[%swap3A_1065, %swap3A_1066], %swap3A_1069 {strides = array<i32>} : memref<16x32xi32, #tpu.memory_space<vmem>>, vector<1x16xi32>,
    %get3A_1070 = arith.constant 400 : index
    %get3A_1071 = tpu.vector_load %arg6[%get3A_1070] {strides = array<i32>} : memref<512xi32, #tpu.memory_space<vmem>>, vector<16xi32>,
    %get3A_1072 = vector.shape_cast %get3A_1071 : vector<16xi32> to vector<16xi32>
    %get3A_1073 = arith.constant 400 : index
    %get3A_1074 = tpu.vector_load %arg7[%get3A_1073] {strides = array<i32>} : memref<512xi32, #tpu.memory_space<vmem>>, vector<16xi32>,
    %get3A_1075 = vector.shape_cast %get3A_1074 : vector<16xi32> to vector<16xi32>
    %mul3A_1076 = arith.constant 31 : i32
    %mul3A_1077 = vector.broadcast %mul3A_1076 : i32 to vector<16xi32>
    %mul3A_1078 = arith.muli %get3A_1072, %mul3A_1077 : vector<16xi32>
    %add3A_1079 = arith.addi %mul3A_1078, %get3A_1075 : vector<16xi32>
    %jit3A_1080 = arith.constant 100000 : i32
    %eq3A_1081 = arith.constant 0 : i32
    %eq3A_1082 = arith.cmpi eq, %jit3A_1080, %eq3A_1081 : i32
    %jit3A_1083 = arith.constant 1 : i32
    %select_n3A_1084 = arith.select %eq3A_1082, %jit3A_1083, %jit3A_1080 : i32
    %rem3A_1085 = vector.broadcast %select_n3A_1084 : i32 to vector<16xi32>
    %rem3A_1086 = arith.remsi %add3A_1079, %rem3A_1085 : vector<16xi32>
    %ne3A_1087 = arith.constant 0 : i32
    %ne3A_1088 = vector.broadcast %ne3A_1087 : i32 to vector<16xi32>
    %ne3A_1089 = arith.cmpi ne, %rem3A_1086, %ne3A_1088 : vector<16xi32>
    %lt3A_1090 = arith.constant 0 : i32
    %lt3A_1091 = vector.broadcast %lt3A_1090 : i32 to vector<16xi32>
    %lt3A_1092 = arith.cmpi slt, %rem3A_1086, %lt3A_1091 : vector<16xi32>
    %lt3A_1093 = arith.constant 0 : i32
    %lt3A_1094 = arith.cmpi slt, %select_n3A_1084, %lt3A_1093 : i32
    %ne3A_1095 = vector.broadcast %lt3A_1094 : i1 to vector<16xi1>
    %ne3A_1096 = vector.broadcast %ne3A_1095 : vector<16xi1> to vector<16xi1>
    %ne3A_1097 = arith.xori %lt3A_1092, %ne3A_1096 : vector<16xi1>
    %and3A_1098 = arith.andi %ne3A_1097, %ne3A_1089 : vector<16xi1>
    %add3A_1099 = vector.broadcast %select_n3A_1084 : i32 to vector<16xi32>
    %add3A_1100 = arith.addi %rem3A_1086, %add3A_1099 : vector<16xi32>
    %select_n3A_1101 = arith.select %and3A_1098, %add3A_1100, %rem3A_1086 : vector<16xi1>, vector<16xi32>
    %swap3A_1102 = arith.constant 12 : i32
    %swap3A_1103 = arith.index_cast %swap3A_1102 : i32 to index
    %swap3A_1104 = arith.constant 16 : index
    %swap3A_1105 = tpu.vector_load %arg8[%swap3A_1103, %swap3A_1104] {strides = array<i32>} : memref<16x32xi32, #tpu.memory_space<vmem>>, vector<1x16xi32>,
    %swap3A_1106 = vector.shape_cast %swap3A_1105 : vector<1x16xi32> to vector<16xi32>
    %swap3A_1107 = vector.shape_cast %select_n3A_1101 : vector<16xi32> to vector<1x16xi32>
    tpu.vector_store %arg8[%swap3A_1103, %swap3A_1104], %swap3A_1107 {strides = array<i32>} : memref<16x32xi32, #tpu.memory_space<vmem>>, vector<1x16xi32>,
    %dma_start3A_1108 = arith.constant 12 : i32
    %dma_start3A_1109 = arith.constant 384 : i32
    %dma_start3A_1110 = arith.constant 0 : i32
    %dma_start3A_1111 = tpu.memref_slice %arg9[%dma_start3A_1109, %dma_start3A_1110] : memref<512x128xf32, #tpu.memory_space<vmem>> -> memref<32x128xf32, #tpu.memory_space<vmem>>
    %dma_start3A_1112 = arith.constant 0 : i32
    %dma_start3A_1113 = tpu.memref_slice %arg8[%dma_start3A_1108, %dma_start3A_1112] : memref<16x32xi32, #tpu.memory_space<vmem>> -> memref<1x32xi32, #tpu.memory_space<vmem>>
    %dma_start3A_1114 = tpu.memref_squeeze %dma_start3A_1113 : memref<1x32xi32, #tpu.memory_space<vmem>> -> memref<32xi32, #tpu.memory_space<vmem>>
    %dma_start3A_1115 = arith.constant 0 : i32
    %dma_start3A_1116 = arith.constant 0 : i32
    %dma_start3A_1117 = tpu.memref_slice %arg4[%dma_start3A_1115, %dma_start3A_1116] : memref<100000x128xf32, #tpu.memory_space<hbm>> -> memref<100000x128xf32, #tpu.memory_space<hbm>>
    tpu.enqueue_indirect_dma source(%dma_start3A_1117 : memref<100000x128xf32, #tpu.memory_space<hbm>>) target(%dma_start3A_1111 : memref<32x128xf32, #tpu.memory_space<vmem>>) offsets(%dma_start3A_1114 : memref<32xi32, #tpu.memory_space<vmem>>) semaphore(%arg10 : memref<!tpu.dma_semaphore, #tpu.memory_space<semaphore_mem>>)
    %get3A_1118 = arith.constant 416 : index
    %get3A_1119 = tpu.vector_load %arg6[%get3A_1118] {strides = array<i32>} : memref<512xi32, #tpu.memory_space<vmem>>, vector<16xi32>,
    %get3A_1120 = vector.shape_cast %get3A_1119 : vector<16xi32> to vector<16xi32>
    %get3A_1121 = arith.constant 416 : index
    %get3A_1122 = tpu.vector_load %arg7[%get3A_1121] {strides = array<i32>} : memref<512xi32, #tpu.memory_space<vmem>>, vector<16xi32>,
    %get3A_1123 = vector.shape_cast %get3A_1122 : vector<16xi32> to vector<16xi32>
    %mul3A_1124 = arith.constant 31 : i32
    %mul3A_1125 = vector.broadcast %mul3A_1124 : i32 to vector<16xi32>
    %mul3A_1126 = arith.muli %get3A_1120, %mul3A_1125 : vector<16xi32>
    %add3A_1127 = arith.addi %mul3A_1126, %get3A_1123 : vector<16xi32>
    %jit3A_1128 = arith.constant 100000 : i32
    %eq3A_1129 = arith.constant 0 : i32
    %eq3A_1130 = arith.cmpi eq, %jit3A_1128, %eq3A_1129 : i32
    %jit3A_1131 = arith.constant 1 : i32
    %select_n3A_1132 = arith.select %eq3A_1130, %jit3A_1131, %jit3A_1128 : i32
    %rem3A_1133 = vector.broadcast %select_n3A_1132 : i32 to vector<16xi32>
    %rem3A_1134 = arith.remsi %add3A_1127, %rem3A_1133 : vector<16xi32>
    %ne3A_1135 = arith.constant 0 : i32
    %ne3A_1136 = vector.broadcast %ne3A_1135 : i32 to vector<16xi32>
    %ne3A_1137 = arith.cmpi ne, %rem3A_1134, %ne3A_1136 : vector<16xi32>
    %lt3A_1138 = arith.constant 0 : i32
    %lt3A_1139 = vector.broadcast %lt3A_1138 : i32 to vector<16xi32>
    %lt3A_1140 = arith.cmpi slt, %rem3A_1134, %lt3A_1139 : vector<16xi32>
    %lt3A_1141 = arith.constant 0 : i32
    %lt3A_1142 = arith.cmpi slt, %select_n3A_1132, %lt3A_1141 : i32
    %ne3A_1143 = vector.broadcast %lt3A_1142 : i1 to vector<16xi1>
    %ne3A_1144 = vector.broadcast %ne3A_1143 : vector<16xi1> to vector<16xi1>
    %ne3A_1145 = arith.xori %lt3A_1140, %ne3A_1144 : vector<16xi1>
    %and3A_1146 = arith.andi %ne3A_1145, %ne3A_1137 : vector<16xi1>
    %add3A_1147 = vector.broadcast %select_n3A_1132 : i32 to vector<16xi32>
    %add3A_1148 = arith.addi %rem3A_1134, %add3A_1147 : vector<16xi32>
    %select_n3A_1149 = arith.select %and3A_1146, %add3A_1148, %rem3A_1134 : vector<16xi1>, vector<16xi32>
    %swap3A_1150 = arith.constant 13 : i32
    %swap3A_1151 = arith.index_cast %swap3A_1150 : i32 to index
    %swap3A_1152 = arith.constant 0 : index
    %swap3A_1153 = tpu.vector_load %arg8[%swap3A_1151, %swap3A_1152] {strides = array<i32>} : memref<16x32xi32, #tpu.memory_space<vmem>>, vector<1x16xi32>,
    %swap3A_1154 = vector.shape_cast %swap3A_1153 : vector<1x16xi32> to vector<16xi32>
    %swap3A_1155 = vector.shape_cast %select_n3A_1149 : vector<16xi32> to vector<1x16xi32>
    tpu.vector_store %arg8[%swap3A_1151, %swap3A_1152], %swap3A_1155 {strides = array<i32>} : memref<16x32xi32, #tpu.memory_space<vmem>>, vector<1x16xi32>,
    %get3A_1156 = arith.constant 432 : index
    %get3A_1157 = tpu.vector_load %arg6[%get3A_1156] {strides = array<i32>} : memref<512xi32, #tpu.memory_space<vmem>>, vector<16xi32>,
    %get3A_1158 = vector.shape_cast %get3A_1157 : vector<16xi32> to vector<16xi32>
    %get3A_1159 = arith.constant 432 : index
    %get3A_1160 = tpu.vector_load %arg7[%get3A_1159] {strides = array<i32>} : memref<512xi32, #tpu.memory_space<vmem>>, vector<16xi32>,
    %get3A_1161 = vector.shape_cast %get3A_1160 : vector<16xi32> to vector<16xi32>
    %mul3A_1162 = arith.constant 31 : i32
    %mul3A_1163 = vector.broadcast %mul3A_1162 : i32 to vector<16xi32>
    %mul3A_1164 = arith.muli %get3A_1158, %mul3A_1163 : vector<16xi32>
    %add3A_1165 = arith.addi %mul3A_1164, %get3A_1161 : vector<16xi32>
    %jit3A_1166 = arith.constant 100000 : i32
    %eq3A_1167 = arith.constant 0 : i32
    %eq3A_1168 = arith.cmpi eq, %jit3A_1166, %eq3A_1167 : i32
    %jit3A_1169 = arith.constant 1 : i32
    %select_n3A_1170 = arith.select %eq3A_1168, %jit3A_1169, %jit3A_1166 : i32
    %rem3A_1171 = vector.broadcast %select_n3A_1170 : i32 to vector<16xi32>
    %rem3A_1172 = arith.remsi %add3A_1165, %rem3A_1171 : vector<16xi32>
    %ne3A_1173 = arith.constant 0 : i32
    %ne3A_1174 = vector.broadcast %ne3A_1173 : i32 to vector<16xi32>
    %ne3A_1175 = arith.cmpi ne, %rem3A_1172, %ne3A_1174 : vector<16xi32>
    %lt3A_1176 = arith.constant 0 : i32
    %lt3A_1177 = vector.broadcast %lt3A_1176 : i32 to vector<16xi32>
    %lt3A_1178 = arith.cmpi slt, %rem3A_1172, %lt3A_1177 : vector<16xi32>
    %lt3A_1179 = arith.constant 0 : i32
    %lt3A_1180 = arith.cmpi slt, %select_n3A_1170, %lt3A_1179 : i32
    %ne3A_1181 = vector.broadcast %lt3A_1180 : i1 to vector<16xi1>
    %ne3A_1182 = vector.broadcast %ne3A_1181 : vector<16xi1> to vector<16xi1>
    %ne3A_1183 = arith.xori %lt3A_1178, %ne3A_1182 : vector<16xi1>
    %and3A_1184 = arith.andi %ne3A_1183, %ne3A_1175 : vector<16xi1>
    %add3A_1185 = vector.broadcast %select_n3A_1170 : i32 to vector<16xi32>
    %add3A_1186 = arith.addi %rem3A_1172, %add3A_1185 : vector<16xi32>
    %select_n3A_1187 = arith.select %and3A_1184, %add3A_1186, %rem3A_1172 : vector<16xi1>, vector<16xi32>
    %swap3A_1188 = arith.constant 13 : i32
    %swap3A_1189 = arith.index_cast %swap3A_1188 : i32 to index
    %swap3A_1190 = arith.constant 16 : index
    %swap3A_1191 = tpu.vector_load %arg8[%swap3A_1189, %swap3A_1190] {strides = array<i32>} : memref<16x32xi32, #tpu.memory_space<vmem>>, vector<1x16xi32>,
    %swap3A_1192 = vector.shape_cast %swap3A_1191 : vector<1x16xi32> to vector<16xi32>
    %swap3A_1193 = vector.shape_cast %select_n3A_1187 : vector<16xi32> to vector<1x16xi32>
    tpu.vector_store %arg8[%swap3A_1189, %swap3A_1190], %swap3A_1193 {strides = array<i32>} : memref<16x32xi32, #tpu.memory_space<vmem>>, vector<1x16xi32>,
    %dma_start3A_1194 = arith.constant 13 : i32
    %dma_start3A_1195 = arith.constant 416 : i32
    %dma_start3A_1196 = arith.constant 0 : i32
    %dma_start3A_1197 = tpu.memref_slice %arg9[%dma_start3A_1195, %dma_start3A_1196] : memref<512x128xf32, #tpu.memory_space<vmem>> -> memref<32x128xf32, #tpu.memory_space<vmem>>
    %dma_start3A_1198 = arith.constant 0 : i32
    %dma_start3A_1199 = tpu.memref_slice %arg8[%dma_start3A_1194, %dma_start3A_1198] : memref<16x32xi32, #tpu.memory_space<vmem>> -> memref<1x32xi32, #tpu.memory_space<vmem>>
    %dma_start3A_1200 = tpu.memref_squeeze %dma_start3A_1199 : memref<1x32xi32, #tpu.memory_space<vmem>> -> memref<32xi32, #tpu.memory_space<vmem>>
    %dma_start3A_1201 = arith.constant 0 : i32
    %dma_start3A_1202 = arith.constant 0 : i32
    %dma_start3A_1203 = tpu.memref_slice %arg4[%dma_start3A_1201, %dma_start3A_1202] : memref<100000x128xf32, #tpu.memory_space<hbm>> -> memref<100000x128xf32, #tpu.memory_space<hbm>>
    tpu.enqueue_indirect_dma source(%dma_start3A_1203 : memref<100000x128xf32, #tpu.memory_space<hbm>>) target(%dma_start3A_1197 : memref<32x128xf32, #tpu.memory_space<vmem>>) offsets(%dma_start3A_1200 : memref<32xi32, #tpu.memory_space<vmem>>) semaphore(%arg10 : memref<!tpu.dma_semaphore, #tpu.memory_space<semaphore_mem>>)
    %get3A_1204 = arith.constant 448 : index
    %get3A_1205 = tpu.vector_load %arg6[%get3A_1204] {strides = array<i32>} : memref<512xi32, #tpu.memory_space<vmem>>, vector<16xi32>,
    %get3A_1206 = vector.shape_cast %get3A_1205 : vector<16xi32> to vector<16xi32>
    %get3A_1207 = arith.constant 448 : index
    %get3A_1208 = tpu.vector_load %arg7[%get3A_1207] {strides = array<i32>} : memref<512xi32, #tpu.memory_space<vmem>>, vector<16xi32>,
    %get3A_1209 = vector.shape_cast %get3A_1208 : vector<16xi32> to vector<16xi32>
    %mul3A_1210 = arith.constant 31 : i32
    %mul3A_1211 = vector.broadcast %mul3A_1210 : i32 to vector<16xi32>
    %mul3A_1212 = arith.muli %get3A_1206, %mul3A_1211 : vector<16xi32>
    %add3A_1213 = arith.addi %mul3A_1212, %get3A_1209 : vector<16xi32>
    %jit3A_1214 = arith.constant 100000 : i32
    %eq3A_1215 = arith.constant 0 : i32
    %eq3A_1216 = arith.cmpi eq, %jit3A_1214, %eq3A_1215 : i32
    %jit3A_1217 = arith.constant 1 : i32
    %select_n3A_1218 = arith.select %eq3A_1216, %jit3A_1217, %jit3A_1214 : i32
    %rem3A_1219 = vector.broadcast %select_n3A_1218 : i32 to vector<16xi32>
    %rem3A_1220 = arith.remsi %add3A_1213, %rem3A_1219 : vector<16xi32>
    %ne3A_1221 = arith.constant 0 : i32
    %ne3A_1222 = vector.broadcast %ne3A_1221 : i32 to vector<16xi32>
    %ne3A_1223 = arith.cmpi ne, %rem3A_1220, %ne3A_1222 : vector<16xi32>
    %lt3A_1224 = arith.constant 0 : i32
    %lt3A_1225 = vector.broadcast %lt3A_1224 : i32 to vector<16xi32>
    %lt3A_1226 = arith.cmpi slt, %rem3A_1220, %lt3A_1225 : vector<16xi32>
    %lt3A_1227 = arith.constant 0 : i32
    %lt3A_1228 = arith.cmpi slt, %select_n3A_1218, %lt3A_1227 : i32
    %ne3A_1229 = vector.broadcast %lt3A_1228 : i1 to vector<16xi1>
    %ne3A_1230 = vector.broadcast %ne3A_1229 : vector<16xi1> to vector<16xi1>
    %ne3A_1231 = arith.xori %lt3A_1226, %ne3A_1230 : vector<16xi1>
    %and3A_1232 = arith.andi %ne3A_1231, %ne3A_1223 : vector<16xi1>
    %add3A_1233 = vector.broadcast %select_n3A_1218 : i32 to vector<16xi32>
    %add3A_1234 = arith.addi %rem3A_1220, %add3A_1233 : vector<16xi32>
    %select_n3A_1235 = arith.select %and3A_1232, %add3A_1234, %rem3A_1220 : vector<16xi1>, vector<16xi32>
    %swap3A_1236 = arith.constant 14 : i32
    %swap3A_1237 = arith.index_cast %swap3A_1236 : i32 to index
    %swap3A_1238 = arith.constant 0 : index
    %swap3A_1239 = tpu.vector_load %arg8[%swap3A_1237, %swap3A_1238] {strides = array<i32>} : memref<16x32xi32, #tpu.memory_space<vmem>>, vector<1x16xi32>,
    %swap3A_1240 = vector.shape_cast %swap3A_1239 : vector<1x16xi32> to vector<16xi32>
    %swap3A_1241 = vector.shape_cast %select_n3A_1235 : vector<16xi32> to vector<1x16xi32>
    tpu.vector_store %arg8[%swap3A_1237, %swap3A_1238], %swap3A_1241 {strides = array<i32>} : memref<16x32xi32, #tpu.memory_space<vmem>>, vector<1x16xi32>,
    %get3A_1242 = arith.constant 464 : index
    %get3A_1243 = tpu.vector_load %arg6[%get3A_1242] {strides = array<i32>} : memref<512xi32, #tpu.memory_space<vmem>>, vector<16xi32>,
    %get3A_1244 = vector.shape_cast %get3A_1243 : vector<16xi32> to vector<16xi32>
    %get3A_1245 = arith.constant 464 : index
    %get3A_1246 = tpu.vector_load %arg7[%get3A_1245] {strides = array<i32>} : memref<512xi32, #tpu.memory_space<vmem>>, vector<16xi32>,
    %get3A_1247 = vector.shape_cast %get3A_1246 : vector<16xi32> to vector<16xi32>
    %mul3A_1248 = arith.constant 31 : i32
    %mul3A_1249 = vector.broadcast %mul3A_1248 : i32 to vector<16xi32>
    %mul3A_1250 = arith.muli %get3A_1244, %mul3A_1249 : vector<16xi32>
    %add3A_1251 = arith.addi %mul3A_1250, %get3A_1247 : vector<16xi32>
    %jit3A_1252 = arith.constant 100000 : i32
    %eq3A_1253 = arith.constant 0 : i32
    %eq3A_1254 = arith.cmpi eq, %jit3A_1252, %eq3A_1253 : i32
    %jit3A_1255 = arith.constant 1 : i32
    %select_n3A_1256 = arith.select %eq3A_1254, %jit3A_1255, %jit3A_1252 : i32
    %rem3A_1257 = vector.broadcast %select_n3A_1256 : i32 to vector<16xi32>
    %rem3A_1258 = arith.remsi %add3A_1251, %rem3A_1257 : vector<16xi32>
    %ne3A_1259 = arith.constant 0 : i32
    %ne3A_1260 = vector.broadcast %ne3A_1259 : i32 to vector<16xi32>
    %ne3A_1261 = arith.cmpi ne, %rem3A_1258, %ne3A_1260 : vector<16xi32>
    %lt3A_1262 = arith.constant 0 : i32
    %lt3A_1263 = vector.broadcast %lt3A_1262 : i32 to vector<16xi32>
    %lt3A_1264 = arith.cmpi slt, %rem3A_1258, %lt3A_1263 : vector<16xi32>
    %lt3A_1265 = arith.constant 0 : i32
    %lt3A_1266 = arith.cmpi slt, %select_n3A_1256, %lt3A_1265 : i32
    %ne3A_1267 = vector.broadcast %lt3A_1266 : i1 to vector<16xi1>
    %ne3A_1268 = vector.broadcast %ne3A_1267 : vector<16xi1> to vector<16xi1>
    %ne3A_1269 = arith.xori %lt3A_1264, %ne3A_1268 : vector<16xi1>
    %and3A_1270 = arith.andi %ne3A_1269, %ne3A_1261 : vector<16xi1>
    %add3A_1271 = vector.broadcast %select_n3A_1256 : i32 to vector<16xi32>
    %add3A_1272 = arith.addi %rem3A_1258, %add3A_1271 : vector<16xi32>
    %select_n3A_1273 = arith.select %and3A_1270, %add3A_1272, %rem3A_1258 : vector<16xi1>, vector<16xi32>
    %swap3A_1274 = arith.constant 14 : i32
    %swap3A_1275 = arith.index_cast %swap3A_1274 : i32 to index
    %swap3A_1276 = arith.constant 16 : index
    %swap3A_1277 = tpu.vector_load %arg8[%swap3A_1275, %swap3A_1276] {strides = array<i32>} : memref<16x32xi32, #tpu.memory_space<vmem>>, vector<1x16xi32>,
    %swap3A_1278 = vector.shape_cast %swap3A_1277 : vector<1x16xi32> to vector<16xi32>
    %swap3A_1279 = vector.shape_cast %select_n3A_1273 : vector<16xi32> to vector<1x16xi32>
    tpu.vector_store %arg8[%swap3A_1275, %swap3A_1276], %swap3A_1279 {strides = array<i32>} : memref<16x32xi32, #tpu.memory_space<vmem>>, vector<1x16xi32>,
    %dma_start3A_1280 = arith.constant 14 : i32
    %dma_start3A_1281 = arith.constant 448 : i32
    %dma_start3A_1282 = arith.constant 0 : i32
    %dma_start3A_1283 = tpu.memref_slice %arg9[%dma_start3A_1281, %dma_start3A_1282] : memref<512x128xf32, #tpu.memory_space<vmem>> -> memref<32x128xf32, #tpu.memory_space<vmem>>
    %dma_start3A_1284 = arith.constant 0 : i32
    %dma_start3A_1285 = tpu.memref_slice %arg8[%dma_start3A_1280, %dma_start3A_1284] : memref<16x32xi32, #tpu.memory_space<vmem>> -> memref<1x32xi32, #tpu.memory_space<vmem>>
    %dma_start3A_1286 = tpu.memref_squeeze %dma_start3A_1285 : memref<1x32xi32, #tpu.memory_space<vmem>> -> memref<32xi32, #tpu.memory_space<vmem>>
    %dma_start3A_1287 = arith.constant 0 : i32
    %dma_start3A_1288 = arith.constant 0 : i32
    %dma_start3A_1289 = tpu.memref_slice %arg4[%dma_start3A_1287, %dma_start3A_1288] : memref<100000x128xf32, #tpu.memory_space<hbm>> -> memref<100000x128xf32, #tpu.memory_space<hbm>>
    tpu.enqueue_indirect_dma source(%dma_start3A_1289 : memref<100000x128xf32, #tpu.memory_space<hbm>>) target(%dma_start3A_1283 : memref<32x128xf32, #tpu.memory_space<vmem>>) offsets(%dma_start3A_1286 : memref<32xi32, #tpu.memory_space<vmem>>) semaphore(%arg10 : memref<!tpu.dma_semaphore, #tpu.memory_space<semaphore_mem>>)
    %get3A_1290 = arith.constant 480 : index
    %get3A_1291 = tpu.vector_load %arg6[%get3A_1290] {strides = array<i32>} : memref<512xi32, #tpu.memory_space<vmem>>, vector<16xi32>,
    %get3A_1292 = vector.shape_cast %get3A_1291 : vector<16xi32> to vector<16xi32>
    %get3A_1293 = arith.constant 480 : index
    %get3A_1294 = tpu.vector_load %arg7[%get3A_1293] {strides = array<i32>} : memref<512xi32, #tpu.memory_space<vmem>>, vector<16xi32>,
    %get3A_1295 = vector.shape_cast %get3A_1294 : vector<16xi32> to vector<16xi32>
    %mul3A_1296 = arith.constant 31 : i32
    %mul3A_1297 = vector.broadcast %mul3A_1296 : i32 to vector<16xi32>
    %mul3A_1298 = arith.muli %get3A_1292, %mul3A_1297 : vector<16xi32>
    %add3A_1299 = arith.addi %mul3A_1298, %get3A_1295 : vector<16xi32>
    %jit3A_1300 = arith.constant 100000 : i32
    %eq3A_1301 = arith.constant 0 : i32
    %eq3A_1302 = arith.cmpi eq, %jit3A_1300, %eq3A_1301 : i32
    %jit3A_1303 = arith.constant 1 : i32
    %select_n3A_1304 = arith.select %eq3A_1302, %jit3A_1303, %jit3A_1300 : i32
    %rem3A_1305 = vector.broadcast %select_n3A_1304 : i32 to vector<16xi32>
    %rem3A_1306 = arith.remsi %add3A_1299, %rem3A_1305 : vector<16xi32>
    %ne3A_1307 = arith.constant 0 : i32
    %ne3A_1308 = vector.broadcast %ne3A_1307 : i32 to vector<16xi32>
    %ne3A_1309 = arith.cmpi ne, %rem3A_1306, %ne3A_1308 : vector<16xi32>
    %lt3A_1310 = arith.constant 0 : i32
    %lt3A_1311 = vector.broadcast %lt3A_1310 : i32 to vector<16xi32>
    %lt3A_1312 = arith.cmpi slt, %rem3A_1306, %lt3A_1311 : vector<16xi32>
    %lt3A_1313 = arith.constant 0 : i32
    %lt3A_1314 = arith.cmpi slt, %select_n3A_1304, %lt3A_1313 : i32
    %ne3A_1315 = vector.broadcast %lt3A_1314 : i1 to vector<16xi1>
    %ne3A_1316 = vector.broadcast %ne3A_1315 : vector<16xi1> to vector<16xi1>
    %ne3A_1317 = arith.xori %lt3A_1312, %ne3A_1316 : vector<16xi1>
    %and3A_1318 = arith.andi %ne3A_1317, %ne3A_1309 : vector<16xi1>
    %add3A_1319 = vector.broadcast %select_n3A_1304 : i32 to vector<16xi32>
    %add3A_1320 = arith.addi %rem3A_1306, %add3A_1319 : vector<16xi32>
    %select_n3A_1321 = arith.select %and3A_1318, %add3A_1320, %rem3A_1306 : vector<16xi1>, vector<16xi32>
    %swap3A_1322 = arith.constant 15 : i32
    %swap3A_1323 = arith.index_cast %swap3A_1322 : i32 to index
    %swap3A_1324 = arith.constant 0 : index
    %swap3A_1325 = tpu.vector_load %arg8[%swap3A_1323, %swap3A_1324] {strides = array<i32>} : memref<16x32xi32, #tpu.memory_space<vmem>>, vector<1x16xi32>,
    %swap3A_1326 = vector.shape_cast %swap3A_1325 : vector<1x16xi32> to vector<16xi32>
    %swap3A_1327 = vector.shape_cast %select_n3A_1321 : vector<16xi32> to vector<1x16xi32>
    tpu.vector_store %arg8[%swap3A_1323, %swap3A_1324], %swap3A_1327 {strides = array<i32>} : memref<16x32xi32, #tpu.memory_space<vmem>>, vector<1x16xi32>,
    %get3A_1328 = arith.constant 496 : index
    %get3A_1329 = tpu.vector_load %arg6[%get3A_1328] {strides = array<i32>} : memref<512xi32, #tpu.memory_space<vmem>>, vector<16xi32>,
    %get3A_1330 = vector.shape_cast %get3A_1329 : vector<16xi32> to vector<16xi32>
    %get3A_1331 = arith.constant 496 : index
    %get3A_1332 = tpu.vector_load %arg7[%get3A_1331] {strides = array<i32>} : memref<512xi32, #tpu.memory_space<vmem>>, vector<16xi32>,
    %get3A_1333 = vector.shape_cast %get3A_1332 : vector<16xi32> to vector<16xi32>
    %mul3A_1334 = arith.constant 31 : i32
    %mul3A_1335 = vector.broadcast %mul3A_1334 : i32 to vector<16xi32>
    %mul3A_1336 = arith.muli %get3A_1330, %mul3A_1335 : vector<16xi32>
    %add3A_1337 = arith.addi %mul3A_1336, %get3A_1333 : vector<16xi32>
    %jit3A_1338 = arith.constant 100000 : i32
    %eq3A_1339 = arith.constant 0 : i32
    %eq3A_1340 = arith.cmpi eq, %jit3A_1338, %eq3A_1339 : i32
    %jit3A_1341 = arith.constant 1 : i32
    %select_n3A_1342 = arith.select %eq3A_1340, %jit3A_1341, %jit3A_1338 : i32
    %rem3A_1343 = vector.broadcast %select_n3A_1342 : i32 to vector<16xi32>
    %rem3A_1344 = arith.remsi %add3A_1337, %rem3A_1343 : vector<16xi32>
    %ne3A_1345 = arith.constant 0 : i32
    %ne3A_1346 = vector.broadcast %ne3A_1345 : i32 to vector<16xi32>
    %ne3A_1347 = arith.cmpi ne, %rem3A_1344, %ne3A_1346 : vector<16xi32>
    %lt3A_1348 = arith.constant 0 : i32
    %lt3A_1349 = vector.broadcast %lt3A_1348 : i32 to vector<16xi32>
    %lt3A_1350 = arith.cmpi slt, %rem3A_1344, %lt3A_1349 : vector<16xi32>
    %lt3A_1351 = arith.constant 0 : i32
    %lt3A_1352 = arith.cmpi slt, %select_n3A_1342, %lt3A_1351 : i32
    %ne3A_1353 = vector.broadcast %lt3A_1352 : i1 to vector<16xi1>
    %ne3A_1354 = vector.broadcast %ne3A_1353 : vector<16xi1> to vector<16xi1>
    %ne3A_1355 = arith.xori %lt3A_1350, %ne3A_1354 : vector<16xi1>
    %and3A_1356 = arith.andi %ne3A_1355, %ne3A_1347 : vector<16xi1>
    %add3A_1357 = vector.broadcast %select_n3A_1342 : i32 to vector<16xi32>
    %add3A_1358 = arith.addi %rem3A_1344, %add3A_1357 : vector<16xi32>
    %select_n3A_1359 = arith.select %and3A_1356, %add3A_1358, %rem3A_1344 : vector<16xi1>, vector<16xi32>
    %swap3A_1360 = arith.constant 15 : i32
    %swap3A_1361 = arith.index_cast %swap3A_1360 : i32 to index
    %swap3A_1362 = arith.constant 16 : index
    %swap3A_1363 = tpu.vector_load %arg8[%swap3A_1361, %swap3A_1362] {strides = array<i32>} : memref<16x32xi32, #tpu.memory_space<vmem>>, vector<1x16xi32>,
    %swap3A_1364 = vector.shape_cast %swap3A_1363 : vector<1x16xi32> to vector<16xi32>
    %swap3A_1365 = vector.shape_cast %select_n3A_1359 : vector<16xi32> to vector<1x16xi32>
    tpu.vector_store %arg8[%swap3A_1361, %swap3A_1362], %swap3A_1365 {strides = array<i32>} : memref<16x32xi32, #tpu.memory_space<vmem>>, vector<1x16xi32>,
    %dma_start3A_1366 = arith.constant 15 : i32
    %dma_start3A_1367 = arith.constant 480 : i32
    %dma_start3A_1368 = arith.constant 0 : i32
    %dma_start3A_1369 = tpu.memref_slice %arg9[%dma_start3A_1367, %dma_start3A_1368] : memref<512x128xf32, #tpu.memory_space<vmem>> -> memref<32x128xf32, #tpu.memory_space<vmem>>
    %dma_start3A_1370 = arith.constant 0 : i32
    %dma_start3A_1371 = tpu.memref_slice %arg8[%dma_start3A_1366, %dma_start3A_1370] : memref<16x32xi32, #tpu.memory_space<vmem>> -> memref<1x32xi32, #tpu.memory_space<vmem>>
    %dma_start3A_1372 = tpu.memref_squeeze %dma_start3A_1371 : memref<1x32xi32, #tpu.memory_space<vmem>> -> memref<32xi32, #tpu.memory_space<vmem>>
    %dma_start3A_1373 = arith.constant 0 : i32
    %dma_start3A_1374 = arith.constant 0 : i32
    %dma_start3A_1375 = tpu.memref_slice %arg4[%dma_start3A_1373, %dma_start3A_1374] : memref<100000x128xf32, #tpu.memory_space<hbm>> -> memref<100000x128xf32, #tpu.memory_space<hbm>>
    tpu.enqueue_indirect_dma source(%dma_start3A_1375 : memref<100000x128xf32, #tpu.memory_space<hbm>>) target(%dma_start3A_1369 : memref<32x128xf32, #tpu.memory_space<vmem>>) offsets(%dma_start3A_1372 : memref<32xi32, #tpu.memory_space<vmem>>) semaphore(%arg10 : memref<!tpu.dma_semaphore, #tpu.memory_space<semaphore_mem>>)
    %dma_wait3A_1376 = arith.constant 0 : i32
    %dma_wait3A_1377 = arith.constant 0 : i32
    %dma_wait3A_1378 = arith.constant 0 : i32
    %dma_wait3A_1379 = tpu.memref_slice %arg9[%dma_wait3A_1377, %dma_wait3A_1378] : memref<512x128xf32, #tpu.memory_space<vmem>> -> memref<32x128xf32, #tpu.memory_space<vmem>>
    %dma_wait3A_1380 = arith.constant 0 : i32
    %dma_wait3A_1381 = tpu.memref_slice %arg8[%dma_wait3A_1376, %dma_wait3A_1380] : memref<16x32xi32, #tpu.memory_space<vmem>> -> memref<1x32xi32, #tpu.memory_space<vmem>>
    %dma_wait3A_1382 = tpu.memref_squeeze %dma_wait3A_1381 : memref<1x32xi32, #tpu.memory_space<vmem>> -> memref<32xi32, #tpu.memory_space<vmem>>
    %dma_wait3A_1383 = arith.constant 0 : i32
    %dma_wait3A_1384 = arith.constant 0 : i32
    %dma_wait3A_1385 = tpu.memref_slice %arg4[%dma_wait3A_1383, %dma_wait3A_1384] : memref<100000x128xf32, #tpu.memory_space<hbm>> -> memref<100000x128xf32, #tpu.memory_space<hbm>>
    tpu.wait_indirect_dma semaphore(%arg10 : memref<!tpu.dma_semaphore, #tpu.memory_space<semaphore_mem>>) src(%dma_wait3A_1385 : memref<100000x128xf32, #tpu.memory_space<hbm>>) dst(%dma_wait3A_1379 : memref<32x128xf32, #tpu.memory_space<vmem>>)
    %add3A_1386 = arith.constant 0 : i32
    %add3A_1387 = arith.addi %mul3A_2, %add3A_1386 : i32
    %dma_start3A_1388 = arith.constant 0 : i32
    %dma_start3A_1389 = arith.constant 0 : i32
    %dma_start3A_1390 = tpu.memref_slice %arg9[%dma_start3A_1388, %dma_start3A_1389] : memref<512x128xf32, #tpu.memory_space<vmem>> -> memref<32x128xf32, #tpu.memory_space<vmem>>
    %dma_start3A_1391 = arith.constant 0 : i32
    %dma_start3A_1392 = tpu.memref_slice %arg5[%add3A_1387, %dma_start3A_1391] : memref<16384x128xf32, #tpu.memory_space<hbm>> -> memref<32x128xf32, #tpu.memory_space<hbm>>
    %dma_start3A_1393 = arith.constant 0 : i32
    %dma_start3A_1394 = tpu.memref_slice %arg5[%add3A_1387, %dma_start3A_1393] : memref<16384x128xf32, #tpu.memory_space<hbm>> -> memref<32x128xf32, #tpu.memory_space<hbm>>
    %dma_start3A_1395 = arith.constant 0 : i32
    %dma_start3A_1396 = arith.constant 0 : i32
    %dma_start3A_1397 = tpu.memref_slice %arg9[%dma_start3A_1395, %dma_start3A_1396] : memref<512x128xf32, #tpu.memory_space<vmem>> -> memref<32x128xf32, #tpu.memory_space<vmem>>
    tpu.enqueue_dma source(%dma_start3A_1397 : memref<32x128xf32, #tpu.memory_space<vmem>>) target(%dma_start3A_1394 : memref<32x128xf32, #tpu.memory_space<hbm>>) target_semaphore(%arg11 : memref<!tpu.dma_semaphore, #tpu.memory_space<semaphore_mem>>)
    %dma_wait3A_1398 = arith.constant 1 : i32
    %dma_wait3A_1399 = arith.constant 32 : i32
    %dma_wait3A_1400 = arith.constant 0 : i32
    %dma_wait3A_1401 = tpu.memref_slice %arg9[%dma_wait3A_1399, %dma_wait3A_1400] : memref<512x128xf32, #tpu.memory_space<vmem>> -> memref<32x128xf32, #tpu.memory_space<vmem>>
    %dma_wait3A_1402 = arith.constant 0 : i32
    %dma_wait3A_1403 = tpu.memref_slice %arg8[%dma_wait3A_1398, %dma_wait3A_1402] : memref<16x32xi32, #tpu.memory_space<vmem>> -> memref<1x32xi32, #tpu.memory_space<vmem>>
    %dma_wait3A_1404 = tpu.memref_squeeze %dma_wait3A_1403 : memref<1x32xi32, #tpu.memory_space<vmem>> -> memref<32xi32, #tpu.memory_space<vmem>>
    %dma_wait3A_1405 = arith.constant 0 : i32
    %dma_wait3A_1406 = arith.constant 0 : i32
    %dma_wait3A_1407 = tpu.memref_slice %arg4[%dma_wait3A_1405, %dma_wait3A_1406] : memref<100000x128xf32, #tpu.memory_space<hbm>> -> memref<100000x128xf32, #tpu.memory_space<hbm>>
    tpu.wait_indirect_dma semaphore(%arg10 : memref<!tpu.dma_semaphore, #tpu.memory_space<semaphore_mem>>) src(%dma_wait3A_1407 : memref<100000x128xf32, #tpu.memory_space<hbm>>) dst(%dma_wait3A_1401 : memref<32x128xf32, #tpu.memory_space<vmem>>)
    %add3A_1408 = arith.constant 32 : i32
    %add3A_1409 = arith.addi %mul3A_2, %add3A_1408 : i32
    %dma_start3A_1410 = arith.constant 32 : i32
    %dma_start3A_1411 = arith.constant 0 : i32
    %dma_start3A_1412 = tpu.memref_slice %arg9[%dma_start3A_1410, %dma_start3A_1411] : memref<512x128xf32, #tpu.memory_space<vmem>> -> memref<32x128xf32, #tpu.memory_space<vmem>>
    %dma_start3A_1413 = arith.constant 0 : i32
    %dma_start3A_1414 = tpu.memref_slice %arg5[%add3A_1409, %dma_start3A_1413] : memref<16384x128xf32, #tpu.memory_space<hbm>> -> memref<32x128xf32, #tpu.memory_space<hbm>>
    %dma_start3A_1415 = arith.constant 0 : i32
    %dma_start3A_1416 = tpu.memref_slice %arg5[%add3A_1409, %dma_start3A_1415] : memref<16384x128xf32, #tpu.memory_space<hbm>> -> memref<32x128xf32, #tpu.memory_space<hbm>>
    %dma_start3A_1417 = arith.constant 32 : i32
    %dma_start3A_1418 = arith.constant 0 : i32
    %dma_start3A_1419 = tpu.memref_slice %arg9[%dma_start3A_1417, %dma_start3A_1418] : memref<512x128xf32, #tpu.memory_space<vmem>> -> memref<32x128xf32, #tpu.memory_space<vmem>>
    tpu.enqueue_dma source(%dma_start3A_1419 : memref<32x128xf32, #tpu.memory_space<vmem>>) target(%dma_start3A_1416 : memref<32x128xf32, #tpu.memory_space<hbm>>) target_semaphore(%arg11 : memref<!tpu.dma_semaphore, #tpu.memory_space<semaphore_mem>>)
    %dma_wait3A_1420 = arith.constant 2 : i32
    %dma_wait3A_1421 = arith.constant 64 : i32
    %dma_wait3A_1422 = arith.constant 0 : i32
    %dma_wait3A_1423 = tpu.memref_slice %arg9[%dma_wait3A_1421, %dma_wait3A_1422] : memref<512x128xf32, #tpu.memory_space<vmem>> -> memref<32x128xf32, #tpu.memory_space<vmem>>
    %dma_wait3A_1424 = arith.constant 0 : i32
    %dma_wait3A_1425 = tpu.memref_slice %arg8[%dma_wait3A_1420, %dma_wait3A_1424] : memref<16x32xi32, #tpu.memory_space<vmem>> -> memref<1x32xi32, #tpu.memory_space<vmem>>
    %dma_wait3A_1426 = tpu.memref_squeeze %dma_wait3A_1425 : memref<1x32xi32, #tpu.memory_space<vmem>> -> memref<32xi32, #tpu.memory_space<vmem>>
    %dma_wait3A_1427 = arith.constant 0 : i32
    %dma_wait3A_1428 = arith.constant 0 : i32
    %dma_wait3A_1429 = tpu.memref_slice %arg4[%dma_wait3A_1427, %dma_wait3A_1428] : memref<100000x128xf32, #tpu.memory_space<hbm>> -> memref<100000x128xf32, #tpu.memory_space<hbm>>
    tpu.wait_indirect_dma semaphore(%arg10 : memref<!tpu.dma_semaphore, #tpu.memory_space<semaphore_mem>>) src(%dma_wait3A_1429 : memref<100000x128xf32, #tpu.memory_space<hbm>>) dst(%dma_wait3A_1423 : memref<32x128xf32, #tpu.memory_space<vmem>>)
    %add3A_1430 = arith.constant 64 : i32
    %add3A_1431 = arith.addi %mul3A_2, %add3A_1430 : i32
    %dma_start3A_1432 = arith.constant 64 : i32
    %dma_start3A_1433 = arith.constant 0 : i32
    %dma_start3A_1434 = tpu.memref_slice %arg9[%dma_start3A_1432, %dma_start3A_1433] : memref<512x128xf32, #tpu.memory_space<vmem>> -> memref<32x128xf32, #tpu.memory_space<vmem>>
    %dma_start3A_1435 = arith.constant 0 : i32
    %dma_start3A_1436 = tpu.memref_slice %arg5[%add3A_1431, %dma_start3A_1435] : memref<16384x128xf32, #tpu.memory_space<hbm>> -> memref<32x128xf32, #tpu.memory_space<hbm>>
    %dma_start3A_1437 = arith.constant 0 : i32
    %dma_start3A_1438 = tpu.memref_slice %arg5[%add3A_1431, %dma_start3A_1437] : memref<16384x128xf32, #tpu.memory_space<hbm>> -> memref<32x128xf32, #tpu.memory_space<hbm>>
    %dma_start3A_1439 = arith.constant 64 : i32
    %dma_start3A_1440 = arith.constant 0 : i32
    %dma_start3A_1441 = tpu.memref_slice %arg9[%dma_start3A_1439, %dma_start3A_1440] : memref<512x128xf32, #tpu.memory_space<vmem>> -> memref<32x128xf32, #tpu.memory_space<vmem>>
    tpu.enqueue_dma source(%dma_start3A_1441 : memref<32x128xf32, #tpu.memory_space<vmem>>) target(%dma_start3A_1438 : memref<32x128xf32, #tpu.memory_space<hbm>>) target_semaphore(%arg11 : memref<!tpu.dma_semaphore, #tpu.memory_space<semaphore_mem>>)
    %dma_wait3A_1442 = arith.constant 3 : i32
    %dma_wait3A_1443 = arith.constant 96 : i32
    %dma_wait3A_1444 = arith.constant 0 : i32
    %dma_wait3A_1445 = tpu.memref_slice %arg9[%dma_wait3A_1443, %dma_wait3A_1444] : memref<512x128xf32, #tpu.memory_space<vmem>> -> memref<32x128xf32, #tpu.memory_space<vmem>>
    %dma_wait3A_1446 = arith.constant 0 : i32
    %dma_wait3A_1447 = tpu.memref_slice %arg8[%dma_wait3A_1442, %dma_wait3A_1446] : memref<16x32xi32, #tpu.memory_space<vmem>> -> memref<1x32xi32, #tpu.memory_space<vmem>>
    %dma_wait3A_1448 = tpu.memref_squeeze %dma_wait3A_1447 : memref<1x32xi32, #tpu.memory_space<vmem>> -> memref<32xi32, #tpu.memory_space<vmem>>
    %dma_wait3A_1449 = arith.constant 0 : i32
    %dma_wait3A_1450 = arith.constant 0 : i32
    %dma_wait3A_1451 = tpu.memref_slice %arg4[%dma_wait3A_1449, %dma_wait3A_1450] : memref<100000x128xf32, #tpu.memory_space<hbm>> -> memref<100000x128xf32, #tpu.memory_space<hbm>>
    tpu.wait_indirect_dma semaphore(%arg10 : memref<!tpu.dma_semaphore, #tpu.memory_space<semaphore_mem>>) src(%dma_wait3A_1451 : memref<100000x128xf32, #tpu.memory_space<hbm>>) dst(%dma_wait3A_1445 : memref<32x128xf32, #tpu.memory_space<vmem>>)
    %add3A_1452 = arith.constant 96 : i32
    %add3A_1453 = arith.addi %mul3A_2, %add3A_1452 : i32
    %dma_start3A_1454 = arith.constant 96 : i32
    %dma_start3A_1455 = arith.constant 0 : i32
    %dma_start3A_1456 = tpu.memref_slice %arg9[%dma_start3A_1454, %dma_start3A_1455] : memref<512x128xf32, #tpu.memory_space<vmem>> -> memref<32x128xf32, #tpu.memory_space<vmem>>
    %dma_start3A_1457 = arith.constant 0 : i32
    %dma_start3A_1458 = tpu.memref_slice %arg5[%add3A_1453, %dma_start3A_1457] : memref<16384x128xf32, #tpu.memory_space<hbm>> -> memref<32x128xf32, #tpu.memory_space<hbm>>
    %dma_start3A_1459 = arith.constant 0 : i32
    %dma_start3A_1460 = tpu.memref_slice %arg5[%add3A_1453, %dma_start3A_1459] : memref<16384x128xf32, #tpu.memory_space<hbm>> -> memref<32x128xf32, #tpu.memory_space<hbm>>
    %dma_start3A_1461 = arith.constant 96 : i32
    %dma_start3A_1462 = arith.constant 0 : i32
    %dma_start3A_1463 = tpu.memref_slice %arg9[%dma_start3A_1461, %dma_start3A_1462] : memref<512x128xf32, #tpu.memory_space<vmem>> -> memref<32x128xf32, #tpu.memory_space<vmem>>
    tpu.enqueue_dma source(%dma_start3A_1463 : memref<32x128xf32, #tpu.memory_space<vmem>>) target(%dma_start3A_1460 : memref<32x128xf32, #tpu.memory_space<hbm>>) target_semaphore(%arg11 : memref<!tpu.dma_semaphore, #tpu.memory_space<semaphore_mem>>)
    %dma_wait3A_1464 = arith.constant 4 : i32
    %dma_wait3A_1465 = arith.constant 128 : i32
    %dma_wait3A_1466 = arith.constant 0 : i32
    %dma_wait3A_1467 = tpu.memref_slice %arg9[%dma_wait3A_1465, %dma_wait3A_1466] : memref<512x128xf32, #tpu.memory_space<vmem>> -> memref<32x128xf32, #tpu.memory_space<vmem>>
    %dma_wait3A_1468 = arith.constant 0 : i32
    %dma_wait3A_1469 = tpu.memref_slice %arg8[%dma_wait3A_1464, %dma_wait3A_1468] : memref<16x32xi32, #tpu.memory_space<vmem>> -> memref<1x32xi32, #tpu.memory_space<vmem>>
    %dma_wait3A_1470 = tpu.memref_squeeze %dma_wait3A_1469 : memref<1x32xi32, #tpu.memory_space<vmem>> -> memref<32xi32, #tpu.memory_space<vmem>>
    %dma_wait3A_1471 = arith.constant 0 : i32
    %dma_wait3A_1472 = arith.constant 0 : i32
    %dma_wait3A_1473 = tpu.memref_slice %arg4[%dma_wait3A_1471, %dma_wait3A_1472] : memref<100000x128xf32, #tpu.memory_space<hbm>> -> memref<100000x128xf32, #tpu.memory_space<hbm>>
    tpu.wait_indirect_dma semaphore(%arg10 : memref<!tpu.dma_semaphore, #tpu.memory_space<semaphore_mem>>) src(%dma_wait3A_1473 : memref<100000x128xf32, #tpu.memory_space<hbm>>) dst(%dma_wait3A_1467 : memref<32x128xf32, #tpu.memory_space<vmem>>)
    %add3A_1474 = arith.constant 128 : i32
    %add3A_1475 = arith.addi %mul3A_2, %add3A_1474 : i32
    %dma_start3A_1476 = arith.constant 128 : i32
    %dma_start3A_1477 = arith.constant 0 : i32
    %dma_start3A_1478 = tpu.memref_slice %arg9[%dma_start3A_1476, %dma_start3A_1477] : memref<512x128xf32, #tpu.memory_space<vmem>> -> memref<32x128xf32, #tpu.memory_space<vmem>>
    %dma_start3A_1479 = arith.constant 0 : i32
    %dma_start3A_1480 = tpu.memref_slice %arg5[%add3A_1475, %dma_start3A_1479] : memref<16384x128xf32, #tpu.memory_space<hbm>> -> memref<32x128xf32, #tpu.memory_space<hbm>>
    %dma_start3A_1481 = arith.constant 0 : i32
    %dma_start3A_1482 = tpu.memref_slice %arg5[%add3A_1475, %dma_start3A_1481] : memref<16384x128xf32, #tpu.memory_space<hbm>> -> memref<32x128xf32, #tpu.memory_space<hbm>>
    %dma_start3A_1483 = arith.constant 128 : i32
    %dma_start3A_1484 = arith.constant 0 : i32
    %dma_start3A_1485 = tpu.memref_slice %arg9[%dma_start3A_1483, %dma_start3A_1484] : memref<512x128xf32, #tpu.memory_space<vmem>> -> memref<32x128xf32, #tpu.memory_space<vmem>>
    tpu.enqueue_dma source(%dma_start3A_1485 : memref<32x128xf32, #tpu.memory_space<vmem>>) target(%dma_start3A_1482 : memref<32x128xf32, #tpu.memory_space<hbm>>) target_semaphore(%arg11 : memref<!tpu.dma_semaphore, #tpu.memory_space<semaphore_mem>>)
    %dma_wait3A_1486 = arith.constant 5 : i32
    %dma_wait3A_1487 = arith.constant 160 : i32
    %dma_wait3A_1488 = arith.constant 0 : i32
    %dma_wait3A_1489 = tpu.memref_slice %arg9[%dma_wait3A_1487, %dma_wait3A_1488] : memref<512x128xf32, #tpu.memory_space<vmem>> -> memref<32x128xf32, #tpu.memory_space<vmem>>
    %dma_wait3A_1490 = arith.constant 0 : i32
    %dma_wait3A_1491 = tpu.memref_slice %arg8[%dma_wait3A_1486, %dma_wait3A_1490] : memref<16x32xi32, #tpu.memory_space<vmem>> -> memref<1x32xi32, #tpu.memory_space<vmem>>
    %dma_wait3A_1492 = tpu.memref_squeeze %dma_wait3A_1491 : memref<1x32xi32, #tpu.memory_space<vmem>> -> memref<32xi32, #tpu.memory_space<vmem>>
    %dma_wait3A_1493 = arith.constant 0 : i32
    %dma_wait3A_1494 = arith.constant 0 : i32
    %dma_wait3A_1495 = tpu.memref_slice %arg4[%dma_wait3A_1493, %dma_wait3A_1494] : memref<100000x128xf32, #tpu.memory_space<hbm>> -> memref<100000x128xf32, #tpu.memory_space<hbm>>
    tpu.wait_indirect_dma semaphore(%arg10 : memref<!tpu.dma_semaphore, #tpu.memory_space<semaphore_mem>>) src(%dma_wait3A_1495 : memref<100000x128xf32, #tpu.memory_space<hbm>>) dst(%dma_wait3A_1489 : memref<32x128xf32, #tpu.memory_space<vmem>>)
    %add3A_1496 = arith.constant 160 : i32
    %add3A_1497 = arith.addi %mul3A_2, %add3A_1496 : i32
    %dma_start3A_1498 = arith.constant 160 : i32
    %dma_start3A_1499 = arith.constant 0 : i32
    %dma_start3A_1500 = tpu.memref_slice %arg9[%dma_start3A_1498, %dma_start3A_1499] : memref<512x128xf32, #tpu.memory_space<vmem>> -> memref<32x128xf32, #tpu.memory_space<vmem>>
    %dma_start3A_1501 = arith.constant 0 : i32
    %dma_start3A_1502 = tpu.memref_slice %arg5[%add3A_1497, %dma_start3A_1501] : memref<16384x128xf32, #tpu.memory_space<hbm>> -> memref<32x128xf32, #tpu.memory_space<hbm>>
    %dma_start3A_1503 = arith.constant 0 : i32
    %dma_start3A_1504 = tpu.memref_slice %arg5[%add3A_1497, %dma_start3A_1503] : memref<16384x128xf32, #tpu.memory_space<hbm>> -> memref<32x128xf32, #tpu.memory_space<hbm>>
    %dma_start3A_1505 = arith.constant 160 : i32
    %dma_start3A_1506 = arith.constant 0 : i32
    %dma_start3A_1507 = tpu.memref_slice %arg9[%dma_start3A_1505, %dma_start3A_1506] : memref<512x128xf32, #tpu.memory_space<vmem>> -> memref<32x128xf32, #tpu.memory_space<vmem>>
    tpu.enqueue_dma source(%dma_start3A_1507 : memref<32x128xf32, #tpu.memory_space<vmem>>) target(%dma_start3A_1504 : memref<32x128xf32, #tpu.memory_space<hbm>>) target_semaphore(%arg11 : memref<!tpu.dma_semaphore, #tpu.memory_space<semaphore_mem>>)
    %dma_wait3A_1508 = arith.constant 6 : i32
    %dma_wait3A_1509 = arith.constant 192 : i32
    %dma_wait3A_1510 = arith.constant 0 : i32
    %dma_wait3A_1511 = tpu.memref_slice %arg9[%dma_wait3A_1509, %dma_wait3A_1510] : memref<512x128xf32, #tpu.memory_space<vmem>> -> memref<32x128xf32, #tpu.memory_space<vmem>>
    %dma_wait3A_1512 = arith.constant 0 : i32
    %dma_wait3A_1513 = tpu.memref_slice %arg8[%dma_wait3A_1508, %dma_wait3A_1512] : memref<16x32xi32, #tpu.memory_space<vmem>> -> memref<1x32xi32, #tpu.memory_space<vmem>>
    %dma_wait3A_1514 = tpu.memref_squeeze %dma_wait3A_1513 : memref<1x32xi32, #tpu.memory_space<vmem>> -> memref<32xi32, #tpu.memory_space<vmem>>
    %dma_wait3A_1515 = arith.constant 0 : i32
    %dma_wait3A_1516 = arith.constant 0 : i32
    %dma_wait3A_1517 = tpu.memref_slice %arg4[%dma_wait3A_1515, %dma_wait3A_1516] : memref<100000x128xf32, #tpu.memory_space<hbm>> -> memref<100000x128xf32, #tpu.memory_space<hbm>>
    tpu.wait_indirect_dma semaphore(%arg10 : memref<!tpu.dma_semaphore, #tpu.memory_space<semaphore_mem>>) src(%dma_wait3A_1517 : memref<100000x128xf32, #tpu.memory_space<hbm>>) dst(%dma_wait3A_1511 : memref<32x128xf32, #tpu.memory_space<vmem>>)
    %add3A_1518 = arith.constant 192 : i32
    %add3A_1519 = arith.addi %mul3A_2, %add3A_1518 : i32
    %dma_start3A_1520 = arith.constant 192 : i32
    %dma_start3A_1521 = arith.constant 0 : i32
    %dma_start3A_1522 = tpu.memref_slice %arg9[%dma_start3A_1520, %dma_start3A_1521] : memref<512x128xf32, #tpu.memory_space<vmem>> -> memref<32x128xf32, #tpu.memory_space<vmem>>
    %dma_start3A_1523 = arith.constant 0 : i32
    %dma_start3A_1524 = tpu.memref_slice %arg5[%add3A_1519, %dma_start3A_1523] : memref<16384x128xf32, #tpu.memory_space<hbm>> -> memref<32x128xf32, #tpu.memory_space<hbm>>
    %dma_start3A_1525 = arith.constant 0 : i32
    %dma_start3A_1526 = tpu.memref_slice %arg5[%add3A_1519, %dma_start3A_1525] : memref<16384x128xf32, #tpu.memory_space<hbm>> -> memref<32x128xf32, #tpu.memory_space<hbm>>
    %dma_start3A_1527 = arith.constant 192 : i32
    %dma_start3A_1528 = arith.constant 0 : i32
    %dma_start3A_1529 = tpu.memref_slice %arg9[%dma_start3A_1527, %dma_start3A_1528] : memref<512x128xf32, #tpu.memory_space<vmem>> -> memref<32x128xf32, #tpu.memory_space<vmem>>
    tpu.enqueue_dma source(%dma_start3A_1529 : memref<32x128xf32, #tpu.memory_space<vmem>>) target(%dma_start3A_1526 : memref<32x128xf32, #tpu.memory_space<hbm>>) target_semaphore(%arg11 : memref<!tpu.dma_semaphore, #tpu.memory_space<semaphore_mem>>)
    %dma_wait3A_1530 = arith.constant 7 : i32
    %dma_wait3A_1531 = arith.constant 224 : i32
    %dma_wait3A_1532 = arith.constant 0 : i32
    %dma_wait3A_1533 = tpu.memref_slice %arg9[%dma_wait3A_1531, %dma_wait3A_1532] : memref<512x128xf32, #tpu.memory_space<vmem>> -> memref<32x128xf32, #tpu.memory_space<vmem>>
    %dma_wait3A_1534 = arith.constant 0 : i32
    %dma_wait3A_1535 = tpu.memref_slice %arg8[%dma_wait3A_1530, %dma_wait3A_1534] : memref<16x32xi32, #tpu.memory_space<vmem>> -> memref<1x32xi32, #tpu.memory_space<vmem>>
    %dma_wait3A_1536 = tpu.memref_squeeze %dma_wait3A_1535 : memref<1x32xi32, #tpu.memory_space<vmem>> -> memref<32xi32, #tpu.memory_space<vmem>>
    %dma_wait3A_1537 = arith.constant 0 : i32
    %dma_wait3A_1538 = arith.constant 0 : i32
    %dma_wait3A_1539 = tpu.memref_slice %arg4[%dma_wait3A_1537, %dma_wait3A_1538] : memref<100000x128xf32, #tpu.memory_space<hbm>> -> memref<100000x128xf32, #tpu.memory_space<hbm>>
    tpu.wait_indirect_dma semaphore(%arg10 : memref<!tpu.dma_semaphore, #tpu.memory_space<semaphore_mem>>) src(%dma_wait3A_1539 : memref<100000x128xf32, #tpu.memory_space<hbm>>) dst(%dma_wait3A_1533 : memref<32x128xf32, #tpu.memory_space<vmem>>)
    %add3A_1540 = arith.constant 224 : i32
    %add3A_1541 = arith.addi %mul3A_2, %add3A_1540 : i32
    %dma_start3A_1542 = arith.constant 224 : i32
    %dma_start3A_1543 = arith.constant 0 : i32
    %dma_start3A_1544 = tpu.memref_slice %arg9[%dma_start3A_1542, %dma_start3A_1543] : memref<512x128xf32, #tpu.memory_space<vmem>> -> memref<32x128xf32, #tpu.memory_space<vmem>>
    %dma_start3A_1545 = arith.constant 0 : i32
    %dma_start3A_1546 = tpu.memref_slice %arg5[%add3A_1541, %dma_start3A_1545] : memref<16384x128xf32, #tpu.memory_space<hbm>> -> memref<32x128xf32, #tpu.memory_space<hbm>>
    %dma_start3A_1547 = arith.constant 0 : i32
    %dma_start3A_1548 = tpu.memref_slice %arg5[%add3A_1541, %dma_start3A_1547] : memref<16384x128xf32, #tpu.memory_space<hbm>> -> memref<32x128xf32, #tpu.memory_space<hbm>>
    %dma_start3A_1549 = arith.constant 224 : i32
    %dma_start3A_1550 = arith.constant 0 : i32
    %dma_start3A_1551 = tpu.memref_slice %arg9[%dma_start3A_1549, %dma_start3A_1550] : memref<512x128xf32, #tpu.memory_space<vmem>> -> memref<32x128xf32, #tpu.memory_space<vmem>>
    tpu.enqueue_dma source(%dma_start3A_1551 : memref<32x128xf32, #tpu.memory_space<vmem>>) target(%dma_start3A_1548 : memref<32x128xf32, #tpu.memory_space<hbm>>) target_semaphore(%arg11 : memref<!tpu.dma_semaphore, #tpu.memory_space<semaphore_mem>>)
    %dma_wait3A_1552 = arith.constant 8 : i32
    %dma_wait3A_1553 = arith.constant 256 : i32
    %dma_wait3A_1554 = arith.constant 0 : i32
    %dma_wait3A_1555 = tpu.memref_slice %arg9[%dma_wait3A_1553, %dma_wait3A_1554] : memref<512x128xf32, #tpu.memory_space<vmem>> -> memref<32x128xf32, #tpu.memory_space<vmem>>
    %dma_wait3A_1556 = arith.constant 0 : i32
    %dma_wait3A_1557 = tpu.memref_slice %arg8[%dma_wait3A_1552, %dma_wait3A_1556] : memref<16x32xi32, #tpu.memory_space<vmem>> -> memref<1x32xi32, #tpu.memory_space<vmem>>
    %dma_wait3A_1558 = tpu.memref_squeeze %dma_wait3A_1557 : memref<1x32xi32, #tpu.memory_space<vmem>> -> memref<32xi32, #tpu.memory_space<vmem>>
    %dma_wait3A_1559 = arith.constant 0 : i32
    %dma_wait3A_1560 = arith.constant 0 : i32
    %dma_wait3A_1561 = tpu.memref_slice %arg4[%dma_wait3A_1559, %dma_wait3A_1560] : memref<100000x128xf32, #tpu.memory_space<hbm>> -> memref<100000x128xf32, #tpu.memory_space<hbm>>
    tpu.wait_indirect_dma semaphore(%arg10 : memref<!tpu.dma_semaphore, #tpu.memory_space<semaphore_mem>>) src(%dma_wait3A_1561 : memref<100000x128xf32, #tpu.memory_space<hbm>>) dst(%dma_wait3A_1555 : memref<32x128xf32, #tpu.memory_space<vmem>>)
    %add3A_1562 = arith.constant 256 : i32
    %add3A_1563 = arith.addi %mul3A_2, %add3A_1562 : i32
    %dma_start3A_1564 = arith.constant 256 : i32
    %dma_start3A_1565 = arith.constant 0 : i32
    %dma_start3A_1566 = tpu.memref_slice %arg9[%dma_start3A_1564, %dma_start3A_1565] : memref<512x128xf32, #tpu.memory_space<vmem>> -> memref<32x128xf32, #tpu.memory_space<vmem>>
    %dma_start3A_1567 = arith.constant 0 : i32
    %dma_start3A_1568 = tpu.memref_slice %arg5[%add3A_1563, %dma_start3A_1567] : memref<16384x128xf32, #tpu.memory_space<hbm>> -> memref<32x128xf32, #tpu.memory_space<hbm>>
    %dma_start3A_1569 = arith.constant 0 : i32
    %dma_start3A_1570 = tpu.memref_slice %arg5[%add3A_1563, %dma_start3A_1569] : memref<16384x128xf32, #tpu.memory_space<hbm>> -> memref<32x128xf32, #tpu.memory_space<hbm>>
    %dma_start3A_1571 = arith.constant 256 : i32
    %dma_start3A_1572 = arith.constant 0 : i32
    %dma_start3A_1573 = tpu.memref_slice %arg9[%dma_start3A_1571, %dma_start3A_1572] : memref<512x128xf32, #tpu.memory_space<vmem>> -> memref<32x128xf32, #tpu.memory_space<vmem>>
    tpu.enqueue_dma source(%dma_start3A_1573 : memref<32x128xf32, #tpu.memory_space<vmem>>) target(%dma_start3A_1570 : memref<32x128xf32, #tpu.memory_space<hbm>>) target_semaphore(%arg11 : memref<!tpu.dma_semaphore, #tpu.memory_space<semaphore_mem>>)
    %dma_wait3A_1574 = arith.constant 9 : i32
    %dma_wait3A_1575 = arith.constant 288 : i32
    %dma_wait3A_1576 = arith.constant 0 : i32
    %dma_wait3A_1577 = tpu.memref_slice %arg9[%dma_wait3A_1575, %dma_wait3A_1576] : memref<512x128xf32, #tpu.memory_space<vmem>> -> memref<32x128xf32, #tpu.memory_space<vmem>>
    %dma_wait3A_1578 = arith.constant 0 : i32
    %dma_wait3A_1579 = tpu.memref_slice %arg8[%dma_wait3A_1574, %dma_wait3A_1578] : memref<16x32xi32, #tpu.memory_space<vmem>> -> memref<1x32xi32, #tpu.memory_space<vmem>>
    %dma_wait3A_1580 = tpu.memref_squeeze %dma_wait3A_1579 : memref<1x32xi32, #tpu.memory_space<vmem>> -> memref<32xi32, #tpu.memory_space<vmem>>
    %dma_wait3A_1581 = arith.constant 0 : i32
    %dma_wait3A_1582 = arith.constant 0 : i32
    %dma_wait3A_1583 = tpu.memref_slice %arg4[%dma_wait3A_1581, %dma_wait3A_1582] : memref<100000x128xf32, #tpu.memory_space<hbm>> -> memref<100000x128xf32, #tpu.memory_space<hbm>>
    tpu.wait_indirect_dma semaphore(%arg10 : memref<!tpu.dma_semaphore, #tpu.memory_space<semaphore_mem>>) src(%dma_wait3A_1583 : memref<100000x128xf32, #tpu.memory_space<hbm>>) dst(%dma_wait3A_1577 : memref<32x128xf32, #tpu.memory_space<vmem>>)
    %add3A_1584 = arith.constant 288 : i32
    %add3A_1585 = arith.addi %mul3A_2, %add3A_1584 : i32
    %dma_start3A_1586 = arith.constant 288 : i32
    %dma_start3A_1587 = arith.constant 0 : i32
    %dma_start3A_1588 = tpu.memref_slice %arg9[%dma_start3A_1586, %dma_start3A_1587] : memref<512x128xf32, #tpu.memory_space<vmem>> -> memref<32x128xf32, #tpu.memory_space<vmem>>
    %dma_start3A_1589 = arith.constant 0 : i32
    %dma_start3A_1590 = tpu.memref_slice %arg5[%add3A_1585, %dma_start3A_1589] : memref<16384x128xf32, #tpu.memory_space<hbm>> -> memref<32x128xf32, #tpu.memory_space<hbm>>
    %dma_start3A_1591 = arith.constant 0 : i32
    %dma_start3A_1592 = tpu.memref_slice %arg5[%add3A_1585, %dma_start3A_1591] : memref<16384x128xf32, #tpu.memory_space<hbm>> -> memref<32x128xf32, #tpu.memory_space<hbm>>
    %dma_start3A_1593 = arith.constant 288 : i32
    %dma_start3A_1594 = arith.constant 0 : i32
    %dma_start3A_1595 = tpu.memref_slice %arg9[%dma_start3A_1593, %dma_start3A_1594] : memref<512x128xf32, #tpu.memory_space<vmem>> -> memref<32x128xf32, #tpu.memory_space<vmem>>
    tpu.enqueue_dma source(%dma_start3A_1595 : memref<32x128xf32, #tpu.memory_space<vmem>>) target(%dma_start3A_1592 : memref<32x128xf32, #tpu.memory_space<hbm>>) target_semaphore(%arg11 : memref<!tpu.dma_semaphore, #tpu.memory_space<semaphore_mem>>)
    %dma_wait3A_1596 = arith.constant 10 : i32
    %dma_wait3A_1597 = arith.constant 320 : i32
    %dma_wait3A_1598 = arith.constant 0 : i32
    %dma_wait3A_1599 = tpu.memref_slice %arg9[%dma_wait3A_1597, %dma_wait3A_1598] : memref<512x128xf32, #tpu.memory_space<vmem>> -> memref<32x128xf32, #tpu.memory_space<vmem>>
    %dma_wait3A_1600 = arith.constant 0 : i32
    %dma_wait3A_1601 = tpu.memref_slice %arg8[%dma_wait3A_1596, %dma_wait3A_1600] : memref<16x32xi32, #tpu.memory_space<vmem>> -> memref<1x32xi32, #tpu.memory_space<vmem>>
    %dma_wait3A_1602 = tpu.memref_squeeze %dma_wait3A_1601 : memref<1x32xi32, #tpu.memory_space<vmem>> -> memref<32xi32, #tpu.memory_space<vmem>>
    %dma_wait3A_1603 = arith.constant 0 : i32
    %dma_wait3A_1604 = arith.constant 0 : i32
    %dma_wait3A_1605 = tpu.memref_slice %arg4[%dma_wait3A_1603, %dma_wait3A_1604] : memref<100000x128xf32, #tpu.memory_space<hbm>> -> memref<100000x128xf32, #tpu.memory_space<hbm>>
    tpu.wait_indirect_dma semaphore(%arg10 : memref<!tpu.dma_semaphore, #tpu.memory_space<semaphore_mem>>) src(%dma_wait3A_1605 : memref<100000x128xf32, #tpu.memory_space<hbm>>) dst(%dma_wait3A_1599 : memref<32x128xf32, #tpu.memory_space<vmem>>)
    %add3A_1606 = arith.constant 320 : i32
    %add3A_1607 = arith.addi %mul3A_2, %add3A_1606 : i32
    %dma_start3A_1608 = arith.constant 320 : i32
    %dma_start3A_1609 = arith.constant 0 : i32
    %dma_start3A_1610 = tpu.memref_slice %arg9[%dma_start3A_1608, %dma_start3A_1609] : memref<512x128xf32, #tpu.memory_space<vmem>> -> memref<32x128xf32, #tpu.memory_space<vmem>>
    %dma_start3A_1611 = arith.constant 0 : i32
    %dma_start3A_1612 = tpu.memref_slice %arg5[%add3A_1607, %dma_start3A_1611] : memref<16384x128xf32, #tpu.memory_space<hbm>> -> memref<32x128xf32, #tpu.memory_space<hbm>>
    %dma_start3A_1613 = arith.constant 0 : i32
    %dma_start3A_1614 = tpu.memref_slice %arg5[%add3A_1607, %dma_start3A_1613] : memref<16384x128xf32, #tpu.memory_space<hbm>> -> memref<32x128xf32, #tpu.memory_space<hbm>>
    %dma_start3A_1615 = arith.constant 320 : i32
    %dma_start3A_1616 = arith.constant 0 : i32
    %dma_start3A_1617 = tpu.memref_slice %arg9[%dma_start3A_1615, %dma_start3A_1616] : memref<512x128xf32, #tpu.memory_space<vmem>> -> memref<32x128xf32, #tpu.memory_space<vmem>>
    tpu.enqueue_dma source(%dma_start3A_1617 : memref<32x128xf32, #tpu.memory_space<vmem>>) target(%dma_start3A_1614 : memref<32x128xf32, #tpu.memory_space<hbm>>) target_semaphore(%arg11 : memref<!tpu.dma_semaphore, #tpu.memory_space<semaphore_mem>>)
    %dma_wait3A_1618 = arith.constant 11 : i32
    %dma_wait3A_1619 = arith.constant 352 : i32
    %dma_wait3A_1620 = arith.constant 0 : i32
    %dma_wait3A_1621 = tpu.memref_slice %arg9[%dma_wait3A_1619, %dma_wait3A_1620] : memref<512x128xf32, #tpu.memory_space<vmem>> -> memref<32x128xf32, #tpu.memory_space<vmem>>
    %dma_wait3A_1622 = arith.constant 0 : i32
    %dma_wait3A_1623 = tpu.memref_slice %arg8[%dma_wait3A_1618, %dma_wait3A_1622] : memref<16x32xi32, #tpu.memory_space<vmem>> -> memref<1x32xi32, #tpu.memory_space<vmem>>
    %dma_wait3A_1624 = tpu.memref_squeeze %dma_wait3A_1623 : memref<1x32xi32, #tpu.memory_space<vmem>> -> memref<32xi32, #tpu.memory_space<vmem>>
    %dma_wait3A_1625 = arith.constant 0 : i32
    %dma_wait3A_1626 = arith.constant 0 : i32
    %dma_wait3A_1627 = tpu.memref_slice %arg4[%dma_wait3A_1625, %dma_wait3A_1626] : memref<100000x128xf32, #tpu.memory_space<hbm>> -> memref<100000x128xf32, #tpu.memory_space<hbm>>
    tpu.wait_indirect_dma semaphore(%arg10 : memref<!tpu.dma_semaphore, #tpu.memory_space<semaphore_mem>>) src(%dma_wait3A_1627 : memref<100000x128xf32, #tpu.memory_space<hbm>>) dst(%dma_wait3A_1621 : memref<32x128xf32, #tpu.memory_space<vmem>>)
    %add3A_1628 = arith.constant 352 : i32
    %add3A_1629 = arith.addi %mul3A_2, %add3A_1628 : i32
    %dma_start3A_1630 = arith.constant 352 : i32
    %dma_start3A_1631 = arith.constant 0 : i32
    %dma_start3A_1632 = tpu.memref_slice %arg9[%dma_start3A_1630, %dma_start3A_1631] : memref<512x128xf32, #tpu.memory_space<vmem>> -> memref<32x128xf32, #tpu.memory_space<vmem>>
    %dma_start3A_1633 = arith.constant 0 : i32
    %dma_start3A_1634 = tpu.memref_slice %arg5[%add3A_1629, %dma_start3A_1633] : memref<16384x128xf32, #tpu.memory_space<hbm>> -> memref<32x128xf32, #tpu.memory_space<hbm>>
    %dma_start3A_1635 = arith.constant 0 : i32
    %dma_start3A_1636 = tpu.memref_slice %arg5[%add3A_1629, %dma_start3A_1635] : memref<16384x128xf32, #tpu.memory_space<hbm>> -> memref<32x128xf32, #tpu.memory_space<hbm>>
    %dma_start3A_1637 = arith.constant 352 : i32
    %dma_start3A_1638 = arith.constant 0 : i32
    %dma_start3A_1639 = tpu.memref_slice %arg9[%dma_start3A_1637, %dma_start3A_1638] : memref<512x128xf32, #tpu.memory_space<vmem>> -> memref<32x128xf32, #tpu.memory_space<vmem>>
    tpu.enqueue_dma source(%dma_start3A_1639 : memref<32x128xf32, #tpu.memory_space<vmem>>) target(%dma_start3A_1636 : memref<32x128xf32, #tpu.memory_space<hbm>>) target_semaphore(%arg11 : memref<!tpu.dma_semaphore, #tpu.memory_space<semaphore_mem>>)
    %dma_wait3A_1640 = arith.constant 12 : i32
    %dma_wait3A_1641 = arith.constant 384 : i32
    %dma_wait3A_1642 = arith.constant 0 : i32
    %dma_wait3A_1643 = tpu.memref_slice %arg9[%dma_wait3A_1641, %dma_wait3A_1642] : memref<512x128xf32, #tpu.memory_space<vmem>> -> memref<32x128xf32, #tpu.memory_space<vmem>>
    %dma_wait3A_1644 = arith.constant 0 : i32
    %dma_wait3A_1645 = tpu.memref_slice %arg8[%dma_wait3A_1640, %dma_wait3A_1644] : memref<16x32xi32, #tpu.memory_space<vmem>> -> memref<1x32xi32, #tpu.memory_space<vmem>>
    %dma_wait3A_1646 = tpu.memref_squeeze %dma_wait3A_1645 : memref<1x32xi32, #tpu.memory_space<vmem>> -> memref<32xi32, #tpu.memory_space<vmem>>
    %dma_wait3A_1647 = arith.constant 0 : i32
    %dma_wait3A_1648 = arith.constant 0 : i32
    %dma_wait3A_1649 = tpu.memref_slice %arg4[%dma_wait3A_1647, %dma_wait3A_1648] : memref<100000x128xf32, #tpu.memory_space<hbm>> -> memref<100000x128xf32, #tpu.memory_space<hbm>>
    tpu.wait_indirect_dma semaphore(%arg10 : memref<!tpu.dma_semaphore, #tpu.memory_space<semaphore_mem>>) src(%dma_wait3A_1649 : memref<100000x128xf32, #tpu.memory_space<hbm>>) dst(%dma_wait3A_1643 : memref<32x128xf32, #tpu.memory_space<vmem>>)
    %add3A_1650 = arith.constant 384 : i32
    %add3A_1651 = arith.addi %mul3A_2, %add3A_1650 : i32
    %dma_start3A_1652 = arith.constant 384 : i32
    %dma_start3A_1653 = arith.constant 0 : i32
    %dma_start3A_1654 = tpu.memref_slice %arg9[%dma_start3A_1652, %dma_start3A_1653] : memref<512x128xf32, #tpu.memory_space<vmem>> -> memref<32x128xf32, #tpu.memory_space<vmem>>
    %dma_start3A_1655 = arith.constant 0 : i32
    %dma_start3A_1656 = tpu.memref_slice %arg5[%add3A_1651, %dma_start3A_1655] : memref<16384x128xf32, #tpu.memory_space<hbm>> -> memref<32x128xf32, #tpu.memory_space<hbm>>
    %dma_start3A_1657 = arith.constant 0 : i32
    %dma_start3A_1658 = tpu.memref_slice %arg5[%add3A_1651, %dma_start3A_1657] : memref<16384x128xf32, #tpu.memory_space<hbm>> -> memref<32x128xf32, #tpu.memory_space<hbm>>
    %dma_start3A_1659 = arith.constant 384 : i32
    %dma_start3A_1660 = arith.constant 0 : i32
    %dma_start3A_1661 = tpu.memref_slice %arg9[%dma_start3A_1659, %dma_start3A_1660] : memref<512x128xf32, #tpu.memory_space<vmem>> -> memref<32x128xf32, #tpu.memory_space<vmem>>
    tpu.enqueue_dma source(%dma_start3A_1661 : memref<32x128xf32, #tpu.memory_space<vmem>>) target(%dma_start3A_1658 : memref<32x128xf32, #tpu.memory_space<hbm>>) target_semaphore(%arg11 : memref<!tpu.dma_semaphore, #tpu.memory_space<semaphore_mem>>)
    %dma_wait3A_1662 = arith.constant 13 : i32
    %dma_wait3A_1663 = arith.constant 416 : i32
    %dma_wait3A_1664 = arith.constant 0 : i32
    %dma_wait3A_1665 = tpu.memref_slice %arg9[%dma_wait3A_1663, %dma_wait3A_1664] : memref<512x128xf32, #tpu.memory_space<vmem>> -> memref<32x128xf32, #tpu.memory_space<vmem>>
    %dma_wait3A_1666 = arith.constant 0 : i32
    %dma_wait3A_1667 = tpu.memref_slice %arg8[%dma_wait3A_1662, %dma_wait3A_1666] : memref<16x32xi32, #tpu.memory_space<vmem>> -> memref<1x32xi32, #tpu.memory_space<vmem>>
    %dma_wait3A_1668 = tpu.memref_squeeze %dma_wait3A_1667 : memref<1x32xi32, #tpu.memory_space<vmem>> -> memref<32xi32, #tpu.memory_space<vmem>>
    %dma_wait3A_1669 = arith.constant 0 : i32
    %dma_wait3A_1670 = arith.constant 0 : i32
    %dma_wait3A_1671 = tpu.memref_slice %arg4[%dma_wait3A_1669, %dma_wait3A_1670] : memref<100000x128xf32, #tpu.memory_space<hbm>> -> memref<100000x128xf32, #tpu.memory_space<hbm>>
    tpu.wait_indirect_dma semaphore(%arg10 : memref<!tpu.dma_semaphore, #tpu.memory_space<semaphore_mem>>) src(%dma_wait3A_1671 : memref<100000x128xf32, #tpu.memory_space<hbm>>) dst(%dma_wait3A_1665 : memref<32x128xf32, #tpu.memory_space<vmem>>)
    %add3A_1672 = arith.constant 416 : i32
    %add3A_1673 = arith.addi %mul3A_2, %add3A_1672 : i32
    %dma_start3A_1674 = arith.constant 416 : i32
    %dma_start3A_1675 = arith.constant 0 : i32
    %dma_start3A_1676 = tpu.memref_slice %arg9[%dma_start3A_1674, %dma_start3A_1675] : memref<512x128xf32, #tpu.memory_space<vmem>> -> memref<32x128xf32, #tpu.memory_space<vmem>>
    %dma_start3A_1677 = arith.constant 0 : i32
    %dma_start3A_1678 = tpu.memref_slice %arg5[%add3A_1673, %dma_start3A_1677] : memref<16384x128xf32, #tpu.memory_space<hbm>> -> memref<32x128xf32, #tpu.memory_space<hbm>>
    %dma_start3A_1679 = arith.constant 0 : i32
    %dma_start3A_1680 = tpu.memref_slice %arg5[%add3A_1673, %dma_start3A_1679] : memref<16384x128xf32, #tpu.memory_space<hbm>> -> memref<32x128xf32, #tpu.memory_space<hbm>>
    %dma_start3A_1681 = arith.constant 416 : i32
    %dma_start3A_1682 = arith.constant 0 : i32
    %dma_start3A_1683 = tpu.memref_slice %arg9[%dma_start3A_1681, %dma_start3A_1682] : memref<512x128xf32, #tpu.memory_space<vmem>> -> memref<32x128xf32, #tpu.memory_space<vmem>>
    tpu.enqueue_dma source(%dma_start3A_1683 : memref<32x128xf32, #tpu.memory_space<vmem>>) target(%dma_start3A_1680 : memref<32x128xf32, #tpu.memory_space<hbm>>) target_semaphore(%arg11 : memref<!tpu.dma_semaphore, #tpu.memory_space<semaphore_mem>>)
    %dma_wait3A_1684 = arith.constant 14 : i32
    %dma_wait3A_1685 = arith.constant 448 : i32
    %dma_wait3A_1686 = arith.constant 0 : i32
    %dma_wait3A_1687 = tpu.memref_slice %arg9[%dma_wait3A_1685, %dma_wait3A_1686] : memref<512x128xf32, #tpu.memory_space<vmem>> -> memref<32x128xf32, #tpu.memory_space<vmem>>
    %dma_wait3A_1688 = arith.constant 0 : i32
    %dma_wait3A_1689 = tpu.memref_slice %arg8[%dma_wait3A_1684, %dma_wait3A_1688] : memref<16x32xi32, #tpu.memory_space<vmem>> -> memref<1x32xi32, #tpu.memory_space<vmem>>
    %dma_wait3A_1690 = tpu.memref_squeeze %dma_wait3A_1689 : memref<1x32xi32, #tpu.memory_space<vmem>> -> memref<32xi32, #tpu.memory_space<vmem>>
    %dma_wait3A_1691 = arith.constant 0 : i32
    %dma_wait3A_1692 = arith.constant 0 : i32
    %dma_wait3A_1693 = tpu.memref_slice %arg4[%dma_wait3A_1691, %dma_wait3A_1692] : memref<100000x128xf32, #tpu.memory_space<hbm>> -> memref<100000x128xf32, #tpu.memory_space<hbm>>
    tpu.wait_indirect_dma semaphore(%arg10 : memref<!tpu.dma_semaphore, #tpu.memory_space<semaphore_mem>>) src(%dma_wait3A_1693 : memref<100000x128xf32, #tpu.memory_space<hbm>>) dst(%dma_wait3A_1687 : memref<32x128xf32, #tpu.memory_space<vmem>>)
    %add3A_1694 = arith.constant 448 : i32
    %add3A_1695 = arith.addi %mul3A_2, %add3A_1694 : i32
    %dma_start3A_1696 = arith.constant 448 : i32
    %dma_start3A_1697 = arith.constant 0 : i32
    %dma_start3A_1698 = tpu.memref_slice %arg9[%dma_start3A_1696, %dma_start3A_1697] : memref<512x128xf32, #tpu.memory_space<vmem>> -> memref<32x128xf32, #tpu.memory_space<vmem>>
    %dma_start3A_1699 = arith.constant 0 : i32
    %dma_start3A_1700 = tpu.memref_slice %arg5[%add3A_1695, %dma_start3A_1699] : memref<16384x128xf32, #tpu.memory_space<hbm>> -> memref<32x128xf32, #tpu.memory_space<hbm>>
    %dma_start3A_1701 = arith.constant 0 : i32
    %dma_start3A_1702 = tpu.memref_slice %arg5[%add3A_1695, %dma_start3A_1701] : memref<16384x128xf32, #tpu.memory_space<hbm>> -> memref<32x128xf32, #tpu.memory_space<hbm>>
    %dma_start3A_1703 = arith.constant 448 : i32
    %dma_start3A_1704 = arith.constant 0 : i32
    %dma_start3A_1705 = tpu.memref_slice %arg9[%dma_start3A_1703, %dma_start3A_1704] : memref<512x128xf32, #tpu.memory_space<vmem>> -> memref<32x128xf32, #tpu.memory_space<vmem>>
    tpu.enqueue_dma source(%dma_start3A_1705 : memref<32x128xf32, #tpu.memory_space<vmem>>) target(%dma_start3A_1702 : memref<32x128xf32, #tpu.memory_space<hbm>>) target_semaphore(%arg11 : memref<!tpu.dma_semaphore, #tpu.memory_space<semaphore_mem>>)
    %dma_wait3A_1706 = arith.constant 15 : i32
    %dma_wait3A_1707 = arith.constant 480 : i32
    %dma_wait3A_1708 = arith.constant 0 : i32
    %dma_wait3A_1709 = tpu.memref_slice %arg9[%dma_wait3A_1707, %dma_wait3A_1708] : memref<512x128xf32, #tpu.memory_space<vmem>> -> memref<32x128xf32, #tpu.memory_space<vmem>>
    %dma_wait3A_1710 = arith.constant 0 : i32
    %dma_wait3A_1711 = tpu.memref_slice %arg8[%dma_wait3A_1706, %dma_wait3A_1710] : memref<16x32xi32, #tpu.memory_space<vmem>> -> memref<1x32xi32, #tpu.memory_space<vmem>>
    %dma_wait3A_1712 = tpu.memref_squeeze %dma_wait3A_1711 : memref<1x32xi32, #tpu.memory_space<vmem>> -> memref<32xi32, #tpu.memory_space<vmem>>
    %dma_wait3A_1713 = arith.constant 0 : i32
    %dma_wait3A_1714 = arith.constant 0 : i32
    %dma_wait3A_1715 = tpu.memref_slice %arg4[%dma_wait3A_1713, %dma_wait3A_1714] : memref<100000x128xf32, #tpu.memory_space<hbm>> -> memref<100000x128xf32, #tpu.memory_space<hbm>>
    tpu.wait_indirect_dma semaphore(%arg10 : memref<!tpu.dma_semaphore, #tpu.memory_space<semaphore_mem>>) src(%dma_wait3A_1715 : memref<100000x128xf32, #tpu.memory_space<hbm>>) dst(%dma_wait3A_1709 : memref<32x128xf32, #tpu.memory_space<vmem>>)
    %add3A_1716 = arith.constant 480 : i32
    %add3A_1717 = arith.addi %mul3A_2, %add3A_1716 : i32
    %dma_start3A_1718 = arith.constant 480 : i32
    %dma_start3A_1719 = arith.constant 0 : i32
    %dma_start3A_1720 = tpu.memref_slice %arg9[%dma_start3A_1718, %dma_start3A_1719] : memref<512x128xf32, #tpu.memory_space<vmem>> -> memref<32x128xf32, #tpu.memory_space<vmem>>
    %dma_start3A_1721 = arith.constant 0 : i32
    %dma_start3A_1722 = tpu.memref_slice %arg5[%add3A_1717, %dma_start3A_1721] : memref<16384x128xf32, #tpu.memory_space<hbm>> -> memref<32x128xf32, #tpu.memory_space<hbm>>
    %dma_start3A_1723 = arith.constant 0 : i32
    %dma_start3A_1724 = tpu.memref_slice %arg5[%add3A_1717, %dma_start3A_1723] : memref<16384x128xf32, #tpu.memory_space<hbm>> -> memref<32x128xf32, #tpu.memory_space<hbm>>
    %dma_start3A_1725 = arith.constant 480 : i32
    %dma_start3A_1726 = arith.constant 0 : i32
    %dma_start3A_1727 = tpu.memref_slice %arg9[%dma_start3A_1725, %dma_start3A_1726] : memref<512x128xf32, #tpu.memory_space<vmem>> -> memref<32x128xf32, #tpu.memory_space<vmem>>
    tpu.enqueue_dma source(%dma_start3A_1727 : memref<32x128xf32, #tpu.memory_space<vmem>>) target(%dma_start3A_1724 : memref<32x128xf32, #tpu.memory_space<hbm>>) target_semaphore(%arg11 : memref<!tpu.dma_semaphore, #tpu.memory_space<semaphore_mem>>)
    %dma_wait3A_1728 = arith.constant 0 : i32
    %dma_wait3A_1729 = arith.constant 0 : i32
    %dma_wait3A_1730 = tpu.memref_slice %arg9[%dma_wait3A_1728, %dma_wait3A_1729] : memref<512x128xf32, #tpu.memory_space<vmem>> -> memref<32x128xf32, #tpu.memory_space<vmem>>
    %dma_wait3A_1731 = arith.constant 0 : i32
    %dma_wait3A_1732 = tpu.memref_slice %arg5[%add3A_1387, %dma_wait3A_1731] : memref<16384x128xf32, #tpu.memory_space<hbm>> -> memref<32x128xf32, #tpu.memory_space<hbm>>
    %dma_wait3A_1733 = arith.constant 0 : i32
    %dma_wait3A_1734 = tpu.memref_slice %arg5[%add3A_1387, %dma_wait3A_1733] : memref<16384x128xf32, #tpu.memory_space<hbm>> -> memref<32x128xf32, #tpu.memory_space<hbm>>
    %dma_wait3A_1735 = arith.constant 0 : i32
    %dma_wait3A_1736 = arith.constant 0 : i32
    %dma_wait3A_1737 = tpu.memref_slice %arg9[%dma_wait3A_1735, %dma_wait3A_1736] : memref<512x128xf32, #tpu.memory_space<vmem>> -> memref<32x128xf32, #tpu.memory_space<vmem>>
    tpu.wait_dma2 semaphore(%arg11 : memref<!tpu.dma_semaphore, #tpu.memory_space<semaphore_mem>>) src(%dma_wait3A_1737 : memref<32x128xf32, #tpu.memory_space<vmem>>) dst(%dma_wait3A_1734 : memref<32x128xf32, #tpu.memory_space<hbm>>)
    %dma_wait3A_1738 = arith.constant 32 : i32
    %dma_wait3A_1739 = arith.constant 0 : i32
    %dma_wait3A_1740 = tpu.memref_slice %arg9[%dma_wait3A_1738, %dma_wait3A_1739] : memref<512x128xf32, #tpu.memory_space<vmem>> -> memref<32x128xf32, #tpu.memory_space<vmem>>
    %dma_wait3A_1741 = arith.constant 0 : i32
    %dma_wait3A_1742 = tpu.memref_slice %arg5[%add3A_1409, %dma_wait3A_1741] : memref<16384x128xf32, #tpu.memory_space<hbm>> -> memref<32x128xf32, #tpu.memory_space<hbm>>
    %dma_wait3A_1743 = arith.constant 0 : i32
    %dma_wait3A_1744 = tpu.memref_slice %arg5[%add3A_1409, %dma_wait3A_1743] : memref<16384x128xf32, #tpu.memory_space<hbm>> -> memref<32x128xf32, #tpu.memory_space<hbm>>
    %dma_wait3A_1745 = arith.constant 32 : i32
    %dma_wait3A_1746 = arith.constant 0 : i32
    %dma_wait3A_1747 = tpu.memref_slice %arg9[%dma_wait3A_1745, %dma_wait3A_1746] : memref<512x128xf32, #tpu.memory_space<vmem>> -> memref<32x128xf32, #tpu.memory_space<vmem>>
    tpu.wait_dma2 semaphore(%arg11 : memref<!tpu.dma_semaphore, #tpu.memory_space<semaphore_mem>>) src(%dma_wait3A_1747 : memref<32x128xf32, #tpu.memory_space<vmem>>) dst(%dma_wait3A_1744 : memref<32x128xf32, #tpu.memory_space<hbm>>)
    %dma_wait3A_1748 = arith.constant 64 : i32
    %dma_wait3A_1749 = arith.constant 0 : i32
    %dma_wait3A_1750 = tpu.memref_slice %arg9[%dma_wait3A_1748, %dma_wait3A_1749] : memref<512x128xf32, #tpu.memory_space<vmem>> -> memref<32x128xf32, #tpu.memory_space<vmem>>
    %dma_wait3A_1751 = arith.constant 0 : i32
    %dma_wait3A_1752 = tpu.memref_slice %arg5[%add3A_1431, %dma_wait3A_1751] : memref<16384x128xf32, #tpu.memory_space<hbm>> -> memref<32x128xf32, #tpu.memory_space<hbm>>
    %dma_wait3A_1753 = arith.constant 0 : i32
    %dma_wait3A_1754 = tpu.memref_slice %arg5[%add3A_1431, %dma_wait3A_1753] : memref<16384x128xf32, #tpu.memory_space<hbm>> -> memref<32x128xf32, #tpu.memory_space<hbm>>
    %dma_wait3A_1755 = arith.constant 64 : i32
    %dma_wait3A_1756 = arith.constant 0 : i32
    %dma_wait3A_1757 = tpu.memref_slice %arg9[%dma_wait3A_1755, %dma_wait3A_1756] : memref<512x128xf32, #tpu.memory_space<vmem>> -> memref<32x128xf32, #tpu.memory_space<vmem>>
    tpu.wait_dma2 semaphore(%arg11 : memref<!tpu.dma_semaphore, #tpu.memory_space<semaphore_mem>>) src(%dma_wait3A_1757 : memref<32x128xf32, #tpu.memory_space<vmem>>) dst(%dma_wait3A_1754 : memref<32x128xf32, #tpu.memory_space<hbm>>)
    %dma_wait3A_1758 = arith.constant 96 : i32
    %dma_wait3A_1759 = arith.constant 0 : i32
    %dma_wait3A_1760 = tpu.memref_slice %arg9[%dma_wait3A_1758, %dma_wait3A_1759] : memref<512x128xf32, #tpu.memory_space<vmem>> -> memref<32x128xf32, #tpu.memory_space<vmem>>
    %dma_wait3A_1761 = arith.constant 0 : i32
    %dma_wait3A_1762 = tpu.memref_slice %arg5[%add3A_1453, %dma_wait3A_1761] : memref<16384x128xf32, #tpu.memory_space<hbm>> -> memref<32x128xf32, #tpu.memory_space<hbm>>
    %dma_wait3A_1763 = arith.constant 0 : i32
    %dma_wait3A_1764 = tpu.memref_slice %arg5[%add3A_1453, %dma_wait3A_1763] : memref<16384x128xf32, #tpu.memory_space<hbm>> -> memref<32x128xf32, #tpu.memory_space<hbm>>
    %dma_wait3A_1765 = arith.constant 96 : i32
    %dma_wait3A_1766 = arith.constant 0 : i32
    %dma_wait3A_1767 = tpu.memref_slice %arg9[%dma_wait3A_1765, %dma_wait3A_1766] : memref<512x128xf32, #tpu.memory_space<vmem>> -> memref<32x128xf32, #tpu.memory_space<vmem>>
    tpu.wait_dma2 semaphore(%arg11 : memref<!tpu.dma_semaphore, #tpu.memory_space<semaphore_mem>>) src(%dma_wait3A_1767 : memref<32x128xf32, #tpu.memory_space<vmem>>) dst(%dma_wait3A_1764 : memref<32x128xf32, #tpu.memory_space<hbm>>)
    %dma_wait3A_1768 = arith.constant 128 : i32
    %dma_wait3A_1769 = arith.constant 0 : i32
    %dma_wait3A_1770 = tpu.memref_slice %arg9[%dma_wait3A_1768, %dma_wait3A_1769] : memref<512x128xf32, #tpu.memory_space<vmem>> -> memref<32x128xf32, #tpu.memory_space<vmem>>
    %dma_wait3A_1771 = arith.constant 0 : i32
    %dma_wait3A_1772 = tpu.memref_slice %arg5[%add3A_1475, %dma_wait3A_1771] : memref<16384x128xf32, #tpu.memory_space<hbm>> -> memref<32x128xf32, #tpu.memory_space<hbm>>
    %dma_wait3A_1773 = arith.constant 0 : i32
    %dma_wait3A_1774 = tpu.memref_slice %arg5[%add3A_1475, %dma_wait3A_1773] : memref<16384x128xf32, #tpu.memory_space<hbm>> -> memref<32x128xf32, #tpu.memory_space<hbm>>
    %dma_wait3A_1775 = arith.constant 128 : i32
    %dma_wait3A_1776 = arith.constant 0 : i32
    %dma_wait3A_1777 = tpu.memref_slice %arg9[%dma_wait3A_1775, %dma_wait3A_1776] : memref<512x128xf32, #tpu.memory_space<vmem>> -> memref<32x128xf32, #tpu.memory_space<vmem>>
    tpu.wait_dma2 semaphore(%arg11 : memref<!tpu.dma_semaphore, #tpu.memory_space<semaphore_mem>>) src(%dma_wait3A_1777 : memref<32x128xf32, #tpu.memory_space<vmem>>) dst(%dma_wait3A_1774 : memref<32x128xf32, #tpu.memory_space<hbm>>)
    %dma_wait3A_1778 = arith.constant 160 : i32
    %dma_wait3A_1779 = arith.constant 0 : i32
    %dma_wait3A_1780 = tpu.memref_slice %arg9[%dma_wait3A_1778, %dma_wait3A_1779] : memref<512x128xf32, #tpu.memory_space<vmem>> -> memref<32x128xf32, #tpu.memory_space<vmem>>
    %dma_wait3A_1781 = arith.constant 0 : i32
    %dma_wait3A_1782 = tpu.memref_slice %arg5[%add3A_1497, %dma_wait3A_1781] : memref<16384x128xf32, #tpu.memory_space<hbm>> -> memref<32x128xf32, #tpu.memory_space<hbm>>
    %dma_wait3A_1783 = arith.constant 0 : i32
    %dma_wait3A_1784 = tpu.memref_slice %arg5[%add3A_1497, %dma_wait3A_1783] : memref<16384x128xf32, #tpu.memory_space<hbm>> -> memref<32x128xf32, #tpu.memory_space<hbm>>
    %dma_wait3A_1785 = arith.constant 160 : i32
    %dma_wait3A_1786 = arith.constant 0 : i32
    %dma_wait3A_1787 = tpu.memref_slice %arg9[%dma_wait3A_1785, %dma_wait3A_1786] : memref<512x128xf32, #tpu.memory_space<vmem>> -> memref<32x128xf32, #tpu.memory_space<vmem>>
    tpu.wait_dma2 semaphore(%arg11 : memref<!tpu.dma_semaphore, #tpu.memory_space<semaphore_mem>>) src(%dma_wait3A_1787 : memref<32x128xf32, #tpu.memory_space<vmem>>) dst(%dma_wait3A_1784 : memref<32x128xf32, #tpu.memory_space<hbm>>)
    %dma_wait3A_1788 = arith.constant 192 : i32
    %dma_wait3A_1789 = arith.constant 0 : i32
    %dma_wait3A_1790 = tpu.memref_slice %arg9[%dma_wait3A_1788, %dma_wait3A_1789] : memref<512x128xf32, #tpu.memory_space<vmem>> -> memref<32x128xf32, #tpu.memory_space<vmem>>
    %dma_wait3A_1791 = arith.constant 0 : i32
    %dma_wait3A_1792 = tpu.memref_slice %arg5[%add3A_1519, %dma_wait3A_1791] : memref<16384x128xf32, #tpu.memory_space<hbm>> -> memref<32x128xf32, #tpu.memory_space<hbm>>
    %dma_wait3A_1793 = arith.constant 0 : i32
    %dma_wait3A_1794 = tpu.memref_slice %arg5[%add3A_1519, %dma_wait3A_1793] : memref<16384x128xf32, #tpu.memory_space<hbm>> -> memref<32x128xf32, #tpu.memory_space<hbm>>
    %dma_wait3A_1795 = arith.constant 192 : i32
    %dma_wait3A_1796 = arith.constant 0 : i32
    %dma_wait3A_1797 = tpu.memref_slice %arg9[%dma_wait3A_1795, %dma_wait3A_1796] : memref<512x128xf32, #tpu.memory_space<vmem>> -> memref<32x128xf32, #tpu.memory_space<vmem>>
    tpu.wait_dma2 semaphore(%arg11 : memref<!tpu.dma_semaphore, #tpu.memory_space<semaphore_mem>>) src(%dma_wait3A_1797 : memref<32x128xf32, #tpu.memory_space<vmem>>) dst(%dma_wait3A_1794 : memref<32x128xf32, #tpu.memory_space<hbm>>)
    %dma_wait3A_1798 = arith.constant 224 : i32
    %dma_wait3A_1799 = arith.constant 0 : i32
    %dma_wait3A_1800 = tpu.memref_slice %arg9[%dma_wait3A_1798, %dma_wait3A_1799] : memref<512x128xf32, #tpu.memory_space<vmem>> -> memref<32x128xf32, #tpu.memory_space<vmem>>
    %dma_wait3A_1801 = arith.constant 0 : i32
    %dma_wait3A_1802 = tpu.memref_slice %arg5[%add3A_1541, %dma_wait3A_1801] : memref<16384x128xf32, #tpu.memory_space<hbm>> -> memref<32x128xf32, #tpu.memory_space<hbm>>
    %dma_wait3A_1803 = arith.constant 0 : i32
    %dma_wait3A_1804 = tpu.memref_slice %arg5[%add3A_1541, %dma_wait3A_1803] : memref<16384x128xf32, #tpu.memory_space<hbm>> -> memref<32x128xf32, #tpu.memory_space<hbm>>
    %dma_wait3A_1805 = arith.constant 224 : i32
    %dma_wait3A_1806 = arith.constant 0 : i32
    %dma_wait3A_1807 = tpu.memref_slice %arg9[%dma_wait3A_1805, %dma_wait3A_1806] : memref<512x128xf32, #tpu.memory_space<vmem>> -> memref<32x128xf32, #tpu.memory_space<vmem>>
    tpu.wait_dma2 semaphore(%arg11 : memref<!tpu.dma_semaphore, #tpu.memory_space<semaphore_mem>>) src(%dma_wait3A_1807 : memref<32x128xf32, #tpu.memory_space<vmem>>) dst(%dma_wait3A_1804 : memref<32x128xf32, #tpu.memory_space<hbm>>)
    %dma_wait3A_1808 = arith.constant 256 : i32
    %dma_wait3A_1809 = arith.constant 0 : i32
    %dma_wait3A_1810 = tpu.memref_slice %arg9[%dma_wait3A_1808, %dma_wait3A_1809] : memref<512x128xf32, #tpu.memory_space<vmem>> -> memref<32x128xf32, #tpu.memory_space<vmem>>
    %dma_wait3A_1811 = arith.constant 0 : i32
    %dma_wait3A_1812 = tpu.memref_slice %arg5[%add3A_1563, %dma_wait3A_1811] : memref<16384x128xf32, #tpu.memory_space<hbm>> -> memref<32x128xf32, #tpu.memory_space<hbm>>
    %dma_wait3A_1813 = arith.constant 0 : i32
    %dma_wait3A_1814 = tpu.memref_slice %arg5[%add3A_1563, %dma_wait3A_1813] : memref<16384x128xf32, #tpu.memory_space<hbm>> -> memref<32x128xf32, #tpu.memory_space<hbm>>
    %dma_wait3A_1815 = arith.constant 256 : i32
    %dma_wait3A_1816 = arith.constant 0 : i32
    %dma_wait3A_1817 = tpu.memref_slice %arg9[%dma_wait3A_1815, %dma_wait3A_1816] : memref<512x128xf32, #tpu.memory_space<vmem>> -> memref<32x128xf32, #tpu.memory_space<vmem>>
    tpu.wait_dma2 semaphore(%arg11 : memref<!tpu.dma_semaphore, #tpu.memory_space<semaphore_mem>>) src(%dma_wait3A_1817 : memref<32x128xf32, #tpu.memory_space<vmem>>) dst(%dma_wait3A_1814 : memref<32x128xf32, #tpu.memory_space<hbm>>)
    %dma_wait3A_1818 = arith.constant 288 : i32
    %dma_wait3A_1819 = arith.constant 0 : i32
    %dma_wait3A_1820 = tpu.memref_slice %arg9[%dma_wait3A_1818, %dma_wait3A_1819] : memref<512x128xf32, #tpu.memory_space<vmem>> -> memref<32x128xf32, #tpu.memory_space<vmem>>
    %dma_wait3A_1821 = arith.constant 0 : i32
    %dma_wait3A_1822 = tpu.memref_slice %arg5[%add3A_1585, %dma_wait3A_1821] : memref<16384x128xf32, #tpu.memory_space<hbm>> -> memref<32x128xf32, #tpu.memory_space<hbm>>
    %dma_wait3A_1823 = arith.constant 0 : i32
    %dma_wait3A_1824 = tpu.memref_slice %arg5[%add3A_1585, %dma_wait3A_1823] : memref<16384x128xf32, #tpu.memory_space<hbm>> -> memref<32x128xf32, #tpu.memory_space<hbm>>
    %dma_wait3A_1825 = arith.constant 288 : i32
    %dma_wait3A_1826 = arith.constant 0 : i32
    %dma_wait3A_1827 = tpu.memref_slice %arg9[%dma_wait3A_1825, %dma_wait3A_1826] : memref<512x128xf32, #tpu.memory_space<vmem>> -> memref<32x128xf32, #tpu.memory_space<vmem>>
    tpu.wait_dma2 semaphore(%arg11 : memref<!tpu.dma_semaphore, #tpu.memory_space<semaphore_mem>>) src(%dma_wait3A_1827 : memref<32x128xf32, #tpu.memory_space<vmem>>) dst(%dma_wait3A_1824 : memref<32x128xf32, #tpu.memory_space<hbm>>)
    %dma_wait3A_1828 = arith.constant 320 : i32
    %dma_wait3A_1829 = arith.constant 0 : i32
    %dma_wait3A_1830 = tpu.memref_slice %arg9[%dma_wait3A_1828, %dma_wait3A_1829] : memref<512x128xf32, #tpu.memory_space<vmem>> -> memref<32x128xf32, #tpu.memory_space<vmem>>
    %dma_wait3A_1831 = arith.constant 0 : i32
    %dma_wait3A_1832 = tpu.memref_slice %arg5[%add3A_1607, %dma_wait3A_1831] : memref<16384x128xf32, #tpu.memory_space<hbm>> -> memref<32x128xf32, #tpu.memory_space<hbm>>
    %dma_wait3A_1833 = arith.constant 0 : i32
    %dma_wait3A_1834 = tpu.memref_slice %arg5[%add3A_1607, %dma_wait3A_1833] : memref<16384x128xf32, #tpu.memory_space<hbm>> -> memref<32x128xf32, #tpu.memory_space<hbm>>
    %dma_wait3A_1835 = arith.constant 320 : i32
    %dma_wait3A_1836 = arith.constant 0 : i32
    %dma_wait3A_1837 = tpu.memref_slice %arg9[%dma_wait3A_1835, %dma_wait3A_1836] : memref<512x128xf32, #tpu.memory_space<vmem>> -> memref<32x128xf32, #tpu.memory_space<vmem>>
    tpu.wait_dma2 semaphore(%arg11 : memref<!tpu.dma_semaphore, #tpu.memory_space<semaphore_mem>>) src(%dma_wait3A_1837 : memref<32x128xf32, #tpu.memory_space<vmem>>) dst(%dma_wait3A_1834 : memref<32x128xf32, #tpu.memory_space<hbm>>)
    %dma_wait3A_1838 = arith.constant 352 : i32
    %dma_wait3A_1839 = arith.constant 0 : i32
    %dma_wait3A_1840 = tpu.memref_slice %arg9[%dma_wait3A_1838, %dma_wait3A_1839] : memref<512x128xf32, #tpu.memory_space<vmem>> -> memref<32x128xf32, #tpu.memory_space<vmem>>
    %dma_wait3A_1841 = arith.constant 0 : i32
    %dma_wait3A_1842 = tpu.memref_slice %arg5[%add3A_1629, %dma_wait3A_1841] : memref<16384x128xf32, #tpu.memory_space<hbm>> -> memref<32x128xf32, #tpu.memory_space<hbm>>
    %dma_wait3A_1843 = arith.constant 0 : i32
    %dma_wait3A_1844 = tpu.memref_slice %arg5[%add3A_1629, %dma_wait3A_1843] : memref<16384x128xf32, #tpu.memory_space<hbm>> -> memref<32x128xf32, #tpu.memory_space<hbm>>
    %dma_wait3A_1845 = arith.constant 352 : i32
    %dma_wait3A_1846 = arith.constant 0 : i32
    %dma_wait3A_1847 = tpu.memref_slice %arg9[%dma_wait3A_1845, %dma_wait3A_1846] : memref<512x128xf32, #tpu.memory_space<vmem>> -> memref<32x128xf32, #tpu.memory_space<vmem>>
    tpu.wait_dma2 semaphore(%arg11 : memref<!tpu.dma_semaphore, #tpu.memory_space<semaphore_mem>>) src(%dma_wait3A_1847 : memref<32x128xf32, #tpu.memory_space<vmem>>) dst(%dma_wait3A_1844 : memref<32x128xf32, #tpu.memory_space<hbm>>)
    %dma_wait3A_1848 = arith.constant 384 : i32
    %dma_wait3A_1849 = arith.constant 0 : i32
    %dma_wait3A_1850 = tpu.memref_slice %arg9[%dma_wait3A_1848, %dma_wait3A_1849] : memref<512x128xf32, #tpu.memory_space<vmem>> -> memref<32x128xf32, #tpu.memory_space<vmem>>
    %dma_wait3A_1851 = arith.constant 0 : i32
    %dma_wait3A_1852 = tpu.memref_slice %arg5[%add3A_1651, %dma_wait3A_1851] : memref<16384x128xf32, #tpu.memory_space<hbm>> -> memref<32x128xf32, #tpu.memory_space<hbm>>
    %dma_wait3A_1853 = arith.constant 0 : i32
    %dma_wait3A_1854 = tpu.memref_slice %arg5[%add3A_1651, %dma_wait3A_1853] : memref<16384x128xf32, #tpu.memory_space<hbm>> -> memref<32x128xf32, #tpu.memory_space<hbm>>
    %dma_wait3A_1855 = arith.constant 384 : i32
    %dma_wait3A_1856 = arith.constant 0 : i32
    %dma_wait3A_1857 = tpu.memref_slice %arg9[%dma_wait3A_1855, %dma_wait3A_1856] : memref<512x128xf32, #tpu.memory_space<vmem>> -> memref<32x128xf32, #tpu.memory_space<vmem>>
    tpu.wait_dma2 semaphore(%arg11 : memref<!tpu.dma_semaphore, #tpu.memory_space<semaphore_mem>>) src(%dma_wait3A_1857 : memref<32x128xf32, #tpu.memory_space<vmem>>) dst(%dma_wait3A_1854 : memref<32x128xf32, #tpu.memory_space<hbm>>)
    %dma_wait3A_1858 = arith.constant 416 : i32
    %dma_wait3A_1859 = arith.constant 0 : i32
    %dma_wait3A_1860 = tpu.memref_slice %arg9[%dma_wait3A_1858, %dma_wait3A_1859] : memref<512x128xf32, #tpu.memory_space<vmem>> -> memref<32x128xf32, #tpu.memory_space<vmem>>
    %dma_wait3A_1861 = arith.constant 0 : i32
    %dma_wait3A_1862 = tpu.memref_slice %arg5[%add3A_1673, %dma_wait3A_1861] : memref<16384x128xf32, #tpu.memory_space<hbm>> -> memref<32x128xf32, #tpu.memory_space<hbm>>
    %dma_wait3A_1863 = arith.constant 0 : i32
    %dma_wait3A_1864 = tpu.memref_slice %arg5[%add3A_1673, %dma_wait3A_1863] : memref<16384x128xf32, #tpu.memory_space<hbm>> -> memref<32x128xf32, #tpu.memory_space<hbm>>
    %dma_wait3A_1865 = arith.constant 416 : i32
    %dma_wait3A_1866 = arith.constant 0 : i32
    %dma_wait3A_1867 = tpu.memref_slice %arg9[%dma_wait3A_1865, %dma_wait3A_1866] : memref<512x128xf32, #tpu.memory_space<vmem>> -> memref<32x128xf32, #tpu.memory_space<vmem>>
    tpu.wait_dma2 semaphore(%arg11 : memref<!tpu.dma_semaphore, #tpu.memory_space<semaphore_mem>>) src(%dma_wait3A_1867 : memref<32x128xf32, #tpu.memory_space<vmem>>) dst(%dma_wait3A_1864 : memref<32x128xf32, #tpu.memory_space<hbm>>)
    %dma_wait3A_1868 = arith.constant 448 : i32
    %dma_wait3A_1869 = arith.constant 0 : i32
    %dma_wait3A_1870 = tpu.memref_slice %arg9[%dma_wait3A_1868, %dma_wait3A_1869] : memref<512x128xf32, #tpu.memory_space<vmem>> -> memref<32x128xf32, #tpu.memory_space<vmem>>
    %dma_wait3A_1871 = arith.constant 0 : i32
    %dma_wait3A_1872 = tpu.memref_slice %arg5[%add3A_1695, %dma_wait3A_1871] : memref<16384x128xf32, #tpu.memory_space<hbm>> -> memref<32x128xf32, #tpu.memory_space<hbm>>
    %dma_wait3A_1873 = arith.constant 0 : i32
    %dma_wait3A_1874 = tpu.memref_slice %arg5[%add3A_1695, %dma_wait3A_1873] : memref<16384x128xf32, #tpu.memory_space<hbm>> -> memref<32x128xf32, #tpu.memory_space<hbm>>
    %dma_wait3A_1875 = arith.constant 448 : i32
    %dma_wait3A_1876 = arith.constant 0 : i32
    %dma_wait3A_1877 = tpu.memref_slice %arg9[%dma_wait3A_1875, %dma_wait3A_1876] : memref<512x128xf32, #tpu.memory_space<vmem>> -> memref<32x128xf32, #tpu.memory_space<vmem>>
    tpu.wait_dma2 semaphore(%arg11 : memref<!tpu.dma_semaphore, #tpu.memory_space<semaphore_mem>>) src(%dma_wait3A_1877 : memref<32x128xf32, #tpu.memory_space<vmem>>) dst(%dma_wait3A_1874 : memref<32x128xf32, #tpu.memory_space<hbm>>)
    %dma_wait3A_1878 = arith.constant 480 : i32
    %dma_wait3A_1879 = arith.constant 0 : i32
    %dma_wait3A_1880 = tpu.memref_slice %arg9[%dma_wait3A_1878, %dma_wait3A_1879] : memref<512x128xf32, #tpu.memory_space<vmem>> -> memref<32x128xf32, #tpu.memory_space<vmem>>
    %dma_wait3A_1881 = arith.constant 0 : i32
    %dma_wait3A_1882 = tpu.memref_slice %arg5[%add3A_1717, %dma_wait3A_1881] : memref<16384x128xf32, #tpu.memory_space<hbm>> -> memref<32x128xf32, #tpu.memory_space<hbm>>
    %dma_wait3A_1883 = arith.constant 0 : i32
    %dma_wait3A_1884 = tpu.memref_slice %arg5[%add3A_1717, %dma_wait3A_1883] : memref<16384x128xf32, #tpu.memory_space<hbm>> -> memref<32x128xf32, #tpu.memory_space<hbm>>
    %dma_wait3A_1885 = arith.constant 480 : i32
    %dma_wait3A_1886 = arith.constant 0 : i32
    %dma_wait3A_1887 = tpu.memref_slice %arg9[%dma_wait3A_1885, %dma_wait3A_1886] : memref<512x128xf32, #tpu.memory_space<vmem>> -> memref<32x128xf32, #tpu.memory_space<vmem>>
    tpu.wait_dma2 semaphore(%arg11 : memref<!tpu.dma_semaphore, #tpu.memory_space<semaphore_mem>>) src(%dma_wait3A_1887 : memref<32x128xf32, #tpu.memory_space<vmem>>) dst(%dma_wait3A_1884 : memref<32x128xf32, #tpu.memory_space<hbm>>)
    return
  }
}

</mosaic_0001>

<sc_bundles>
// kernel: _sc_gather.3.cloned.1.call-start
scs
__scs_entry_jumppad:
0x0: {  	(pc) =	sbr.rel $0x88, $3  }
0x1: {  	(tag) =	ssettag $0x0;
	lr =	simm.s32 $0x1  }
0x2: {  	[smem:$0x3F9E] =	sst lr;
	_ =	strace $0xD0000000  }
0x3: {  	_ = 	snop  }
0x4: {  	_ = 	snop  }
0x5: {  	_ = 	snop  }
0x6: {  	_ = 	snop  }
0x7: {  	_ = 	snop  }
__scs_overlays_trampoline_lowered:
0x8: {  	[smem:$0x3FAD] =	sst s0  }
0x9: {  	[smem:$0x3FAE] =	sst s1  }
0xa: {  	[smem:$0x3FAF] =	sst s2  }
0xb: {  	[smem:$0x3FB0] =	sst s3  }
0xc: {  	[smem:$0x3FB1] =	sst s4  }
0xd: {  	[smem:$0x3FB2] =	sst s5  }
0xe: {  	[smem:$0x3FB3] =	sst s6  }
0xf: {  	[smem:$0x3FB4] =	sst s7  }
0x10: {  	[smem:$0x3FB5] =	sst s8  }
0x11: {  	[smem:$0x3FB6] =	sst s9;
	s0 =	simm.s32 @!p0 $0x0  }
0x12: {  	s1 =	sld [smem:$0x3F9C];
	s0 =	simm.s32 @p0 $0x1  }
0x13: {  	[smem:$0x3FB7] =	sst s0;
	s0 =	simm.s32 @!p1 $0x0  }
0x14: {  	s2 =	sld [smem:$0x3F9B];
	s0 =	simm.s32 @p1 $0x1  }
0x15: {  	[smem:$0x3FB8] =	sst s0;
	s0 =	simm.s32 @!p2 $0x0  }
0x16: {  	s3 =	sld [smem:$0x3FDB];
	s0 =	simm.s32 @p2 $0x1  }
0x17: {  	s4 =	simm.s32 $0x1BF5;
	[smem:$0x3FBA] =	sst s0  }
0x18: {  	s0 =	sld [smem:$0x3F9D];
	_ =	swait.ge [sflag:s4], $0x0  }
0x19: {  	s7 =	sld [smem:$0x3F9E]  }
0x1a: {  	s8 =	sadd.s32 $0xFFFFE003, lr  }
0x1b: {  	s9 =	sadd.s32 $0xFFFFFEF7, lr;
	s5 =	simm.s32 $0xFFFFFFFF;
	p2 =	slt.u32 s8, $0xFFFFF086  }
0x1c: {  	p1 =	slt.u32 s9, $0xF7A;
	s5 =	simm.s32 @!p2 $0x0  }
0x1d: {  	s5 =	simm.s32 @p1 $0x1;
	p0 =	seq.s32 s7, s2  }
0x1e: {  	s7 =	smul.u32 @!p0 $0xF7A, s2;
	p2 =	seq.s32 @!p0 s5, $0x0  }
0x1f: {  	s9 =	smul.u32 $0xF7A, s1;
	s8 =	simm.s32 @!p0 $0x1BF5;
	p2 =	por !p2, p0  }
0x20: {  	[sflag:s8] =	ssyncset.s32 @!p0 $0xFFFFF086;
	s6 =	sadd.s32 @!p0 s3, s7;
	s7 =	simm.s32 @!p0 $0x108  }
0x21: {  	s3 =	sadd.s32 s3, s9;
	s6 =	sadd.s32 @!p0 $0x88, s6;
	s7 =	simm.s32 @p2 $0x1082  }
0x22: {  	[simem:s7], [sflag:s8] =	dma.local @!p0 [hbm:s6], $0xF7A  }
0x23: {  	s9 =	sor.u32 $0xD0000000, s2;
	s6 =	simm.s32 $0x108;
	_ =	swait.ge @!p0 [sflag:s8], $0x0  }
0x24: {  	s3 =	sadd.s32 $0x88, s3;
	s6 =	simm.s32 @!p1 $0x1082;
	[sflag:s4] =	ssyncset.s32 $0xFFFFF086  }
0x25: {  	[simem:s6], [sflag:s4] =	dma.local [hbm:s3], $0xF7A  }
0x26: {  	[smem:$0x3F9E] =	sst s1;
	(tag) =	ssettag s2;
	_ =	strace s9  }
0x27: {  	s1 =	sld [smem:$0x3FAE]  }
0x28: {  	s2 =	sld [smem:$0x3FAF]  }
0x29: {  	s4 =	sld [smem:$0x3FB1]  }
0x2a: {  	p0 =	seq.s32 s5, $0x0;
	s5 =	sld [smem:$0x3FB2]  }
0x2b: {  	s6 =	sld [smem:$0x3FB3]  }
0x2c: {  	s7 =	sld [smem:$0x3FB4]  }
0x2d: {  	s3 =	simm.s32 $0x108;
	s8 =	sld [smem:$0x3FB5]  }
0x2e: {  	s3 =	simm.s32 @!p0 $0x1082;
	s9 =	sld [smem:$0x3FB6]  }
0x2f: {  	lr =	sadd.s32 s0, s3;
	s0 =	sld [smem:$0x3FAD]  }
0x30: {  	s3 =	sld [smem:$0x3FB0]  }
0x31: {  	[smem:$0x3FB9] =	sst s10  }
0x32: {  	s10 =	sld [smem:$0x3FB7];
	_ =	sdelay $0x3  }
0x33: {  	p0 =	seq.s32 s10, $0x1;
	s10 =	sld [smem:$0x3FB9];
	_ =	sdelay $0x3  }
0x34: {  	[smem:$0x3FB9] =	sst s10  }
0x35: {  	s10 =	sld [smem:$0x3FB8];
	_ =	sdelay $0x3  }
0x36: {  	p1 =	seq.s32 s10, $0x1;
	s10 =	sld [smem:$0x3FB9];
	_ =	sdelay $0x3  }
0x37: {  	[smem:$0x3FB9] =	sst s10  }
0x38: {  	s10 =	sld [smem:$0x3FBA]  }
0x39: {  	_ = 	snop;
	(pc) =	sbr.ind lr, $3  }
0x3a: {  	_ = 	snop  }
0x3b: {  	_ = 	snop  }
0x3c: {  	p2 =	seq.s32 s10, $0x1;
	s10 =	sld [smem:$0x3FB9]  }
0x3d: {  	_ =	shalt  }
0x3e: {  	_ =	shalt  }
0x3f: {  	_ =	shalt  }
0x40: {  	_ =	shalt  }
0x41: {  	_ =	shalt  }
0x42: {  	_ =	shalt  }
0x43: {  	_ =	shalt  }
0x44: {  	_ =	shalt  }
0x45: {  	_ =	shalt  }
0x46: {  	_ =	shalt  }
0x47: {  	_ =	shalt  }
0x48: {  	_ =	shalt  }
0x49: {  	_ =	shalt  }
0x4a: {  	_ =	shalt  }
0x4b: {  	_ =	shalt  }
0x4c: {  	_ =	shalt  }
0x4d: {  	_ =	shalt  }
0x4e: {  	_ =	shalt  }
0x4f: {  	_ =	shalt  }
0x50: {  	_ =	shalt  }
0x51: {  	_ =	shalt  }
0x52: {  	_ =	shalt  }
0x53: {  	_ =	shalt  }
0x54: {  	_ =	shalt  }
0x55: {  	_ =	shalt  }
0x56: {  	_ =	shalt  }
0x57: {  	_ =	shalt  }
0x58: {  	_ =	shalt  }
0x59: {  	_ =	shalt  }
0x5a: {  	_ =	shalt  }
0x5b: {  	_ =	shalt  }
0x5c: {  	_ =	shalt  }
0x5d: {  	_ =	shalt  }
0x5e: {  	_ =	shalt  }
0x5f: {  	_ =	shalt  }
0x60: {  	_ =	shalt  }
0x61: {  	_ =	shalt  }
0x62: {  	_ =	shalt  }
0x63: {  	_ =	shalt  }
0x64: {  	_ =	shalt  }
0x65: {  	_ =	shalt  }
0x66: {  	_ =	shalt  }
0x67: {  	_ =	shalt  }
0x68: {  	_ =	shalt  }
0x69: {  	_ =	shalt  }
0x6a: {  	_ =	shalt  }
0x6b: {  	_ =	shalt  }
0x6c: {  	_ =	shalt  }
0x6d: {  	_ =	shalt  }
0x6e: {  	_ =	shalt  }
0x6f: {  	_ =	shalt  }
0x70: {  	_ =	shalt  }
0x71: {  	_ =	shalt  }
0x72: {  	_ =	shalt  }
0x73: {  	_ =	shalt  }
0x74: {  	_ =	shalt  }
0x75: {  	_ =	shalt  }
0x76: {  	_ =	shalt  }
0x77: {  	_ =	shalt  }
0x78: {  	_ =	shalt  }
0x79: {  	_ =	shalt  }
0x7a: {  	_ =	shalt  }
0x7b: {  	_ =	shalt  }
0x7c: {  	_ =	shalt  }
0x7d: {  	_ =	shalt  }
0x7e: {  	_ =	shalt  }
0x7f: {  	_ =	shalt  }
0x80: {  	_ =	shalt  }
0x81: {  	_ =	shalt  }
0x82: {  	_ =	shalt  }
0x83: {  	_ =	shalt  }
0x84: {  	_ =	shalt  }
0x85: {  	_ =	shalt  }
0x86: {  	_ =	shalt  }
0x87: {  	_ =	shalt  }
.Lfunc_end0:
.L_simem_size_0:
called_computation_lowered:
.L_overlay_start_0:
0x88: {  	s2 =	sld [smem:$0x3FD9]  }
0x89: {  	s3 =	sld [smem:$0x3FFE];
	_ =	sdelay $0x1  }
0x8a: {  	s1 =	srdreg.scid  }
0x8b: {  	s0 =	sand.u32 $0x1, s1  }
0x8c: {  	s18 =	sshll.u32 s0, $0xA;
	s2 =	sadd.s32 s3, s2  }
0x8d: {  	s2 =	sadd.s32 s2, s18  }
0x8e: {  	[smem:$0x3FC5] =	sst s2  }
0x8f: {  	_ = 	snop  }
0x90: {  	s2 =	sld [smem:$0x3FC9]  }
0x91: {  	s19 =	sld [smem:$0x3FC8]  }
0x92: {  	s4 =	sld [smem:$0x3FC7]  }
0x93: {  	s5 =	sld [smem:$0x3FD0];
	(tm) =	ssettm $0x1  }
0x94: {  	s6 =	sld [smem:$0x3FFB];
	_ =	sdelay $0x3  }
0x95: {  	_ =	strace s6  }
0x96: {  	s6 =	sld [smem:$0x3FFC];
	_ =	sdelay $0x3  }
0x97: {  	_ =	strace s6  }
0x98: {  	s6 =	sld [smem:$0x3FFD];
	_ =	sdelay $0x3  }
0x99: {  	_ =	strace s6  }
0x9a: {  	_ =	strace $0x8FFFFFFF  }
0x9b: {  	s20 =	sld [smem:$0x3FDB];
	_ =	sdelay $0x1  }
0x9c: {  	s7 =	simm.s32 $_scs_section_size  }
0x9d: {  	s8 =	simm.s32 $_size__tile_overlayer_lowered;
	s9 =	simm.s32 $_tile_overlayer_lowered  }
0x9e: {  	s23 =	simm.s32 $0x1BFF;
	s22 =	sshll.u32 s9, $0x1;
	s6 =	sadd.s32 s7, s20  }
0x9f: {  	s10 =	simm.s32 $0x0;
	s21 =	sshll.u32 s8, $0x1;
	s8 =	sadd.s32 s22, s6  }
0xa0: {  	[timem:s10], [sflag:s23] =	dma.local [hbm:s8], s21  }
0xa1: {  	_ =	swait.ge [sflag:s23], s21  }
0xa2: {  	s7 =	ssub.s32 $0x0, s21;
	[sflag:s23] =	ssyncset.done $0x0  }
0xa3: {  	[sflag:s23] =	ssyncadd.s32 s7;
	_ =	sdelay $0x1  }
0xa4: {  	s24 =	simm.s32 $0x1B8B  }
0xa5: {  	_ =	swait.ge [sflag:s24], $0x1  }
0xa6: {  	[sflag:s24] =	ssyncset.done $0x0  }
0xa7: {  	s25 =	simm.s32 $0x1B8E;
	[sflag:s24] =	ssyncadd.s32 $0xFFFFFFFF  }
0xa8: {  	s26 =	simm.s32 $execute0_lowered;
	[smem:$0x3FD2] =	sst s25  }
0xa9: {  	s7 =	sshll.u32 s26, $0x1;
	_ =	strace $0x80000046;
	[dreg:$0x1] =	wrdreg $0xFFFFFFFF  }
0xaa: {  	s28 =	simm.s32 $_size_execute0_lowered;
	s6 =	sadd.s32 s6, s7;
	[dreg:$0x0] =	wrdreg $0x0  }
0xab: {  	s7 =	sshll.u32 s28, $0x1;
	[dreg:$0x2] =	wrdreg s6  }
0xac: {  	[dreg:$0x3] =	wrdreg s7  }
0xad: {  	[dreg:$0x4] =	wrdreg $0xC0  }
0xae: {  	_ =	task [dreg:s10], $0x5FFFF  }
0xaf: {  	[dreg:$0x1] =	wrdreg $0xFFFFFFFF  }
0xb0: {  	[dreg:$0x0] =	wrdreg $0x60  }
0xb1: {  	[dreg:$0x2] =	wrdreg s2  }
0xb2: {  	[dreg:$0x3] =	wrdreg s19  }
0xb3: {  	[dreg:$0x4] =	wrdreg s4  }
0xb4: {  	[dreg:$0x5] =	wrdreg s5  }
0xb5: {  	[dreg:$0x6] =	wrdreg $0x9  }
0xb6: {  	_ =	task.clear_ibuf [dreg:s10], $0x7FFFF;
	_ =	strace $0x90000046  }
0xb7: {  	s29 =	simm.s32 $0x9;
	_ =	strace $0x80000048  }
0xb8: {  	_ =	swait.ge [sflag:s29], $0x1  }
0xb9: {  	[sflag:s29] =	ssyncadd.s32 $0xFFFFFFFF  }
0xba: {  	_ =	strace $0x90000048  }
0xbb: {  	_ =	sfence  }
0xbc: {  	s30 =	sld [smem:$0x0];
	_ =	sdelay $0x2  }
0xbd: {  	s31 =	sshll.u32 s1, $0xD;
	s1 =	sshrl.u32 s1, $0x2  }
0xbe: {  	s3 =	sand.u32 $0x4000, s31;
	s1 =	sadd.s32 s1, s30  }
0xbf: {  	s0 =	sor.u32 s3, s0;
	s1 =	sshll.u32 s1, $0x11  }
0xc0: {  	s0 =	sor.u32 s1, s0  }
0xc1: {  	s0 =	sadd.s32 $0x8F2B, s0  }
0xc2: {  	[sflag:s0] =	ssyncadd.remote.s32 $0x1  }
0xc3: {  	_ =	sfence.sel $0xFFFF  }
0xc4: {  	[dreg:$0x0] =	wrdreg $0xFFFFFFFF;
	(pc) =	sbr.abs _section_cstart, $3  }
0xc5: {  	[dreg:$0x1] =	wrdreg $0xFFFFFFFF  }
0xc6: {  	_ =	task.clear_ibuf [dreg:s10], $0x2FFFF;
	_ =	strace $0x9FFFFFFF  }
0xc7: {  	(tm) =	ssettm $0x7FFFFFFF  }
tec
execute0_lowered:
.L_overlay_start_1:
0x0: {  	(tag) =	ssettag $0x1  }
0x1: {  	s0 =	rddreg [dreg:$0x0]  }
0x2: {  	s1 =	rddreg [dreg:$0x1]  }
0x3: {  	s3 =	rddreg [dreg:$0x3];
	s6 =	simm.s32 $0x0  }
0x4: {  	s14 =	simm.s32 $0x200;
	[smem:$0x7FF] =	sst s6  }
0x5: {  	s15 =	simm.s32 $0x400;
	_ =	strace $0x80000047;
	[dreg:$0x16] =	wrdreg s14  }
0x6: {  	s16 =	simm.s32 $0x480;
	[dreg:$0x17] =	wrdreg s15  }
0x7: {  	s17 =	simm.s32 $0x500;
	[dreg:$0x18] =	wrdreg s16  }
0x8: {  	s2 =	srdreg.scid;
	s18 =	simm.s32 $0x580;
	[dreg:$0x19] =	wrdreg s17  }
0x9: {  	s4 =	stileid.u32;
	s19 =	simm.s32 $0x600;
	[dreg:$0x1a] =	wrdreg s18  }
0xa: {  	s20 =	simm.s32 $0x680;
	s21 =	simm.s32 $0x700;
	[dreg:$0x1b] =	wrdreg s19  }
0xb: {  	s22 =	simm.s32 $0x780;
	s2 =	sand.u32 $0x1, s2;
	[dreg:$0x1c] =	wrdreg s20  }
0xc: {  	s4 =	sshll.u32 s4, $0xA;
	s5 =	sshll.u32 s2, $0x9;
	[dreg:$0x1d] =	wrdreg s21  }
0xd: {  	s23 =	simm.s32 $0x800;
	[dreg:$0x1e] =	wrdreg s22;
	s4 =	sor.u32 s5, s4  }
0xe: {  	s24 =	simm.s32 $0x880;
	[dreg:$0x1f] =	wrdreg s23;
	s5 =	sshrl.u32 s4, $0x3  }
0xf: {  	[smem:$0x7F7] =	sst s24;
	s0 =	sadd.s32 s0, s5  }
0x10: {  	s4 =	sshll.u32 s4, $0x4;
	s25 =	sadd.s32 s1, s5;
	[dreg:$0x5] =	wrdreg s0  }
0x11: {  	s3 =	sadd.s32 s3, s4;
	[dreg:$0x6] =	wrdreg s25  }
0x12: {  	s26 =	sadd.s32 $0x200, s3;
	[smem:$0x7F6] =	sst s3  }
0x13: {  	s28 =	sadd.s32 $0x400, s3;
	[dreg:$0x7] =	wrdreg s26  }
0x14: {  	s29 =	sadd.s32 $0x600, s3;
	[dreg:$0x8] =	wrdreg s28  }
0x15: {  	s30 =	sadd.s32 $0x800, s3;
	[dreg:$0x9] =	wrdreg s29  }
0x16: {  	s31 =	sadd.s32 $0xA00, s3;
	[dreg:$0xa] =	wrdreg s30  }
0x17: {  	s1 =	sadd.s32 $0xC00, s3;
	[dreg:$0xb] =	wrdreg s31  }
0x18: {  	s4 =	sadd.s32 $0xE00, s3;
	[dreg:$0xc] =	wrdreg s1  }
0x19: {  	s5 =	sadd.s32 $0x1000, s3;
	[dreg:$0xd] =	wrdreg s4  }
0x1a: {  	s6 =	sadd.s32 $0x1200, s3;
	[dreg:$0xe] =	wrdreg s5  }
0x1b: {  	s7 =	sadd.s32 $0x1400, s3;
	[dreg:$0xf] =	wrdreg s6  }
0x1c: {  	s8 =	sadd.s32 $0x1600, s3;
	[dreg:$0x10] =	wrdreg s7  }
0x1d: {  	s9 =	sadd.s32 $0x1800, s3;
	[dreg:$0x11] =	wrdreg s8  }
0x1e: {  	s10 =	sadd.s32 $0x1A00, s3;
	[dreg:$0x12] =	wrdreg s9  }
0x1f: {  	s12 =	sadd.s32 $0x1C00, s3;
	[dreg:$0x13] =	wrdreg s10  }
0x20: {  	s13 =	sadd.s32 $0x1E00, s3;
	[dreg:$0x14] =	wrdreg s12  }
0x21: {  	s25 =	simm.s32 $0x900;
	[dreg:$0x15] =	wrdreg s13  }
0x22: {  	[smem:$0x7F8] =	sst s25;
	s26 =	simm.s32 $0x980  }
0x23: {  	s28 =	simm.s32 $0xA00;
	[smem:$0x7F9] =	sst s26  }
0x24: {  	v0 =	vimm.s32 $0xECA86420;
	s11 =	ssub.s32 $0x2, s2;
	s29 =	simm.s32 $0xA80;
	[smem:$0x7FA] =	sst s28  }
0x25: {  	vm3 =	vmmov $0xff;
	v2 =	vimm.s32 $0x0;
	v0 =	vunpack.c.l.s4.s8 v0;
	s2 =	sshrl.u32 s11, $0x1;
	s30 =	simm.s32 $0xB00;
	[smem:$0x7FB] =	sst s29  }
0x26: {  	v1 =	vlaneseq.u32;
	vm2 =	vcmask $0x1310;
	v2 =	vsel vm3, $0xFFFFFFFF, v2;
	s1 =	ssub.s32 s11, s2;
	s31 =	simm.s32 $0xB80;
	[smem:$0x7FC] =	sst s30  }
0x27: {  	vm5 =	vcmask $0x1B18;
	v1 =	vmul.u32 $0x2, v1;
	[tilespmem:$0x1FFF0] =	vst v2;
	v0 =	vunpack.c.0.s8.s32 v0;
	s1 =	smax.u32 s1, $0x1;
	[smem:$0x7FD] =	sst s31  }
.LBB2_1:
0x28: {  	[smem:$0x7F5] =	sst s1  }
0x29: {  	s0 =	rddreg [dreg:$0x5]  }
0x2a: {  	s10 =	rddreg [dreg:$0x6];
	s3 =	simm.s32 $0x0  }
0x2b: {  	[tilespmem:s3], [sflag:$0x1] =	stream.linear.gather [hbm4b:s0+s3], $0x200, $0x38;
	[tilespmem:$0x10C00] =	vst v63  }
0x2c: {  	s2 =	rddreg [dreg:$0x16];
	s11 =	simm.s32 $0x1  }
0x2d: {  	[tilespmem:s2], [sflag:$0x1] =	stream.linear.gather [hbm4b:s10+s3], $0x200, $0x38;
	[tilespmem:$0x10C00] =	vst v63  }
0x2e: {  	_ =	swait.ge [sflag:s11], $0x200  }
0x2f: {  	[sflag:s11] =	ssyncset.done $0x0  }
0x30: {  	[sflag:s11] =	ssyncadd.s32 $0xFFFFFE00  }
0x31: {  	_ =	swait.ge [sflag:s11], $0x200  }
0x32: {  	[sflag:s11] =	ssyncset.done $0x0  }
0x33: {  	[sflag:s11] =	ssyncadd.s32 $0xFFFFFE00  }
0x34: {  	v2 =	vld [tilespmem:$0x0];
	_ =	sdelay $0x1  }
0x35: {  	v3 =	vld [tilespmem:$0x200];
	_ =	sdelay $0x2  }
0x36: {  	v2 =	vmul.u32 $0x1F, v2;
	_ =	sdelay $0x1  }
0x37: {  	v2 =	vadd.s32 v3, v2  }
0x38: {  	(v2sf) =	vpush v2, $0xD;
	_ =	sdelay $0x1  }
0x39: {  	(v2sf) =	vpush v2, $0xC;
	_ =	sdelay $0x1  }
0x3a: {  	(v2sf) =	vpush v2, $0xE;
	_ =	sdelay $0x1  }
0x3b: {  	(v2sf) =	vpush v2, $0xF;
	_ =	sdelay $0x1  }
0x3c: {  	(v2sf) =	vpush v2, $0x9;
	_ =	sdelay $0x1  }
0x3d: {  	(v2sf) =	vpush v2, $0x8;
	_ =	sdelay $0x1  }
0x3e: {  	(v2sf) =	vpush v2, $0xA;
	_ =	sdelay $0x1  }
0x3f: {  	(v2sf) =	vpush v2, $0xB  }
0x40: {  	s12 =	spop (v2sf)  }
0x41: {  	(v2sf) =	vpush v2, $0x0;
	s0 =	smulhi.u32 $0x14F8B589, s12;
	s1 =	sshra.s32 s12, $0x1F  }
0x42: {  	s13 =	spop (v2sf);
	s17 =	smul.u32 $0x14F8B589, s1  }
0x43: {  	(v2sf) =	vpush v2, $0x1;
	s8 =	smulhi.u32 $0x14F8B589, s13;
	s2 =	sshra.s32 s13, $0x1F  }
0x44: {  	s14 =	spop (v2sf);
	s18 =	smul.u32 $0x14F8B589, s2  }
0x45: {  	(v2sf) =	vpush v2, $0x2;
	s9 =	smulhi.u32 $0x14F8B589, s14;
	s2 =	sshra.s32 s14, $0x1F  }
0x46: {  	s15 =	spop (v2sf);
	s4 =	smul.u32 $0x14F8B589, s2  }
0x47: {  	(v2sf) =	vpush v2, $0x3;
	s10 =	smulhi.u32 $0x14F8B589, s15;
	s2 =	sshra.s32 s15, $0x1F  }
0x48: {  	v3 =	vld [tilespmem:$0x10];
	s16 =	spop (v2sf);
	s20 =	smul.u32 $0x14F8B589, s2  }
0x49: {  	(v2sf) =	vpush v2, $0x4;
	s14 =	smulhi.u32 $0x14F8B589, s16;
	s2 =	sshra.s32 s16, $0x1F  }
0x4a: {  	v4 =	vld [tilespmem:$0x210];
	s19 =	spop (v2sf);
	s3 =	smul.u32 $0x14F8B589, s2  }
0x4b: {  	(v2sf) =	vpush v2, $0x5;
	s24 =	smulhi.u32 $0x14F8B589, s19;
	s2 =	sshra.s32 s19, $0x1F  }
0x4c: {  	s21 =	spop (v2sf);
	(v2sf) =	vpush v2, $0x6;
	s1 =	smul.u32 $0x14F8B589, s2  }
0x4d: {  	v3 =	vmul.u32 $0x1F, v3;
	s23 =	smulhi.u32 $0x14F8B589, s21;
	s2 =	sshra.s32 s21, $0x1F  }
0x4e: {  	s22 =	spop (v2sf);
	(v2sf) =	vpush v2, $0x7;
	s19 =	smul.u32 $0x14F8B589, s2  }
0x4f: {  	v3 =	vadd.s32 v4, v3;
	s5 =	smulhi.u32 $0x14F8B589, s22;
	s2 =	sshra.s32 s22, $0x1F  }
0x50: {  	s0 =	sadd.s32 s17, s0;
	s25 =	spop (v2sf);
	(v2sf) =	vpush v3, $0xD;
	s6 =	smul.u32 $0x14F8B589, s2  }
0x51: {  	[smem:$0x6A1] =	sst s0;
	s26 =	smulhi.u32 $0x14F8B589, s25;
	s2 =	sshra.s32 s25, $0x1F  }
0x52: {  	s28 =	spop (v2sf);
	s7 =	smul.u32 $0x14F8B589, s2  }
0x53: {  	[smem:$0x693] =	sst s5;
	s29 =	smulhi.u32 $0x14F8B589, s28;
	s2 =	sshra.s32 s28, $0x1F  }
0x54: {  	s30 =	spop (v2sf);
	s5 =	smul.u32 $0x14F8B589, s2  }
0x55: {  	(v2sf) =	vpush v3, $0xC;
	[smem:$0x694] =	sst s26;
	s11 =	smulhi.u32 $0x14F8B589, s30;
	s2 =	sshra.s32 s30, $0x1F  }
0x56: {  	s21 =	smul.u32 $0x14F8B589, s2;
	s31 =	spop (v2sf)  }
0x57: {  	[smem:$0x695] =	sst s29;
	s12 =	smulhi.u32 $0x14F8B589, s31;
	s2 =	sshra.s32 s31, $0x1F  }
0x58: {  	(v2sf) =	vpush v3, $0xE;
	s13 =	spop (v2sf);
	s16 =	smul.u32 $0x14F8B589, s2  }
0x59: {  	[smem:$0x696] =	sst s11;
	s15 =	smulhi.u32 $0x14F8B589, s13  }
0x5a: {  	s22 =	spop (v2sf);
	[smem:$0x697] =	sst s12  }
0x5b: {  	s2 =	sshra.s32 s13, $0x1F;
	s25 =	smulhi.u32 $0x14F8B589, s22;
	s26 =	spop (v2sf)  }
0x5c: {  	[smem:$0x698] =	sst s15;
	s15 =	smul.u32 $0x14F8B589, s2  }
0x5d: {  	(v2sf) =	vpush v3, $0xF;
	s2 =	sshra.s32 s22, $0x1F;
	s28 =	smulhi.u32 $0x14F8B589, s26;
	s29 =	spop (v2sf)  }
0x5e: {  	[smem:$0x699] =	sst s25;
	s13 =	smul.u32 $0x14F8B589, s2  }
0x5f: {  	(v2sf) =	vpush v3, $0x9;
	s30 =	smulhi.u32 $0x14F8B589, s29;
	s31 =	spop (v2sf)  }
0x60: {  	s2 =	sshra.s32 s26, $0x1F;
	[smem:$0x69A] =	sst s28;
	s22 =	smulhi.u32 $0x14F8B589, s31  }
0x61: {  	(v2sf) =	vpush v3, $0x8;
	s28 =	sadd.s32 s18, s8;
	s18 =	sadd.s32 s3, s14;
	s3 =	sld [smem:$0x693]  }
0x62: {  	s12 =	smul.u32 $0x14F8B589, s2;
	s2 =	sshra.s32 s29, $0x1F;
	s8 =	sld [smem:$0x695]  }
0x63: {  	(v2sf) =	vpush v3, $0xA;
	s11 =	smul.u32 $0x14F8B589, s2;
	s2 =	sshra.s32 s31, $0x1F;
	[smem:$0x69C] =	sst s22  }
0x64: {  	s17 =	smul.u32 $0x14F8B589, s2;
	s22 =	spop (v2sf)  }
0x65: {  	(v2sf) =	vpush v3, $0xB;
	[smem:$0x69B] =	sst s30;
	s25 =	smulhi.u32 $0x14F8B589, s22  }
0x66: {  	[smem:$0x69D] =	sst s17  }
0x67: {  	s2 =	sshra.s32 s22, $0x1F;
	s29 =	spop (v2sf);
	[smem:$0x69E] =	sst s25  }
0x68: {  	(v2sf) =	vpush v3, $0x0;
	s26 =	smul.u32 $0x14F8B589, s2;
	s25 =	sadd.s32 s4, s9;
	s4 =	sld [smem:$0x694]  }
0x69: {  	s30 =	smulhi.u32 $0x14F8B589, s29;
	s9 =	sld [smem:$0x696]  }
0x6a: {  	s19 =	sadd.s32 s19, s23;
	s22 =	sadd.s32 s20, s10;
	[smem:$0x69F] =	sst s26  }
0x6b: {  	s5 =	sadd.s32 s5, s8;
	s0 =	sshra.s32 s29, $0x1F;
	[smem:$0x6A0] =	sst s30  }
0x6c: {  	s26 =	smul.u32 $0x14F8B589, s0;
	s7 =	sadd.s32 s7, s4;
	s31 =	spop (v2sf)  }
0x6d: {  	s4 =	sld [smem:$0x699];
	s29 =	smulhi.u32 $0x14F8B589, s31;
	s0 =	sshra.s32 s31, $0x1F  }
0x6e: {  	s17 =	sadd.s32 s6, s3;
	s2 =	spop (v2sf);
	s20 =	smul.u32 $0x14F8B589, s0  }
0x6f: {  	s31 =	sld [smem:$0x697];
	s23 =	smulhi.u32 $0x14F8B589, s2;
	s0 =	sshra.s32 s2, $0x1F  }
0x70: {  	s21 =	sadd.s32 s21, s9;
	s6 =	spop (v2sf);
	s14 =	smul.u32 $0x14F8B589, s0  }
0x71: {  	s2 =	sld [smem:$0x698];
	s10 =	smulhi.u32 $0x14F8B589, s6;
	s0 =	sshra.s32 s6, $0x1F  }
0x72: {  	(v2sf) =	vpush v3, $0x1;
	s13 =	sadd.s32 s13, s4;
	s30 =	spop (v2sf);
	s9 =	smul.u32 $0x14F8B589, s0  }
0x73: {  	s16 =	sadd.s32 s16, s31;
	s8 =	smulhi.u32 $0x14F8B589, s30;
	s0 =	sshra.s32 s30, $0x1F  }
0x74: {  	s3 =	spop (v2sf);
	s30 =	sld [smem:$0x69A];
	s15 =	sadd.s32 s15, s2  }
0x75: {  	s6 =	smul.u32 $0x14F8B589, s0;
	s2 =	sld [smem:$0x69B];
	s14 =	sadd.s32 s14, s23  }
0x76: {  	(v2sf) =	vpush v3, $0x2;
	s4 =	smulhi.u32 $0x14F8B589, s3;
	s0 =	sshra.s32 s3, $0x1F;
	[smem:$0x6A5] =	sst s14  }
0x77: {  	s31 =	spop (v2sf);
	s9 =	sadd.s32 s9, s10;
	s10 =	sld [smem:$0x6A1]  }
0x78: {  	s3 =	smul.u32 $0x14F8B589, s0;
	s12 =	sadd.s32 s12, s30;
	s30 =	sld [smem:$0x69C]  }
0x79: {  	s0 =	sshra.s32 s31, $0x1F;
	[smem:$0x6A6] =	sst s9;
	s6 =	sadd.s32 s6, s8  }
0x7a: {  	s11 =	sadd.s32 s11, s2;
	s2 =	smulhi.u32 $0x14F8B589, s31;
	s31 =	sld [smem:$0x69D]  }
0x7b: {  	s24 =	sadd.s32 s1, s24;
	[smem:$0x6A7] =	sst s6;
	s3 =	sadd.s32 s3, s4  }
0x7c: {  	s29 =	sadd.s32 s20, s29;
	s23 =	sshrl.u32 s22, $0x1F;
	[smem:$0x6A8] =	sst s3  }
0x7d: {  	s4 =	sshrl.u32 s28, $0x1F;
	s1 =	sadd.s32 s31, s30;
	s31 =	sld [smem:$0x69E]  }
0x7e: {  	s28 =	sshra.s32 s28, $0xD;
	s8 =	sshra.s32 s10, $0xD;
	s30 =	sld [smem:$0x69F]  }
0x7f: {  	s3 =	sshra.s32 s24, $0xD;
	s14 =	sshra.s32 s11, $0x1F;
	v5 =	vmov s4;
	s4 =	sshra.s32 s5, $0x1F  }
0x80: {  	v58 =	vmov s14;
	s14 =	sshrl.u32 s5, $0x1F;
	[smem:$0x6A2] =	sst s1;
	s1 =	smul.u32 $0x14F8B589, s0  }
0x81: {  	(v2sf) =	vpush v3, $0x3;
	s0 =	spop (v2sf);
	s31 =	sadd.s32 s30, s31;
	s30 =	sld [smem:$0x6A0]  }
0x82: {  	(v2sf) =	vpush v3, $0x4;
	s9 =	sadd.s32 s1, s2;
	s2 =	sshrl.u32 s10, $0x1F;
	s10 =	sshra.s32 s22, $0xD  }
0x83: {  	(v2sf) =	vpush v3, $0x5;
	[smem:$0x6A3] =	sst s31;
	s31 =	smulhi.u32 $0x14F8B589, s0;
	s0 =	sshra.s32 s0, $0x1F  }
0x84: {  	vm1 =	vcmask $0xB08;
	(v2sf) =	vpush v3, $0x6;
	s22 =	sshra.s32 s18, $0xD;
	s0 =	smul.u32 $0x14F8B589, s0;
	s26 =	sadd.s32 s26, s30  }
0x85: {  	(v2sf) =	vpush v3, $0x7;
	v5 =	vsel vm1, s2, v5;
	s2 =	sshrl.u32 s16, $0x1F;
	s30 =	spop (v2sf);
	[smem:$0x6A4] =	sst s26  }
0x86: {  	s20 =	smulhi.u32 $0x14F8B589, s30;
	s26 =	sshra.s32 s30, $0x1F;
	s6 =	sadd.s32 s0, s31  }
0x87: {  	s31 =	sshrl.u32 s17, $0x1F;
	s0 =	sshra.s32 s7, $0xD;
	s30 =	smul.u32 $0x14F8B589, s26  }
0x88: {  	vm3 =	vcmask $0x300;
	vm4 =	vcmask $0x704;
	s26 =	sshrl.u32 s18, $0x1F;
	s18 =	sshra.s32 s17, $0xD;
	s17 =	sshrl.u32 s7, $0x1F  }
0x89: {  	v8 =	vmov s28;
	v9 =	vmov s3;
	v4 =	vsel vm3, s0, v58;
	s7 =	sshra.s32 s7, $0x1F;
	s0 =	sshra.s32 s5, $0xD;
	s5 =	sshrl.u32 s21, $0x1F  }
0x8a: {  	v8 =	vsel vm1, s8, v8;
	v9 =	vsel vm1, s22, v9;
	s22 =	sld [smem:$0x6A4];
	s8 =	sshrl.u32 s6, $0x1F;
	v4 =	vsel vm4, s7, v4;
	s7 =	sshra.s32 s21, $0xD  }
0x8b: {  	vm11 =	vcmask $0xF0C;
	vm8 =	vcmask $0x1714;
	v6 =	vmov s17;
	s17 =	sshra.s32 s16, $0xD;
	s1 =	sadd.s32 s30, s20;
	s20 =	sshrl.u32 s25, $0x1F  }
0x8c: {  	vm12 =	vcmask $0x2320;
	vm0 =	vcmask $0x2B28;
	s25 =	sshra.s32 s25, $0xD;
	s30 =	sshrl.u32 s24, $0x1F;
	s24 =	sshrl.u32 s19, $0x1F;
	v6 =	vnsel vm3, $0x0, v6  }
0x8d: {  	s19 =	sshra.s32 s19, $0xD;
	v4 =	vsel vm1, s0, v4;
	s0 =	sshra.s32 s21, $0x1F;
	s21 =	sshrl.u32 s15, $0x1F;
	v5 =	vsel vm2, s20, v5;
	v6 =	vsel vm1, s14, v6  }
0x8e: {  	v4 =	vsel vm11, s4, v4;
	s14 =	sshra.s32 s16, $0x1F;
	s16 =	sshra.s32 s15, $0xD;
	v7 =	vmov s30;
	s30 =	sshrl.u32 s12, $0x1F;
	v8 =	vsel vm2, s25, v8  }
0x8f: {  	s25 =	sld [smem:$0x6A5];
	v9 =	vsel vm2, s19, v9;
	v5 =	vsel vm5, s23, v5;
	v6 =	vsel vm2, s5, v6;
	s5 =	sshra.s32 s15, $0x1F;
	s23 =	sshrl.u32 s13, $0x1F  }
0x90: {  	vm13 =	vcmask $0x1F1C;
	v4 =	vsel vm2, s7, v4;
	s15 =	spop (v2sf);
	s7 =	sshra.s32 s12, $0x1F;
	v9 =	vsel vm5, s18, v9;
	s18 =	sld [smem:$0x6A8]  }
0x91: {  	vm6 =	vcmask $0x3330;
	v6 =	vsel vm5, s2, v6;
	v4 =	vsel vm8, s0, v4;
	s0 =	sshra.s32 s13, $0xD;
	s13 =	sshra.s32 s13, $0x1F;
	s20 =	spop (v2sf)  }
0x92: {  	v7 =	vsel vm1, s26, v7;
	s26 =	sshra.s32 s15, $0x1F;
	v6 =	vsel vm12, s21, v6;
	v4 =	vsel vm5, s17, v4;
	s21 =	sshra.s32 s12, $0xD;
	s4 =	spop (v2sf)  }
0x93: {  	vm7 =	vcmask $0x3B38;
	s17 =	sshrl.u32 s25, $0x1F;
	s3 =	smulhi.u32 $0x14F8B589, s20;
	v6 =	vsel vm0, s23, v6;
	v4 =	vsel vm13, s14, v4;
	s2 =	spop (v2sf)  }
0x94: {  	v7 =	vsel vm2, s24, v7;
	s23 =	sshrl.u32 s11, $0x1F;
	v6 =	vsel vm6, s30, v6;
	v4 =	vsel vm12, s16, v4;
	s16 =	smulhi.u32 $0x14F8B589, s15;
	s24 =	spop (v2sf)  }
0x95: {  	vm14 =	vcmask $0x2724;
	v7 =	vsel vm5, s31, v7;
	s14 =	sshra.s32 s11, $0xD;
	v6 =	vsel vm7, s23, v6;
	s31 =	smulhi.u32 $0x14F8B589, s24;
	s23 =	sld [smem:$0x6A2]  }
0x96: {  	v8 =	vsel vm5, s10, v8;
	v4 =	vsel vm14, s5, v4;
	s11 =	sshra.s32 s24, $0x1F;
	s24 =	sld [smem:$0x6A3];
	s5 =	smul.u32 $0x14F8B589, s26  }
0x97: {  	vm15 =	vcmask $0x2F2C;
	v59 =	vcombine.low v9, v8;
	s15 =	sshrl.u32 s29, $0x1F;
	s26 =	sld [smem:$0x6A6];
	v4 =	vsel vm0, s0, v4;
	s11 =	smul.u32 $0x14F8B589, s11  }
0x98: {  	v5 =	vcombine.low v7, v5;
	s0 =	sshrl.u32 s18, $0x1F;
	v4 =	vsel vm15, s13, v4;
	s13 =	sshrl.u32 s22, $0x1F;
	s5 =	sadd.s32 s5, s16  }
0x99: {  	vm10 =	vcmask $0x3734;
	v7 =	vperm.xlane v59, v0;
	s16 =	sshra.s32 s20, $0x1F;
	s20 =	sshra.s32 s9, $0xD;
	v4 =	vsel vm6, s21, v4;
	s11 =	sadd.s32 s11, s31  }
0x9a: {  	v5 =	vperm.xlane v5, v0;
	v6 =	vperm.xlane v6, v1;
	s30 =	sshrl.u32 s24, $0x1F;
	s31 =	sshrl.u32 s9, $0x1F;
	v4 =	vsel vm10, s7, v4;
	s12 =	sshra.s32 s11, $0x1F  }
0x9b: {  	s28 =	sshrl.u32 s23, $0x1F;
	s10 =	sshrl.u32 s26, $0x1F;
	s21 =	sld [smem:$0x6A7];
	v60 =	vmov s30;
	v10 =	vmov s31;
	v61 =	vmov s12  }
0x9c: {  	s9 =	sshra.s32 s9, $0x1F;
	s7 =	smulhi.u32 $0x14F8B589, s4;
	s4 =	sshra.s32 s4, $0x1F;
	v11 =	vmov s10;
	v4 =	vsel vm7, s14, v4;
	v9 =	vsel vm3, s20, v61  }
0x9d: {  	s30 =	sshra.s32 s6, $0xD;
	s31 =	sshrl.u32 s5, $0x1F;
	s10 =	sshra.s32 s24, $0xD;
	v8 =	vsel vm1, s28, v60;
	v10 =	vnsel vm3, $0x0, v10;
	v9 =	vsel vm4, s9, v9  }
0x9e: {  	s6 =	sshra.s32 s6, $0x1F;
	s28 =	sshrl.u32 s1, $0x1F;
	s14 =	smul.u32 $0x14F8B589, s16;
	v11 =	vsel vm1, s17, v11;
	v62 =	vmov s10;
	v9 =	vsel vm1, s30, v9  }
0x9f: {  	s4 =	smul.u32 $0x14F8B589, s4;
	s12 =	sshra.s32 s26, $0xD;
	v4 =	vperm.xlane v4, v1;
	v8 =	vsel vm2, s13, v8;
	s20 =	sshra.s32 s1, $0xD;
	v9 =	vsel vm11, s6, v9  }
0xa0: {  	s16 =	smulhi.u32 $0x14F8B589, s2;
	s2 =	sshra.s32 s2, $0x1F;
	v10 =	vsel vm1, s8, v10;
	s1 =	sshra.s32 s1, $0x1F;
	v12 =	vmov s12;
	v9 =	vsel vm2, s20, v9  }
0xa1: {  	s19 =	sshrl.u32 s21, $0x1F;
	s2 =	smul.u32 $0x14F8B589, s2;
	v8 =	vsel vm5, s15, v8;
	v10 =	vsel vm2, s28, v10;
	s30 =	sshra.s32 s5, $0xD;
	v9 =	vsel vm8, s1, v9  }
0xa2: {  	s3 =	sadd.s32 s14, s3;
	s4 =	sadd.s32 s4, s7;
	v11 =	vsel vm2, s19, v11;
	s7 =	sshra.s32 s5, $0x1F;
	vm4 =	vmmov vm6;
	v9 =	vsel vm5, s30, v9  }
0xa3: {  	s15 =	sshra.s32 s25, $0xD;
	v10 =	vsel vm5, s31, v10;
	s28 =	sshrl.u32 s3, $0x1F;
	v11 =	vsel vm5, s0, v11;
	s9 =	sshra.s32 s3, $0xD;
	v9 =	vsel vm13, s7, v9  }
0xa4: {  	s14 =	sshra.s32 s23, $0xD;
	s19 =	sshra.s32 s21, $0xD;
	s13 =	sshra.s32 s3, $0x1F;
	v12 =	vsel vm1, s15, v12;
	v10 =	vsel vm12, s28, v10;
	v9 =	vsel vm12, s9, v9  }
0xa5: {  	s31 =	sshrl.u32 s4, $0x1F;
	s2 =	sadd.s32 s2, s16;
	s16 =	sshra.s32 s4, $0xD;
	v8 =	vcombine.low v11, v8;
	v11 =	vsel vm1, s14, v62;
	v9 =	vsel vm14, s13, v9  }
0xa6: {  	v63 =	vld [tilespmem:$0x1FFF0];
	s17 =	sshra.s32 s22, $0xD;
	s22 =	sshra.s32 s18, $0xD;
	v12 =	vsel vm2, s19, v12;
	v10 =	vsel vm0, s31, v10;
	s20 =	sshra.s32 s4, $0x1F;
	v9 =	vsel vm0, s16, v9  }
0xa7: {  	s21 =	sshra.s32 s29, $0xD;
	s8 =	sshrl.u32 s2, $0x1F;
	s23 =	sshra.s32 s2, $0xD;
	v11 =	vsel vm2, s17, v11;
	v12 =	vsel vm5, s22, v12;
	v9 =	vsel vm15, s20, v9  }
0xa8: {  	s24 =	sshrl.u32 s11, $0x1F;
	s25 =	sshra.s32 s2, $0x1F;
	v10 =	vsel vm6, s8, v10;
	v11 =	vsel vm5, s21, v11;
	v9 =	vsel vm6, s23, v9  }
0xa9: {  	s26 =	sshra.s32 s11, $0xD;
	v10 =	vsel vm7, s24, v10;
	v11 =	vcombine.low v12, v11;
	v9 =	vsel vm10, s25, v9  }
0xaa: {  	v8 =	vperm.xlane v8, v0;
	v10 =	vperm.xlane v10, v1;
	v9 =	vsel vm7, s26, v9  }
0xab: {  	v11 =	vperm.xlane v11, v0;
	vm6 =	vnez.u8 v63;
	v9 =	vperm.xlane v9, v1  }
0xac: {  	v5 =	vsel vm6, v6, v5;
	v4 =	vsel vm6, v4, v7  }
0xad: {  	v13 =	vsel vm6, v10, v8;
	v4 =	vadd.s32 v5, v4;
	v14 =	vsel vm6, v9, v11  }
0xae: {  	v4 =	vmul.u32 $0x186A0, v4;
	v5 =	vadd.s32 v13, v14  }
0xaf: {  	v5 =	vmul.u32 $0x186A0, v5  }
0xb0: {  	v2 =	vsub.s32 v2, v4  }
0xb1: {  	vm9 =	vlt.s32 v2, $0x0;
	v4 =	vadd.s32 $0x186A0, v2;
	v3 =	vsub.s32 v3, v5  }
0xb2: {  	v2 =	vsel vm9, v4, v2;
	vm15 =	vlt.s32 v3, $0x0;
	v15 =	vadd.s32 $0x186A0, v3  }
0xb3: {  	s29 =	rddreg [dreg:$0x2];
	[tilespmem:$0x400] =	vst v2;
	v2 =	vsel vm15, v15, v3  }
0xb4: {  	s28 =	rddreg [dreg:$0x17];
	s31 =	simm.s32 $0xC00;
	s30 =	simm.s32 $0x20;
	[tilespmem:$0x410] =	vst v2  }
0xb5: {  	[tilespmem:s31], [sflag:$0x1] =	stream.indirect.gather [hbm4b:s29+s30], $0x80, s28, s30, $0xb8;
	[tilespmem:$0x10C00] =	vst v63  }
0xb6: {  	v2 =	vld [tilespmem:$0x20];
	_ =	sdelay $0x1  }
0xb7: {  	v3 =	vld [tilespmem:$0x220];
	_ =	sdelay $0x2  }
0xb8: {  	v2 =	vmul.u32 $0x1F, v2;
	_ =	sdelay $0x1  }
0xb9: {  	v2 =	vadd.s32 v3, v2  }
0xba: {  	(v2sf) =	vpush v2, $0xD;
	_ =	sdelay $0x1  }
0xbb: {  	(v2sf) =	vpush v2, $0xC;
	_ =	sdelay $0x1  }
0xbc: {  	(v2sf) =	vpush v2, $0xE;
	_ =	sdelay $0x1  }
0xbd: {  	(v2sf) =	vpush v2, $0xF;
	_ =	sdelay $0x1  }
0xbe: {  	(v2sf) =	vpush v2, $0x9;
	_ =	sdelay $0x1  }
0xbf: {  	(v2sf) =	vpush v2, $0x8;
	_ =	sdelay $0x1  }
0xc0: {  	(v2sf) =	vpush v2, $0xA;
	_ =	sdelay $0x1  }
0xc1: {  	(v2sf) =	vpush v2, $0xB  }
0xc2: {  	s3 =	spop (v2sf)  }
0xc3: {  	(v2sf) =	vpush v2, $0x0;
	s0 =	smulhi.u32 $0x14F8B589, s3;
	s1 =	sshra.s32 s3, $0x1F  }
0xc4: {  	s4 =	spop (v2sf);
	s17 =	smul.u32 $0x14F8B589, s1  }
0xc5: {  	(v2sf) =	vpush v2, $0x1;
	s1 =	smulhi.u32 $0x14F8B589, s4;
	s2 =	sshra.s32 s4, $0x1F  }
0xc6: {  	s5 =	spop (v2sf);
	s18 =	smul.u32 $0x14F8B589, s2  }
0xc7: {  	(v2sf) =	vpush v2, $0x2;
	s8 =	smulhi.u32 $0x14F8B589, s5;
	s2 =	sshra.s32 s5, $0x1F  }
0xc8: {  	s6 =	spop (v2sf);
	s4 =	smul.u32 $0x14F8B589, s2  }
0xc9: {  	(v2sf) =	vpush v2, $0x3;
	s9 =	smulhi.u32 $0x14F8B589, s6;
	s2 =	sshra.s32 s6, $0x1F  }
0xca: {  	s7 =	spop (v2sf);
	s14 =	smul.u32 $0x14F8B589, s2  }
0xcb: {  	v3 =	vld [tilespmem:$0x30];
	(v2sf) =	vpush v2, $0x4;
	s10 =	smulhi.u32 $0x14F8B589, s7;
	s2 =	sshra.s32 s7, $0x1F  }
0xcc: {  	s11 =	spop (v2sf);
	s3 =	smul.u32 $0x14F8B589, s2  }
0xcd: {  	v16 =	vld [tilespmem:$0x230];
	(v2sf) =	vpush v2, $0x5;
	s20 =	smulhi.u32 $0x14F8B589, s11;
	s2 =	sshra.s32 s11, $0x1F  }
0xce: {  	s12 =	spop (v2sf);
	s6 =	smul.u32 $0x14F8B589, s2  }
0xcf: {  	(v2sf) =	vpush v2, $0x6;
	s23 =	smulhi.u32 $0x14F8B589, s12;
	s2 =	sshra.s32 s12, $0x1F  }
0xd0: {  	v3 =	vmul.u32 $0x1F, v3;
	s13 =	spop (v2sf);
	s19 =	smul.u32 $0x14F8B589, s2  }
0xd1: {  	(v2sf) =	vpush v2, $0x7;
	s15 =	smulhi.u32 $0x14F8B589, s13;
	s2 =	sshra.s32 s13, $0x1F  }
0xd2: {  	v3 =	vadd.s32 v16, v3;
	s0 =	sadd.s32 s17, s0;
	s16 =	spop (v2sf);
	s24 =	smul.u32 $0x14F8B589, s2  }
0xd3: {  	[smem:$0x6B7] =	sst s0;
	(v2sf) =	vpush v3, $0xD;
	s21 =	smulhi.u32 $0x14F8B589, s16;
	s2 =	sshra.s32 s16, $0x1F  }
0xd4: {  	s22 =	spop (v2sf);
	s7 =	smul.u32 $0x14F8B589, s2  }
0xd5: {  	[smem:$0x6A9] =	sst s15;
	s25 =	smulhi.u32 $0x14F8B589, s22;
	s2 =	sshra.s32 s22, $0x1F  }
0xd6: {  	(v2sf) =	vpush v3, $0xC;
	s26 =	spop (v2sf);
	s5 =	smul.u32 $0x14F8B589, s2  }
0xd7: {  	[smem:$0x6AA] =	sst s21;
	s28 =	smulhi.u32 $0x14F8B589, s26;
	s2 =	sshra.s32 s26, $0x1F  }
0xd8: {  	s29 =	spop (v2sf);
	s21 =	smul.u32 $0x14F8B589, s2  }
0xd9: {  	[smem:$0x6AB] =	sst s25;
	s30 =	smulhi.u32 $0x14F8B589, s29;
	s2 =	sshra.s32 s29, $0x1F  }
0xda: {  	(v2sf) =	vpush v3, $0xE;
	s16 =	smul.u32 $0x14F8B589, s2;
	s31 =	spop (v2sf)  }
0xdb: {  	[smem:$0x6AC] =	sst s28;
	s12 =	smulhi.u32 $0x14F8B589, s31;
	s2 =	sshra.s32 s31, $0x1F  }
0xdc: {  	s13 =	spop (v2sf);
	s15 =	smul.u32 $0x14F8B589, s2  }
0xdd: {  	(v2sf) =	vpush v3, $0xF;
	[smem:$0x6AD] =	sst s30;
	s22 =	smulhi.u32 $0x14F8B589, s13;
	s2 =	sshra.s32 s13, $0x1F  }
0xde: {  	s25 =	spop (v2sf);
	s13 =	smul.u32 $0x14F8B589, s2  }
0xdf: {  	[smem:$0x6AE] =	sst s12;
	s26 =	smulhi.u32 $0x14F8B589, s25;
	s2 =	sshra.s32 s25, $0x1F  }
0xe0: {  	s28 =	spop (v2sf);
	s12 =	smul.u32 $0x14F8B589, s2  }
0xe1: {  	[smem:$0x6AF] =	sst s22;
	s29 =	smulhi.u32 $0x14F8B589, s28  }
0xe2: {  	(v2sf) =	vpush v3, $0x9;
	s2 =	sshra.s32 s28, $0x1F;
	s30 =	spop (v2sf);
	s28 =	sadd.s32 s18, s1  }
0xe3: {  	s18 =	sadd.s32 s3, s10;
	s3 =	sld [smem:$0x6A9];
	s11 =	smul.u32 $0x14F8B589, s2  }
0xe4: {  	(v2sf) =	vpush v3, $0x8;
	[smem:$0x6B0] =	sst s26;
	s31 =	smulhi.u32 $0x14F8B589, s30;
	s2 =	sshra.s32 s30, $0x1F  }
0xe5: {  	s25 =	spop (v2sf);
	s22 =	smul.u32 $0x14F8B589, s2  }
0xe6: {  	(v2sf) =	vpush v3, $0xA;
	[smem:$0x6B1] =	sst s29;
	s26 =	smulhi.u32 $0x14F8B589, s25  }
0xe7: {  	(v2sf) =	vpush v3, $0xB;
	s2 =	sshra.s32 s25, $0x1F;
	s25 =	sadd.s32 s4, s8;
	s4 =	sld [smem:$0x6AA]  }
0xe8: {  	s8 =	sld [smem:$0x6AB]  }
0xe9: {  	s30 =	spop (v2sf);
	[smem:$0x6B2] =	sst s31  }
0xea: {  	s17 =	sadd.s32 s6, s20;
	(v2sf) =	vpush v3, $0x0;
	s29 =	smul.u32 $0x14F8B589, s2;
	[smem:$0x6B3] =	sst s22  }
0xeb: {  	s31 =	smulhi.u32 $0x14F8B589, s30;
	s0 =	sshra.s32 s30, $0x1F;
	[smem:$0x6B4] =	sst s26  }
0xec: {  	s1 =	spop (v2sf);
	s22 =	sadd.s32 s14, s9;
	s9 =	sld [smem:$0x6AC]  }
0xed: {  	s19 =	sadd.s32 s19, s23;
	s26 =	smul.u32 $0x14F8B589, s0;
	[smem:$0x6B5] =	sst s29  }
0xee: {  	s0 =	sshra.s32 s1, $0x1F;
	[smem:$0x6B6] =	sst s31;
	s29 =	smulhi.u32 $0x14F8B589, s1  }
0xef: {  	s24 =	sadd.s32 s24, s3;
	s20 =	smul.u32 $0x14F8B589, s0;
	s31 =	sld [smem:$0x6AD]  }
0xf0: {  	s7 =	sadd.s32 s7, s4;
	s5 =	sadd.s32 s5, s8;
	s4 =	sld [smem:$0x6AF]  }
0xf1: {  	s1 =	sld [smem:$0x6B2];
	s21 =	sadd.s32 s21, s9;
	s2 =	spop (v2sf)  }
0xf2: {  	s29 =	sadd.s32 s20, s29;
	s23 =	smulhi.u32 $0x14F8B589, s2;
	s0 =	sshra.s32 s2, $0x1F  }
0xf3: {  	(v2sf) =	vpush v3, $0x1;
	s16 =	sadd.s32 s16, s31;
	s6 =	spop (v2sf);
	s14 =	smul.u32 $0x14F8B589, s0  }
0xf4: {  	s2 =	sld [smem:$0x6AE];
	s10 =	smulhi.u32 $0x14F8B589, s6;
	s0 =	sshra.s32 s6, $0x1F  }
0xf5: {  	s13 =	sadd.s32 s13, s4;
	s30 =	spop (v2sf);
	s9 =	smul.u32 $0x14F8B589, s0  }
0xf6: {  	s8 =	smulhi.u32 $0x14F8B589, s30;
	s0 =	sshra.s32 s30, $0x1F;
	s3 =	spop (v2sf)  }
0xf7: {  	(v2sf) =	vpush v3, $0x2;
	s30 =	sld [smem:$0x6B0];
	s15 =	sadd.s32 s15, s2;
	s6 =	smul.u32 $0x14F8B589, s0  }
0xf8: {  	s4 =	smulhi.u32 $0x14F8B589, s3;
	s2 =	sld [smem:$0x6B1];
	s14 =	sadd.s32 s14, s23  }
0xf9: {  	s0 =	sshra.s32 s3, $0x1F;
	s31 =	spop (v2sf);
	[smem:$0x6BB] =	sst s14  }
0xfa: {  	s23 =	sshrl.u32 s22, $0x1F;
	s9 =	sadd.s32 s9, s10;
	s10 =	sld [smem:$0x6B7]  }
0xfb: {  	s3 =	smul.u32 $0x14F8B589, s0;
	s12 =	sadd.s32 s12, s30;
	s30 =	sld [smem:$0x6B3]  }
0xfc: {  	s0 =	sshra.s32 s31, $0x1F;
	[smem:$0x6BC] =	sst s9;
	s6 =	sadd.s32 s6, s8  }
0xfd: {  	s11 =	sadd.s32 s11, s2;
	s2 =	smulhi.u32 $0x14F8B589, s31;
	s31 =	sld [smem:$0x6B4]  }
0xfe: {  	[smem:$0x6BD] =	sst s6;
	s3 =	sadd.s32 s3, s4;
	s4 =	sshrl.u32 s28, $0x1F  }
0xff: {  	s28 =	sshra.s32 s28, $0xD;
	s1 =	sadd.s32 s30, s1;
	s30 =	sld [smem:$0x6B5]  }
0x100: {  	[smem:$0x6BE] =	sst s3;
	s8 =	sshra.s32 s10, $0xD;
	s3 =	sshra.s32 s17, $0xD  }
0x101: {  	s14 =	sshra.s32 s11, $0x1F;
	[smem:$0x6B8] =	sst s1;
	s1 =	smul.u32 $0x14F8B589, s0  }
0x102: {  	(v2sf) =	vpush v3, $0x3;
	v17 =	vmov s14;
	s14 =	sshrl.u32 s5, $0x1F;
	s0 =	spop (v2sf);
	s31 =	sadd.s32 s30, s31  }
0x103: {  	s30 =	sld [smem:$0x6B6];
	s9 =	sadd.s32 s1, s2;
	s2 =	sshrl.u32 s10, $0x1F  }
0x104: {  	(v2sf) =	vpush v3, $0x4;
	v22 =	vmov s3;
	s10 =	sshra.s32 s22, $0xD;
	s22 =	sshra.s32 s18, $0xD;
	[smem:$0x6B9] =	sst s31  }
0x105: {  	(v2sf) =	vpush v3, $0x5;
	s31 =	smulhi.u32 $0x14F8B589, s0;
	s0 =	sshra.s32 s0, $0x1F;
	v9 =	vsel vm1, s22, v22;
	s22 =	sld [smem:$0x6BD]  }
0x106: {  	(v2sf) =	vpush v3, $0x6;
	v18 =	vmov s4;
	s0 =	smul.u32 $0x14F8B589, s0;
	s26 =	sadd.s32 s26, s30;
	s30 =	spop (v2sf)  }
0x107: {  	(v2sf) =	vpush v3, $0x7;
	v5 =	vsel vm1, s2, v18;
	s2 =	sshrl.u32 s16, $0x1F;
	[smem:$0x6BA] =	sst s26;
	s20 =	smulhi.u32 $0x14F8B589, s30  }
0x108: {  	s26 =	sshra.s32 s30, $0x1F;
	s6 =	sadd.s32 s0, s31;
	s31 =	sshrl.u32 s24, $0x1F  }
0x109: {  	s0 =	sshra.s32 s7, $0xD;
	s30 =	smul.u32 $0x14F8B589, s26;
	s26 =	sshrl.u32 s18, $0x1F  }
0x10a: {  	vm14 =	vcmask $0x704;
	v21 =	vmov s28;
	s18 =	sshra.s32 s24, $0xD;
	s24 =	sshrl.u32 s7, $0x1F;
	s7 =	sshra.s32 s7, $0x1F  }
0x10b: {  	v8 =	vsel vm1, s8, v21;
	v4 =	vsel vm3, s0, v17;
	s0 =	sshra.s32 s5, $0xD;
	s8 =	sshrl.u32 s6, $0x1F;
	v19 =	vmov s24;
	s24 =	sshra.s32 s5, $0x1F  }
0x10c: {  	v4 =	vsel vm14, s7, v4;
	s5 =	sshrl.u32 s21, $0x1F;
	s7 =	sshra.s32 s21, $0xD;
	s1 =	sadd.s32 s30, s20  }
0x10d: {  	s20 =	sshrl.u32 s25, $0x1F;
	s25 =	sshra.s32 s25, $0xD;
	s30 =	sshrl.u32 s17, $0x1F  }
0x10e: {  	s17 =	sshrl.u32 s19, $0x1F;
	s19 =	sshra.s32 s19, $0xD;
	v4 =	vsel vm1, s0, v4;
	v6 =	vnsel vm3, $0x0, v19;
	s0 =	sshra.s32 s21, $0x1F  }
0x10f: {  	s21 =	sshra.s32 s16, $0xD;
	v6 =	vsel vm1, s14, v6;
	v4 =	vsel vm11, s24, v4;
	s14 =	sshra.s32 s16, $0x1F;
	s24 =	sshrl.u32 s15, $0x1F  }
0x110: {  	v5 =	vsel vm2, s20, v5;
	s16 =	sshra.s32 s15, $0xD;
	v8 =	vsel vm2, s25, v8;
	s25 =	sld [smem:$0x6BB];
	v9 =	vsel vm2, s19, v9;
	s19 =	sshrl.u32 s22, $0x1F  }
0x111: {  	v20 =	vmov s30;
	v6 =	vsel vm2, s5, v6;
	v4 =	vsel vm2, s7, v4;
	s5 =	sshra.s32 s15, $0x1F;
	s7 =	sshrl.u32 s13, $0x1F;
	s15 =	spop (v2sf)  }
0x112: {  	v5 =	vsel vm5, s23, v5;
	v7 =	vsel vm1, s26, v20;
	s23 =	sshra.s32 s12, $0xD;
	s26 =	sshrl.u32 s11, $0x1F;
	v9 =	vsel vm5, s18, v9;
	s18 =	sld [smem:$0x6BE]  }
0x113: {  	v6 =	vsel vm5, s2, v6;
	v4 =	vsel vm8, s0, v4;
	s0 =	sshra.s32 s13, $0xD;
	s13 =	sshra.s32 s13, $0x1F;
	s20 =	spop (v2sf)  }
0x114: {  	v6 =	vsel vm12, s24, v6;
	v4 =	vsel vm5, s21, v4;
	s24 =	sshrl.u32 s12, $0x1F;
	s4 =	spop (v2sf);
	s21 =	sld [smem:$0x6BA]  }
0x115: {  	v7 =	vsel vm2, s17, v7;
	s17 =	sshrl.u32 s25, $0x1F;
	s3 =	smulhi.u32 $0x14F8B589, s20;
	v4 =	vsel vm13, s14, v4;
	s2 =	spop (v2sf)  }
0x116: {  	vm10 =	vmmov vm3;
	v6 =	vsel vm0, s7, v6;
	s7 =	sshra.s32 s12, $0x1F;
	v4 =	vsel vm12, s16, v4;
	s16 =	smulhi.u32 $0x14F8B589, s15;
	s30 =	spop (v2sf)  }
0x117: {  	vm3 =	vcmask $0x2724;
	v7 =	vsel vm5, s31, v7;
	s12 =	sshra.s32 s15, $0x1F;
	v6 =	vsel vm4, s24, v6;
	s24 =	sld [smem:$0x6B8];
	s31 =	smulhi.u32 $0x14F8B589, s30  }
0x118: {  	vm9 =	vcmask $0x2F2C;
	v8 =	vsel vm5, s10, v8;
	s14 =	sshra.s32 s11, $0xD;
	v4 =	vsel vm3, s5, v4;
	s11 =	sshra.s32 s30, $0x1F;
	s5 =	smul.u32 $0x14F8B589, s12  }
0x119: {  	v23 =	vcombine.low v9, v8;
	s15 =	sshrl.u32 s29, $0x1F;
	v6 =	vsel vm7, s26, v6;
	s26 =	sld [smem:$0x6B9];
	v4 =	vsel vm0, s0, v4;
	s11 =	smul.u32 $0x14F8B589, s11  }
0x11a: {  	vm15 =	vmmov vm12;
	v5 =	vcombine.low v7, v5;
	s28 =	sshrl.u32 s24, $0x1F;
	v4 =	vsel vm9, s13, v4;
	s13 =	sshrl.u32 s21, $0x1F;
	s5 =	sadd.s32 s5, s16  }
0x11b: {  	v7 =	vperm.xlane v23, v0;
	vm12 =	vcmask $0x3734;
	s16 =	sshra.s32 s20, $0x1F;
	s20 =	sshra.s32 s9, $0xD;
	v4 =	vsel vm4, s23, v4;
	s11 =	sadd.s32 s11, s31  }
0x11c: {  	v5 =	vperm.xlane v5, v0;
	v6 =	vperm.xlane v6, v1;
	s30 =	sshrl.u32 s26, $0x1F;
	s31 =	sshrl.u32 s9, $0x1F;
	v4 =	vsel vm12, s7, v4;
	s12 =	sshra.s32 s11, $0x1F  }
0x11d: {  	s23 =	sld [smem:$0x6BC];
	s9 =	sshra.s32 s9, $0x1F;
	v24 =	vmov s30;
	v26 =	vmov s31;
	s7 =	smulhi.u32 $0x14F8B589, s4;
	v25 =	vmov s12  }
0x11e: {  	s4 =	sshra.s32 s4, $0x1F;
	s30 =	sshra.s32 s6, $0xD;
	v4 =	vsel vm7, s14, v4;
	v8 =	vsel vm1, s28, v24;
	s14 =	smul.u32 $0x14F8B589, s16;
	v9 =	vsel vm10, s20, v25  }
0x11f: {  	s31 =	sshrl.u32 s5, $0x1F;
	s6 =	sshra.s32 s6, $0x1F;
	v10 =	vnsel vm10, $0x0, v26;
	s4 =	smul.u32 $0x14F8B589, s4;
	v4 =	vperm.xlane v4, v1;
	v9 =	vsel vm14, s9, v9  }
0x120: {  	s28 =	sshrl.u32 s1, $0x1F;
	s16 =	smulhi.u32 $0x14F8B589, s2;
	s10 =	sshrl.u32 s23, $0x1F;
	v8 =	vsel vm2, s13, v8;
	v10 =	vsel vm1, s8, v10;
	v9 =	vsel vm1, s30, v9  }
0x121: {  	s2 =	sshra.s32 s2, $0x1F;
	s20 =	sshra.s32 s1, $0xD;
	s12 =	sshra.s32 s23, $0xD;
	v8 =	vsel vm5, s15, v8;
	v27 =	vmov s10;
	v9 =	vsel vm11, s6, v9  }
0x122: {  	s2 =	smul.u32 $0x14F8B589, s2;
	s1 =	sshra.s32 s1, $0x1F;
	v10 =	vsel vm2, s28, v10;
	s3 =	sadd.s32 s14, s3;
	v29 =	vmov s12;
	v9 =	vsel vm2, s20, v9  }
0x123: {  	s10 =	sshra.s32 s26, $0xD;
	s15 =	sshra.s32 s25, $0xD;
	v11 =	vsel vm1, s17, v27;
	v10 =	vsel vm5, s31, v10;
	s30 =	sshra.s32 s5, $0xD;
	v9 =	vsel vm8, s1, v9  }
0x124: {  	s4 =	sadd.s32 s4, s7;
	s7 =	sshra.s32 s5, $0x1F;
	s28 =	sshrl.u32 s3, $0x1F;
	v28 =	vmov s10;
	v12 =	vsel vm1, s15, v29;
	v9 =	vsel vm5, s30, v9  }
0x125: {  	s0 =	sshrl.u32 s18, $0x1F;
	s31 =	sshrl.u32 s4, $0x1F;
	s9 =	sshra.s32 s3, $0xD;
	v11 =	vsel vm2, s19, v11;
	v10 =	vsel vm15, s28, v10;
	v9 =	vsel vm13, s7, v9  }
0x126: {  	s2 =	sadd.s32 s2, s16;
	s13 =	sshra.s32 s3, $0x1F;
	s19 =	sshra.s32 s22, $0xD;
	v11 =	vsel vm5, s0, v11;
	v10 =	vsel vm0, s31, v10;
	v9 =	vsel vm15, s9, v9  }
0x127: {  	s14 =	sshra.s32 s24, $0xD;
	s16 =	sshra.s32 s4, $0xD;
	s8 =	sshrl.u32 s2, $0x1F;
	v12 =	vsel vm2, s19, v12;
	v8 =	vcombine.low v11, v8;
	v9 =	vsel vm3, s13, v9  }
0x128: {  	s17 =	sshra.s32 s21, $0xD;
	s20 =	sshra.s32 s4, $0x1F;
	v10 =	vsel vm4, s8, v10;
	v11 =	vsel vm1, s14, v28;
	v9 =	vsel vm0, s16, v9  }
0x129: {  	s21 =	sshra.s32 s29, $0xD;
	s22 =	sshra.s32 s18, $0xD;
	s23 =	sshra.s32 s2, $0xD;
	v11 =	vsel vm2, s17, v11;
	vm13 =	vmmov vm4;
	v9 =	vsel vm9, s20, v9  }
0x12a: {  	s24 =	sshrl.u32 s11, $0x1F;
	s25 =	sshra.s32 s2, $0x1F;
	v12 =	vsel vm5, s22, v12;
	v11 =	vsel vm5, s21, v11;
	v9 =	vsel vm13, s23, v9  }
0x12b: {  	s26 =	sshra.s32 s11, $0xD;
	v10 =	vsel vm7, s24, v10;
	v11 =	vcombine.low v12, v11;
	v9 =	vsel vm12, s25, v9  }
0x12c: {  	v8 =	vperm.xlane v8, v0;
	v10 =	vperm.xlane v10, v1;
	v9 =	vsel vm7, s26, v9  }
0x12d: {  	v11 =	vperm.xlane v11, v0;
	v9 =	vperm.xlane v9, v1  }
0x12e: {  	v5 =	vsel vm6, v6, v5;
	v4 =	vsel vm6, v4, v7  }
0x12f: {  	v4 =	vadd.s32 v5, v4;
	v30 =	vsel vm6, v10, v8;
	v31 =	vsel vm6, v9, v11  }
0x130: {  	v4 =	vmul.u32 $0x186A0, v4;
	v5 =	vadd.s32 v30, v31  }
0x131: {  	v5 =	vmul.u32 $0x186A0, v5  }
0x132: {  	v2 =	vsub.s32 v2, v4  }
0x133: {  	v4 =	vadd.s32 $0x186A0, v2;
	vm12 =	vlt.s32 v2, $0x0;
	v3 =	vsub.s32 v3, v5  }
0x134: {  	v2 =	vsel vm12, v4, v2;
	vm12 =	vlt.s32 v3, $0x0;
	v32 =	vadd.s32 $0x186A0, v3  }
0x135: {  	s28 =	rddreg [dreg:$0x18];
	[tilespmem:$0x480] =	vst v2;
	v2 =	vsel vm12, v32, v3  }
0x136: {  	s29 =	simm.s32 $0x1C00;
	s31 =	simm.s32 $0x20;
	s30 =	rddreg [dreg:$0x2];
	[tilespmem:$0x490] =	vst v2  }
0x137: {  	[tilespmem:s29], [sflag:$0x1] =	stream.indirect.gather [hbm4b:s30+s31], $0x80, s28, s31, $0xb8;
	[tilespmem:$0x10C00] =	vst v63  }
0x138: {  	v2 =	vld [tilespmem:$0x40];
	_ =	sdelay $0x1  }
0x139: {  	v3 =	vld [tilespmem:$0x240];
	_ =	sdelay $0x2  }
0x13a: {  	v2 =	vmul.u32 $0x1F, v2;
	_ =	sdelay $0x1  }
0x13b: {  	v2 =	vadd.s32 v3, v2  }
0x13c: {  	(v2sf) =	vpush v2, $0xD;
	_ =	sdelay $0x1  }
0x13d: {  	(v2sf) =	vpush v2, $0xC;
	_ =	sdelay $0x1  }
0x13e: {  	(v2sf) =	vpush v2, $0xE;
	_ =	sdelay $0x1  }
0x13f: {  	(v2sf) =	vpush v2, $0xF;
	_ =	sdelay $0x1  }
0x140: {  	(v2sf) =	vpush v2, $0x9;
	_ =	sdelay $0x1  }
0x141: {  	(v2sf) =	vpush v2, $0x8;
	_ =	sdelay $0x1  }
0x142: {  	(v2sf) =	vpush v2, $0xA;
	_ =	sdelay $0x1  }
0x143: {  	(v2sf) =	vpush v2, $0xB  }
0x144: {  	s3 =	spop (v2sf)  }
0x145: {  	(v2sf) =	vpush v2, $0x0;
	s0 =	smulhi.u32 $0x14F8B589, s3;
	s1 =	sshra.s32 s3, $0x1F  }
0x146: {  	s4 =	spop (v2sf);
	s17 =	smul.u32 $0x14F8B589, s1  }
0x147: {  	(v2sf) =	vpush v2, $0x1;
	s1 =	smulhi.u32 $0x14F8B589, s4;
	s2 =	sshra.s32 s4, $0x1F  }
0x148: {  	s5 =	spop (v2sf);
	s18 =	smul.u32 $0x14F8B589, s2  }
0x149: {  	(v2sf) =	vpush v2, $0x2;
	s8 =	smulhi.u32 $0x14F8B589, s5;
	s2 =	sshra.s32 s5, $0x1F  }
0x14a: {  	s6 =	spop (v2sf);
	s4 =	smul.u32 $0x14F8B589, s2  }
0x14b: {  	(v2sf) =	vpush v2, $0x3;
	s9 =	smulhi.u32 $0x14F8B589, s6;
	s2 =	sshra.s32 s6, $0x1F  }
0x14c: {  	s7 =	spop (v2sf);
	s14 =	smul.u32 $0x14F8B589, s2  }
0x14d: {  	v3 =	vld [tilespmem:$0x50];
	(v2sf) =	vpush v2, $0x4;
	s10 =	smulhi.u32 $0x14F8B589, s7;
	s2 =	sshra.s32 s7, $0x1F  }
0x14e: {  	s11 =	spop (v2sf);
	s3 =	smul.u32 $0x14F8B589, s2  }
0x14f: {  	v33 =	vld [tilespmem:$0x250];
	(v2sf) =	vpush v2, $0x5;
	s20 =	smulhi.u32 $0x14F8B589, s11;
	s2 =	sshra.s32 s11, $0x1F  }
0x150: {  	s12 =	spop (v2sf);
	s6 =	smul.u32 $0x14F8B589, s2  }
0x151: {  	(v2sf) =	vpush v2, $0x6;
	s23 =	smulhi.u32 $0x14F8B589, s12;
	s2 =	sshra.s32 s12, $0x1F  }
0x152: {  	v3 =	vmul.u32 $0x1F, v3;
	s13 =	spop (v2sf);
	s19 =	smul.u32 $0x14F8B589, s2  }
0x153: {  	(v2sf) =	vpush v2, $0x7;
	s15 =	smulhi.u32 $0x14F8B589, s13;
	s2 =	sshra.s32 s13, $0x1F  }
0x154: {  	v3 =	vadd.s32 v33, v3;
	s0 =	sadd.s32 s17, s0;
	s16 =	spop (v2sf);
	s24 =	smul.u32 $0x14F8B589, s2  }
0x155: {  	[smem:$0x6CD] =	sst s0;
	(v2sf) =	vpush v3, $0xD;
	s21 =	smulhi.u32 $0x14F8B589, s16;
	s2 =	sshra.s32 s16, $0x1F  }
0x156: {  	s22 =	spop (v2sf);
	s7 =	smul.u32 $0x14F8B589, s2  }
0x157: {  	[smem:$0x6BF] =	sst s15;
	s25 =	smulhi.u32 $0x14F8B589, s22;
	s2 =	sshra.s32 s22, $0x1F  }
0x158: {  	(v2sf) =	vpush v3, $0xC;
	s26 =	spop (v2sf);
	s5 =	smul.u32 $0x14F8B589, s2  }
0x159: {  	[smem:$0x6C0] =	sst s21;
	s28 =	smulhi.u32 $0x14F8B589, s26;
	s2 =	sshra.s32 s26, $0x1F  }
0x15a: {  	s29 =	spop (v2sf);
	s21 =	smul.u32 $0x14F8B589, s2  }
0x15b: {  	[smem:$0x6C1] =	sst s25;
	s30 =	smulhi.u32 $0x14F8B589, s29;
	s2 =	sshra.s32 s29, $0x1F  }
0x15c: {  	s16 =	smul.u32 $0x14F8B589, s2;
	s31 =	spop (v2sf)  }
0x15d: {  	(v2sf) =	vpush v3, $0xE;
	[smem:$0x6C2] =	sst s28;
	s12 =	smulhi.u32 $0x14F8B589, s31;
	s2 =	sshra.s32 s31, $0x1F  }
0x15e: {  	s13 =	spop (v2sf);
	s15 =	smul.u32 $0x14F8B589, s2  }
0x15f: {  	[smem:$0x6C3] =	sst s30;
	s22 =	smulhi.u32 $0x14F8B589, s13;
	s2 =	sshra.s32 s13, $0x1F  }
0x160: {  	(v2sf) =	vpush v3, $0xF;
	s25 =	spop (v2sf);
	s13 =	smul.u32 $0x14F8B589, s2  }
0x161: {  	[smem:$0x6C4] =	sst s12;
	s26 =	smulhi.u32 $0x14F8B589, s25;
	s2 =	sshra.s32 s25, $0x1F  }
0x162: {  	s28 =	spop (v2sf);
	s12 =	smul.u32 $0x14F8B589, s2  }
0x163: {  	[smem:$0x6C5] =	sst s22;
	s29 =	smulhi.u32 $0x14F8B589, s28  }
0x164: {  	(v2sf) =	vpush v3, $0x9;
	s2 =	sshra.s32 s28, $0x1F;
	s30 =	spop (v2sf);
	s28 =	sadd.s32 s18, s1  }
0x165: {  	s18 =	sadd.s32 s3, s10;
	s3 =	sld [smem:$0x6BF];
	s11 =	smul.u32 $0x14F8B589, s2  }
0x166: {  	(v2sf) =	vpush v3, $0x8;
	[smem:$0x6C6] =	sst s26;
	s31 =	smulhi.u32 $0x14F8B589, s30;
	s2 =	sshra.s32 s30, $0x1F  }
0x167: {  	s25 =	spop (v2sf);
	s22 =	smul.u32 $0x14F8B589, s2  }
0x168: {  	(v2sf) =	vpush v3, $0xA;
	[smem:$0x6C7] =	sst s29;
	s26 =	smulhi.u32 $0x14F8B589, s25  }
0x169: {  	s2 =	sshra.s32 s25, $0x1F;
	s25 =	sadd.s32 s4, s8;
	s4 =	sld [smem:$0x6C0]  }
0x16a: {  	(v2sf) =	vpush v3, $0xB;
	s8 =	sld [smem:$0x6C1]  }
0x16b: {  	[smem:$0x6C8] =	sst s31  }
0x16c: {  	s17 =	sadd.s32 s6, s20;
	s30 =	spop (v2sf);
	[smem:$0x6C9] =	sst s22  }
0x16d: {  	s19 =	sadd.s32 s19, s23;
	(v2sf) =	vpush v3, $0x0;
	s29 =	smul.u32 $0x14F8B589, s2;
	[smem:$0x6CA] =	sst s26  }
0x16e: {  	s31 =	smulhi.u32 $0x14F8B589, s30;
	s22 =	sadd.s32 s14, s9;
	s9 =	sld [smem:$0x6C2]  }
0x16f: {  	s0 =	sshra.s32 s30, $0x1F;
	s1 =	spop (v2sf);
	[smem:$0x6CB] =	sst s29  }
0x170: {  	s24 =	sadd.s32 s24, s3;
	s26 =	smul.u32 $0x14F8B589, s0;
	[smem:$0x6CC] =	sst s31  }
0x171: {  	s0 =	sshra.s32 s1, $0x1F;
	s29 =	smulhi.u32 $0x14F8B589, s1;
	s31 =	sld [smem:$0x6C3]  }
0x172: {  	s20 =	smul.u32 $0x14F8B589, s0;
	s7 =	sadd.s32 s7, s4;
	s4 =	sld [smem:$0x6C5]  }
0x173: {  	s5 =	sadd.s32 s5, s8;
	s1 =	sld [smem:$0x6C8];
	s2 =	spop (v2sf)  }
0x174: {  	s21 =	sadd.s32 s21, s9;
	s23 =	smulhi.u32 $0x14F8B589, s2;
	s0 =	sshra.s32 s2, $0x1F  }
0x175: {  	s29 =	sadd.s32 s20, s29;
	s6 =	spop (v2sf);
	s14 =	smul.u32 $0x14F8B589, s0  }
0x176: {  	(v2sf) =	vpush v3, $0x1;
	s2 =	sld [smem:$0x6C4];
	s10 =	smulhi.u32 $0x14F8B589, s6;
	s0 =	sshra.s32 s6, $0x1F  }
0x177: {  	s16 =	sadd.s32 s16, s31;
	s30 =	spop (v2sf);
	s9 =	smul.u32 $0x14F8B589, s0  }
0x178: {  	s13 =	sadd.s32 s13, s4;
	s8 =	smulhi.u32 $0x14F8B589, s30;
	s0 =	sshra.s32 s30, $0x1F  }
0x179: {  	s3 =	spop (v2sf);
	s30 =	sld [smem:$0x6C6];
	s15 =	sadd.s32 s15, s2  }
0x17a: {  	(v2sf) =	vpush v3, $0x2;
	s6 =	smul.u32 $0x14F8B589, s0;
	s2 =	sld [smem:$0x6C7];
	s14 =	sadd.s32 s14, s23  }
0x17b: {  	s4 =	smulhi.u32 $0x14F8B589, s3;
	s0 =	sshra.s32 s3, $0x1F;
	[smem:$0x6D1] =	sst s14  }
0x17c: {  	s31 =	spop (v2sf);
	s9 =	sadd.s32 s9, s10;
	s10 =	sld [smem:$0x6CD]  }
0x17d: {  	s3 =	smul.u32 $0x14F8B589, s0;
	s12 =	sadd.s32 s12, s30;
	s30 =	sld [smem:$0x6C9]  }
0x17e: {  	s0 =	sshra.s32 s31, $0x1F;
	[smem:$0x6D2] =	sst s9;
	s6 =	sadd.s32 s6, s8  }
0x17f: {  	s11 =	sadd.s32 s11, s2;
	s2 =	smulhi.u32 $0x14F8B589, s31;
	s31 =	sld [smem:$0x6CA]  }
0x180: {  	s23 =	sshrl.u32 s22, $0x1F;
	[smem:$0x6D3] =	sst s6;
	s3 =	sadd.s32 s3, s4  }
0x181: {  	s4 =	sshrl.u32 s28, $0x1F;
	s28 =	sshra.s32 s28, $0xD;
	[smem:$0x6D4] =	sst s3  }
0x182: {  	s8 =	sshra.s32 s10, $0xD;
	s1 =	sadd.s32 s30, s1;
	s30 =	sld [smem:$0x6CB]  }
0x183: {  	s3 =	sshra.s32 s17, $0xD;
	s14 =	sshra.s32 s11, $0x1F;
	v35 =	vmov s4;
	s4 =	sshrl.u32 s15, $0x1F  }
0x184: {  	(v2sf) =	vpush v3, $0x3;
	v34 =	vmov s14;
	s14 =	sshrl.u32 s5, $0x1F;
	[smem:$0x6CE] =	sst s1;
	s1 =	smul.u32 $0x14F8B589, s0  }
0x185: {  	(v2sf) =	vpush v3, $0x4;
	s0 =	spop (v2sf);
	s31 =	sadd.s32 s30, s31;
	s30 =	sld [smem:$0x6CC]  }
0x186: {  	s9 =	sadd.s32 s1, s2;
	s2 =	sshrl.u32 s10, $0x1F;
	s10 =	sshra.s32 s22, $0xD  }
0x187: {  	v39 =	vmov s3;
	s22 =	sshra.s32 s18, $0xD;
	[smem:$0x6CF] =	sst s31;
	s31 =	smulhi.u32 $0x14F8B589, s0  }
0x188: {  	(v2sf) =	vpush v3, $0x5;
	s0 =	sshra.s32 s0, $0x1F;
	v5 =	vsel vm1, s2, v35;
	s2 =	sshrl.u32 s16, $0x1F;
	v9 =	vsel vm1, s22, v39;
	s22 =	sld [smem:$0x6D3]  }
0x189: {  	(v2sf) =	vpush v3, $0x6;
	s0 =	smul.u32 $0x14F8B589, s0;
	s26 =	sadd.s32 s26, s30;
	s30 =	spop (v2sf)  }
0x18a: {  	(v2sf) =	vpush v3, $0x7;
	[smem:$0x6D0] =	sst s26;
	s20 =	smulhi.u32 $0x14F8B589, s30;
	s26 =	sshra.s32 s30, $0x1F  }
0x18b: {  	s6 =	sadd.s32 s0, s31;
	s31 =	sshrl.u32 s24, $0x1F;
	s0 =	sshra.s32 s7, $0xD  }
0x18c: {  	vm14 =	vmmov vm10;
	s30 =	smul.u32 $0x14F8B589, s26;
	s26 =	sshrl.u32 s18, $0x1F;
	s18 =	sshra.s32 s24, $0xD  }
0x18d: {  	vm12 =	vcmask $0x704;
	v38 =	vmov s28;
	s24 =	sshrl.u32 s7, $0x1F;
	v4 =	vsel vm14, s0, v34;
	s7 =	sshra.s32 s7, $0x1F;
	s0 =	sshra.s32 s5, $0xD  }
0x18e: {  	v8 =	vsel vm1, s8, v38;
	s5 =	sshra.s32 s5, $0x1F;
	s8 =	sshrl.u32 s6, $0x1F;
	v4 =	vsel vm12, s7, v4;
	s7 =	sshrl.u32 s21, $0x1F  }
0x18f: {  	vm10 =	vmmov vm11;
	v36 =	vmov s24;
	s24 =	sshra.s32 s21, $0xD;
	s1 =	sadd.s32 s30, s20;
	s20 =	sshrl.u32 s25, $0x1F  }
0x190: {  	vm11 =	vmmov vm8;
	vm8 =	vmmov vm15;
	vm4 =	vmmov vm0;
	s25 =	sshra.s32 s25, $0xD;
	s30 =	sshrl.u32 s17, $0x1F;
	s17 =	sshrl.u32 s19, $0x1F  }
0x191: {  	vm3 =	vcmask $0x1F1C;
	s19 =	sshra.s32 s19, $0xD;
	v4 =	vsel vm1, s0, v4;
	v6 =	vnsel vm14, $0x0, v36;
	s0 =	sshra.s32 s21, $0x1F;
	s21 =	sshra.s32 s16, $0xD  }
0x192: {  	v5 =	vsel vm2, s20, v5;
	v6 =	vsel vm1, s14, v6;
	v4 =	vsel vm10, s5, v4;
	s14 =	sshra.s32 s16, $0x1F;
	s16 =	sshra.s32 s15, $0xD;
	s5 =	sshra.s32 s15, $0x1F  }
0x193: {  	s15 =	spop (v2sf);
	v37 =	vmov s30;
	s30 =	sshrl.u32 s12, $0x1F;
	v8 =	vsel vm2, s25, v8;
	s25 =	sld [smem:$0x6D1];
	v9 =	vsel vm2, s19, v9  }
0x194: {  	s19 =	sshrl.u32 s22, $0x1F;
	v5 =	vsel vm5, s23, v5;
	v6 =	vsel vm2, s7, v6;
	v4 =	vsel vm2, s24, v4;
	s24 =	sshrl.u32 s13, $0x1F;
	s20 =	spop (v2sf)  }
0x195: {  	s23 =	sshra.s32 s12, $0xD;
	s7 =	sshra.s32 s12, $0x1F;
	v9 =	vsel vm5, s18, v9;
	s18 =	sld [smem:$0x6D4];
	v6 =	vsel vm5, s2, v6;
	v4 =	vsel vm11, s0, v4  }
0x196: {  	v7 =	vsel vm1, s26, v37;
	s0 =	sshra.s32 s13, $0xD;
	s13 =	sshra.s32 s13, $0x1F;
	s3 =	smulhi.u32 $0x14F8B589, s20;
	v6 =	vsel vm8, s4, v6;
	v4 =	vsel vm5, s21, v4  }
0x197: {  	v7 =	vsel vm2, s17, v7;
	s4 =	spop (v2sf);
	s21 =	sld [smem:$0x6D0];
	s17 =	sshrl.u32 s25, $0x1F;
	v6 =	vsel vm4, s24, v6;
	v4 =	vsel vm3, s14, v4  }
0x198: {  	vm0 =	vmmov vm10;
	s24 =	sshrl.u32 s11, $0x1F;
	s2 =	spop (v2sf);
	v6 =	vsel vm13, s30, v6;
	v4 =	vsel vm8, s16, v4;
	s16 =	smulhi.u32 $0x14F8B589, s15  }
0x199: {  	vm9 =	vcmask $0x2724;
	vm10 =	vcmask $0x2F2C;
	s14 =	sshra.s32 s11, $0xD;
	s26 =	spop (v2sf);
	v6 =	vsel vm7, s24, v6;
	s24 =	sld [smem:$0x6CE]  }
0x19a: {  	v8 =	vsel vm5, s10, v8;
	v7 =	vsel vm5, s31, v7;
	v4 =	vsel vm9, s5, v4;
	s12 =	smulhi.u32 $0x14F8B589, s26;
	s11 =	sshra.s32 s26, $0x1F;
	s26 =	sld [smem:$0x6CF]  }
0x19b: {  	v40 =	vcombine.low v9, v8;
	v5 =	vcombine.low v7, v5;
	s5 =	sshra.s32 s15, $0x1F;
	s15 =	sshrl.u32 s29, $0x1F;
	v4 =	vsel vm4, s0, v4;
	s28 =	smul.u32 $0x14F8B589, s11  }
0x19c: {  	vm15 =	vmmov vm7;
	s5 =	smul.u32 $0x14F8B589, s5;
	s0 =	sshrl.u32 s18, $0x1F;
	v4 =	vsel vm10, s13, v4;
	s13 =	sshrl.u32 s21, $0x1F  }
0x19d: {  	v7 =	vperm.xlane v40, v0;
	vm7 =	vmmov vm13;
	v5 =	vperm.xlane v5, v0;
	s30 =	sshrl.u32 s24, $0x1F;
	s31 =	sshrl.u32 s26, $0x1F;
	s11 =	sadd.s32 s28, s12  }
0x19e: {  	v4 =	vsel vm13, s23, v4;
	s23 =	sld [smem:$0x6D2];
	vm13 =	vcmask $0x3734;
	s5 =	sadd.s32 s5, s16;
	v41 =	vmov s31;
	s12 =	sshra.s32 s11, $0x1F  }
0x19f: {  	s28 =	sshra.s32 s20, $0x1F;
	s16 =	sshra.s32 s6, $0xD;
	v4 =	vsel vm13, s7, v4;
	v8 =	vsel vm1, s30, v41;
	v42 =	vmov s12;
	s30 =	sshra.s32 s9, $0xD  }
0x1a0: {  	v6 =	vperm.xlane v6, v1;
	s7 =	sshrl.u32 s9, $0x1F;
	v4 =	vsel vm15, s14, v4;
	s14 =	smul.u32 $0x14F8B589, s28;
	s9 =	sshra.s32 s9, $0x1F;
	v9 =	vsel vm14, s30, v42  }
0x1a1: {  	s6 =	sshra.s32 s6, $0x1F;
	s31 =	sshrl.u32 s1, $0x1F;
	v43 =	vmov s7;
	s7 =	smulhi.u32 $0x14F8B589, s4;
	v4 =	vperm.xlane v4, v1;
	v9 =	vsel vm12, s9, v9  }
0x1a2: {  	s20 =	sshrl.u32 s5, $0x1F;
	s4 =	sshra.s32 s4, $0x1F;
	s28 =	smulhi.u32 $0x14F8B589, s2;
	v8 =	vsel vm2, s13, v8;
	v10 =	vnsel vm14, $0x0, v43;
	v9 =	vsel vm1, s16, v9  }
0x1a3: {  	s2 =	sshra.s32 s2, $0x1F;
	s10 =	sshrl.u32 s23, $0x1F;
	s30 =	sshra.s32 s1, $0xD;
	v8 =	vsel vm5, s15, v8;
	v10 =	vsel vm1, s8, v10;
	v9 =	vsel vm0, s6, v9  }
0x1a4: {  	s12 =	sshra.s32 s5, $0x1F;
	s1 =	sshra.s32 s1, $0x1F;
	v44 =	vmov s10;
	s15 =	sshra.s32 s26, $0xD;
	v10 =	vsel vm2, s31, v10;
	v9 =	vsel vm2, s30, v9  }
0x1a5: {  	s4 =	smul.u32 $0x14F8B589, s4;
	s3 =	sadd.s32 s14, s3;
	s9 =	sshra.s32 s5, $0xD;
	v11 =	vsel vm1, s17, v44;
	v45 =	vmov s15;
	v9 =	vsel vm11, s1, v9  }
0x1a6: {  	s2 =	smul.u32 $0x14F8B589, s2;
	s31 =	sshrl.u32 s3, $0x1F;
	s16 =	sshra.s32 s23, $0xD;
	v10 =	vsel vm5, s20, v10;
	v11 =	vsel vm2, s19, v11;
	v9 =	vsel vm5, s9, v9  }
0x1a7: {  	s4 =	sadd.s32 s4, s7;
	s14 =	sshra.s32 s3, $0xD;
	s20 =	sshra.s32 s25, $0xD;
	v46 =	vmov s16;
	v10 =	vsel vm8, s31, v10;
	v9 =	vsel vm3, s12, v9  }
0x1a8: {  	s2 =	sadd.s32 s2, s28;
	s17 =	sshra.s32 s3, $0x1F;
	s10 =	sshrl.u32 s4, $0x1F;
	v11 =	vsel vm5, s0, v11;
	v12 =	vsel vm1, s20, v46;
	v9 =	vsel vm8, s14, v9  }
0x1a9: {  	s19 =	sshra.s32 s24, $0xD;
	s23 =	sshra.s32 s4, $0xD;
	s25 =	sshra.s32 s22, $0xD;
	v10 =	vsel vm4, s10, v10;
	v8 =	vcombine.low v11, v8;
	v9 =	vsel vm9, s17, v9  }
0x1aa: {  	s13 =	sshrl.u32 s2, $0x1F;
	s24 =	sshra.s32 s21, $0xD;
	s26 =	sshra.s32 s4, $0x1F;
	v11 =	vsel vm1, s19, v45;
	v12 =	vsel vm2, s25, v12;
	v9 =	vsel vm4, s23, v9  }
0x1ab: {  	s28 =	sshra.s32 s29, $0xD;
	s29 =	sshra.s32 s18, $0xD;
	s30 =	sshra.s32 s2, $0xD;
	v10 =	vsel vm7, s13, v10;
	v11 =	vsel vm2, s24, v11;
	v9 =	vsel vm10, s26, v9  }
0x1ac: {  	s5 =	sshra.s32 s2, $0x1F;
	s31 =	sshrl.u32 s11, $0x1F;
	v12 =	vsel vm5, s29, v12;
	v11 =	vsel vm5, s28, v11;
	v9 =	vsel vm7, s30, v9  }
0x1ad: {  	s6 =	sshra.s32 s11, $0xD;
	v10 =	vsel vm15, s31, v10;
	v11 =	vcombine.low v12, v11;
	v9 =	vsel vm13, s5, v9  }
0x1ae: {  	v8 =	vperm.xlane v8, v0;
	v10 =	vperm.xlane v10, v1;
	v9 =	vsel vm15, s6, v9  }
0x1af: {  	v11 =	vperm.xlane v11, v0;
	v9 =	vperm.xlane v9, v1  }
0x1b0: {  	v5 =	vsel vm6, v6, v5;
	v4 =	vsel vm6, v4, v7  }
0x1b1: {  	v4 =	vadd.s32 v5, v4;
	v47 =	vsel vm6, v10, v8;
	v48 =	vsel vm6, v9, v11  }
0x1b2: {  	v4 =	vmul.u32 $0x186A0, v4;
	v5 =	vadd.s32 v47, v48  }
0x1b3: {  	v5 =	vmul.u32 $0x186A0, v5  }
0x1b4: {  	v2 =	vsub.s32 v2, v4  }
0x1b5: {  	v4 =	vadd.s32 $0x186A0, v2;
	vm9 =	vlt.s32 v2, $0x0;
	v3 =	vsub.s32 v3, v5  }
0x1b6: {  	v2 =	vsel vm9, v4, v2;
	vm9 =	vlt.s32 v3, $0x0;
	v49 =	vadd.s32 $0x186A0, v3  }
0x1b7: {  	s7 =	rddreg [dreg:$0x19];
	[tilespmem:$0x500] =	vst v2;
	v2 =	vsel vm9, v49, v3  }
0x1b8: {  	s8 =	simm.s32 $0x2C00;
	s10 =	simm.s32 $0x20;
	s9 =	rddreg [dreg:$0x2];
	[tilespmem:$0x510] =	vst v2  }
0x1b9: {  	[tilespmem:s8], [sflag:$0x1] =	stream.indirect.gather [hbm4b:s9+s10], $0x80, s7, s10, $0xb8;
	[tilespmem:$0x10C00] =	vst v63  }
0x1ba: {  	v2 =	vld [tilespmem:$0x60];
	_ =	sdelay $0x1  }
0x1bb: {  	v3 =	vld [tilespmem:$0x260];
	_ =	sdelay $0x2  }
0x1bc: {  	v2 =	vmul.u32 $0x1F, v2;
	_ =	sdelay $0x1  }
0x1bd: {  	v2 =	vadd.s32 v3, v2  }
0x1be: {  	(v2sf) =	vpush v2, $0xD;
	_ =	sdelay $0x1  }
0x1bf: {  	(v2sf) =	vpush v2, $0xC;
	_ =	sdelay $0x1  }
0x1c0: {  	(v2sf) =	vpush v2, $0xE;
	_ =	sdelay $0x1  }
0x1c1: {  	(v2sf) =	vpush v2, $0xF;
	_ =	sdelay $0x1  }
0x1c2: {  	(v2sf) =	vpush v2, $0x9;
	_ =	sdelay $0x1  }
0x1c3: {  	(v2sf) =	vpush v2, $0x8;
	_ =	sdelay $0x1  }
0x1c4: {  	(v2sf) =	vpush v2, $0xA;
	_ =	sdelay $0x1  }
0x1c5: {  	(v2sf) =	vpush v2, $0xB  }
0x1c6: {  	s11 =	spop (v2sf)  }
0x1c7: {  	(v2sf) =	vpush v2, $0x0;
	s9 =	smulhi.u32 $0x14F8B589, s11;
	s1 =	sshra.s32 s11, $0x1F  }
0x1c8: {  	(v2sf) =	vpush v2, $0x1;
	s12 =	spop (v2sf);
	s24 =	smul.u32 $0x14F8B589, s1  }
0x1c9: {  	(v2sf) =	vpush v2, $0x2;
	s11 =	smulhi.u32 $0x14F8B589, s12;
	s3 =	sshra.s32 s12, $0x1F  }
0x1ca: {  	s13 =	spop (v2sf);
	s26 =	smul.u32 $0x14F8B589, s3  }
0x1cb: {  	(v2sf) =	vpush v2, $0x3;
	s25 =	smulhi.u32 $0x14F8B589, s13;
	s5 =	sshra.s32 s13, $0x1F  }
0x1cc: {  	s14 =	spop (v2sf);
	s4 =	smul.u32 $0x14F8B589, s5  }
0x1cd: {  	(v2sf) =	vpush v2, $0x4;
	s28 =	smulhi.u32 $0x14F8B589, s14;
	s7 =	sshra.s32 s14, $0x1F  }
0x1ce: {  	s15 =	spop (v2sf);
	s2 =	smul.u32 $0x14F8B589, s7  }
0x1cf: {  	v3 =	vld [tilespmem:$0x70];
	(v2sf) =	vpush v2, $0x5;
	s30 =	smulhi.u32 $0x14F8B589, s15;
	s8 =	sshra.s32 s15, $0x1F  }
0x1d0: {  	s16 =	spop (v2sf);
	s3 =	smul.u32 $0x14F8B589, s8  }
0x1d1: {  	v50 =	vld [tilespmem:$0x270];
	(v2sf) =	vpush v2, $0x6;
	s8 =	smulhi.u32 $0x14F8B589, s16;
	s10 =	sshra.s32 s16, $0x1F  }
0x1d2: {  	s17 =	spop (v2sf);
	s6 =	smul.u32 $0x14F8B589, s10  }
0x1d3: {  	s10 =	smulhi.u32 $0x14F8B589, s17;
	s12 =	sshra.s32 s17, $0x1F  }
0x1d4: {  	v3 =	vmul.u32 $0x1F, v3;
	s9 =	sadd.s32 s24, s9;
	s18 =	spop (v2sf);
	s5 =	smul.u32 $0x14F8B589, s12  }
0x1d5: {  	(v2sf) =	vpush v2, $0x7;
	[smem:$0x6E5] =	sst s9;
	s7 =	smulhi.u32 $0x14F8B589, s18;
	s14 =	sshra.s32 s18, $0x1F  }
0x1d6: {  	v3 =	vadd.s32 v50, v3;
	s19 =	spop (v2sf);
	s0 =	smul.u32 $0x14F8B589, s14  }
0x1d7: {  	(v2sf) =	vpush v3, $0xD;
	s20 =	spop (v2sf);
	s12 =	smulhi.u32 $0x14F8B589, s19  }
0x1d8: {  	s13 =	sshra.s32 s19, $0x1F;
	s29 =	spop (v2sf);
	[smem:$0x6D5] =	sst s5  }
0x1d9: {  	[smem:$0x6D6] =	sst s7;
	s7 =	smul.u32 $0x14F8B589, s13  }
0x1da: {  	(v2sf) =	vpush v3, $0xC;
	s14 =	smulhi.u32 $0x14F8B589, s20;
	s15 =	sshra.s32 s20, $0x1F;
	s31 =	spop (v2sf)  }
0x1db: {  	[smem:$0x6D7] =	sst s12;
	s5 =	smul.u32 $0x14F8B589, s15  }
0x1dc: {  	s16 =	smulhi.u32 $0x14F8B589, s29;
	s17 =	sshra.s32 s29, $0x1F;
	s21 =	spop (v2sf)  }
0x1dd: {  	[smem:$0x6D8] =	sst s14;
	s18 =	smul.u32 $0x14F8B589, s17  }
0x1de: {  	s19 =	smulhi.u32 $0x14F8B589, s31;
	s29 =	sshra.s32 s31, $0x1F;
	s22 =	spop (v2sf)  }
0x1df: {  	[smem:$0x6D9] =	sst s16;
	s16 =	smul.u32 $0x14F8B589, s29  }
0x1e0: {  	s31 =	smulhi.u32 $0x14F8B589, s21;
	s1 =	sshra.s32 s21, $0x1F;
	s23 =	spop (v2sf)  }
0x1e1: {  	[smem:$0x6DA] =	sst s18;
	s15 =	smul.u32 $0x14F8B589, s1  }
0x1e2: {  	(v2sf) =	vpush v3, $0xE;
	[smem:$0x6DB] =	sst s19;
	s12 =	smulhi.u32 $0x14F8B589, s22  }
0x1e3: {  	(v2sf) =	vpush v3, $0xF;
	[smem:$0x6DC] =	sst s31;
	s14 =	smulhi.u32 $0x14F8B589, s23  }
0x1e4: {  	[smem:$0x6DD] =	sst s12;
	s18 =	spop (v2sf)  }
0x1e5: {  	[smem:$0x6DE] =	sst s14;
	s19 =	smulhi.u32 $0x14F8B589, s18;
	s14 =	sshra.s32 s18, $0x1F  }
0x1e6: {  	(v2sf) =	vpush v3, $0x9;
	s20 =	spop (v2sf);
	s1 =	smul.u32 $0x14F8B589, s14  }
0x1e7: {  	s13 =	sshra.s32 s22, $0x1F;
	s21 =	smulhi.u32 $0x14F8B589, s20;
	s14 =	sld [smem:$0x6D5]  }
0x1e8: {  	(v2sf) =	vpush v3, $0x8;
	s22 =	sshra.s32 s20, $0x1F;
	s20 =	sadd.s32 s6, s8;
	s6 =	sld [smem:$0x6D8]  }
0x1e9: {  	s17 =	sshra.s32 s23, $0x1F;
	s24 =	spop (v2sf);
	[smem:$0x6DF] =	sst s19  }
0x1ea: {  	(v2sf) =	vpush v3, $0xA;
	s23 =	smul.u32 $0x14F8B589, s22;
	s22 =	sadd.s32 s3, s30;
	s3 =	sld [smem:$0x6D7]  }
0x1eb: {  	s29 =	sadd.s32 s26, s11;
	s26 =	smulhi.u32 $0x14F8B589, s24;
	[smem:$0x6E0] =	sst s21  }
0x1ec: {  	(v2sf) =	vpush v3, $0xB;
	[smem:$0x6E1] =	sst s23  }
0x1ed: {  	s13 =	smul.u32 $0x14F8B589, s13;
	[smem:$0x6E2] =	sst s26  }
0x1ee: {  	s18 =	sshra.s32 s24, $0x1F;
	s19 =	sadd.s32 s14, s10;
	s10 =	sld [smem:$0x6DA]  }
0x1ef: {  	s31 =	smul.u32 $0x14F8B589, s18;
	s5 =	sadd.s32 s5, s6;
	s6 =	sld [smem:$0x6DD]  }
0x1f0: {  	s12 =	smul.u32 $0x14F8B589, s17;
	s24 =	sadd.s32 s2, s28;
	s2 =	sld [smem:$0x6E0]  }
0x1f1: {  	s26 =	sadd.s32 s4, s25;
	s4 =	spop (v2sf);
	[smem:$0x6E3] =	sst s31  }
0x1f2: {  	s9 =	smulhi.u32 $0x14F8B589, s4;
	s18 =	sshra.s32 s4, $0x1F;
	s11 =	spop (v2sf)  }
0x1f3: {  	s31 =	sld [smem:$0x6D6];
	s7 =	sadd.s32 s7, s3;
	s28 =	smul.u32 $0x14F8B589, s18  }
0x1f4: {  	(v2sf) =	vpush v3, $0x0;
	s3 =	sld [smem:$0x6DC];
	s30 =	smulhi.u32 $0x14F8B589, s11;
	s18 =	sshra.s32 s11, $0x1F  }
0x1f5: {  	s17 =	spop (v2sf);
	s23 =	smul.u32 $0x14F8B589, s18  }
0x1f6: {  	[smem:$0x6E4] =	sst s9;
	s25 =	smulhi.u32 $0x14F8B589, s17  }
0x1f7: {  	s21 =	sshra.s32 s17, $0x1F;
	s4 =	spop (v2sf);
	s9 =	sld [smem:$0x6D9]  }
0x1f8: {  	s13 =	sadd.s32 s13, s6;
	s18 =	sadd.s32 s0, s31;
	s17 =	smul.u32 $0x14F8B589, s21  }
0x1f9: {  	s11 =	smulhi.u32 $0x14F8B589, s4;
	s8 =	sshra.s32 s4, $0x1F;
	s14 =	spop (v2sf)  }
0x1fa: {  	(v2sf) =	vpush v3, $0x1;
	s31 =	sld [smem:$0x6DB];
	s15 =	sadd.s32 s15, s3;
	s0 =	sshra.s32 s14, $0x1F  }
0x1fb: {  	s4 =	spop (v2sf);
	s21 =	sadd.s32 s10, s9;
	s9 =	smul.u32 $0x14F8B589, s8  }
0x1fc: {  	(v2sf) =	vpush v3, $0x2;
	s23 =	sadd.s32 s23, s30;
	s10 =	smulhi.u32 $0x14F8B589, s14;
	s14 =	sld [smem:$0x6DE]  }
0x1fd: {  	s8 =	smul.u32 $0x14F8B589, s0;
	s16 =	sadd.s32 s16, s31;
	s31 =	sld [smem:$0x6DF]  }
0x1fe: {  	s30 =	sshrl.u32 s18, $0x1F;
	s6 =	smulhi.u32 $0x14F8B589, s4;
	[smem:$0x6E9] =	sst s23  }
0x1ff: {  	s25 =	sadd.s32 s17, s25;
	s17 =	sld [smem:$0x6E5];
	s9 =	sadd.s32 s9, s11  }
0x200: {  	s12 =	sadd.s32 s12, s14;
	s14 =	sadd.s32 s1, s31;
	s31 =	sld [smem:$0x6E1]  }
0x201: {  	s0 =	sshra.s32 s4, $0x1F;
	s10 =	sadd.s32 s8, s10;
	[smem:$0x6EA] =	sst s9  }
0x202: {  	s18 =	sshra.s32 s18, $0xD;
	s4 =	smul.u32 $0x14F8B589, s0;
	[smem:$0x6EB] =	sst s10  }
0x203: {  	s0 =	spop (v2sf);
	s1 =	sadd.s32 s31, s2;
	s31 =	sld [smem:$0x6E3]  }
0x204: {  	s3 =	smulhi.u32 $0x14F8B589, s0;
	s0 =	sshra.s32 s0, $0x1F;
	[smem:$0x6E6] =	sst s1  }
0x205: {  	s11 =	sadd.s32 s4, s6;
	s9 =	sshra.s32 s17, $0xD;
	s1 =	sld [smem:$0x6E2]  }
0x206: {  	s4 =	sshrl.u32 s29, $0x1F;
	s10 =	sshra.s32 s26, $0xD;
	s6 =	sshra.s32 s20, $0xD  }
0x207: {  	[smem:$0x6EC] =	sst s11;
	s11 =	sshra.s32 s29, $0xD;
	s29 =	sshrl.u32 s20, $0x1F  }
0x208: {  	s20 =	sshrl.u32 s19, $0x1F;
	s1 =	sadd.s32 s31, s1;
	s31 =	sld [smem:$0x6E4]  }
0x209: {  	(v2sf) =	vpush v3, $0x3;
	s19 =	sshra.s32 s19, $0xD;
	s2 =	smul.u32 $0x14F8B589, s0;
	s0 =	spop (v2sf)  }
0x20a: {  	(v2sf) =	vpush v3, $0x4;
	v54 =	vmov s29;
	s29 =	sshrl.u32 s14, $0x1F;
	[smem:$0x6E7] =	sst s1;
	s1 =	smulhi.u32 $0x14F8B589, s0  }
0x20b: {  	(v2sf) =	vpush v3, $0x5;
	s0 =	sshra.s32 s0, $0x1F;
	s28 =	sadd.s32 s28, s31;
	s31 =	spop (v2sf)  }
0x20c: {  	(v2sf) =	vpush v3, $0x6;
	s3 =	sadd.s32 s2, s3;
	[smem:$0x6E8] =	sst s28;
	s28 =	smul.u32 $0x14F8B589, s0  }
0x20d: {  	v52 =	vmov s4;
	s2 =	sshrl.u32 s17, $0x1F;
	s23 =	smulhi.u32 $0x14F8B589, s31;
	s0 =	sshra.s32 s31, $0x1F  }
0x20e: {  	s17 =	sshra.s32 s24, $0xD;
	v5 =	vsel vm1, s2, v52;
	s2 =	sshrl.u32 s16, $0x1F;
	(v2sf) =	vpush v3, $0x7;
	s31 =	smul.u32 $0x14F8B589, s0  }
0x20f: {  	vm12 =	vmmov vm11;
	s0 =	sshra.s32 s7, $0xD;
	s1 =	sadd.s32 s28, s1;
	s28 =	sshrl.u32 s26, $0x1F  }
0x210: {  	vm0 =	vmmov vm4;
	vm11 =	vcmask $0xF0C;
	vm3 =	vmmov vm1;
	s26 =	sshrl.u32 s24, $0x1F;
	s24 =	sshrl.u32 s22, $0x1F;
	s22 =	sshra.s32 s22, $0xD  }
0x211: {  	vm4 =	vmmov vm14;
	v56 =	vmov s6;
	v55 =	vmov s11;
	s8 =	sadd.s32 s31, s23;
	s23 =	sshra.s32 s14, $0x1F;
	s31 =	sshrl.u32 s7, $0x1F  }
0x212: {  	s7 =	sshra.s32 s7, $0x1F;
	v5 =	vsel vm2, s28, v5;
	s28 =	sshrl.u32 s15, $0x1F;
	v7 =	vsel vm3, s24, v54;
	s24 =	sshra.s32 s12, $0xD;
	v9 =	vsel vm3, s22, v56  }
0x213: {  	s14 =	sshra.s32 s14, $0xD;
	s22 =	smov.u32 s25;
	v51 =	vmov s23;
	v53 =	vmov s31;
	v7 =	vsel vm2, s20, v7;
	s20 =	sld [smem:$0x6E9]  }
0x214: {  	s23 =	sshrl.u32 s5, $0x1F;
	s31 =	sshra.s32 s21, $0xD;
	v9 =	vsel vm2, s19, v9;
	s19 =	sld [smem:$0x6EB];
	v4 =	vsel vm14, s0, v51;
	vm14 =	vcmask $0x704  }
0x215: {  	v8 =	vsel vm3, s9, v55;
	s0 =	sshra.s32 s5, $0xD;
	s5 =	sshra.s32 s5, $0x1F;
	v6 =	vnsel vm4, $0x0, v53;
	v4 =	vsel vm14, s7, v4;
	s7 =	sshrl.u32 s21, $0x1F  }
0x216: {  	v8 =	vsel vm2, s10, v8;
	v6 =	vsel vm1, s23, v6;
	s23 =	sshra.s32 s15, $0xD;
	v4 =	vsel vm1, s0, v4;
	s0 =	sshra.s32 s21, $0x1F;
	s21 =	sshra.s32 s16, $0xD  }
0x217: {  	v8 =	vsel vm5, s17, v8;
	s16 =	sshra.s32 s16, $0x1F;
	v6 =	vsel vm2, s7, v6;
	s7 =	sshra.s32 s12, $0x1F;
	s17 =	sshrl.u32 s19, $0x1F;
	v4 =	vsel vm11, s5, v4  }
0x218: {  	s5 =	sshra.s32 s15, $0x1F;
	s15 =	spop (v2sf);
	v6 =	vsel vm5, s2, v6;
	v4 =	vsel vm2, s31, v4;
	s31 =	sshrl.u32 s13, $0x1F  }
0x219: {  	v5 =	vsel vm5, s26, v5;
	s26 =	spop (v2sf);
	v6 =	vsel vm8, s28, v6;
	s28 =	sshrl.u32 s12, $0x1F;
	s12 =	sshrl.u32 s20, $0x1F  }
0x21a: {  	v4 =	vsel vm12, s0, v4;
	s0 =	sshra.s32 s13, $0xD;
	s4 =	spop (v2sf);
	v6 =	vsel vm0, s31, v6;
	s6 =	smulhi.u32 $0x14F8B589, s26  }
0x21b: {  	vm9 =	vcmask $0x1F1C;
	s13 =	sshra.s32 s13, $0x1F;
	v4 =	vsel vm5, s21, v4;
	s2 =	spop (v2sf);
	v6 =	vsel vm7, s28, v6;
	s28 =	sld [smem:$0x6E7]  }
0x21c: {  	v7 =	vsel vm5, s30, v7;
	v9 =	vsel vm5, s18, v9;
	s18 =	sshra.s32 s26, $0x1F;
	s21 =	sld [smem:$0x6E8];
	v4 =	vsel vm9, s16, v4;
	s16 =	smulhi.u32 $0x14F8B589, s15  }
0x21d: {  	v5 =	vcombine.low v7, v5;
	s26 =	sshra.s32 s3, $0xD;
	v4 =	vsel vm8, s23, v4;
	s23 =	sld [smem:$0x6E6];
	s31 =	spop (v2sf)  }
0x21e: {  	v57 =	vcombine.low v9, v8;
	vm1 =	vmmov vm12;
	vm12 =	vcmask $0x2724;
	s15 =	sshra.s32 s15, $0x1F;
	s11 =	smulhi.u32 $0x14F8B589, s31;
	s31 =	sshra.s32 s31, $0x1F  }
0x21f: {  	v5 =	vperm.xlane v5, v0;
	v6 =	vsel vm15, s29, v6;
	v4 =	vsel vm12, s5, v4;
	s30 =	sshrl.u32 s28, $0x1F;
	s10 =	sshrl.u32 s21, $0x1F;
	s9 =	smul.u32 $0x14F8B589, s31  }
0x220: {  	v6 =	vperm.xlane v6, v1;
	s5 =	smul.u32 $0x14F8B589, s15;
	v4 =	vsel vm0, s0, v4;
	v58 =	vmov s30;
	s30 =	sshra.s32 s1, $0xD;
	s29 =	sshrl.u32 s23, $0x1F  }
0x221: {  	v4 =	vsel vm10, s13, v4;
	s13 =	sshrl.u32 s25, $0x1F;
	s25 =	sld [smem:$0x6EC];
	s11 =	sadd.s32 s9, s11  }
0x222: {  	v7 =	vperm.xlane v57, v0;
	v5 =	vsel vm6, v6, v5;
	s31 =	sshrl.u32 s3, $0x1F;
	s5 =	sadd.s32 s5, s16;
	s16 =	sshra.s32 s11, $0x1F  }
0x223: {  	s3 =	sshra.s32 s3, $0x1F;
	v4 =	vsel vm7, s24, v4;
	s24 =	sld [smem:$0x6EA];
	v8 =	vsel vm3, s29, v58;
	s29 =	sshrl.u32 s8, $0x1F;
	v59 =	vmov s16  }
0x224: {  	v60 =	vmov s31;
	s31 =	sshrl.u32 s5, $0x1F;
	v4 =	vsel vm13, s7, v4;
	s7 =	smulhi.u32 $0x14F8B589, s4;
	s4 =	sshra.s32 s4, $0x1F;
	v9 =	vsel vm4, s26, v59  }
0x225: {  	s9 =	sshrl.u32 s1, $0x1F;
	v8 =	vsel vm2, s10, v8;
	v10 =	vnsel vm4, $0x0, v60;
	s1 =	sshra.s32 s1, $0x1F;
	s4 =	smul.u32 $0x14F8B589, s4;
	v9 =	vsel vm14, s3, v9  }
0x226: {  	s10 =	sshra.s32 s28, $0xD;
	s0 =	sshrl.u32 s25, $0x1F;
	v4 =	vsel vm15, s14, v4;
	v8 =	vsel vm5, s12, v8;
	s16 =	smul.u32 $0x14F8B589, s18;
	v9 =	vsel vm3, s30, v9  }
0x227: {  	v10 =	vsel vm3, s9, v10;
	v62 =	vmov s10;
	s15 =	sshrl.u32 s24, $0x1F;
	s18 =	smulhi.u32 $0x14F8B589, s2;
	s26 =	sshra.s32 s8, $0xD;
	v9 =	vsel vm11, s1, v9  }
0x228: {  	v4 =	vperm.xlane v4, v1;
	s2 =	sshra.s32 s2, $0x1F;
	v10 =	vsel vm2, s29, v10;
	s29 =	sshra.s32 s8, $0x1F;
	s12 =	sshra.s32 s24, $0xD;
	v9 =	vsel vm2, s26, v9  }
0x229: {  	v61 =	vmov s15;
	s2 =	smul.u32 $0x14F8B589, s2;
	v10 =	vsel vm5, s31, v10;
	s4 =	sadd.s32 s4, s7;
	s31 =	sshra.s32 s5, $0xD;
	v9 =	vsel vm1, s29, v9  }
0x22a: {  	s5 =	sshra.s32 s5, $0x1F;
	s15 =	sshra.s32 s22, $0xD;
	v63 =	vmov s12;
	s6 =	sadd.s32 s16, s6;
	v11 =	vsel vm3, s13, v61;
	v9 =	vsel vm5, s31, v9  }
0x22b: {  	s7 =	sshrl.u32 s4, $0x1F;
	v12 =	vsel vm3, s15, v63;
	s30 =	sshrl.u32 s6, $0x1F;
	v11 =	vsel vm2, s17, v11;
	s9 =	sshra.s32 s6, $0xD;
	v9 =	vsel vm9, s5, v9  }
0x22c: {  	s2 =	sadd.s32 s2, s18;
	s13 =	sshra.s32 s6, $0x1F;
	s18 =	sshra.s32 s19, $0xD;
	v10 =	vsel vm8, s30, v10;
	v11 =	vsel vm5, s0, v11;
	v9 =	vsel vm8, s9, v9  }
0x22d: {  	s14 =	sshra.s32 s23, $0xD;
	s16 =	sshra.s32 s4, $0xD;
	v12 =	vsel vm2, s18, v12;
	v10 =	vsel vm0, s7, v10;
	v9 =	vsel vm12, s13, v9  }
0x22e: {  	s22 =	sshra.s32 s25, $0xD;
	s17 =	sshra.s32 s21, $0xD;
	s19 =	sshra.s32 s4, $0x1F;
	v8 =	vcombine.low v11, v8;
	v11 =	vsel vm3, s14, v62;
	v9 =	vsel vm0, s16, v9  }
0x22f: {  	s21 =	sshra.s32 s20, $0xD;
	s8 =	sshrl.u32 s2, $0x1F;
	s23 =	sshra.s32 s2, $0xD;
	v12 =	vsel vm5, s22, v12;
	v11 =	vsel vm2, s17, v11;
	v9 =	vsel vm10, s19, v9  }
0x230: {  	s24 =	sshrl.u32 s11, $0x1F;
	s25 =	sshra.s32 s2, $0x1F;
	v10 =	vsel vm7, s8, v10;
	v11 =	vsel vm5, s21, v11;
	v9 =	vsel vm7, s23, v9  }
0x231: {  	s26 =	sshra.s32 s11, $0xD;
	v10 =	vsel vm15, s24, v10;
	v11 =	vcombine.low v12, v11;
	v9 =	vsel vm13, s25, v9  }
0x232: {  	v8 =	vperm.xlane v8, v0;
	v10 =	vperm.xlane v10, v1;
	v9 =	vsel vm15, s26, v9  }
0x233: {  	v4 =	vsel vm6, v4, v7;
	v11 =	vperm.xlane v11, v0;
	v9 =	vperm.xlane v9, v1  }
0x234: {  	v4 =	vadd.s32 v5, v4  }
0x235: {  	v4 =	vmul.u32 $0x186A0, v4;
	v13 =	vsel vm6, v10, v8;
	v14 =	vsel vm6, v9, v11  }
0x236: {  	v5 =	vadd.s32 v13, v14  }
0x237: {  	v2 =	vsub.s32 v2, v4;
	v5 =	vmul.u32 $0x186A0, v5  }
0x238: {  	v4 =	vadd.s32 $0x186A0, v2  }
0x239: {  	vm10 =	vmmov vm15;
	vm15 =	vlt.s32 v2, $0x0;
	v3 =	vsub.s32 v3, v5  }
0x23a: {  	v2 =	vsel vm15, v4, v2;
	vm12 =	vlt.s32 v3, $0x0;
	v15 =	vadd.s32 $0x186A0, v3  }
0x23b: {  	s28 =	rddreg [dreg:$0x1a];
	[tilespmem:$0x580] =	vst v2;
	v2 =	vsel vm12, v15, v3  }
0x23c: {  	s30 =	rddreg [dreg:$0x2];
	s29 =	simm.s32 $0x3C00;
	s31 =	simm.s32 $0x20;
	[tilespmem:$0x590] =	vst v2  }
0x23d: {  	[tilespmem:s29], [sflag:$0x1] =	stream.indirect.gather [hbm4b:s30+s31], $0x80, s28, s31, $0xb8;
	[tilespmem:$0x10C00] =	vst v63  }
0x23e: {  	v2 =	vld [tilespmem:$0x80];
	_ =	sdelay $0x1  }
0x23f: {  	v3 =	vld [tilespmem:$0x280];
	_ =	sdelay $0x2  }
0x240: {  	v2 =	vmul.u32 $0x1F, v2;
	_ =	sdelay $0x1  }
0x241: {  	v2 =	vadd.s32 v3, v2  }
0x242: {  	(v2sf) =	vpush v2, $0xD;
	_ =	sdelay $0x1  }
0x243: {  	(v2sf) =	vpush v2, $0xC;
	_ =	sdelay $0x1  }
0x244: {  	(v2sf) =	vpush v2, $0xE;
	_ =	sdelay $0x1  }
0x245: {  	(v2sf) =	vpush v2, $0xF;
	_ =	sdelay $0x1  }
0x246: {  	(v2sf) =	vpush v2, $0x9;
	_ =	sdelay $0x1  }
0x247: {  	(v2sf) =	vpush v2, $0x8;
	_ =	sdelay $0x1  }
0x248: {  	(v2sf) =	vpush v2, $0xA;
	_ =	sdelay $0x1  }
0x249: {  	(v2sf) =	vpush v2, $0xB  }
0x24a: {  	s3 =	spop (v2sf)  }
0x24b: {  	(v2sf) =	vpush v2, $0x0;
	s0 =	smulhi.u32 $0x14F8B589, s3;
	s1 =	sshra.s32 s3, $0x1F  }
0x24c: {  	s4 =	spop (v2sf);
	s17 =	smul.u32 $0x14F8B589, s1  }
0x24d: {  	(v2sf) =	vpush v2, $0x1;
	s1 =	smulhi.u32 $0x14F8B589, s4;
	s2 =	sshra.s32 s4, $0x1F  }
0x24e: {  	s5 =	spop (v2sf);
	s18 =	smul.u32 $0x14F8B589, s2  }
0x24f: {  	(v2sf) =	vpush v2, $0x2;
	s8 =	smulhi.u32 $0x14F8B589, s5;
	s2 =	sshra.s32 s5, $0x1F  }
0x250: {  	s6 =	spop (v2sf);
	s4 =	smul.u32 $0x14F8B589, s2  }
0x251: {  	(v2sf) =	vpush v2, $0x3;
	s9 =	smulhi.u32 $0x14F8B589, s6;
	s2 =	sshra.s32 s6, $0x1F  }
0x252: {  	s7 =	spop (v2sf);
	s14 =	smul.u32 $0x14F8B589, s2  }
0x253: {  	v3 =	vld [tilespmem:$0x90];
	(v2sf) =	vpush v2, $0x4;
	s10 =	smulhi.u32 $0x14F8B589, s7;
	s2 =	sshra.s32 s7, $0x1F  }
0x254: {  	s11 =	spop (v2sf);
	s3 =	smul.u32 $0x14F8B589, s2  }
0x255: {  	v16 =	vld [tilespmem:$0x290];
	(v2sf) =	vpush v2, $0x5;
	s20 =	smulhi.u32 $0x14F8B589, s11;
	s2 =	sshra.s32 s11, $0x1F  }
0x256: {  	s12 =	spop (v2sf);
	s6 =	smul.u32 $0x14F8B589, s2  }
0x257: {  	(v2sf) =	vpush v2, $0x6;
	s23 =	smulhi.u32 $0x14F8B589, s12;
	s2 =	sshra.s32 s12, $0x1F  }
0x258: {  	v3 =	vmul.u32 $0x1F, v3;
	s13 =	spop (v2sf);
	s19 =	smul.u32 $0x14F8B589, s2  }
0x259: {  	(v2sf) =	vpush v2, $0x7;
	s15 =	smulhi.u32 $0x14F8B589, s13;
	s2 =	sshra.s32 s13, $0x1F  }
0x25a: {  	v3 =	vadd.s32 v16, v3;
	s0 =	sadd.s32 s17, s0;
	s16 =	spop (v2sf);
	s24 =	smul.u32 $0x14F8B589, s2  }
0x25b: {  	[smem:$0x6FB] =	sst s0;
	(v2sf) =	vpush v3, $0xD;
	s21 =	smulhi.u32 $0x14F8B589, s16;
	s2 =	sshra.s32 s16, $0x1F  }
0x25c: {  	s22 =	spop (v2sf);
	s7 =	smul.u32 $0x14F8B589, s2  }
0x25d: {  	[smem:$0x6ED] =	sst s15;
	s25 =	smulhi.u32 $0x14F8B589, s22;
	s2 =	sshra.s32 s22, $0x1F  }
0x25e: {  	(v2sf) =	vpush v3, $0xC;
	s26 =	spop (v2sf);
	s5 =	smul.u32 $0x14F8B589, s2  }
0x25f: {  	[smem:$0x6EE] =	sst s21;
	s28 =	smulhi.u32 $0x14F8B589, s26;
	s2 =	sshra.s32 s26, $0x1F  }
0x260: {  	s21 =	smul.u32 $0x14F8B589, s2;
	s29 =	spop (v2sf)  }
0x261: {  	[smem:$0x6EF] =	sst s25;
	s30 =	smulhi.u32 $0x14F8B589, s29;
	s2 =	sshra.s32 s29, $0x1F  }
0x262: {  	s31 =	spop (v2sf);
	s16 =	smul.u32 $0x14F8B589, s2  }
0x263: {  	(v2sf) =	vpush v3, $0xE;
	[smem:$0x6F0] =	sst s28;
	s12 =	smulhi.u32 $0x14F8B589, s31;
	s2 =	sshra.s32 s31, $0x1F  }
0x264: {  	s13 =	spop (v2sf);
	s15 =	smul.u32 $0x14F8B589, s2  }
0x265: {  	[smem:$0x6F1] =	sst s30;
	s22 =	smulhi.u32 $0x14F8B589, s13;
	s2 =	sshra.s32 s13, $0x1F  }
0x266: {  	s13 =	smul.u32 $0x14F8B589, s2;
	s25 =	spop (v2sf)  }
0x267: {  	[smem:$0x6F2] =	sst s12;
	s26 =	smulhi.u32 $0x14F8B589, s25;
	s2 =	sshra.s32 s25, $0x1F  }
0x268: {  	(v2sf) =	vpush v3, $0xF;
	s28 =	spop (v2sf);
	s12 =	smul.u32 $0x14F8B589, s2  }
0x269: {  	[smem:$0x6F3] =	sst s22;
	s29 =	smulhi.u32 $0x14F8B589, s28  }
0x26a: {  	(v2sf) =	vpush v3, $0x9;
	s2 =	sshra.s32 s28, $0x1F;
	s30 =	spop (v2sf);
	s28 =	sadd.s32 s18, s1  }
0x26b: {  	(v2sf) =	vpush v3, $0x8;
	s18 =	sadd.s32 s3, s10;
	s3 =	sld [smem:$0x6ED];
	s11 =	smul.u32 $0x14F8B589, s2  }
0x26c: {  	[smem:$0x6F4] =	sst s26;
	s31 =	smulhi.u32 $0x14F8B589, s30;
	s2 =	sshra.s32 s30, $0x1F  }
0x26d: {  	s25 =	spop (v2sf);
	s22 =	smul.u32 $0x14F8B589, s2  }
0x26e: {  	(v2sf) =	vpush v3, $0xA;
	[smem:$0x6F5] =	sst s29;
	s26 =	smulhi.u32 $0x14F8B589, s25  }
0x26f: {  	s2 =	sshra.s32 s25, $0x1F;
	s25 =	sadd.s32 s4, s8;
	s4 =	sld [smem:$0x6EE]  }
0x270: {  	s8 =	sld [smem:$0x6EF]  }
0x271: {  	(v2sf) =	vpush v3, $0xB;
	[smem:$0x6F6] =	sst s31  }
0x272: {  	s17 =	sadd.s32 s6, s20;
	s30 =	spop (v2sf);
	[smem:$0x6F7] =	sst s22  }
0x273: {  	s19 =	sadd.s32 s19, s23;
	(v2sf) =	vpush v3, $0x0;
	s29 =	smul.u32 $0x14F8B589, s2;
	[smem:$0x6F8] =	sst s26  }
0x274: {  	s31 =	smulhi.u32 $0x14F8B589, s30;
	s22 =	sadd.s32 s14, s9;
	s9 =	sld [smem:$0x6F0]  }
0x275: {  	s0 =	sshra.s32 s30, $0x1F;
	s24 =	sadd.s32 s24, s3;
	[smem:$0x6F9] =	sst s29  }
0x276: {  	s26 =	smul.u32 $0x14F8B589, s0;
	[smem:$0x6FA] =	sst s31;
	s7 =	sadd.s32 s7, s4  }
0x277: {  	s5 =	sadd.s32 s5, s8;
	s31 =	sld [smem:$0x6F1];
	s1 =	spop (v2sf)  }
0x278: {  	s4 =	sld [smem:$0x6F3];
	s29 =	smulhi.u32 $0x14F8B589, s1;
	s0 =	sshra.s32 s1, $0x1F  }
0x279: {  	s21 =	sadd.s32 s21, s9;
	s2 =	spop (v2sf);
	s20 =	smul.u32 $0x14F8B589, s0  }
0x27a: {  	s23 =	smulhi.u32 $0x14F8B589, s2;
	s0 =	sshra.s32 s2, $0x1F;
	s6 =	spop (v2sf)  }
0x27b: {  	(v2sf) =	vpush v3, $0x1;
	s16 =	sadd.s32 s16, s31;
	s2 =	sld [smem:$0x6F2];
	s14 =	smul.u32 $0x14F8B589, s0  }
0x27c: {  	s1 =	sld [smem:$0x6F6];
	s10 =	smulhi.u32 $0x14F8B589, s6;
	s0 =	sshra.s32 s6, $0x1F  }
0x27d: {  	s13 =	sadd.s32 s13, s4;
	s9 =	smul.u32 $0x14F8B589, s0;
	s30 =	spop (v2sf)  }
0x27e: {  	s15 =	sadd.s32 s15, s2;
	s2 =	sld [smem:$0x6F5];
	s14 =	sadd.s32 s14, s23  }
0x27f: {  	s8 =	smulhi.u32 $0x14F8B589, s30;
	s0 =	sshra.s32 s30, $0x1F;
	s30 =	sld [smem:$0x6F4]  }
0x280: {  	(v2sf) =	vpush v3, $0x2;
	s29 =	sadd.s32 s20, s29;
	s3 =	spop (v2sf);
	[smem:$0x6FF] =	sst s14  }
0x281: {  	s9 =	sadd.s32 s9, s10;
	s10 =	sld [smem:$0x6FB];
	s6 =	smul.u32 $0x14F8B589, s0  }
0x282: {  	s4 =	smulhi.u32 $0x14F8B589, s3;
	s0 =	sshra.s32 s3, $0x1F;
	s31 =	spop (v2sf)  }
0x283: {  	[smem:$0x700] =	sst s9;
	s3 =	smul.u32 $0x14F8B589, s0;
	s11 =	sadd.s32 s11, s2  }
0x284: {  	s2 =	smulhi.u32 $0x14F8B589, s31;
	s0 =	sshra.s32 s31, $0x1F;
	s31 =	sld [smem:$0x6F8]  }
0x285: {  	s23 =	sshrl.u32 s22, $0x1F;
	s12 =	sadd.s32 s12, s30;
	s30 =	sld [smem:$0x6F7]  }
0x286: {  	s6 =	sadd.s32 s6, s8;
	s8 =	sshra.s32 s10, $0xD;
	s14 =	sshra.s32 s11, $0x1F  }
0x287: {  	[smem:$0x701] =	sst s6;
	s3 =	sadd.s32 s3, s4;
	s4 =	sshrl.u32 s28, $0x1F  }
0x288: {  	s28 =	sshra.s32 s28, $0xD;
	s1 =	sadd.s32 s30, s1;
	s30 =	sld [smem:$0x6F9]  }
0x289: {  	v17 =	vmov s14;
	s14 =	sshrl.u32 s5, $0x1F;
	[smem:$0x6FC] =	sst s1;
	s1 =	smul.u32 $0x14F8B589, s0  }
0x28a: {  	[smem:$0x702] =	sst s3;
	s3 =	sshra.s32 s17, $0xD;
	s0 =	spop (v2sf)  }
0x28b: {  	(v2sf) =	vpush v3, $0x3;
	s31 =	sadd.s32 s30, s31;
	s30 =	sld [smem:$0x6FA];
	s9 =	sadd.s32 s1, s2  }
0x28c: {  	(v2sf) =	vpush v3, $0x4;
	s2 =	sshrl.u32 s10, $0x1F;
	s10 =	sshra.s32 s22, $0xD;
	s22 =	sshra.s32 s18, $0xD  }
0x28d: {  	vm1 =	vmmov vm3;
	(v2sf) =	vpush v3, $0x5;
	v22 =	vmov s3;
	[smem:$0x6FD] =	sst s31;
	s31 =	smulhi.u32 $0x14F8B589, s0;
	s0 =	sshra.s32 s0, $0x1F  }
0x28e: {  	v18 =	vmov s4;
	(v2sf) =	vpush v3, $0x6;
	v9 =	vsel vm1, s22, v22;
	s22 =	sld [smem:$0x701];
	s0 =	smul.u32 $0x14F8B589, s0;
	s26 =	sadd.s32 s26, s30  }
0x28f: {  	v5 =	vsel vm3, s2, v18;
	s2 =	sshrl.u32 s16, $0x1F;
	s30 =	spop (v2sf);
	[smem:$0x6FE] =	sst s26  }
0x290: {  	(v2sf) =	vpush v3, $0x7;
	s20 =	smulhi.u32 $0x14F8B589, s30;
	s26 =	sshra.s32 s30, $0x1F;
	s6 =	sadd.s32 s0, s31  }
0x291: {  	s31 =	sshrl.u32 s24, $0x1F;
	s0 =	sshra.s32 s7, $0xD;
	s30 =	smul.u32 $0x14F8B589, s26  }
0x292: {  	vm15 =	vcmask $0x300;
	v21 =	vmov s28;
	s26 =	sshrl.u32 s18, $0x1F;
	s18 =	sshra.s32 s24, $0xD;
	s24 =	sshrl.u32 s7, $0x1F  }
0x293: {  	vm12 =	vcmask $0x704;
	v8 =	vsel vm1, s8, v21;
	v4 =	vsel vm15, s0, v17;
	s7 =	sshra.s32 s7, $0x1F;
	s0 =	sshra.s32 s5, $0xD;
	s8 =	sshrl.u32 s6, $0x1F  }
0x294: {  	v19 =	vmov s24;
	v4 =	vsel vm12, s7, v4;
	s24 =	sshra.s32 s5, $0x1F;
	s5 =	sshrl.u32 s21, $0x1F;
	s7 =	sshra.s32 s21, $0xD  }
0x295: {  	vm4 =	vmmov vm0;
	s1 =	sadd.s32 s30, s20;
	s20 =	sshrl.u32 s25, $0x1F;
	s25 =	sshra.s32 s25, $0xD  }
0x296: {  	vm0 =	vmmov vm11;
	s30 =	sshrl.u32 s17, $0x1F;
	s17 =	sshrl.u32 s19, $0x1F;
	s19 =	sshra.s32 s19, $0xD;
	v4 =	vsel vm3, s0, v4;
	v6 =	vnsel vm15, $0x0, v19  }
0x297: {  	s0 =	sshra.s32 s21, $0x1F;
	s21 =	sshra.s32 s16, $0xD;
	v5 =	vsel vm2, s20, v5;
	v6 =	vsel vm3, s14, v6;
	v4 =	vsel vm11, s24, v4;
	s14 =	sshra.s32 s16, $0x1F  }
0x298: {  	s24 =	sshrl.u32 s15, $0x1F;
	s16 =	sshra.s32 s15, $0xD;
	v20 =	vmov s30;
	vm11 =	vcmask $0x1714;
	v8 =	vsel vm2, s25, v8;
	s25 =	sld [smem:$0x6FF]  }
0x299: {  	v9 =	vsel vm2, s19, v9;
	s19 =	sshrl.u32 s22, $0x1F;
	v6 =	vsel vm2, s5, v6;
	v4 =	vsel vm2, s7, v4;
	s5 =	sshra.s32 s15, $0x1F;
	s7 =	sshrl.u32 s13, $0x1F  }
0x29a: {  	v5 =	vsel vm5, s23, v5;
	s15 =	spop (v2sf);
	v7 =	vsel vm3, s26, v20;
	s23 =	sshra.s32 s12, $0xD;
	s26 =	sshrl.u32 s11, $0x1F;
	v6 =	vsel vm5, s2, v6  }
0x29b: {  	v9 =	vsel vm5, s18, v9;
	s18 =	sld [smem:$0x702];
	v4 =	vsel vm11, s0, v4;
	s0 =	sshra.s32 s13, $0xD;
	s20 =	spop (v2sf);
	v6 =	vsel vm8, s24, v6  }
0x29c: {  	vm14 =	vcmask $0x1F1C;
	v4 =	vsel vm5, s21, v4;
	s24 =	sshrl.u32 s12, $0x1F;
	s4 =	spop (v2sf);
	s21 =	sld [smem:$0x6FE];
	v6 =	vsel vm4, s7, v6  }
0x29d: {  	vm3 =	vmmov vm10;
	s3 =	smulhi.u32 $0x14F8B589, s20;
	v4 =	vsel vm14, s14, v4;
	s7 =	sshra.s32 s12, $0x1F;
	s2 =	spop (v2sf);
	v6 =	vsel vm7, s24, v6  }
0x29e: {  	s12 =	sshra.s32 s15, $0x1F;
	v4 =	vsel vm8, s16, v4;
	s16 =	smulhi.u32 $0x14F8B589, s15;
	s24 =	sld [smem:$0x6FC];
	v6 =	vsel vm10, s26, v6;
	vm10 =	vcmask $0x2724  }
0x29f: {  	s13 =	sshra.s32 s13, $0x1F;
	v7 =	vsel vm2, s17, v7;
	v4 =	vsel vm10, s5, v4;
	s5 =	smul.u32 $0x14F8B589, s12;
	s30 =	spop (v2sf)  }
0x2a0: {  	v8 =	vsel vm5, s10, v8;
	v7 =	vsel vm5, s31, v7;
	s14 =	sshra.s32 s11, $0xD;
	s31 =	smulhi.u32 $0x14F8B589, s30;
	s11 =	sshra.s32 s30, $0x1F  }
0x2a1: {  	vm13 =	vcmask $0x2F2C;
	v23 =	vcombine.low v9, v8;
	s17 =	sshrl.u32 s25, $0x1F;
	s26 =	sld [smem:$0x6FD];
	v4 =	vsel vm4, s0, v4;
	s11 =	smul.u32 $0x14F8B589, s11  }
0x2a2: {  	v5 =	vcombine.low v7, v5;
	s15 =	sshrl.u32 s29, $0x1F;
	s28 =	sshrl.u32 s24, $0x1F;
	v4 =	vsel vm13, s13, v4;
	s13 =	sshrl.u32 s21, $0x1F  }
0x2a3: {  	vm9 =	vcmask $0x3734;
	v7 =	vperm.xlane v23, v0;
	s5 =	sadd.s32 s5, s16;
	s16 =	sshra.s32 s20, $0x1F;
	s11 =	sadd.s32 s11, s31  }
0x2a4: {  	v5 =	vperm.xlane v5, v0;
	v6 =	vperm.xlane v6, v1;
	v4 =	vsel vm7, s23, v4;
	s23 =	sld [smem:$0x700];
	s30 =	sshrl.u32 s26, $0x1F;
	s12 =	sshra.s32 s11, $0x1F  }
0x2a5: {  	s20 =	sshra.s32 s9, $0xD;
	v4 =	vsel vm9, s7, v4;
	s7 =	smulhi.u32 $0x14F8B589, s4;
	s4 =	sshra.s32 s4, $0x1F;
	v24 =	vmov s30;
	v25 =	vmov s12  }
0x2a6: {  	v4 =	vsel vm3, s14, v4;
	s14 =	smul.u32 $0x14F8B589, s16;
	v8 =	vsel vm1, s28, v24;
	s31 =	sshrl.u32 s9, $0x1F;
	s9 =	sshra.s32 s9, $0x1F;
	v9 =	vsel vm15, s20, v25  }
0x2a7: {  	s30 =	sshra.s32 s6, $0xD;
	s4 =	smul.u32 $0x14F8B589, s4;
	s10 =	sshrl.u32 s23, $0x1F;
	v4 =	vperm.xlane v4, v1;
	v8 =	vsel vm2, s13, v8;
	v9 =	vsel vm12, s9, v9  }
0x2a8: {  	s0 =	sshrl.u32 s18, $0x1F;
	s6 =	sshra.s32 s6, $0x1F;
	s16 =	smulhi.u32 $0x14F8B589, s2;
	v27 =	vmov s10;
	v26 =	vmov s31;
	v9 =	vsel vm1, s30, v9  }
0x2a9: {  	s2 =	sshra.s32 s2, $0x1F;
	s10 =	sshra.s32 s26, $0xD;
	v8 =	vsel vm5, s15, v8;
	v11 =	vsel vm1, s17, v27;
	s20 =	sshra.s32 s1, $0xD;
	v9 =	vsel vm0, s6, v9  }
0x2aa: {  	s28 =	sshrl.u32 s1, $0x1F;
	s2 =	smul.u32 $0x14F8B589, s2;
	v28 =	vmov s10;
	v10 =	vnsel vm15, $0x0, v26;
	s1 =	sshra.s32 s1, $0x1F;
	v9 =	vsel vm2, s20, v9  }
0x2ab: {  	s3 =	sadd.s32 s14, s3;
	v11 =	vsel vm2, s19, v11;
	s12 =	sshra.s32 s23, $0xD;
	v10 =	vsel vm1, s8, v10;
	s30 =	sshra.s32 s5, $0xD;
	v9 =	vsel vm11, s1, v9  }
0x2ac: {  	s4 =	sadd.s32 s4, s7;
	s7 =	sshra.s32 s5, $0x1F;
	s14 =	sshra.s32 s24, $0xD;
	v11 =	vsel vm5, s0, v11;
	v29 =	vmov s12;
	v9 =	vsel vm5, s30, v9  }
0x2ad: {  	s31 =	sshrl.u32 s5, $0x1F;
	s15 =	sshra.s32 s25, $0xD;
	v10 =	vsel vm2, s28, v10;
	s9 =	sshra.s32 s3, $0xD;
	v8 =	vcombine.low v11, v8;
	v9 =	vsel vm14, s7, v9  }
0x2ae: {  	s2 =	sadd.s32 s2, s16;
	s13 =	sshra.s32 s3, $0x1F;
	s17 =	sshra.s32 s21, $0xD;
	v11 =	vsel vm1, s14, v28;
	v12 =	vsel vm1, s15, v29;
	v9 =	vsel vm8, s9, v9  }
0x2af: {  	s16 =	sshra.s32 s4, $0xD;
	s19 =	sshra.s32 s22, $0xD;
	s28 =	sshrl.u32 s3, $0x1F;
	v10 =	vsel vm5, s31, v10;
	v11 =	vsel vm2, s17, v11;
	v9 =	vsel vm10, s13, v9  }
0x2b0: {  	s21 =	sshra.s32 s29, $0xD;
	s22 =	sshra.s32 s18, $0xD;
	v12 =	vsel vm2, s19, v12;
	v10 =	vsel vm8, s28, v10;
	s20 =	sshra.s32 s4, $0x1F;
	v9 =	vsel vm4, s16, v9  }
0x2b1: {  	s23 =	sshra.s32 s2, $0xD;
	s31 =	sshrl.u32 s4, $0x1F;
	v11 =	vsel vm5, s21, v11;
	v12 =	vsel vm5, s22, v12;
	v9 =	vsel vm13, s20, v9  }
0x2b2: {  	s25 =	sshra.s32 s2, $0x1F;
	s8 =	sshrl.u32 s2, $0x1F;
	v10 =	vsel vm4, s31, v10;
	v11 =	vcombine.low v12, v11;
	v9 =	vsel vm7, s23, v9  }
0x2b3: {  	s24 =	sshrl.u32 s11, $0x1F;
	s26 =	sshra.s32 s11, $0xD;
	v8 =	vperm.xlane v8, v0;
	v10 =	vsel vm7, s8, v10;
	v9 =	vsel vm9, s25, v9  }
0x2b4: {  	v10 =	vsel vm3, s24, v10;
	v11 =	vperm.xlane v11, v0;
	v9 =	vsel vm3, s26, v9  }
0x2b5: {  	v10 =	vperm.xlane v10, v1;
	v9 =	vperm.xlane v9, v1  }
0x2b6: {  	v5 =	vsel vm6, v6, v5;
	v4 =	vsel vm6, v4, v7  }
0x2b7: {  	v4 =	vadd.s32 v5, v4;
	v30 =	vsel vm6, v10, v8;
	v31 =	vsel vm6, v9, v11  }
0x2b8: {  	v4 =	vmul.u32 $0x186A0, v4;
	v5 =	vadd.s32 v30, v31  }
0x2b9: {  	v5 =	vmul.u32 $0x186A0, v5  }
0x2ba: {  	v2 =	vsub.s32 v2, v4  }
0x2bb: {  	v4 =	vadd.s32 $0x186A0, v2;
	vm9 =	vlt.s32 v2, $0x0;
	v3 =	vsub.s32 v3, v5  }
0x2bc: {  	v2 =	vsel vm9, v4, v2;
	vm9 =	vlt.s32 v3, $0x0;
	v32 =	vadd.s32 $0x186A0, v3  }
0x2bd: {  	s28 =	rddreg [dreg:$0x1b];
	[tilespmem:$0x600] =	vst v2;
	v2 =	vsel vm9, v32, v3  }
0x2be: {  	s29 =	simm.s32 $0x4C00;
	s31 =	simm.s32 $0x20;
	s30 =	rddreg [dreg:$0x2];
	[tilespmem:$0x610] =	vst v2  }
0x2bf: {  	[tilespmem:s29], [sflag:$0x1] =	stream.indirect.gather [hbm4b:s30+s31], $0x80, s28, s31, $0xb8;
	[tilespmem:$0x10C00] =	vst v63  }
0x2c0: {  	v2 =	vld [tilespmem:$0xA0];
	_ =	sdelay $0x1  }
0x2c1: {  	v3 =	vld [tilespmem:$0x2A0];
	_ =	sdelay $0x2  }
0x2c2: {  	v2 =	vmul.u32 $0x1F, v2;
	_ =	sdelay $0x1  }
0x2c3: {  	v2 =	vadd.s32 v3, v2  }
0x2c4: {  	(v2sf) =	vpush v2, $0xD;
	_ =	sdelay $0x1  }
0x2c5: {  	(v2sf) =	vpush v2, $0xC;
	_ =	sdelay $0x1  }
0x2c6: {  	(v2sf) =	vpush v2, $0xE;
	_ =	sdelay $0x1  }
0x2c7: {  	(v2sf) =	vpush v2, $0xF;
	_ =	sdelay $0x1  }
0x2c8: {  	(v2sf) =	vpush v2, $0x9;
	_ =	sdelay $0x1  }
0x2c9: {  	(v2sf) =	vpush v2, $0x8;
	_ =	sdelay $0x1  }
0x2ca: {  	(v2sf) =	vpush v2, $0xA;
	_ =	sdelay $0x1  }
0x2cb: {  	(v2sf) =	vpush v2, $0xB  }
0x2cc: {  	s3 =	spop (v2sf)  }
0x2cd: {  	(v2sf) =	vpush v2, $0x0;
	s0 =	smulhi.u32 $0x14F8B589, s3;
	s1 =	sshra.s32 s3, $0x1F  }
0x2ce: {  	s4 =	spop (v2sf);
	s17 =	smul.u32 $0x14F8B589, s1  }
0x2cf: {  	(v2sf) =	vpush v2, $0x1;
	s1 =	smulhi.u32 $0x14F8B589, s4;
	s2 =	sshra.s32 s4, $0x1F  }
0x2d0: {  	s5 =	spop (v2sf);
	s18 =	smul.u32 $0x14F8B589, s2  }
0x2d1: {  	(v2sf) =	vpush v2, $0x2;
	s8 =	smulhi.u32 $0x14F8B589, s5;
	s2 =	sshra.s32 s5, $0x1F  }
0x2d2: {  	s6 =	spop (v2sf);
	s4 =	smul.u32 $0x14F8B589, s2  }
0x2d3: {  	(v2sf) =	vpush v2, $0x3;
	s9 =	smulhi.u32 $0x14F8B589, s6;
	s2 =	sshra.s32 s6, $0x1F  }
0x2d4: {  	s7 =	spop (v2sf);
	s14 =	smul.u32 $0x14F8B589, s2  }
0x2d5: {  	v3 =	vld [tilespmem:$0xB0];
	(v2sf) =	vpush v2, $0x4;
	s10 =	smulhi.u32 $0x14F8B589, s7;
	s2 =	sshra.s32 s7, $0x1F  }
0x2d6: {  	s11 =	spop (v2sf);
	s3 =	smul.u32 $0x14F8B589, s2  }
0x2d7: {  	v33 =	vld [tilespmem:$0x2B0];
	(v2sf) =	vpush v2, $0x5;
	s20 =	smulhi.u32 $0x14F8B589, s11;
	s2 =	sshra.s32 s11, $0x1F  }
0x2d8: {  	s12 =	spop (v2sf);
	s6 =	smul.u32 $0x14F8B589, s2  }
0x2d9: {  	(v2sf) =	vpush v2, $0x6;
	s23 =	smulhi.u32 $0x14F8B589, s12;
	s2 =	sshra.s32 s12, $0x1F  }
0x2da: {  	v3 =	vmul.u32 $0x1F, v3;
	s13 =	spop (v2sf);
	s19 =	smul.u32 $0x14F8B589, s2  }
0x2db: {  	(v2sf) =	vpush v2, $0x7;
	s15 =	smulhi.u32 $0x14F8B589, s13;
	s2 =	sshra.s32 s13, $0x1F  }
0x2dc: {  	v3 =	vadd.s32 v33, v3;
	s0 =	sadd.s32 s17, s0;
	s16 =	spop (v2sf);
	s24 =	smul.u32 $0x14F8B589, s2  }
0x2dd: {  	[smem:$0x711] =	sst s0;
	(v2sf) =	vpush v3, $0xD;
	s21 =	smulhi.u32 $0x14F8B589, s16;
	s2 =	sshra.s32 s16, $0x1F  }
0x2de: {  	s22 =	spop (v2sf);
	s7 =	smul.u32 $0x14F8B589, s2  }
0x2df: {  	[smem:$0x703] =	sst s15;
	s25 =	smulhi.u32 $0x14F8B589, s22;
	s2 =	sshra.s32 s22, $0x1F  }
0x2e0: {  	(v2sf) =	vpush v3, $0xC;
	s26 =	spop (v2sf);
	s5 =	smul.u32 $0x14F8B589, s2  }
0x2e1: {  	[smem:$0x704] =	sst s21;
	s28 =	smulhi.u32 $0x14F8B589, s26;
	s2 =	sshra.s32 s26, $0x1F  }
0x2e2: {  	s21 =	smul.u32 $0x14F8B589, s2;
	s29 =	spop (v2sf)  }
0x2e3: {  	[smem:$0x705] =	sst s25;
	s30 =	smulhi.u32 $0x14F8B589, s29;
	s2 =	sshra.s32 s29, $0x1F  }
0x2e4: {  	s31 =	spop (v2sf);
	s16 =	smul.u32 $0x14F8B589, s2  }
0x2e5: {  	(v2sf) =	vpush v3, $0xE;
	[smem:$0x706] =	sst s28;
	s12 =	smulhi.u32 $0x14F8B589, s31;
	s2 =	sshra.s32 s31, $0x1F  }
0x2e6: {  	s13 =	spop (v2sf);
	s15 =	smul.u32 $0x14F8B589, s2  }
0x2e7: {  	[smem:$0x707] =	sst s30;
	s22 =	smulhi.u32 $0x14F8B589, s13;
	s2 =	sshra.s32 s13, $0x1F  }
0x2e8: {  	s13 =	smul.u32 $0x14F8B589, s2;
	s25 =	spop (v2sf)  }
0x2e9: {  	[smem:$0x708] =	sst s12;
	s26 =	smulhi.u32 $0x14F8B589, s25;
	s2 =	sshra.s32 s25, $0x1F  }
0x2ea: {  	(v2sf) =	vpush v3, $0xF;
	s28 =	spop (v2sf);
	s12 =	smul.u32 $0x14F8B589, s2  }
0x2eb: {  	[smem:$0x709] =	sst s22;
	s29 =	smulhi.u32 $0x14F8B589, s28  }
0x2ec: {  	(v2sf) =	vpush v3, $0x9;
	s2 =	sshra.s32 s28, $0x1F;
	s30 =	spop (v2sf);
	s28 =	sadd.s32 s18, s1  }
0x2ed: {  	(v2sf) =	vpush v3, $0x8;
	s18 =	sadd.s32 s3, s10;
	s3 =	sld [smem:$0x703];
	s11 =	smul.u32 $0x14F8B589, s2  }
0x2ee: {  	[smem:$0x70A] =	sst s26;
	s31 =	smulhi.u32 $0x14F8B589, s30;
	s2 =	sshra.s32 s30, $0x1F  }
0x2ef: {  	s25 =	spop (v2sf);
	s22 =	smul.u32 $0x14F8B589, s2  }
0x2f0: {  	(v2sf) =	vpush v3, $0xA;
	[smem:$0x70B] =	sst s29;
	s26 =	smulhi.u32 $0x14F8B589, s25  }
0x2f1: {  	s2 =	sshra.s32 s25, $0x1F;
	s25 =	sadd.s32 s4, s8;
	s4 =	sld [smem:$0x704]  }
0x2f2: {  	s8 =	sld [smem:$0x705]  }
0x2f3: {  	(v2sf) =	vpush v3, $0xB;
	[smem:$0x70C] =	sst s31  }
0x2f4: {  	s17 =	sadd.s32 s6, s20;
	s30 =	spop (v2sf);
	[smem:$0x70D] =	sst s22  }
0x2f5: {  	s19 =	sadd.s32 s19, s23;
	(v2sf) =	vpush v3, $0x0;
	s29 =	smul.u32 $0x14F8B589, s2;
	[smem:$0x70E] =	sst s26  }
0x2f6: {  	s31 =	smulhi.u32 $0x14F8B589, s30;
	s22 =	sadd.s32 s14, s9;
	s9 =	sld [smem:$0x706]  }
0x2f7: {  	s0 =	sshra.s32 s30, $0x1F;
	s24 =	sadd.s32 s24, s3;
	[smem:$0x70F] =	sst s29  }
0x2f8: {  	s26 =	smul.u32 $0x14F8B589, s0;
	[smem:$0x710] =	sst s31;
	s7 =	sadd.s32 s7, s4  }
0x2f9: {  	s5 =	sadd.s32 s5, s8;
	s31 =	sld [smem:$0x707];
	s1 =	spop (v2sf)  }
0x2fa: {  	s4 =	sld [smem:$0x709];
	s29 =	smulhi.u32 $0x14F8B589, s1;
	s0 =	sshra.s32 s1, $0x1F  }
0x2fb: {  	s21 =	sadd.s32 s21, s9;
	s2 =	spop (v2sf);
	s20 =	smul.u32 $0x14F8B589, s0  }
0x2fc: {  	s23 =	smulhi.u32 $0x14F8B589, s2;
	s0 =	sshra.s32 s2, $0x1F;
	s6 =	spop (v2sf)  }
0x2fd: {  	(v2sf) =	vpush v3, $0x1;
	s16 =	sadd.s32 s16, s31;
	s2 =	sld [smem:$0x708];
	s14 =	smul.u32 $0x14F8B589, s0  }
0x2fe: {  	s1 =	sld [smem:$0x70C];
	s10 =	smulhi.u32 $0x14F8B589, s6;
	s0 =	sshra.s32 s6, $0x1F  }
0x2ff: {  	s13 =	sadd.s32 s13, s4;
	s9 =	smul.u32 $0x14F8B589, s0;
	s30 =	spop (v2sf)  }
0x300: {  	s15 =	sadd.s32 s15, s2;
	s2 =	sld [smem:$0x70B];
	s14 =	sadd.s32 s14, s23  }
0x301: {  	s8 =	smulhi.u32 $0x14F8B589, s30;
	s0 =	sshra.s32 s30, $0x1F;
	s30 =	sld [smem:$0x70A]  }
0x302: {  	(v2sf) =	vpush v3, $0x2;
	s29 =	sadd.s32 s20, s29;
	s3 =	spop (v2sf);
	[smem:$0x715] =	sst s14  }
0x303: {  	s9 =	sadd.s32 s9, s10;
	s10 =	sld [smem:$0x711];
	s6 =	smul.u32 $0x14F8B589, s0  }
0x304: {  	s4 =	smulhi.u32 $0x14F8B589, s3;
	s0 =	sshra.s32 s3, $0x1F;
	s31 =	spop (v2sf)  }
0x305: {  	[smem:$0x716] =	sst s9;
	s3 =	smul.u32 $0x14F8B589, s0;
	s11 =	sadd.s32 s11, s2  }
0x306: {  	s2 =	smulhi.u32 $0x14F8B589, s31;
	s0 =	sshra.s32 s31, $0x1F;
	s31 =	sld [smem:$0x70E]  }
0x307: {  	s23 =	sshrl.u32 s22, $0x1F;
	s12 =	sadd.s32 s12, s30;
	s30 =	sld [smem:$0x70D]  }
0x308: {  	s6 =	sadd.s32 s6, s8;
	s8 =	sshra.s32 s10, $0xD;
	s14 =	sshra.s32 s11, $0x1F  }
0x309: {  	[smem:$0x717] =	sst s6;
	s3 =	sadd.s32 s3, s4;
	s4 =	sshrl.u32 s28, $0x1F  }
0x30a: {  	s28 =	sshra.s32 s28, $0xD;
	s1 =	sadd.s32 s30, s1;
	s30 =	sld [smem:$0x70F]  }
0x30b: {  	v34 =	vmov s14;
	s14 =	sshrl.u32 s5, $0x1F;
	[smem:$0x712] =	sst s1;
	s1 =	smul.u32 $0x14F8B589, s0  }
0x30c: {  	[smem:$0x718] =	sst s3;
	s3 =	sshra.s32 s17, $0xD;
	s0 =	spop (v2sf)  }
0x30d: {  	(v2sf) =	vpush v3, $0x3;
	s31 =	sadd.s32 s30, s31;
	s30 =	sld [smem:$0x710];
	s9 =	sadd.s32 s1, s2  }
0x30e: {  	(v2sf) =	vpush v3, $0x4;
	s2 =	sshrl.u32 s10, $0x1F;
	s10 =	sshra.s32 s22, $0xD;
	s22 =	sshra.s32 s18, $0xD  }
0x30f: {  	(v2sf) =	vpush v3, $0x5;
	v39 =	vmov s3;
	[smem:$0x713] =	sst s31;
	s31 =	smulhi.u32 $0x14F8B589, s0;
	s0 =	sshra.s32 s0, $0x1F  }
0x310: {  	v35 =	vmov s4;
	v9 =	vsel vm1, s22, v39;
	s22 =	sld [smem:$0x717];
	s0 =	smul.u32 $0x14F8B589, s0;
	s26 =	sadd.s32 s26, s30  }
0x311: {  	(v2sf) =	vpush v3, $0x6;
	v5 =	vsel vm1, s2, v35;
	s2 =	sshrl.u32 s16, $0x1F;
	s30 =	spop (v2sf);
	[smem:$0x714] =	sst s26  }
0x312: {  	(v2sf) =	vpush v3, $0x7;
	s20 =	smulhi.u32 $0x14F8B589, s30;
	s26 =	sshra.s32 s30, $0x1F;
	s6 =	sadd.s32 s0, s31  }
0x313: {  	vm12 =	vmmov vm15;
	s31 =	sshrl.u32 s24, $0x1F;
	s0 =	sshra.s32 s7, $0xD;
	s30 =	smul.u32 $0x14F8B589, s26  }
0x314: {  	vm0 =	vmmov vm4;
	vm4 =	vmmov vm12;
	v38 =	vmov s28;
	s26 =	sshrl.u32 s18, $0x1F;
	s18 =	sshra.s32 s24, $0xD;
	s24 =	sshrl.u32 s7, $0x1F  }
0x315: {  	v8 =	vsel vm1, s8, v38;
	v4 =	vsel vm12, s0, v34;
	s7 =	sshra.s32 s7, $0x1F;
	s0 =	sshra.s32 s5, $0xD;
	vm12 =	vcmask $0x704;
	s8 =	sshrl.u32 s6, $0x1F  }
0x316: {  	v36 =	vmov s24;
	v4 =	vsel vm12, s7, v4;
	s24 =	sshra.s32 s5, $0x1F;
	s5 =	sshrl.u32 s21, $0x1F;
	s7 =	sshra.s32 s21, $0xD  }
0x317: {  	s1 =	sadd.s32 s30, s20;
	s20 =	sshrl.u32 s25, $0x1F;
	s25 =	sshra.s32 s25, $0xD  }
0x318: {  	vm15 =	vmmov vm11;
	vm11 =	vcmask $0xF0C;
	s30 =	sshrl.u32 s17, $0x1F;
	s17 =	sshrl.u32 s19, $0x1F;
	s19 =	sshra.s32 s19, $0xD;
	v6 =	vnsel vm4, $0x0, v36  }
0x319: {  	v4 =	vsel vm1, s0, v4;
	s0 =	sshra.s32 s21, $0x1F;
	s21 =	sshra.s32 s16, $0xD;
	v5 =	vsel vm2, s20, v5;
	v6 =	vsel vm1, s14, v6;
	s14 =	sshra.s32 s16, $0x1F  }
0x31a: {  	v4 =	vsel vm11, s24, v4;
	s24 =	sshrl.u32 s15, $0x1F;
	s16 =	sshra.s32 s15, $0xD;
	v37 =	vmov s30;
	v8 =	vsel vm2, s25, v8;
	s25 =	sld [smem:$0x715]  }
0x31b: {  	v9 =	vsel vm2, s19, v9;
	s19 =	sshrl.u32 s22, $0x1F;
	v6 =	vsel vm2, s5, v6;
	v4 =	vsel vm2, s7, v4;
	s5 =	sshra.s32 s15, $0x1F;
	s7 =	sshrl.u32 s13, $0x1F  }
0x31c: {  	v5 =	vsel vm5, s23, v5;
	s15 =	spop (v2sf);
	v7 =	vsel vm1, s26, v37;
	s23 =	sshra.s32 s12, $0xD;
	s26 =	sshrl.u32 s11, $0x1F  }
0x31d: {  	v9 =	vsel vm5, s18, v9;
	s18 =	sld [smem:$0x718];
	v6 =	vsel vm5, s2, v6;
	v4 =	vsel vm15, s0, v4;
	s0 =	sshra.s32 s13, $0xD;
	s20 =	spop (v2sf)  }
0x31e: {  	s13 =	sshra.s32 s13, $0x1F;
	v6 =	vsel vm8, s24, v6;
	v4 =	vsel vm5, s21, v4;
	s24 =	sshrl.u32 s12, $0x1F;
	s4 =	spop (v2sf)  }
0x31f: {  	v7 =	vsel vm2, s17, v7;
	s21 =	sld [smem:$0x714];
	s17 =	sshrl.u32 s25, $0x1F;
	s3 =	smulhi.u32 $0x14F8B589, s20;
	v4 =	vsel vm14, s14, v4  }
0x320: {  	v6 =	vsel vm0, s7, v6;
	s7 =	sshra.s32 s12, $0x1F;
	s2 =	spop (v2sf);
	v4 =	vsel vm8, s16, v4;
	s16 =	smulhi.u32 $0x14F8B589, s15  }
0x321: {  	vm10 =	vmmov vm8;
	vm9 =	vcmask $0x2724;
	s14 =	sshra.s32 s11, $0xD;
	v6 =	vsel vm7, s24, v6;
	s24 =	sld [smem:$0x712];
	s30 =	spop (v2sf)  }
0x322: {  	v8 =	vsel vm5, s10, v8;
	v7 =	vsel vm5, s31, v7;
	s12 =	sshra.s32 s15, $0x1F;
	v4 =	vsel vm9, s5, v4;
	s31 =	smulhi.u32 $0x14F8B589, s30;
	s11 =	sshra.s32 s30, $0x1F  }
0x323: {  	v40 =	vcombine.low v9, v8;
	s15 =	sshrl.u32 s29, $0x1F;
	v6 =	vsel vm3, s26, v6;
	s26 =	sld [smem:$0x713];
	v4 =	vsel vm0, s0, v4;
	s11 =	smul.u32 $0x14F8B589, s11  }
0x324: {  	v5 =	vcombine.low v7, v5;
	vm8 =	vmmov vm0;
	s5 =	smul.u32 $0x14F8B589, s12;
	s0 =	sshrl.u32 s18, $0x1F;
	s28 =	sshrl.u32 s24, $0x1F;
	v4 =	vsel vm13, s13, v4  }
0x325: {  	vm0 =	vmmov vm13;
	s13 =	sshrl.u32 s21, $0x1F;
	vm13 =	vcmask $0x3734;
	v4 =	vsel vm7, s23, v4;
	s23 =	sld [smem:$0x716];
	s11 =	sadd.s32 s11, s31  }
0x326: {  	v7 =	vperm.xlane v40, v0;
	v5 =	vperm.xlane v5, v0;
	s5 =	sadd.s32 s5, s16;
	s16 =	sshra.s32 s20, $0x1F;
	v4 =	vsel vm13, s7, v4;
	s12 =	sshra.s32 s11, $0x1F  }
0x327: {  	v6 =	vperm.xlane v6, v1;
	s20 =	sshra.s32 s9, $0xD;
	s7 =	smulhi.u32 $0x14F8B589, s4;
	s30 =	sshrl.u32 s26, $0x1F;
	v4 =	vsel vm3, s14, v4;
	v42 =	vmov s12  }
0x328: {  	s10 =	sshrl.u32 s23, $0x1F;
	v41 =	vmov s30;
	v4 =	vperm.xlane v4, v1;
	s31 =	sshrl.u32 s9, $0x1F;
	s9 =	sshra.s32 s9, $0x1F;
	v9 =	vsel vm4, s20, v42  }
0x329: {  	s4 =	sshra.s32 s4, $0x1F;
	s14 =	smul.u32 $0x14F8B589, s16;
	s30 =	sshra.s32 s6, $0xD;
	v8 =	vsel vm1, s28, v41;
	v44 =	vmov s10;
	v9 =	vsel vm12, s9, v9  }
0x32a: {  	s4 =	smul.u32 $0x14F8B589, s4;
	s6 =	sshra.s32 s6, $0x1F;
	s10 =	sshra.s32 s26, $0xD;
	v8 =	vsel vm2, s13, v8;
	v11 =	vsel vm1, s17, v44;
	v9 =	vsel vm1, s30, v9  }
0x32b: {  	s16 =	smulhi.u32 $0x14F8B589, s2;
	s2 =	sshra.s32 s2, $0x1F;
	v45 =	vmov s10;
	v43 =	vmov s31;
	s20 =	sshra.s32 s1, $0xD;
	v9 =	vsel vm11, s6, v9  }
0x32c: {  	s2 =	smul.u32 $0x14F8B589, s2;
	s28 =	sshrl.u32 s1, $0x1F;
	v8 =	vsel vm5, s15, v8;
	v11 =	vsel vm2, s19, v11;
	s1 =	sshra.s32 s1, $0x1F;
	v9 =	vsel vm2, s20, v9  }
0x32d: {  	s3 =	sadd.s32 s14, s3;
	s4 =	sadd.s32 s4, s7;
	v10 =	vnsel vm4, $0x0, v43;
	v11 =	vsel vm5, s0, v11;
	s30 =	sshra.s32 s5, $0xD;
	v9 =	vsel vm15, s1, v9  }
0x32e: {  	s7 =	sshra.s32 s5, $0x1F;
	s14 =	sshra.s32 s24, $0xD;
	s12 =	sshra.s32 s23, $0xD;
	v10 =	vsel vm1, s8, v10;
	v8 =	vcombine.low v11, v8;
	v9 =	vsel vm5, s30, v9  }
0x32f: {  	s2 =	sadd.s32 s2, s16;
	s15 =	sshra.s32 s25, $0xD;
	v46 =	vmov s12;
	v11 =	vsel vm1, s14, v45;
	s9 =	sshra.s32 s3, $0xD;
	v9 =	vsel vm14, s7, v9  }
0x330: {  	s13 =	sshra.s32 s3, $0x1F;
	s17 =	sshra.s32 s21, $0xD;
	s31 =	sshrl.u32 s5, $0x1F;
	v10 =	vsel vm2, s28, v10;
	v12 =	vsel vm1, s15, v46;
	v9 =	vsel vm10, s9, v9  }
0x331: {  	s16 =	sshra.s32 s4, $0xD;
	s21 =	sshra.s32 s29, $0xD;
	s19 =	sshra.s32 s22, $0xD;
	v11 =	vsel vm2, s17, v11;
	v10 =	vsel vm5, s31, v10;
	v9 =	vsel vm9, s13, v9  }
0x332: {  	s22 =	sshra.s32 s18, $0xD;
	s28 =	sshrl.u32 s3, $0x1F;
	v12 =	vsel vm2, s19, v12;
	v11 =	vsel vm5, s21, v11;
	s20 =	sshra.s32 s4, $0x1F;
	v9 =	vsel vm8, s16, v9  }
0x333: {  	s23 =	sshra.s32 s2, $0xD;
	s31 =	sshrl.u32 s4, $0x1F;
	v10 =	vsel vm10, s28, v10;
	v12 =	vsel vm5, s22, v12;
	v9 =	vsel vm0, s20, v9  }
0x334: {  	s25 =	sshra.s32 s2, $0x1F;
	s8 =	sshrl.u32 s2, $0x1F;
	v10 =	vsel vm8, s31, v10;
	v11 =	vcombine.low v12, v11;
	v9 =	vsel vm7, s23, v9  }
0x335: {  	s24 =	sshrl.u32 s11, $0x1F;
	s26 =	sshra.s32 s11, $0xD;
	v8 =	vperm.xlane v8, v0;
	v10 =	vsel vm7, s8, v10;
	v9 =	vsel vm13, s25, v9  }
0x336: {  	v10 =	vsel vm3, s24, v10;
	v11 =	vperm.xlane v11, v0;
	v9 =	vsel vm3, s26, v9  }
0x337: {  	v10 =	vperm.xlane v10, v1;
	v9 =	vperm.xlane v9, v1  }
0x338: {  	v5 =	vsel vm6, v6, v5;
	v4 =	vsel vm6, v4, v7  }
0x339: {  	v4 =	vadd.s32 v5, v4;
	v47 =	vsel vm6, v10, v8;
	v48 =	vsel vm6, v9, v11  }
0x33a: {  	v4 =	vmul.u32 $0x186A0, v4;
	v5 =	vadd.s32 v47, v48  }
0x33b: {  	v5 =	vmul.u32 $0x186A0, v5  }
0x33c: {  	v2 =	vsub.s32 v2, v4  }
0x33d: {  	v4 =	vadd.s32 $0x186A0, v2;
	vm13 =	vlt.s32 v2, $0x0;
	v3 =	vsub.s32 v3, v5  }
0x33e: {  	v2 =	vsel vm13, v4, v2;
	vm13 =	vlt.s32 v3, $0x0;
	v49 =	vadd.s32 $0x186A0, v3  }
0x33f: {  	s28 =	rddreg [dreg:$0x1c];
	[tilespmem:$0x680] =	vst v2;
	v2 =	vsel vm13, v49, v3  }
0x340: {  	s29 =	simm.s32 $0x5C00;
	s31 =	simm.s32 $0x20;
	s30 =	rddreg [dreg:$0x2];
	[tilespmem:$0x690] =	vst v2  }
0x341: {  	[tilespmem:s29], [sflag:$0x1] =	stream.indirect.gather [hbm4b:s30+s31], $0x80, s28, s31, $0xb8;
	[tilespmem:$0x10C00] =	vst v63  }
0x342: {  	v2 =	vld [tilespmem:$0xC0];
	_ =	sdelay $0x1  }
0x343: {  	v3 =	vld [tilespmem:$0x2C0];
	_ =	sdelay $0x2  }
0x344: {  	v2 =	vmul.u32 $0x1F, v2;
	_ =	sdelay $0x1  }
0x345: {  	v2 =	vadd.s32 v3, v2  }
0x346: {  	(v2sf) =	vpush v2, $0xD;
	_ =	sdelay $0x1  }
0x347: {  	(v2sf) =	vpush v2, $0xC;
	_ =	sdelay $0x1  }
0x348: {  	(v2sf) =	vpush v2, $0xE;
	_ =	sdelay $0x1  }
0x349: {  	(v2sf) =	vpush v2, $0xF;
	_ =	sdelay $0x1  }
0x34a: {  	(v2sf) =	vpush v2, $0x9;
	_ =	sdelay $0x1  }
0x34b: {  	(v2sf) =	vpush v2, $0x8;
	_ =	sdelay $0x1  }
0x34c: {  	(v2sf) =	vpush v2, $0xA;
	_ =	sdelay $0x1  }
0x34d: {  	(v2sf) =	vpush v2, $0xB  }
0x34e: {  	s3 =	spop (v2sf)  }
0x34f: {  	(v2sf) =	vpush v2, $0x0;
	s0 =	smulhi.u32 $0x14F8B589, s3;
	s1 =	sshra.s32 s3, $0x1F  }
0x350: {  	s4 =	spop (v2sf);
	s17 =	smul.u32 $0x14F8B589, s1  }
0x351: {  	(v2sf) =	vpush v2, $0x1;
	s1 =	smulhi.u32 $0x14F8B589, s4;
	s2 =	sshra.s32 s4, $0x1F  }
0x352: {  	s5 =	spop (v2sf);
	s18 =	smul.u32 $0x14F8B589, s2  }
0x353: {  	(v2sf) =	vpush v2, $0x2;
	s8 =	smulhi.u32 $0x14F8B589, s5;
	s2 =	sshra.s32 s5, $0x1F  }
0x354: {  	s6 =	spop (v2sf);
	s4 =	smul.u32 $0x14F8B589, s2  }
0x355: {  	(v2sf) =	vpush v2, $0x3;
	s9 =	smulhi.u32 $0x14F8B589, s6;
	s2 =	sshra.s32 s6, $0x1F  }
0x356: {  	s7 =	spop (v2sf);
	s14 =	smul.u32 $0x14F8B589, s2  }
0x357: {  	v3 =	vld [tilespmem:$0xD0];
	(v2sf) =	vpush v2, $0x4;
	s10 =	smulhi.u32 $0x14F8B589, s7;
	s2 =	sshra.s32 s7, $0x1F  }
0x358: {  	s11 =	spop (v2sf);
	s3 =	smul.u32 $0x14F8B589, s2  }
0x359: {  	v50 =	vld [tilespmem:$0x2D0];
	(v2sf) =	vpush v2, $0x5;
	s20 =	smulhi.u32 $0x14F8B589, s11;
	s2 =	sshra.s32 s11, $0x1F  }
0x35a: {  	s12 =	spop (v2sf);
	s6 =	smul.u32 $0x14F8B589, s2  }
0x35b: {  	(v2sf) =	vpush v2, $0x6;
	s23 =	smulhi.u32 $0x14F8B589, s12;
	s2 =	sshra.s32 s12, $0x1F  }
0x35c: {  	v3 =	vmul.u32 $0x1F, v3;
	s13 =	spop (v2sf);
	s19 =	smul.u32 $0x14F8B589, s2  }
0x35d: {  	(v2sf) =	vpush v2, $0x7;
	s15 =	smulhi.u32 $0x14F8B589, s13;
	s2 =	sshra.s32 s13, $0x1F  }
0x35e: {  	v3 =	vadd.s32 v50, v3;
	s0 =	sadd.s32 s17, s0;
	s16 =	spop (v2sf);
	s24 =	smul.u32 $0x14F8B589, s2  }
0x35f: {  	[smem:$0x727] =	sst s0;
	(v2sf) =	vpush v3, $0xD;
	s21 =	smulhi.u32 $0x14F8B589, s16;
	s2 =	sshra.s32 s16, $0x1F  }
0x360: {  	s22 =	spop (v2sf);
	s7 =	smul.u32 $0x14F8B589, s2  }
0x361: {  	[smem:$0x719] =	sst s15;
	s25 =	smulhi.u32 $0x14F8B589, s22;
	s2 =	sshra.s32 s22, $0x1F  }
0x362: {  	(v2sf) =	vpush v3, $0xC;
	s26 =	spop (v2sf);
	s5 =	smul.u32 $0x14F8B589, s2  }
0x363: {  	[smem:$0x71A] =	sst s21;
	s28 =	smulhi.u32 $0x14F8B589, s26;
	s2 =	sshra.s32 s26, $0x1F  }
0x364: {  	s21 =	smul.u32 $0x14F8B589, s2;
	s29 =	spop (v2sf)  }
0x365: {  	[smem:$0x71B] =	sst s25;
	s30 =	smulhi.u32 $0x14F8B589, s29;
	s2 =	sshra.s32 s29, $0x1F  }
0x366: {  	s31 =	spop (v2sf);
	s16 =	smul.u32 $0x14F8B589, s2  }
0x367: {  	(v2sf) =	vpush v3, $0xE;
	[smem:$0x71C] =	sst s28;
	s12 =	smulhi.u32 $0x14F8B589, s31;
	s2 =	sshra.s32 s31, $0x1F  }
0x368: {  	s13 =	spop (v2sf);
	s15 =	smul.u32 $0x14F8B589, s2  }
0x369: {  	[smem:$0x71D] =	sst s30;
	s22 =	smulhi.u32 $0x14F8B589, s13;
	s2 =	sshra.s32 s13, $0x1F  }
0x36a: {  	s13 =	smul.u32 $0x14F8B589, s2;
	s25 =	spop (v2sf)  }
0x36b: {  	[smem:$0x71E] =	sst s12;
	s26 =	smulhi.u32 $0x14F8B589, s25;
	s2 =	sshra.s32 s25, $0x1F  }
0x36c: {  	(v2sf) =	vpush v3, $0xF;
	s28 =	spop (v2sf);
	s12 =	smul.u32 $0x14F8B589, s2  }
0x36d: {  	[smem:$0x71F] =	sst s22;
	s29 =	smulhi.u32 $0x14F8B589, s28  }
0x36e: {  	(v2sf) =	vpush v3, $0x9;
	s2 =	sshra.s32 s28, $0x1F;
	s30 =	spop (v2sf);
	s28 =	sadd.s32 s18, s1  }
0x36f: {  	(v2sf) =	vpush v3, $0x8;
	s18 =	sadd.s32 s3, s10;
	s3 =	sld [smem:$0x719];
	s11 =	smul.u32 $0x14F8B589, s2  }
0x370: {  	[smem:$0x720] =	sst s26;
	s31 =	smulhi.u32 $0x14F8B589, s30;
	s2 =	sshra.s32 s30, $0x1F  }
0x371: {  	s25 =	spop (v2sf);
	s22 =	smul.u32 $0x14F8B589, s2  }
0x372: {  	(v2sf) =	vpush v3, $0xA;
	[smem:$0x721] =	sst s29;
	s26 =	smulhi.u32 $0x14F8B589, s25  }
0x373: {  	s2 =	sshra.s32 s25, $0x1F;
	s25 =	sadd.s32 s4, s8;
	s4 =	sld [smem:$0x71A]  }
0x374: {  	s8 =	sld [smem:$0x71B]  }
0x375: {  	(v2sf) =	vpush v3, $0xB;
	[smem:$0x722] =	sst s31  }
0x376: {  	s17 =	sadd.s32 s6, s20;
	s30 =	spop (v2sf);
	[smem:$0x723] =	sst s22  }
0x377: {  	s19 =	sadd.s32 s19, s23;
	(v2sf) =	vpush v3, $0x0;
	s29 =	smul.u32 $0x14F8B589, s2;
	[smem:$0x724] =	sst s26  }
0x378: {  	s31 =	smulhi.u32 $0x14F8B589, s30;
	s22 =	sadd.s32 s14, s9;
	s9 =	sld [smem:$0x71C]  }
0x379: {  	s0 =	sshra.s32 s30, $0x1F;
	s24 =	sadd.s32 s24, s3;
	[smem:$0x725] =	sst s29  }
0x37a: {  	s26 =	smul.u32 $0x14F8B589, s0;
	[smem:$0x726] =	sst s31;
	s7 =	sadd.s32 s7, s4  }
0x37b: {  	s5 =	sadd.s32 s5, s8;
	s31 =	sld [smem:$0x71D];
	s1 =	spop (v2sf)  }
0x37c: {  	s4 =	sld [smem:$0x71F];
	s29 =	smulhi.u32 $0x14F8B589, s1;
	s0 =	sshra.s32 s1, $0x1F  }
0x37d: {  	s21 =	sadd.s32 s21, s9;
	s2 =	spop (v2sf);
	s20 =	smul.u32 $0x14F8B589, s0  }
0x37e: {  	s23 =	smulhi.u32 $0x14F8B589, s2;
	s0 =	sshra.s32 s2, $0x1F;
	s6 =	spop (v2sf)  }
0x37f: {  	(v2sf) =	vpush v3, $0x1;
	s16 =	sadd.s32 s16, s31;
	s2 =	sld [smem:$0x71E];
	s14 =	smul.u32 $0x14F8B589, s0  }
0x380: {  	s1 =	sld [smem:$0x722];
	s10 =	smulhi.u32 $0x14F8B589, s6;
	s0 =	sshra.s32 s6, $0x1F  }
0x381: {  	s13 =	sadd.s32 s13, s4;
	s9 =	smul.u32 $0x14F8B589, s0;
	s30 =	spop (v2sf)  }
0x382: {  	s15 =	sadd.s32 s15, s2;
	s2 =	sld [smem:$0x721];
	s14 =	sadd.s32 s14, s23  }
0x383: {  	s8 =	smulhi.u32 $0x14F8B589, s30;
	s0 =	sshra.s32 s30, $0x1F;
	s30 =	sld [smem:$0x720]  }
0x384: {  	(v2sf) =	vpush v3, $0x2;
	s29 =	sadd.s32 s20, s29;
	s3 =	spop (v2sf);
	[smem:$0x72B] =	sst s14  }
0x385: {  	s9 =	sadd.s32 s9, s10;
	s10 =	sld [smem:$0x727];
	s6 =	smul.u32 $0x14F8B589, s0  }
0x386: {  	s4 =	smulhi.u32 $0x14F8B589, s3;
	s0 =	sshra.s32 s3, $0x1F;
	s31 =	spop (v2sf)  }
0x387: {  	[smem:$0x72C] =	sst s9;
	s3 =	smul.u32 $0x14F8B589, s0;
	s11 =	sadd.s32 s11, s2  }
0x388: {  	s2 =	smulhi.u32 $0x14F8B589, s31;
	s0 =	sshra.s32 s31, $0x1F;
	s31 =	sld [smem:$0x724]  }
0x389: {  	s23 =	sshrl.u32 s22, $0x1F;
	s12 =	sadd.s32 s12, s30;
	s30 =	sld [smem:$0x723]  }
0x38a: {  	s6 =	sadd.s32 s6, s8;
	s8 =	sshra.s32 s10, $0xD;
	s14 =	sshra.s32 s11, $0x1F  }
0x38b: {  	[smem:$0x72D] =	sst s6;
	s3 =	sadd.s32 s3, s4;
	s4 =	sshrl.u32 s28, $0x1F  }
0x38c: {  	s28 =	sshra.s32 s28, $0xD;
	s1 =	sadd.s32 s30, s1;
	s30 =	sld [smem:$0x725]  }
0x38d: {  	v51 =	vmov s14;
	s14 =	sshrl.u32 s5, $0x1F;
	[smem:$0x728] =	sst s1;
	s1 =	smul.u32 $0x14F8B589, s0  }
0x38e: {  	[smem:$0x72E] =	sst s3;
	s3 =	sshra.s32 s17, $0xD;
	s0 =	spop (v2sf)  }
0x38f: {  	(v2sf) =	vpush v3, $0x3;
	s31 =	sadd.s32 s30, s31;
	s30 =	sld [smem:$0x726];
	s9 =	sadd.s32 s1, s2  }
0x390: {  	(v2sf) =	vpush v3, $0x4;
	s2 =	sshrl.u32 s10, $0x1F;
	s10 =	sshra.s32 s22, $0xD;
	s22 =	sshra.s32 s18, $0xD  }
0x391: {  	(v2sf) =	vpush v3, $0x5;
	v56 =	vmov s3;
	[smem:$0x729] =	sst s31;
	s31 =	smulhi.u32 $0x14F8B589, s0;
	s0 =	sshra.s32 s0, $0x1F  }
0x392: {  	v52 =	vmov s4;
	v9 =	vsel vm1, s22, v56;
	s22 =	sld [smem:$0x72D];
	s0 =	smul.u32 $0x14F8B589, s0;
	s26 =	sadd.s32 s26, s30  }
0x393: {  	(v2sf) =	vpush v3, $0x6;
	v5 =	vsel vm1, s2, v52;
	s2 =	sshrl.u32 s16, $0x1F;
	s30 =	spop (v2sf);
	[smem:$0x72A] =	sst s26  }
0x394: {  	(v2sf) =	vpush v3, $0x7;
	s20 =	smulhi.u32 $0x14F8B589, s30;
	s26 =	sshra.s32 s30, $0x1F;
	s6 =	sadd.s32 s0, s31  }
0x395: {  	s31 =	sshrl.u32 s24, $0x1F;
	s0 =	sshra.s32 s7, $0xD;
	s30 =	smul.u32 $0x14F8B589, s26  }
0x396: {  	v55 =	vmov s28;
	s26 =	sshrl.u32 s18, $0x1F;
	s18 =	sshra.s32 s24, $0xD;
	s24 =	sshrl.u32 s7, $0x1F  }
0x397: {  	v8 =	vsel vm1, s8, v55;
	v4 =	vsel vm4, s0, v51;
	s7 =	sshra.s32 s7, $0x1F;
	s0 =	sshra.s32 s5, $0xD;
	s8 =	sshrl.u32 s6, $0x1F  }
0x398: {  	v53 =	vmov s24;
	v4 =	vsel vm12, s7, v4;
	s24 =	sshra.s32 s5, $0x1F;
	s5 =	sshrl.u32 s21, $0x1F;
	s7 =	sshra.s32 s21, $0xD  }
0x399: {  	s1 =	sadd.s32 s30, s20;
	s20 =	sshrl.u32 s25, $0x1F;
	s25 =	sshra.s32 s25, $0xD  }
0x39a: {  	s30 =	sshrl.u32 s17, $0x1F;
	s17 =	sshrl.u32 s19, $0x1F;
	s19 =	sshra.s32 s19, $0xD;
	v6 =	vnsel vm4, $0x0, v53  }
0x39b: {  	v4 =	vsel vm1, s0, v4;
	s0 =	sshra.s32 s21, $0x1F;
	s21 =	sshra.s32 s16, $0xD;
	v5 =	vsel vm2, s20, v5;
	v6 =	vsel vm1, s14, v6;
	s14 =	sshra.s32 s16, $0x1F  }
0x39c: {  	v4 =	vsel vm11, s24, v4;
	s24 =	sshrl.u32 s15, $0x1F;
	s16 =	sshra.s32 s15, $0xD;
	v54 =	vmov s30;
	v8 =	vsel vm2, s25, v8;
	s25 =	sld [smem:$0x72B]  }
0x39d: {  	v9 =	vsel vm2, s19, v9;
	s19 =	sshrl.u32 s22, $0x1F;
	v6 =	vsel vm2, s5, v6;
	v4 =	vsel vm2, s7, v4;
	s5 =	sshra.s32 s15, $0x1F;
	s7 =	sshrl.u32 s13, $0x1F  }
0x39e: {  	v5 =	vsel vm5, s23, v5;
	s15 =	spop (v2sf);
	v7 =	vsel vm1, s26, v54;
	s23 =	sshra.s32 s12, $0xD;
	s26 =	sshrl.u32 s11, $0x1F  }
0x39f: {  	v9 =	vsel vm5, s18, v9;
	s18 =	sld [smem:$0x72E];
	v6 =	vsel vm5, s2, v6;
	v4 =	vsel vm15, s0, v4;
	s0 =	sshra.s32 s13, $0xD;
	s20 =	spop (v2sf)  }
0x3a0: {  	vm0 =	vmmov vm11;
	s13 =	sshra.s32 s13, $0x1F;
	v6 =	vsel vm10, s24, v6;
	v4 =	vsel vm5, s21, v4;
	s24 =	sshrl.u32 s12, $0x1F;
	s4 =	spop (v2sf)  }
0x3a1: {  	vm13 =	vmmov vm14;
	v7 =	vsel vm2, s17, v7;
	s21 =	sld [smem:$0x72A];
	s17 =	sshrl.u32 s25, $0x1F;
	s3 =	smulhi.u32 $0x14F8B589, s20;
	v4 =	vsel vm14, s14, v4  }
0x3a2: {  	vm11 =	vmmov vm15;
	v6 =	vsel vm8, s7, v6;
	s7 =	sshra.s32 s12, $0x1F;
	s2 =	spop (v2sf);
	v4 =	vsel vm10, s16, v4;
	s16 =	smulhi.u32 $0x14F8B589, s15  }
0x3a3: {  	vm14 =	vmmov vm10;
	s14 =	sshra.s32 s11, $0xD;
	v6 =	vsel vm7, s24, v6;
	vm10 =	vcmask $0x2724;
	s24 =	sld [smem:$0x728];
	s30 =	spop (v2sf)  }
0x3a4: {  	v8 =	vsel vm5, s10, v8;
	v7 =	vsel vm5, s31, v7;
	s12 =	sshra.s32 s15, $0x1F;
	v4 =	vsel vm10, s5, v4;
	s31 =	smulhi.u32 $0x14F8B589, s30;
	s11 =	sshra.s32 s30, $0x1F  }
0x3a5: {  	vm15 =	vcmask $0x2F2C;
	s15 =	sshrl.u32 s29, $0x1F;
	v6 =	vsel vm3, s26, v6;
	s26 =	sld [smem:$0x729];
	v4 =	vsel vm8, s0, v4;
	s11 =	smul.u32 $0x14F8B589, s11  }
0x3a6: {  	v57 =	vcombine.low v9, v8;
	v5 =	vcombine.low v7, v5;
	s5 =	smul.u32 $0x14F8B589, s12;
	s0 =	sshrl.u32 s18, $0x1F;
	s28 =	sshrl.u32 s24, $0x1F;
	v4 =	vsel vm15, s13, v4  }
0x3a7: {  	vm9 =	vcmask $0x3734;
	s13 =	sshrl.u32 s21, $0x1F;
	v4 =	vsel vm7, s23, v4;
	s23 =	sld [smem:$0x72C];
	s11 =	sadd.s32 s11, s31  }
0x3a8: {  	v7 =	vperm.xlane v57, v0;
	v5 =	vperm.xlane v5, v0;
	s5 =	sadd.s32 s5, s16;
	s16 =	sshra.s32 s20, $0x1F;
	v4 =	vsel vm9, s7, v4;
	s12 =	sshra.s32 s11, $0x1F  }
0x3a9: {  	v6 =	vperm.xlane v6, v1;
	s20 =	sshra.s32 s9, $0xD;
	s7 =	smulhi.u32 $0x14F8B589, s4;
	s30 =	sshrl.u32 s26, $0x1F;
	v4 =	vsel vm3, s14, v4;
	v59 =	vmov s12  }
0x3aa: {  	s10 =	sshrl.u32 s23, $0x1F;
	v58 =	vmov s30;
	v4 =	vperm.xlane v4, v1;
	s31 =	sshrl.u32 s9, $0x1F;
	s9 =	sshra.s32 s9, $0x1F;
	v9 =	vsel vm4, s20, v59  }
0x3ab: {  	s4 =	sshra.s32 s4, $0x1F;
	s14 =	smul.u32 $0x14F8B589, s16;
	s30 =	sshra.s32 s6, $0xD;
	v8 =	vsel vm1, s28, v58;
	v61 =	vmov s10;
	v9 =	vsel vm12, s9, v9  }
0x3ac: {  	s4 =	smul.u32 $0x14F8B589, s4;
	s6 =	sshra.s32 s6, $0x1F;
	s10 =	sshra.s32 s26, $0xD;
	v8 =	vsel vm2, s13, v8;
	v11 =	vsel vm1, s17, v61;
	v9 =	vsel vm1, s30, v9  }
0x3ad: {  	s16 =	smulhi.u32 $0x14F8B589, s2;
	s2 =	sshra.s32 s2, $0x1F;
	v62 =	vmov s10;
	v60 =	vmov s31;
	s20 =	sshra.s32 s1, $0xD;
	v9 =	vsel vm0, s6, v9  }
0x3ae: {  	s2 =	smul.u32 $0x14F8B589, s2;
	s28 =	sshrl.u32 s1, $0x1F;
	v8 =	vsel vm5, s15, v8;
	v11 =	vsel vm2, s19, v11;
	s1 =	sshra.s32 s1, $0x1F;
	v9 =	vsel vm2, s20, v9  }
0x3af: {  	s3 =	sadd.s32 s14, s3;
	s4 =	sadd.s32 s4, s7;
	v10 =	vnsel vm4, $0x0, v60;
	v11 =	vsel vm5, s0, v11;
	s30 =	sshra.s32 s5, $0xD;
	v9 =	vsel vm11, s1, v9  }
0x3b0: {  	s7 =	sshra.s32 s5, $0x1F;
	s14 =	sshra.s32 s24, $0xD;
	s12 =	sshra.s32 s23, $0xD;
	v10 =	vsel vm1, s8, v10;
	v8 =	vcombine.low v11, v8;
	v9 =	vsel vm5, s30, v9  }
0x3b1: {  	s2 =	sadd.s32 s2, s16;
	s15 =	sshra.s32 s25, $0xD;
	v63 =	vmov s12;
	v11 =	vsel vm1, s14, v62;
	s9 =	sshra.s32 s3, $0xD;
	v9 =	vsel vm13, s7, v9  }
0x3b2: {  	s13 =	sshra.s32 s3, $0x1F;
	s17 =	sshra.s32 s21, $0xD;
	s31 =	sshrl.u32 s5, $0x1F;
	v10 =	vsel vm2, s28, v10;
	v12 =	vsel vm1, s15, v63;
	v9 =	vsel vm14, s9, v9  }
0x3b3: {  	s16 =	sshra.s32 s4, $0xD;
	s21 =	sshra.s32 s29, $0xD;
	s19 =	sshra.s32 s22, $0xD;
	v11 =	vsel vm2, s17, v11;
	v10 =	vsel vm5, s31, v10;
	v9 =	vsel vm10, s13, v9  }
0x3b4: {  	s22 =	sshra.s32 s18, $0xD;
	s28 =	sshrl.u32 s3, $0x1F;
	v12 =	vsel vm2, s19, v12;
	v11 =	vsel vm5, s21, v11;
	s20 =	sshra.s32 s4, $0x1F;
	v9 =	vsel vm8, s16, v9  }
0x3b5: {  	s23 =	sshra.s32 s2, $0xD;
	s31 =	sshrl.u32 s4, $0x1F;
	v10 =	vsel vm14, s28, v10;
	v12 =	vsel vm5, s22, v12;
	v9 =	vsel vm15, s20, v9  }
0x3b6: {  	s25 =	sshra.s32 s2, $0x1F;
	s8 =	sshrl.u32 s2, $0x1F;
	v10 =	vsel vm8, s31, v10;
	v11 =	vcombine.low v12, v11;
	v9 =	vsel vm7, s23, v9  }
0x3b7: {  	s24 =	sshrl.u32 s11, $0x1F;
	s26 =	sshra.s32 s11, $0xD;
	v8 =	vperm.xlane v8, v0;
	v10 =	vsel vm7, s8, v10;
	v9 =	vsel vm9, s25, v9  }
0x3b8: {  	v10 =	vsel vm3, s24, v10;
	v11 =	vperm.xlane v11, v0;
	v9 =	vsel vm3, s26, v9  }
0x3b9: {  	v10 =	vperm.xlane v10, v1;
	v9 =	vperm.xlane v9, v1  }
0x3ba: {  	v5 =	vsel vm6, v6, v5;
	v4 =	vsel vm6, v4, v7  }
0x3bb: {  	v4 =	vadd.s32 v5, v4;
	v13 =	vsel vm6, v10, v8;
	v14 =	vsel vm6, v9, v11  }
0x3bc: {  	v4 =	vmul.u32 $0x186A0, v4;
	v5 =	vadd.s32 v13, v14  }
0x3bd: {  	v5 =	vmul.u32 $0x186A0, v5  }
0x3be: {  	v2 =	vsub.s32 v2, v4  }
0x3bf: {  	vm12 =	vlt.s32 v2, $0x0;
	v4 =	vadd.s32 $0x186A0, v2;
	v3 =	vsub.s32 v3, v5  }
0x3c0: {  	v2 =	vsel vm12, v4, v2;
	vm12 =	vlt.s32 v3, $0x0;
	v15 =	vadd.s32 $0x186A0, v3  }
0x3c1: {  	s28 =	rddreg [dreg:$0x1d];
	[tilespmem:$0x700] =	vst v2;
	v2 =	vsel vm12, v15, v3  }
0x3c2: {  	s29 =	simm.s32 $0x6C00;
	s31 =	simm.s32 $0x20;
	s30 =	rddreg [dreg:$0x2];
	[tilespmem:$0x710] =	vst v2  }
0x3c3: {  	[tilespmem:s29], [sflag:$0x1] =	stream.indirect.gather [hbm4b:s30+s31], $0x80, s28, s31, $0xb8;
	[tilespmem:$0x10C00] =	vst v63  }
0x3c4: {  	v2 =	vld [tilespmem:$0xE0];
	_ =	sdelay $0x1  }
0x3c5: {  	v3 =	vld [tilespmem:$0x2E0];
	_ =	sdelay $0x2  }
0x3c6: {  	v2 =	vmul.u32 $0x1F, v2;
	_ =	sdelay $0x1  }
0x3c7: {  	v2 =	vadd.s32 v3, v2  }
0x3c8: {  	(v2sf) =	vpush v2, $0xD;
	_ =	sdelay $0x1  }
0x3c9: {  	(v2sf) =	vpush v2, $0xC;
	_ =	sdelay $0x1  }
0x3ca: {  	(v2sf) =	vpush v2, $0xE;
	_ =	sdelay $0x1  }
0x3cb: {  	(v2sf) =	vpush v2, $0xF;
	_ =	sdelay $0x1  }
0x3cc: {  	(v2sf) =	vpush v2, $0x9;
	_ =	sdelay $0x1  }
0x3cd: {  	(v2sf) =	vpush v2, $0x8;
	_ =	sdelay $0x1  }
0x3ce: {  	(v2sf) =	vpush v2, $0xA;
	_ =	sdelay $0x1  }
0x3cf: {  	(v2sf) =	vpush v2, $0xB  }
0x3d0: {  	s3 =	spop (v2sf)  }
0x3d1: {  	(v2sf) =	vpush v2, $0x0;
	s0 =	smulhi.u32 $0x14F8B589, s3;
	s1 =	sshra.s32 s3, $0x1F  }
0x3d2: {  	s4 =	spop (v2sf);
	s17 =	smul.u32 $0x14F8B589, s1  }
0x3d3: {  	(v2sf) =	vpush v2, $0x1;
	s1 =	smulhi.u32 $0x14F8B589, s4;
	s2 =	sshra.s32 s4, $0x1F  }
0x3d4: {  	s5 =	spop (v2sf);
	s18 =	smul.u32 $0x14F8B589, s2  }
0x3d5: {  	(v2sf) =	vpush v2, $0x2;
	s8 =	smulhi.u32 $0x14F8B589, s5;
	s2 =	sshra.s32 s5, $0x1F  }
0x3d6: {  	s6 =	spop (v2sf);
	s4 =	smul.u32 $0x14F8B589, s2  }
0x3d7: {  	(v2sf) =	vpush v2, $0x3;
	s9 =	smulhi.u32 $0x14F8B589, s6;
	s2 =	sshra.s32 s6, $0x1F  }
0x3d8: {  	s7 =	spop (v2sf);
	s14 =	smul.u32 $0x14F8B589, s2  }
0x3d9: {  	v3 =	vld [tilespmem:$0xF0];
	(v2sf) =	vpush v2, $0x4;
	s10 =	smulhi.u32 $0x14F8B589, s7;
	s2 =	sshra.s32 s7, $0x1F  }
0x3da: {  	s11 =	spop (v2sf);
	s3 =	smul.u32 $0x14F8B589, s2  }
0x3db: {  	v16 =	vld [tilespmem:$0x2F0];
	(v2sf) =	vpush v2, $0x5;
	s20 =	smulhi.u32 $0x14F8B589, s11;
	s2 =	sshra.s32 s11, $0x1F  }
0x3dc: {  	s12 =	spop (v2sf);
	s6 =	smul.u32 $0x14F8B589, s2  }
0x3dd: {  	(v2sf) =	vpush v2, $0x6;
	s23 =	smulhi.u32 $0x14F8B589, s12;
	s2 =	sshra.s32 s12, $0x1F  }
0x3de: {  	v3 =	vmul.u32 $0x1F, v3;
	s13 =	spop (v2sf);
	s19 =	smul.u32 $0x14F8B589, s2  }
0x3df: {  	(v2sf) =	vpush v2, $0x7;
	s15 =	smulhi.u32 $0x14F8B589, s13;
	s2 =	sshra.s32 s13, $0x1F  }
0x3e0: {  	v3 =	vadd.s32 v16, v3;
	s0 =	sadd.s32 s17, s0;
	s16 =	spop (v2sf);
	s24 =	smul.u32 $0x14F8B589, s2  }
0x3e1: {  	[smem:$0x73D] =	sst s0;
	(v2sf) =	vpush v3, $0xD;
	s21 =	smulhi.u32 $0x14F8B589, s16;
	s2 =	sshra.s32 s16, $0x1F  }
0x3e2: {  	s22 =	spop (v2sf);
	s7 =	smul.u32 $0x14F8B589, s2  }
0x3e3: {  	[smem:$0x72F] =	sst s15;
	s25 =	smulhi.u32 $0x14F8B589, s22;
	s2 =	sshra.s32 s22, $0x1F  }
0x3e4: {  	(v2sf) =	vpush v3, $0xC;
	s26 =	spop (v2sf);
	s5 =	smul.u32 $0x14F8B589, s2  }
0x3e5: {  	[smem:$0x730] =	sst s21;
	s28 =	smulhi.u32 $0x14F8B589, s26;
	s2 =	sshra.s32 s26, $0x1F  }
0x3e6: {  	s21 =	smul.u32 $0x14F8B589, s2;
	s29 =	spop (v2sf)  }
0x3e7: {  	[smem:$0x731] =	sst s25;
	s30 =	smulhi.u32 $0x14F8B589, s29;
	s2 =	sshra.s32 s29, $0x1F  }
0x3e8: {  	s31 =	spop (v2sf);
	s16 =	smul.u32 $0x14F8B589, s2  }
0x3e9: {  	(v2sf) =	vpush v3, $0xE;
	[smem:$0x732] =	sst s28;
	s12 =	smulhi.u32 $0x14F8B589, s31;
	s2 =	sshra.s32 s31, $0x1F  }
0x3ea: {  	s13 =	spop (v2sf);
	s15 =	smul.u32 $0x14F8B589, s2  }
0x3eb: {  	[smem:$0x733] =	sst s30;
	s22 =	smulhi.u32 $0x14F8B589, s13;
	s2 =	sshra.s32 s13, $0x1F  }
0x3ec: {  	s13 =	smul.u32 $0x14F8B589, s2;
	s25 =	spop (v2sf)  }
0x3ed: {  	[smem:$0x734] =	sst s12;
	s26 =	smulhi.u32 $0x14F8B589, s25;
	s2 =	sshra.s32 s25, $0x1F  }
0x3ee: {  	(v2sf) =	vpush v3, $0xF;
	s28 =	spop (v2sf);
	s12 =	smul.u32 $0x14F8B589, s2  }
0x3ef: {  	[smem:$0x735] =	sst s22;
	s29 =	smulhi.u32 $0x14F8B589, s28  }
0x3f0: {  	(v2sf) =	vpush v3, $0x9;
	s2 =	sshra.s32 s28, $0x1F;
	s30 =	spop (v2sf);
	s28 =	sadd.s32 s18, s1  }
0x3f1: {  	(v2sf) =	vpush v3, $0x8;
	s18 =	sadd.s32 s3, s10;
	s3 =	sld [smem:$0x72F];
	s11 =	smul.u32 $0x14F8B589, s2  }
0x3f2: {  	[smem:$0x736] =	sst s26;
	s31 =	smulhi.u32 $0x14F8B589, s30;
	s2 =	sshra.s32 s30, $0x1F  }
0x3f3: {  	s25 =	spop (v2sf);
	s22 =	smul.u32 $0x14F8B589, s2  }
0x3f4: {  	(v2sf) =	vpush v3, $0xA;
	[smem:$0x737] =	sst s29;
	s26 =	smulhi.u32 $0x14F8B589, s25  }
0x3f5: {  	s2 =	sshra.s32 s25, $0x1F;
	s25 =	sadd.s32 s4, s8;
	s4 =	sld [smem:$0x730]  }
0x3f6: {  	s8 =	sld [smem:$0x731]  }
0x3f7: {  	(v2sf) =	vpush v3, $0xB;
	[smem:$0x738] =	sst s31  }
0x3f8: {  	s17 =	sadd.s32 s6, s20;
	s30 =	spop (v2sf);
	[smem:$0x739] =	sst s22  }
0x3f9: {  	s19 =	sadd.s32 s19, s23;
	(v2sf) =	vpush v3, $0x0;
	s29 =	smul.u32 $0x14F8B589, s2;
	[smem:$0x73A] =	sst s26  }
0x3fa: {  	s31 =	smulhi.u32 $0x14F8B589, s30;
	s22 =	sadd.s32 s14, s9;
	s9 =	sld [smem:$0x732]  }
0x3fb: {  	s0 =	sshra.s32 s30, $0x1F;
	s24 =	sadd.s32 s24, s3;
	[smem:$0x73B] =	sst s29  }
0x3fc: {  	s26 =	smul.u32 $0x14F8B589, s0;
	[smem:$0x73C] =	sst s31;
	s7 =	sadd.s32 s7, s4  }
0x3fd: {  	s5 =	sadd.s32 s5, s8;
	s31 =	sld [smem:$0x733];
	s1 =	spop (v2sf)  }
0x3fe: {  	s4 =	sld [smem:$0x735];
	s29 =	smulhi.u32 $0x14F8B589, s1;
	s0 =	sshra.s32 s1, $0x1F  }
0x3ff: {  	s21 =	sadd.s32 s21, s9;
	s2 =	spop (v2sf);
	s20 =	smul.u32 $0x14F8B589, s0  }
0x400: {  	s23 =	smulhi.u32 $0x14F8B589, s2;
	s0 =	sshra.s32 s2, $0x1F;
	s6 =	spop (v2sf)  }
0x401: {  	(v2sf) =	vpush v3, $0x1;
	s16 =	sadd.s32 s16, s31;
	s2 =	sld [smem:$0x734];
	s14 =	smul.u32 $0x14F8B589, s0  }
0x402: {  	s1 =	sld [smem:$0x738];
	s10 =	smulhi.u32 $0x14F8B589, s6;
	s0 =	sshra.s32 s6, $0x1F  }
0x403: {  	s13 =	sadd.s32 s13, s4;
	s9 =	smul.u32 $0x14F8B589, s0;
	s30 =	spop (v2sf)  }
0x404: {  	s15 =	sadd.s32 s15, s2;
	s2 =	sld [smem:$0x737];
	s14 =	sadd.s32 s14, s23  }
0x405: {  	s8 =	smulhi.u32 $0x14F8B589, s30;
	s0 =	sshra.s32 s30, $0x1F;
	s30 =	sld [smem:$0x736]  }
0x406: {  	(v2sf) =	vpush v3, $0x2;
	s29 =	sadd.s32 s20, s29;
	s3 =	spop (v2sf);
	[smem:$0x741] =	sst s14  }
0x407: {  	s9 =	sadd.s32 s9, s10;
	s10 =	sld [smem:$0x73D];
	s6 =	smul.u32 $0x14F8B589, s0  }
0x408: {  	s4 =	smulhi.u32 $0x14F8B589, s3;
	s0 =	sshra.s32 s3, $0x1F;
	s31 =	spop (v2sf)  }
0x409: {  	[smem:$0x742] =	sst s9;
	s3 =	smul.u32 $0x14F8B589, s0;
	s11 =	sadd.s32 s11, s2  }
0x40a: {  	s2 =	smulhi.u32 $0x14F8B589, s31;
	s0 =	sshra.s32 s31, $0x1F;
	s31 =	sld [smem:$0x73A]  }
0x40b: {  	s23 =	sshrl.u32 s22, $0x1F;
	s12 =	sadd.s32 s12, s30;
	s30 =	sld [smem:$0x739]  }
0x40c: {  	s6 =	sadd.s32 s6, s8;
	s8 =	sshra.s32 s10, $0xD;
	s14 =	sshra.s32 s11, $0x1F  }
0x40d: {  	[smem:$0x743] =	sst s6;
	s3 =	sadd.s32 s3, s4;
	s4 =	sshrl.u32 s28, $0x1F  }
0x40e: {  	s28 =	sshra.s32 s28, $0xD;
	s1 =	sadd.s32 s30, s1;
	s30 =	sld [smem:$0x73B]  }
0x40f: {  	v17 =	vmov s14;
	s14 =	sshrl.u32 s5, $0x1F;
	[smem:$0x73E] =	sst s1;
	s1 =	smul.u32 $0x14F8B589, s0  }
0x410: {  	[smem:$0x744] =	sst s3;
	s3 =	sshra.s32 s17, $0xD;
	s0 =	spop (v2sf)  }
0x411: {  	(v2sf) =	vpush v3, $0x3;
	s31 =	sadd.s32 s30, s31;
	s30 =	sld [smem:$0x73C];
	s9 =	sadd.s32 s1, s2  }
0x412: {  	(v2sf) =	vpush v3, $0x4;
	s2 =	sshrl.u32 s10, $0x1F;
	s10 =	sshra.s32 s22, $0xD;
	s22 =	sshra.s32 s18, $0xD  }
0x413: {  	(v2sf) =	vpush v3, $0x5;
	v22 =	vmov s3;
	[smem:$0x73F] =	sst s31;
	s31 =	smulhi.u32 $0x14F8B589, s0;
	s0 =	sshra.s32 s0, $0x1F  }
0x414: {  	v18 =	vmov s4;
	v9 =	vsel vm1, s22, v22;
	s22 =	sld [smem:$0x743];
	s0 =	smul.u32 $0x14F8B589, s0;
	s26 =	sadd.s32 s26, s30  }
0x415: {  	(v2sf) =	vpush v3, $0x6;
	v5 =	vsel vm1, s2, v18;
	s2 =	sshrl.u32 s16, $0x1F;
	s30 =	spop (v2sf);
	[smem:$0x740] =	sst s26  }
0x416: {  	(v2sf) =	vpush v3, $0x7;
	s20 =	smulhi.u32 $0x14F8B589, s30;
	s26 =	sshra.s32 s30, $0x1F;
	s6 =	sadd.s32 s0, s31  }
0x417: {  	s31 =	sshrl.u32 s24, $0x1F;
	s0 =	sshra.s32 s7, $0xD;
	s30 =	smul.u32 $0x14F8B589, s26  }
0x418: {  	v21 =	vmov s28;
	s26 =	sshrl.u32 s18, $0x1F;
	s18 =	sshra.s32 s24, $0xD;
	s24 =	sshrl.u32 s7, $0x1F  }
0x419: {  	vm12 =	vcmask $0x704;
	v8 =	vsel vm1, s8, v21;
	v4 =	vsel vm4, s0, v17;
	s7 =	sshra.s32 s7, $0x1F;
	s0 =	sshra.s32 s5, $0xD;
	s8 =	sshrl.u32 s6, $0x1F  }
0x41a: {  	v19 =	vmov s24;
	v4 =	vsel vm12, s7, v4;
	s24 =	sshra.s32 s5, $0x1F;
	s5 =	sshrl.u32 s21, $0x1F;
	s7 =	sshra.s32 s21, $0xD  }
0x41b: {  	s1 =	sadd.s32 s30, s20;
	s20 =	sshrl.u32 s25, $0x1F;
	s25 =	sshra.s32 s25, $0xD  }
0x41c: {  	vm0 =	vmmov vm11;
	vm11 =	vcmask $0xF0C;
	s30 =	sshrl.u32 s17, $0x1F;
	s17 =	sshrl.u32 s19, $0x1F;
	s19 =	sshra.s32 s19, $0xD;
	v6 =	vnsel vm4, $0x0, v19  }
0x41d: {  	v4 =	vsel vm1, s0, v4;
	s0 =	sshra.s32 s21, $0x1F;
	s21 =	sshra.s32 s16, $0xD;
	v5 =	vsel vm2, s20, v5;
	v6 =	vsel vm1, s14, v6;
	s14 =	sshra.s32 s16, $0x1F  }
0x41e: {  	v4 =	vsel vm11, s24, v4;
	s24 =	sshrl.u32 s15, $0x1F;
	s16 =	sshra.s32 s15, $0xD;
	v20 =	vmov s30;
	v8 =	vsel vm2, s25, v8;
	s25 =	sld [smem:$0x741]  }
0x41f: {  	v9 =	vsel vm2, s19, v9;
	s19 =	sshrl.u32 s22, $0x1F;
	v6 =	vsel vm2, s5, v6;
	v4 =	vsel vm2, s7, v4;
	s5 =	sshra.s32 s15, $0x1F;
	s7 =	sshrl.u32 s13, $0x1F  }
0x420: {  	v5 =	vsel vm5, s23, v5;
	s15 =	spop (v2sf);
	v7 =	vsel vm1, s26, v20;
	s23 =	sshra.s32 s12, $0xD;
	s26 =	sshrl.u32 s11, $0x1F  }
0x421: {  	v9 =	vsel vm5, s18, v9;
	s18 =	sld [smem:$0x744];
	v6 =	vsel vm5, s2, v6;
	v4 =	vsel vm0, s0, v4;
	s0 =	sshra.s32 s13, $0xD;
	s20 =	spop (v2sf)  }
0x422: {  	s13 =	sshra.s32 s13, $0x1F;
	v6 =	vsel vm14, s24, v6;
	v4 =	vsel vm5, s21, v4;
	s24 =	sshrl.u32 s12, $0x1F;
	s4 =	spop (v2sf)  }
0x423: {  	v7 =	vsel vm2, s17, v7;
	s21 =	sld [smem:$0x740];
	s17 =	sshrl.u32 s25, $0x1F;
	s3 =	smulhi.u32 $0x14F8B589, s20;
	v4 =	vsel vm13, s14, v4  }
0x424: {  	vm10 =	vmmov vm4;
	v6 =	vsel vm8, s7, v6;
	s7 =	sshra.s32 s12, $0x1F;
	s2 =	spop (v2sf);
	v4 =	vsel vm14, s16, v4;
	s16 =	smulhi.u32 $0x14F8B589, s15  }
0x425: {  	vm4 =	vmmov vm14;
	s14 =	sshra.s32 s11, $0xD;
	v6 =	vsel vm7, s24, v6;
	vm14 =	vcmask $0x2724;
	s24 =	sld [smem:$0x73E];
	s30 =	spop (v2sf)  }
0x426: {  	v7 =	vsel vm5, s31, v7;
	s12 =	sshra.s32 s15, $0x1F;
	v4 =	vsel vm14, s5, v4;
	s31 =	smulhi.u32 $0x14F8B589, s30;
	s11 =	sshra.s32 s30, $0x1F  }
0x427: {  	v8 =	vsel vm5, s10, v8;
	s15 =	sshrl.u32 s29, $0x1F;
	v6 =	vsel vm3, s26, v6;
	s26 =	sld [smem:$0x73F];
	v4 =	vsel vm8, s0, v4;
	s11 =	smul.u32 $0x14F8B589, s11  }
0x428: {  	v23 =	vcombine.low v9, v8;
	v5 =	vcombine.low v7, v5;
	s5 =	smul.u32 $0x14F8B589, s12;
	s0 =	sshrl.u32 s18, $0x1F;
	s28 =	sshrl.u32 s24, $0x1F;
	v4 =	vsel vm15, s13, v4  }
0x429: {  	vm9 =	vmmov vm0;
	vm0 =	vcmask $0x3734;
	s13 =	sshrl.u32 s21, $0x1F;
	v4 =	vsel vm7, s23, v4;
	s23 =	sld [smem:$0x742];
	s11 =	sadd.s32 s11, s31  }
0x42a: {  	v7 =	vperm.xlane v23, v0;
	v5 =	vperm.xlane v5, v0;
	s5 =	sadd.s32 s5, s16;
	s16 =	sshra.s32 s20, $0x1F;
	v4 =	vsel vm0, s7, v4;
	s12 =	sshra.s32 s11, $0x1F  }
0x42b: {  	v6 =	vperm.xlane v6, v1;
	s20 =	sshra.s32 s9, $0xD;
	s7 =	smulhi.u32 $0x14F8B589, s4;
	s30 =	sshrl.u32 s26, $0x1F;
	v4 =	vsel vm3, s14, v4;
	v25 =	vmov s12  }
0x42c: {  	s10 =	sshrl.u32 s23, $0x1F;
	v24 =	vmov s30;
	v4 =	vperm.xlane v4, v1;
	s31 =	sshrl.u32 s9, $0x1F;
	s9 =	sshra.s32 s9, $0x1F;
	v9 =	vsel vm10, s20, v25  }
0x42d: {  	s4 =	sshra.s32 s4, $0x1F;
	s14 =	smul.u32 $0x14F8B589, s16;
	s30 =	sshra.s32 s6, $0xD;
	v8 =	vsel vm1, s28, v24;
	v27 =	vmov s10;
	v9 =	vsel vm12, s9, v9  }
0x42e: {  	s4 =	smul.u32 $0x14F8B589, s4;
	s6 =	sshra.s32 s6, $0x1F;
	s10 =	sshra.s32 s26, $0xD;
	v8 =	vsel vm2, s13, v8;
	v11 =	vsel vm1, s17, v27;
	v9 =	vsel vm1, s30, v9  }
0x42f: {  	s16 =	smulhi.u32 $0x14F8B589, s2;
	s2 =	sshra.s32 s2, $0x1F;
	v28 =	vmov s10;
	v26 =	vmov s31;
	s20 =	sshra.s32 s1, $0xD;
	v9 =	vsel vm11, s6, v9  }
0x430: {  	s2 =	smul.u32 $0x14F8B589, s2;
	s28 =	sshrl.u32 s1, $0x1F;
	v8 =	vsel vm5, s15, v8;
	v11 =	vsel vm2, s19, v11;
	s1 =	sshra.s32 s1, $0x1F;
	v9 =	vsel vm2, s20, v9  }
0x431: {  	s3 =	sadd.s32 s14, s3;
	s4 =	sadd.s32 s4, s7;
	v10 =	vnsel vm10, $0x0, v26;
	v11 =	vsel vm5, s0, v11;
	s30 =	sshra.s32 s5, $0xD;
	v9 =	vsel vm9, s1, v9  }
0x432: {  	s7 =	sshra.s32 s5, $0x1F;
	s14 =	sshra.s32 s24, $0xD;
	s12 =	sshra.s32 s23, $0xD;
	v10 =	vsel vm1, s8, v10;
	v8 =	vcombine.low v11, v8;
	v9 =	vsel vm5, s30, v9  }
0x433: {  	s2 =	sadd.s32 s2, s16;
	s15 =	sshra.s32 s25, $0xD;
	v29 =	vmov s12;
	v11 =	vsel vm1, s14, v28;
	s9 =	sshra.s32 s3, $0xD;
	v9 =	vsel vm13, s7, v9  }
0x434: {  	s13 =	sshra.s32 s3, $0x1F;
	s17 =	sshra.s32 s21, $0xD;
	s31 =	sshrl.u32 s5, $0x1F;
	v10 =	vsel vm2, s28, v10;
	v12 =	vsel vm1, s15, v29;
	v9 =	vsel vm4, s9, v9  }
0x435: {  	s16 =	sshra.s32 s4, $0xD;
	s21 =	sshra.s32 s29, $0xD;
	s19 =	sshra.s32 s22, $0xD;
	v11 =	vsel vm2, s17, v11;
	v10 =	vsel vm5, s31, v10;
	v9 =	vsel vm14, s13, v9  }
0x436: {  	s22 =	sshra.s32 s18, $0xD;
	s28 =	sshrl.u32 s3, $0x1F;
	v12 =	vsel vm2, s19, v12;
	v11 =	vsel vm5, s21, v11;
	s20 =	sshra.s32 s4, $0x1F;
	v9 =	vsel vm8, s16, v9  }
0x437: {  	s23 =	sshra.s32 s2, $0xD;
	s31 =	sshrl.u32 s4, $0x1F;
	v10 =	vsel vm4, s28, v10;
	v12 =	vsel vm5, s22, v12;
	v9 =	vsel vm15, s20, v9  }
0x438: {  	s25 =	sshra.s32 s2, $0x1F;
	s8 =	sshrl.u32 s2, $0x1F;
	v10 =	vsel vm8, s31, v10;
	v11 =	vcombine.low v12, v11;
	v9 =	vsel vm7, s23, v9  }
0x439: {  	s24 =	sshrl.u32 s11, $0x1F;
	s26 =	sshra.s32 s11, $0xD;
	v8 =	vperm.xlane v8, v0;
	v10 =	vsel vm7, s8, v10;
	v9 =	vsel vm0, s25, v9  }
0x43a: {  	v10 =	vsel vm3, s24, v10;
	v11 =	vperm.xlane v11, v0;
	v9 =	vsel vm3, s26, v9  }
0x43b: {  	v10 =	vperm.xlane v10, v1;
	v9 =	vperm.xlane v9, v1  }
0x43c: {  	v5 =	vsel vm6, v6, v5;
	v4 =	vsel vm6, v4, v7  }
0x43d: {  	v4 =	vadd.s32 v5, v4;
	v30 =	vsel vm6, v10, v8;
	v31 =	vsel vm6, v9, v11  }
0x43e: {  	v4 =	vmul.u32 $0x186A0, v4;
	v5 =	vadd.s32 v30, v31  }
0x43f: {  	v5 =	vmul.u32 $0x186A0, v5  }
0x440: {  	v2 =	vsub.s32 v2, v4  }
0x441: {  	v4 =	vadd.s32 $0x186A0, v2;
	vm13 =	vlt.s32 v2, $0x0;
	v3 =	vsub.s32 v3, v5  }
0x442: {  	v2 =	vsel vm13, v4, v2;
	vm13 =	vlt.s32 v3, $0x0;
	v32 =	vadd.s32 $0x186A0, v3  }
0x443: {  	s28 =	rddreg [dreg:$0x1e];
	[tilespmem:$0x780] =	vst v2;
	v2 =	vsel vm13, v32, v3  }
0x444: {  	s29 =	simm.s32 $0x7C00;
	s31 =	simm.s32 $0x20;
	s30 =	rddreg [dreg:$0x2];
	[tilespmem:$0x790] =	vst v2  }
0x445: {  	[tilespmem:s29], [sflag:$0x1] =	stream.indirect.gather [hbm4b:s30+s31], $0x80, s28, s31, $0xb8;
	[tilespmem:$0x10C00] =	vst v63  }
0x446: {  	v2 =	vld [tilespmem:$0x100];
	_ =	sdelay $0x1  }
0x447: {  	v3 =	vld [tilespmem:$0x300];
	_ =	sdelay $0x2  }
0x448: {  	v2 =	vmul.u32 $0x1F, v2;
	_ =	sdelay $0x1  }
0x449: {  	v2 =	vadd.s32 v3, v2  }
0x44a: {  	(v2sf) =	vpush v2, $0xD;
	_ =	sdelay $0x1  }
0x44b: {  	(v2sf) =	vpush v2, $0xC;
	_ =	sdelay $0x1  }
0x44c: {  	(v2sf) =	vpush v2, $0xE;
	_ =	sdelay $0x1  }
0x44d: {  	(v2sf) =	vpush v2, $0xF;
	_ =	sdelay $0x1  }
0x44e: {  	(v2sf) =	vpush v2, $0x9;
	_ =	sdelay $0x1  }
0x44f: {  	(v2sf) =	vpush v2, $0x8;
	_ =	sdelay $0x1  }
0x450: {  	(v2sf) =	vpush v2, $0xA;
	_ =	sdelay $0x1  }
0x451: {  	(v2sf) =	vpush v2, $0xB  }
0x452: {  	(v2sf) =	vpush v2, $0x0;
	s3 =	spop (v2sf)  }
0x453: {  	(v2sf) =	vpush v2, $0x1;
	s0 =	smulhi.u32 $0x14F8B589, s3;
	s1 =	sshra.s32 s3, $0x1F  }
0x454: {  	s4 =	spop (v2sf);
	s17 =	smul.u32 $0x14F8B589, s1  }
0x455: {  	s1 =	smulhi.u32 $0x14F8B589, s4;
	s2 =	sshra.s32 s4, $0x1F  }
0x456: {  	s5 =	spop (v2sf);
	s18 =	smul.u32 $0x14F8B589, s2  }
0x457: {  	(v2sf) =	vpush v2, $0x2;
	s8 =	smulhi.u32 $0x14F8B589, s5;
	s2 =	sshra.s32 s5, $0x1F  }
0x458: {  	s6 =	spop (v2sf);
	s4 =	smul.u32 $0x14F8B589, s2  }
0x459: {  	(v2sf) =	vpush v2, $0x3;
	s9 =	smulhi.u32 $0x14F8B589, s6;
	s2 =	sshra.s32 s6, $0x1F  }
0x45a: {  	s7 =	spop (v2sf);
	s14 =	smul.u32 $0x14F8B589, s2  }
0x45b: {  	v3 =	vld [tilespmem:$0x110];
	(v2sf) =	vpush v2, $0x4;
	s10 =	smulhi.u32 $0x14F8B589, s7;
	s2 =	sshra.s32 s7, $0x1F  }
0x45c: {  	s11 =	spop (v2sf);
	s3 =	smul.u32 $0x14F8B589, s2  }
0x45d: {  	v33 =	vld [tilespmem:$0x310];
	(v2sf) =	vpush v2, $0x5;
	s20 =	smulhi.u32 $0x14F8B589, s11;
	s2 =	sshra.s32 s11, $0x1F  }
0x45e: {  	s12 =	spop (v2sf);
	s6 =	smul.u32 $0x14F8B589, s2  }
0x45f: {  	(v2sf) =	vpush v2, $0x6;
	s23 =	smulhi.u32 $0x14F8B589, s12;
	s2 =	sshra.s32 s12, $0x1F  }
0x460: {  	v3 =	vmul.u32 $0x1F, v3;
	s13 =	spop (v2sf);
	s19 =	smul.u32 $0x14F8B589, s2  }
0x461: {  	(v2sf) =	vpush v2, $0x7;
	s15 =	smulhi.u32 $0x14F8B589, s13;
	s16 =	spop (v2sf)  }
0x462: {  	v3 =	vadd.s32 v33, v3;
	s21 =	smulhi.u32 $0x14F8B589, s16;
	s22 =	spop (v2sf)  }
0x463: {  	s2 =	sshra.s32 s13, $0x1F;
	(v2sf) =	vpush v3, $0xD;
	[smem:$0x745] =	sst s15;
	s25 =	smulhi.u32 $0x14F8B589, s22  }
0x464: {  	s24 =	smul.u32 $0x14F8B589, s2;
	s2 =	sshra.s32 s16, $0x1F;
	[smem:$0x746] =	sst s21  }
0x465: {  	s7 =	smul.u32 $0x14F8B589, s2;
	s2 =	sshra.s32 s22, $0x1F;
	[smem:$0x747] =	sst s25  }
0x466: {  	s5 =	smul.u32 $0x14F8B589, s2;
	s26 =	spop (v2sf)  }
0x467: {  	s28 =	smulhi.u32 $0x14F8B589, s26;
	s2 =	sshra.s32 s26, $0x1F  }
0x468: {  	s0 =	sadd.s32 s17, s0;
	(v2sf) =	vpush v3, $0xC;
	s21 =	smul.u32 $0x14F8B589, s2;
	s29 =	spop (v2sf)  }
0x469: {  	[smem:$0x753] =	sst s0;
	s30 =	smulhi.u32 $0x14F8B589, s29;
	s2 =	sshra.s32 s29, $0x1F  }
0x46a: {  	(v2sf) =	vpush v3, $0xE;
	s31 =	spop (v2sf);
	s16 =	smul.u32 $0x14F8B589, s2  }
0x46b: {  	[smem:$0x748] =	sst s28;
	s12 =	smulhi.u32 $0x14F8B589, s31;
	s2 =	sshra.s32 s31, $0x1F  }
0x46c: {  	s13 =	spop (v2sf);
	s15 =	smul.u32 $0x14F8B589, s2  }
0x46d: {  	[smem:$0x749] =	sst s30;
	s22 =	smulhi.u32 $0x14F8B589, s13;
	s2 =	sshra.s32 s13, $0x1F  }
0x46e: {  	(v2sf) =	vpush v3, $0xF;
	s13 =	smul.u32 $0x14F8B589, s2;
	s25 =	spop (v2sf)  }
0x46f: {  	(v2sf) =	vpush v3, $0x9;
	[smem:$0x74A] =	sst s12;
	s26 =	smulhi.u32 $0x14F8B589, s25;
	s2 =	sshra.s32 s25, $0x1F  }
0x470: {  	s28 =	spop (v2sf);
	s12 =	smul.u32 $0x14F8B589, s2  }
0x471: {  	[smem:$0x74B] =	sst s22;
	s29 =	smulhi.u32 $0x14F8B589, s28  }
0x472: {  	(v2sf) =	vpush v3, $0x8;
	s2 =	sshra.s32 s28, $0x1F;
	s30 =	spop (v2sf);
	s28 =	sadd.s32 s18, s1  }
0x473: {  	s18 =	sadd.s32 s3, s10;
	s3 =	sld [smem:$0x745];
	s11 =	smul.u32 $0x14F8B589, s2  }
0x474: {  	[smem:$0x74C] =	sst s26;
	s31 =	smulhi.u32 $0x14F8B589, s30;
	s2 =	sshra.s32 s30, $0x1F  }
0x475: {  	(v2sf) =	vpush v3, $0xA;
	[smem:$0x74D] =	sst s29;
	s22 =	smul.u32 $0x14F8B589, s2  }
0x476: {  	[smem:$0x74E] =	sst s31  }
0x477: {  	[smem:$0x74F] =	sst s22;
	s22 =	sadd.s32 s14, s9;
	s25 =	spop (v2sf)  }
0x478: {  	(v2sf) =	vpush v3, $0xB;
	s9 =	sld [smem:$0x748];
	s26 =	smulhi.u32 $0x14F8B589, s25;
	s2 =	sshra.s32 s25, $0x1F  }
0x479: {  	s25 =	sadd.s32 s4, s8;
	s30 =	spop (v2sf);
	s4 =	sld [smem:$0x746]  }
0x47a: {  	s17 =	sadd.s32 s6, s20;
	(v2sf) =	vpush v3, $0x0;
	s8 =	sld [smem:$0x747];
	s29 =	smul.u32 $0x14F8B589, s2  }
0x47b: {  	s31 =	smulhi.u32 $0x14F8B589, s30;
	s0 =	sshra.s32 s30, $0x1F;
	[smem:$0x750] =	sst s26  }
0x47c: {  	s19 =	sadd.s32 s19, s23;
	s26 =	smul.u32 $0x14F8B589, s0;
	[smem:$0x751] =	sst s29  }
0x47d: {  	s24 =	sadd.s32 s24, s3;
	s1 =	spop (v2sf);
	[smem:$0x752] =	sst s31  }
0x47e: {  	s29 =	smulhi.u32 $0x14F8B589, s1;
	s0 =	sshra.s32 s1, $0x1F;
	s2 =	spop (v2sf)  }
0x47f: {  	s7 =	sadd.s32 s7, s4;
	s31 =	sld [smem:$0x749];
	s20 =	smul.u32 $0x14F8B589, s0  }
0x480: {  	s4 =	sld [smem:$0x74B];
	s23 =	smulhi.u32 $0x14F8B589, s2;
	s0 =	sshra.s32 s2, $0x1F  }
0x481: {  	s21 =	sadd.s32 s21, s9;
	s6 =	spop (v2sf);
	s14 =	smul.u32 $0x14F8B589, s0  }
0x482: {  	(v2sf) =	vpush v3, $0x1;
	s2 =	sld [smem:$0x74A];
	s10 =	smulhi.u32 $0x14F8B589, s6;
	s0 =	sshra.s32 s6, $0x1F  }
0x483: {  	s5 =	sadd.s32 s5, s8;
	s1 =	sld [smem:$0x74E];
	s9 =	smul.u32 $0x14F8B589, s0  }
0x484: {  	s16 =	sadd.s32 s16, s31;
	s13 =	sadd.s32 s13, s4;
	s30 =	spop (v2sf)  }
0x485: {  	s15 =	sadd.s32 s15, s2;
	s2 =	sld [smem:$0x74D];
	s14 =	sadd.s32 s14, s23  }
0x486: {  	s8 =	smulhi.u32 $0x14F8B589, s30;
	s0 =	sshra.s32 s30, $0x1F;
	s30 =	sld [smem:$0x74C]  }
0x487: {  	(v2sf) =	vpush v3, $0x2;
	s29 =	sadd.s32 s20, s29;
	s3 =	spop (v2sf);
	[smem:$0x757] =	sst s14  }
0x488: {  	s9 =	sadd.s32 s9, s10;
	s10 =	sld [smem:$0x753];
	s6 =	smul.u32 $0x14F8B589, s0  }
0x489: {  	s4 =	smulhi.u32 $0x14F8B589, s3;
	s0 =	sshra.s32 s3, $0x1F;
	s31 =	spop (v2sf)  }
0x48a: {  	[smem:$0x758] =	sst s9;
	s3 =	smul.u32 $0x14F8B589, s0;
	s11 =	sadd.s32 s11, s2  }
0x48b: {  	s2 =	smulhi.u32 $0x14F8B589, s31;
	s0 =	sshra.s32 s31, $0x1F;
	s31 =	sld [smem:$0x750]  }
0x48c: {  	s23 =	sshrl.u32 s22, $0x1F;
	s12 =	sadd.s32 s12, s30;
	s30 =	sld [smem:$0x74F]  }
0x48d: {  	s6 =	sadd.s32 s6, s8;
	s8 =	sshra.s32 s10, $0xD;
	s14 =	sshra.s32 s11, $0x1F  }
0x48e: {  	[smem:$0x759] =	sst s6;
	s3 =	sadd.s32 s3, s4;
	s4 =	sshrl.u32 s28, $0x1F  }
0x48f: {  	s28 =	sshra.s32 s28, $0xD;
	s1 =	sadd.s32 s30, s1;
	s30 =	sld [smem:$0x751]  }
0x490: {  	v34 =	vmov s14;
	s14 =	sshrl.u32 s5, $0x1F;
	[smem:$0x754] =	sst s1;
	s1 =	smul.u32 $0x14F8B589, s0  }
0x491: {  	(v2sf) =	vpush v3, $0x3;
	[smem:$0x75A] =	sst s3;
	s3 =	sshra.s32 s17, $0xD;
	s0 =	spop (v2sf)  }
0x492: {  	s31 =	sadd.s32 s30, s31;
	s30 =	sld [smem:$0x752];
	s9 =	sadd.s32 s1, s2  }
0x493: {  	vm14 =	vmmov vm8;
	vm8 =	vmmov vm3;
	(v2sf) =	vpush v3, $0x4;
	s2 =	sshrl.u32 s10, $0x1F;
	s10 =	sshra.s32 s22, $0xD;
	s22 =	sshra.s32 s18, $0xD  }
0x494: {  	vm3 =	vmmov vm1;
	(v2sf) =	vpush v3, $0x5;
	v39 =	vmov s3;
	[smem:$0x755] =	sst s31;
	s31 =	smulhi.u32 $0x14F8B589, s0;
	s0 =	sshra.s32 s0, $0x1F  }
0x495: {  	v35 =	vmov s4;
	(v2sf) =	vpush v3, $0x6;
	v9 =	vsel vm3, s22, v39;
	s22 =	sld [smem:$0x759];
	s0 =	smul.u32 $0x14F8B589, s0;
	s26 =	sadd.s32 s26, s30  }
0x496: {  	v5 =	vsel vm1, s2, v35;
	s2 =	sshrl.u32 s16, $0x1F;
	s30 =	spop (v2sf);
	[smem:$0x756] =	sst s26  }
0x497: {  	(v2sf) =	vpush v3, $0x7;
	s20 =	smulhi.u32 $0x14F8B589, s30;
	s26 =	sshra.s32 s30, $0x1F;
	s6 =	sadd.s32 s0, s31  }
0x498: {  	s31 =	sshrl.u32 s24, $0x1F;
	s0 =	sshra.s32 s7, $0xD;
	s30 =	smul.u32 $0x14F8B589, s26  }
0x499: {  	v38 =	vmov s28;
	s26 =	sshrl.u32 s18, $0x1F;
	s18 =	sshra.s32 s24, $0xD;
	s24 =	sshrl.u32 s7, $0x1F  }
0x49a: {  	v8 =	vsel vm3, s8, v38;
	v4 =	vsel vm10, s0, v34;
	s7 =	sshra.s32 s7, $0x1F;
	s0 =	sshra.s32 s5, $0xD;
	s8 =	sshrl.u32 s6, $0x1F  }
0x49b: {  	v36 =	vmov s24;
	v4 =	vsel vm12, s7, v4;
	s24 =	sshra.s32 s5, $0x1F;
	s5 =	sshrl.u32 s21, $0x1F;
	s7 =	sshra.s32 s21, $0xD  }
0x49c: {  	s1 =	sadd.s32 s30, s20;
	s20 =	sshrl.u32 s25, $0x1F;
	s25 =	sshra.s32 s25, $0xD  }
0x49d: {  	vm11 =	vmmov vm9;
	s30 =	sshrl.u32 s17, $0x1F;
	s17 =	sshrl.u32 s19, $0x1F;
	s19 =	sshra.s32 s19, $0xD;
	v4 =	vsel vm1, s0, v4;
	v6 =	vnsel vm10, $0x0, v36  }
0x49e: {  	s0 =	sshra.s32 s21, $0x1F;
	s21 =	sshra.s32 s16, $0xD;
	v5 =	vsel vm2, s20, v5;
	v6 =	vsel vm1, s14, v6;
	vm1 =	vcmask $0xF0C;
	s14 =	sshra.s32 s16, $0x1F  }
0x49f: {  	s16 =	sshra.s32 s15, $0xD;
	v37 =	vmov s30;
	v8 =	vsel vm2, s25, v8;
	s25 =	sld [smem:$0x757];
	v9 =	vsel vm2, s19, v9;
	s19 =	sshrl.u32 s22, $0x1F  }
0x4a0: {  	v4 =	vsel vm1, s24, v4;
	s24 =	sshrl.u32 s15, $0x1F;
	v5 =	vsel vm5, s23, v5;
	v6 =	vsel vm2, s5, v6;
	s5 =	sshra.s32 s15, $0x1F;
	s15 =	spop (v2sf)  }
0x4a1: {  	v7 =	vsel vm3, s26, v37;
	s23 =	sshra.s32 s12, $0xD;
	s26 =	sshrl.u32 s11, $0x1F;
	v9 =	vsel vm5, s18, v9;
	s18 =	sld [smem:$0x75A];
	v4 =	vsel vm2, s7, v4  }
0x4a2: {  	vm0 =	vmmov vm4;
	s7 =	sshrl.u32 s13, $0x1F;
	v6 =	vsel vm5, s2, v6;
	s20 =	spop (v2sf);
	v4 =	vsel vm11, s0, v4;
	s0 =	sshra.s32 s13, $0xD  }
0x4a3: {  	vm13 =	vcmask $0x1F1C;
	v6 =	vsel vm4, s24, v6;
	s24 =	sshrl.u32 s12, $0x1F;
	s4 =	spop (v2sf);
	s3 =	smulhi.u32 $0x14F8B589, s20;
	v4 =	vsel vm5, s21, v4  }
0x4a4: {  	vm4 =	vmmov vm14;
	v6 =	vsel vm14, s7, v6;
	s7 =	sshra.s32 s12, $0x1F;
	s21 =	sld [smem:$0x756];
	v4 =	vsel vm13, s14, v4;
	s2 =	spop (v2sf)  }
0x4a5: {  	vm14 =	vcmask $0x2724;
	s12 =	sshra.s32 s15, $0x1F;
	v6 =	vsel vm7, s24, v6;
	s24 =	sld [smem:$0x754];
	v4 =	vsel vm0, s16, v4;
	s16 =	smulhi.u32 $0x14F8B589, s15  }
0x4a6: {  	v7 =	vsel vm2, s17, v7;
	s13 =	sshra.s32 s13, $0x1F;
	v4 =	vsel vm14, s5, v4;
	s5 =	smul.u32 $0x14F8B589, s12;
	s30 =	spop (v2sf)  }
0x4a7: {  	v8 =	vsel vm5, s10, v8;
	v7 =	vsel vm5, s31, v7;
	s14 =	sshra.s32 s11, $0xD;
	s31 =	smulhi.u32 $0x14F8B589, s30;
	s11 =	sshra.s32 s30, $0x1F  }
0x4a8: {  	v40 =	vcombine.low v9, v8;
	s17 =	sshrl.u32 s25, $0x1F;
	v6 =	vsel vm8, s26, v6;
	s26 =	sld [smem:$0x755];
	v4 =	vsel vm4, s0, v4;
	s11 =	smul.u32 $0x14F8B589, s11  }
0x4a9: {  	v5 =	vcombine.low v7, v5;
	s15 =	sshrl.u32 s29, $0x1F;
	s28 =	sshrl.u32 s24, $0x1F;
	v4 =	vsel vm15, s13, v4;
	s13 =	sshrl.u32 s21, $0x1F  }
0x4aa: {  	vm9 =	vcmask $0x3734;
	v7 =	vperm.xlane v40, v0;
	s5 =	sadd.s32 s5, s16;
	s16 =	sshra.s32 s20, $0x1F;
	s11 =	sadd.s32 s11, s31  }
0x4ab: {  	v5 =	vperm.xlane v5, v0;
	v6 =	vperm.xlane v6, v1;
	v4 =	vsel vm7, s23, v4;
	s23 =	sld [smem:$0x758];
	s30 =	sshrl.u32 s26, $0x1F;
	s12 =	sshra.s32 s11, $0x1F  }
0x4ac: {  	s20 =	sshra.s32 s9, $0xD;
	v4 =	vsel vm9, s7, v4;
	s7 =	smulhi.u32 $0x14F8B589, s4;
	s4 =	sshra.s32 s4, $0x1F;
	v41 =	vmov s30;
	v42 =	vmov s12  }
0x4ad: {  	v4 =	vsel vm8, s14, v4;
	s14 =	smul.u32 $0x14F8B589, s16;
	v8 =	vsel vm3, s28, v41;
	s31 =	sshrl.u32 s9, $0x1F;
	s9 =	sshra.s32 s9, $0x1F;
	v9 =	vsel vm10, s20, v42  }
0x4ae: {  	s30 =	sshra.s32 s6, $0xD;
	s4 =	smul.u32 $0x14F8B589, s4;
	s10 =	sshrl.u32 s23, $0x1F;
	v4 =	vperm.xlane v4, v1;
	v8 =	vsel vm2, s13, v8;
	v9 =	vsel vm12, s9, v9  }
0x4af: {  	s0 =	sshrl.u32 s18, $0x1F;
	s6 =	sshra.s32 s6, $0x1F;
	s16 =	smulhi.u32 $0x14F8B589, s2;
	v44 =	vmov s10;
	v43 =	vmov s31;
	v9 =	vsel vm3, s30, v9  }
0x4b0: {  	s2 =	sshra.s32 s2, $0x1F;
	s10 =	sshra.s32 s26, $0xD;
	v8 =	vsel vm5, s15, v8;
	v11 =	vsel vm3, s17, v44;
	s20 =	sshra.s32 s1, $0xD;
	v9 =	vsel vm1, s6, v9  }
0x4b1: {  	s28 =	sshrl.u32 s1, $0x1F;
	s2 =	smul.u32 $0x14F8B589, s2;
	v45 =	vmov s10;
	v10 =	vnsel vm10, $0x0, v43;
	s1 =	sshra.s32 s1, $0x1F;
	v9 =	vsel vm2, s20, v9  }
0x4b2: {  	s3 =	sadd.s32 s14, s3;
	v11 =	vsel vm2, s19, v11;
	s12 =	sshra.s32 s23, $0xD;
	v10 =	vsel vm3, s8, v10;
	s30 =	sshra.s32 s5, $0xD;
	v9 =	vsel vm11, s1, v9  }
0x4b3: {  	s4 =	sadd.s32 s4, s7;
	s7 =	sshra.s32 s5, $0x1F;
	s14 =	sshra.s32 s24, $0xD;
	v11 =	vsel vm5, s0, v11;
	v46 =	vmov s12;
	v9 =	vsel vm5, s30, v9  }
0x4b4: {  	s31 =	sshrl.u32 s5, $0x1F;
	s15 =	sshra.s32 s25, $0xD;
	v10 =	vsel vm2, s28, v10;
	s9 =	sshra.s32 s3, $0xD;
	v8 =	vcombine.low v11, v8;
	v9 =	vsel vm13, s7, v9  }
0x4b5: {  	s2 =	sadd.s32 s2, s16;
	s13 =	sshra.s32 s3, $0x1F;
	s17 =	sshra.s32 s21, $0xD;
	v11 =	vsel vm3, s14, v45;
	v12 =	vsel vm3, s15, v46;
	v9 =	vsel vm0, s9, v9  }
0x4b6: {  	s16 =	sshra.s32 s4, $0xD;
	s19 =	sshra.s32 s22, $0xD;
	s28 =	sshrl.u32 s3, $0x1F;
	v10 =	vsel vm5, s31, v10;
	v11 =	vsel vm2, s17, v11;
	v9 =	vsel vm14, s13, v9  }
0x4b7: {  	s21 =	sshra.s32 s29, $0xD;
	s22 =	sshra.s32 s18, $0xD;
	v12 =	vsel vm2, s19, v12;
	v10 =	vsel vm0, s28, v10;
	s20 =	sshra.s32 s4, $0x1F;
	v9 =	vsel vm4, s16, v9  }
0x4b8: {  	s23 =	sshra.s32 s2, $0xD;
	s31 =	sshrl.u32 s4, $0x1F;
	v11 =	vsel vm5, s21, v11;
	v12 =	vsel vm5, s22, v12;
	v9 =	vsel vm15, s20, v9  }
0x4b9: {  	s25 =	sshra.s32 s2, $0x1F;
	s8 =	sshrl.u32 s2, $0x1F;
	v10 =	vsel vm4, s31, v10;
	v11 =	vcombine.low v12, v11;
	v9 =	vsel vm7, s23, v9  }
0x4ba: {  	s24 =	sshrl.u32 s11, $0x1F;
	s26 =	sshra.s32 s11, $0xD;
	v8 =	vperm.xlane v8, v0;
	v10 =	vsel vm7, s8, v10;
	v9 =	vsel vm9, s25, v9  }
0x4bb: {  	v10 =	vsel vm8, s24, v10;
	v11 =	vperm.xlane v11, v0;
	v9 =	vsel vm8, s26, v9  }
0x4bc: {  	v10 =	vperm.xlane v10, v1;
	v9 =	vperm.xlane v9, v1  }
0x4bd: {  	v5 =	vsel vm6, v6, v5;
	v4 =	vsel vm6, v4, v7  }
0x4be: {  	v4 =	vadd.s32 v5, v4;
	v47 =	vsel vm6, v10, v8;
	v48 =	vsel vm6, v9, v11  }
0x4bf: {  	v4 =	vmul.u32 $0x186A0, v4;
	v5 =	vadd.s32 v47, v48  }
0x4c0: {  	v5 =	vmul.u32 $0x186A0, v5  }
0x4c1: {  	v2 =	vsub.s32 v2, v4  }
0x4c2: {  	v4 =	vadd.s32 $0x186A0, v2;
	vm15 =	vlt.s32 v2, $0x0;
	v3 =	vsub.s32 v3, v5  }
0x4c3: {  	v2 =	vsel vm15, v4, v2;
	vm15 =	vlt.s32 v3, $0x0;
	v49 =	vadd.s32 $0x186A0, v3  }
0x4c4: {  	s28 =	rddreg [dreg:$0x1f];
	[tilespmem:$0x800] =	vst v2;
	v2 =	vsel vm15, v49, v3  }
0x4c5: {  	s29 =	simm.s32 $0x8C00;
	s31 =	simm.s32 $0x20;
	s30 =	rddreg [dreg:$0x2];
	[tilespmem:$0x810] =	vst v2  }
0x4c6: {  	[tilespmem:s29], [sflag:$0x1] =	stream.indirect.gather [hbm4b:s30+s31], $0x80, s28, s31, $0xb8;
	[tilespmem:$0x10C00] =	vst v63  }
0x4c7: {  	v2 =	vld [tilespmem:$0x120];
	_ =	sdelay $0x1  }
0x4c8: {  	v3 =	vld [tilespmem:$0x320];
	_ =	sdelay $0x2  }
0x4c9: {  	v2 =	vmul.u32 $0x1F, v2;
	_ =	sdelay $0x1  }
0x4ca: {  	v2 =	vadd.s32 v3, v2  }
0x4cb: {  	(v2sf) =	vpush v2, $0xD;
	_ =	sdelay $0x1  }
0x4cc: {  	(v2sf) =	vpush v2, $0xC;
	_ =	sdelay $0x1  }
0x4cd: {  	(v2sf) =	vpush v2, $0xE;
	_ =	sdelay $0x1  }
0x4ce: {  	(v2sf) =	vpush v2, $0xF;
	_ =	sdelay $0x1  }
0x4cf: {  	(v2sf) =	vpush v2, $0x9;
	_ =	sdelay $0x1  }
0x4d0: {  	(v2sf) =	vpush v2, $0x8;
	_ =	sdelay $0x1  }
0x4d1: {  	(v2sf) =	vpush v2, $0xA;
	_ =	sdelay $0x1  }
0x4d2: {  	(v2sf) =	vpush v2, $0xB  }
0x4d3: {  	s3 =	spop (v2sf)  }
0x4d4: {  	(v2sf) =	vpush v2, $0x0;
	s0 =	smulhi.u32 $0x14F8B589, s3;
	s1 =	sshra.s32 s3, $0x1F  }
0x4d5: {  	s4 =	spop (v2sf);
	s17 =	smul.u32 $0x14F8B589, s1  }
0x4d6: {  	(v2sf) =	vpush v2, $0x1;
	s1 =	smulhi.u32 $0x14F8B589, s4;
	s2 =	sshra.s32 s4, $0x1F  }
0x4d7: {  	s5 =	spop (v2sf);
	s18 =	smul.u32 $0x14F8B589, s2  }
0x4d8: {  	(v2sf) =	vpush v2, $0x2;
	s8 =	smulhi.u32 $0x14F8B589, s5;
	s2 =	sshra.s32 s5, $0x1F  }
0x4d9: {  	s6 =	spop (v2sf);
	s4 =	smul.u32 $0x14F8B589, s2  }
0x4da: {  	(v2sf) =	vpush v2, $0x3;
	s9 =	smulhi.u32 $0x14F8B589, s6;
	s2 =	sshra.s32 s6, $0x1F  }
0x4db: {  	s7 =	spop (v2sf);
	s14 =	smul.u32 $0x14F8B589, s2  }
0x4dc: {  	v3 =	vld [tilespmem:$0x130];
	(v2sf) =	vpush v2, $0x4;
	s10 =	smulhi.u32 $0x14F8B589, s7;
	s2 =	sshra.s32 s7, $0x1F  }
0x4dd: {  	s11 =	spop (v2sf);
	s3 =	smul.u32 $0x14F8B589, s2  }
0x4de: {  	v50 =	vld [tilespmem:$0x330];
	(v2sf) =	vpush v2, $0x5;
	s20 =	smulhi.u32 $0x14F8B589, s11;
	s2 =	sshra.s32 s11, $0x1F  }
0x4df: {  	s12 =	spop (v2sf);
	s6 =	smul.u32 $0x14F8B589, s2  }
0x4e0: {  	(v2sf) =	vpush v2, $0x6;
	s23 =	smulhi.u32 $0x14F8B589, s12;
	s2 =	sshra.s32 s12, $0x1F  }
0x4e1: {  	v3 =	vmul.u32 $0x1F, v3;
	s13 =	spop (v2sf);
	s19 =	smul.u32 $0x14F8B589, s2  }
0x4e2: {  	(v2sf) =	vpush v2, $0x7;
	s15 =	smulhi.u32 $0x14F8B589, s13;
	s2 =	sshra.s32 s13, $0x1F  }
0x4e3: {  	v3 =	vadd.s32 v50, v3;
	s0 =	sadd.s32 s17, s0;
	s16 =	spop (v2sf);
	s24 =	smul.u32 $0x14F8B589, s2  }
0x4e4: {  	[smem:$0x769] =	sst s0;
	(v2sf) =	vpush v3, $0xD;
	s21 =	smulhi.u32 $0x14F8B589, s16;
	s2 =	sshra.s32 s16, $0x1F  }
0x4e5: {  	s22 =	spop (v2sf);
	s7 =	smul.u32 $0x14F8B589, s2  }
0x4e6: {  	[smem:$0x75B] =	sst s15;
	s25 =	smulhi.u32 $0x14F8B589, s22;
	s2 =	sshra.s32 s22, $0x1F  }
0x4e7: {  	(v2sf) =	vpush v3, $0xC;
	s26 =	spop (v2sf);
	s5 =	smul.u32 $0x14F8B589, s2  }
0x4e8: {  	[smem:$0x75C] =	sst s21;
	s28 =	smulhi.u32 $0x14F8B589, s26;
	s2 =	sshra.s32 s26, $0x1F  }
0x4e9: {  	s21 =	smul.u32 $0x14F8B589, s2;
	s29 =	spop (v2sf)  }
0x4ea: {  	[smem:$0x75D] =	sst s25;
	s30 =	smulhi.u32 $0x14F8B589, s29;
	s2 =	sshra.s32 s29, $0x1F  }
0x4eb: {  	s31 =	spop (v2sf);
	s16 =	smul.u32 $0x14F8B589, s2  }
0x4ec: {  	(v2sf) =	vpush v3, $0xE;
	[smem:$0x75E] =	sst s28;
	s12 =	smulhi.u32 $0x14F8B589, s31;
	s2 =	sshra.s32 s31, $0x1F  }
0x4ed: {  	s13 =	spop (v2sf);
	s15 =	smul.u32 $0x14F8B589, s2  }
0x4ee: {  	[smem:$0x75F] =	sst s30;
	s22 =	smulhi.u32 $0x14F8B589, s13;
	s2 =	sshra.s32 s13, $0x1F  }
0x4ef: {  	s13 =	smul.u32 $0x14F8B589, s2;
	s25 =	spop (v2sf)  }
0x4f0: {  	[smem:$0x760] =	sst s12;
	s26 =	smulhi.u32 $0x14F8B589, s25;
	s2 =	sshra.s32 s25, $0x1F  }
0x4f1: {  	(v2sf) =	vpush v3, $0xF;
	s28 =	spop (v2sf);
	s12 =	smul.u32 $0x14F8B589, s2  }
0x4f2: {  	[smem:$0x761] =	sst s22;
	s29 =	smulhi.u32 $0x14F8B589, s28  }
0x4f3: {  	(v2sf) =	vpush v3, $0x9;
	s2 =	sshra.s32 s28, $0x1F;
	s30 =	spop (v2sf);
	s28 =	sadd.s32 s18, s1  }
0x4f4: {  	(v2sf) =	vpush v3, $0x8;
	s18 =	sadd.s32 s3, s10;
	s3 =	sld [smem:$0x75B];
	s11 =	smul.u32 $0x14F8B589, s2  }
0x4f5: {  	[smem:$0x762] =	sst s26;
	s31 =	smulhi.u32 $0x14F8B589, s30;
	s2 =	sshra.s32 s30, $0x1F  }
0x4f6: {  	s25 =	spop (v2sf);
	s22 =	smul.u32 $0x14F8B589, s2  }
0x4f7: {  	[smem:$0x763] =	sst s29;
	s26 =	smulhi.u32 $0x14F8B589, s25  }
0x4f8: {  	(v2sf) =	vpush v3, $0xA;
	s2 =	sshra.s32 s25, $0x1F;
	s25 =	sadd.s32 s4, s8;
	s4 =	sld [smem:$0x75C]  }
0x4f9: {  	s8 =	sld [smem:$0x75D]  }
0x4fa: {  	(v2sf) =	vpush v3, $0xB;
	[smem:$0x764] =	sst s31  }
0x4fb: {  	s30 =	spop (v2sf);
	[smem:$0x765] =	sst s22  }
0x4fc: {  	s17 =	sadd.s32 s6, s20;
	s29 =	smul.u32 $0x14F8B589, s2;
	[smem:$0x766] =	sst s26  }
0x4fd: {  	(v2sf) =	vpush v3, $0x0;
	s31 =	smulhi.u32 $0x14F8B589, s30;
	s22 =	sadd.s32 s14, s9;
	s9 =	sld [smem:$0x75E]  }
0x4fe: {  	s19 =	sadd.s32 s19, s23;
	s0 =	sshra.s32 s30, $0x1F;
	[smem:$0x767] =	sst s29  }
0x4ff: {  	s24 =	sadd.s32 s24, s3;
	s26 =	smul.u32 $0x14F8B589, s0;
	[smem:$0x768] =	sst s31  }
0x500: {  	s7 =	sadd.s32 s7, s4;
	s31 =	sld [smem:$0x75F];
	s1 =	spop (v2sf)  }
0x501: {  	s4 =	sld [smem:$0x761];
	s29 =	smulhi.u32 $0x14F8B589, s1;
	s0 =	sshra.s32 s1, $0x1F  }
0x502: {  	s5 =	sadd.s32 s5, s8;
	s2 =	spop (v2sf);
	s20 =	smul.u32 $0x14F8B589, s0  }
0x503: {  	s23 =	smulhi.u32 $0x14F8B589, s2;
	s0 =	sshra.s32 s2, $0x1F;
	s6 =	spop (v2sf)  }
0x504: {  	s21 =	sadd.s32 s21, s9;
	s2 =	sld [smem:$0x760];
	s14 =	smul.u32 $0x14F8B589, s0  }
0x505: {  	(v2sf) =	vpush v3, $0x1;
	s16 =	sadd.s32 s16, s31;
	s10 =	smulhi.u32 $0x14F8B589, s6;
	s0 =	sshra.s32 s6, $0x1F  }
0x506: {  	s13 =	sadd.s32 s13, s4;
	s1 =	sld [smem:$0x764];
	s9 =	smul.u32 $0x14F8B589, s0  }
0x507: {  	s29 =	sadd.s32 s20, s29;
	s30 =	spop (v2sf);
	s15 =	sadd.s32 s15, s2  }
0x508: {  	s2 =	sld [smem:$0x763];
	s14 =	sadd.s32 s14, s23;
	s8 =	smulhi.u32 $0x14F8B589, s30  }
0x509: {  	(v2sf) =	vpush v3, $0x2;
	s0 =	sshra.s32 s30, $0x1F;
	s3 =	spop (v2sf);
	s30 =	sld [smem:$0x762]  }
0x50a: {  	[smem:$0x76D] =	sst s14;
	s9 =	sadd.s32 s9, s10;
	s6 =	smul.u32 $0x14F8B589, s0  }
0x50b: {  	s10 =	sld [smem:$0x769];
	s4 =	smulhi.u32 $0x14F8B589, s3;
	s0 =	sshra.s32 s3, $0x1F  }
0x50c: {  	s23 =	sshrl.u32 s22, $0x1F;
	s31 =	spop (v2sf);
	s3 =	smul.u32 $0x14F8B589, s0  }
0x50d: {  	[smem:$0x76E] =	sst s9;
	s11 =	sadd.s32 s11, s2;
	s2 =	smulhi.u32 $0x14F8B589, s31  }
0x50e: {  	s0 =	sshra.s32 s31, $0x1F;
	s12 =	sadd.s32 s12, s30;
	s30 =	sld [smem:$0x765]  }
0x50f: {  	s31 =	sld [smem:$0x766];
	s6 =	sadd.s32 s6, s8;
	s8 =	sshra.s32 s10, $0xD  }
0x510: {  	s14 =	sshra.s32 s11, $0x1F;
	[smem:$0x76F] =	sst s6;
	s3 =	sadd.s32 s3, s4  }
0x511: {  	s4 =	sshrl.u32 s28, $0x1F;
	s1 =	sadd.s32 s30, s1;
	s30 =	sld [smem:$0x767]  }
0x512: {  	s28 =	sshra.s32 s28, $0xD;
	v51 =	vmov s14;
	s14 =	sshrl.u32 s5, $0x1F;
	[smem:$0x770] =	sst s3  }
0x513: {  	(v2sf) =	vpush v3, $0x3;
	s3 =	sshra.s32 s17, $0xD;
	[smem:$0x76A] =	sst s1;
	s1 =	smul.u32 $0x14F8B589, s0  }
0x514: {  	v52 =	vmov s4;
	s4 =	sshrl.u32 s15, $0x1F;
	s0 =	spop (v2sf);
	s31 =	sadd.s32 s30, s31  }
0x515: {  	(v2sf) =	vpush v3, $0x4;
	s30 =	sld [smem:$0x768];
	s9 =	sadd.s32 s1, s2;
	s2 =	sshrl.u32 s10, $0x1F  }
0x516: {  	vm1 =	vmmov vm3;
	v56 =	vmov s3;
	s10 =	sshra.s32 s22, $0xD;
	s22 =	sshra.s32 s18, $0xD;
	[smem:$0x76B] =	sst s31  }
0x517: {  	(v2sf) =	vpush v3, $0x5;
	s31 =	smulhi.u32 $0x14F8B589, s0;
	s0 =	sshra.s32 s0, $0x1F;
	v9 =	vsel vm1, s22, v56;
	s22 =	sld [smem:$0x76F]  }
0x518: {  	s0 =	smul.u32 $0x14F8B589, s0;
	s26 =	sadd.s32 s26, s30;
	s30 =	spop (v2sf)  }
0x519: {  	(v2sf) =	vpush v3, $0x6;
	v5 =	vsel vm3, s2, v52;
	s2 =	sshrl.u32 s16, $0x1F;
	[smem:$0x76C] =	sst s26;
	s20 =	smulhi.u32 $0x14F8B589, s30  }
0x51a: {  	(v2sf) =	vpush v3, $0x7;
	s26 =	sshra.s32 s30, $0x1F;
	s6 =	sadd.s32 s0, s31;
	s31 =	sshrl.u32 s24, $0x1F  }
0x51b: {  	vm12 =	vmmov vm8;
	s0 =	sshra.s32 s7, $0xD;
	s30 =	smul.u32 $0x14F8B589, s26;
	s26 =	sshrl.u32 s18, $0x1F  }
0x51c: {  	vm11 =	vcmask $0xF0C;
	vm14 =	vmmov vm7;
	v55 =	vmov s28;
	s18 =	sshra.s32 s24, $0xD;
	s24 =	sshrl.u32 s7, $0x1F;
	s7 =	sshra.s32 s7, $0x1F  }
0x51d: {  	vm7 =	vcmask $0x704;
	v8 =	vsel vm1, s8, v55;
	v4 =	vsel vm10, s0, v51;
	s0 =	sshra.s32 s5, $0xD;
	s5 =	sshra.s32 s5, $0x1F;
	s8 =	sshrl.u32 s6, $0x1F  }
0x51e: {  	vm13 =	vmmov vm0;
	v53 =	vmov s24;
	v4 =	vsel vm7, s7, v4;
	s7 =	sshrl.u32 s21, $0x1F;
	s24 =	sshra.s32 s21, $0xD;
	s1 =	sadd.s32 s30, s20  }
0x51f: {  	vm0 =	vcmask $0x1714;
	vm8 =	vmmov vm13;
	s20 =	sshrl.u32 s25, $0x1F;
	s25 =	sshra.s32 s25, $0xD;
	s30 =	sshrl.u32 s17, $0x1F;
	v6 =	vnsel vm10, $0x0, v53  }
0x520: {  	s17 =	sshrl.u32 s19, $0x1F;
	s19 =	sshra.s32 s19, $0xD;
	v4 =	vsel vm3, s0, v4;
	s0 =	sshra.s32 s21, $0x1F;
	v5 =	vsel vm2, s20, v5;
	v6 =	vsel vm3, s14, v6  }
0x521: {  	s21 =	sshra.s32 s16, $0xD;
	v4 =	vsel vm11, s5, v4;
	s14 =	sshra.s32 s16, $0x1F;
	s16 =	sshra.s32 s15, $0xD;
	v54 =	vmov s30;
	v8 =	vsel vm2, s25, v8  }
0x522: {  	s5 =	sshra.s32 s15, $0x1F;
	s15 =	spop (v2sf);
	s30 =	sshrl.u32 s12, $0x1F;
	v9 =	vsel vm2, s19, v9;
	v5 =	vsel vm5, s23, v5;
	v6 =	vsel vm2, s7, v6  }
0x523: {  	s25 =	sld [smem:$0x76D];
	s19 =	sshrl.u32 s22, $0x1F;
	v4 =	vsel vm2, s24, v4;
	s24 =	sshrl.u32 s13, $0x1F;
	v7 =	vsel vm3, s26, v54;
	vm3 =	vmmov vm14  }
0x524: {  	s20 =	spop (v2sf);
	s23 =	sshra.s32 s12, $0xD;
	s7 =	sshra.s32 s12, $0x1F;
	v9 =	vsel vm5, s18, v9;
	v6 =	vsel vm5, s2, v6;
	v4 =	vsel vm0, s0, v4  }
0x525: {  	s18 =	sld [smem:$0x770];
	s0 =	sshra.s32 s13, $0xD;
	s3 =	smulhi.u32 $0x14F8B589, s20;
	v6 =	vsel vm13, s4, v6;
	v4 =	vsel vm5, s21, v4;
	vm13 =	vcmask $0x1F1C  }
0x526: {  	s13 =	sshra.s32 s13, $0x1F;
	v7 =	vsel vm2, s17, v7;
	s4 =	spop (v2sf);
	s21 =	sld [smem:$0x76C];
	v6 =	vsel vm4, s24, v6;
	v4 =	vsel vm13, s14, v4  }
0x527: {  	s17 =	sshrl.u32 s25, $0x1F;
	s25 =	sshra.s32 s25, $0xD;
	s24 =	sshrl.u32 s11, $0x1F;
	v6 =	vsel vm14, s30, v6;
	v4 =	vsel vm8, s16, v4;
	vm14 =	vcmask $0x2724  }
0x528: {  	s2 =	spop (v2sf);
	s16 =	smulhi.u32 $0x14F8B589, s15;
	v4 =	vsel vm14, s5, v4;
	s5 =	sshra.s32 s15, $0x1F  }
0x529: {  	vm9 =	vcmask $0x2F2C;
	v8 =	vsel vm5, s10, v8;
	s14 =	sshra.s32 s11, $0xD;
	s5 =	smul.u32 $0x14F8B589, s5;
	s26 =	spop (v2sf)  }
0x52a: {  	v7 =	vsel vm5, s31, v7;
	v6 =	vsel vm12, s24, v6;
	s24 =	sld [smem:$0x76A];
	v4 =	vsel vm4, s0, v4;
	s12 =	smulhi.u32 $0x14F8B589, s26;
	s11 =	sshra.s32 s26, $0x1F  }
0x52b: {  	v57 =	vcombine.low v9, v8;
	v5 =	vcombine.low v7, v5;
	s15 =	sshrl.u32 s29, $0x1F;
	v4 =	vsel vm9, s13, v4;
	s26 =	sld [smem:$0x76B];
	s28 =	smul.u32 $0x14F8B589, s11  }
0x52c: {  	vm15 =	vmmov vm4;
	vm10 =	vmmov vm12;
	s0 =	sshrl.u32 s18, $0x1F;
	s13 =	sshrl.u32 s21, $0x1F;
	v4 =	vsel vm3, s23, v4;
	s23 =	sld [smem:$0x76E]  }
0x52d: {  	v7 =	vperm.xlane v57, v0;
	vm12 =	vcmask $0x3734;
	v5 =	vperm.xlane v5, v0;
	s30 =	sshrl.u32 s24, $0x1F;
	s5 =	sadd.s32 s5, s16;
	s11 =	sadd.s32 s28, s12  }
0x52e: {  	v6 =	vperm.xlane v6, v1;
	vm4 =	vcmask $0x300;
	s16 =	sshrl.u32 s1, $0x1F;
	v4 =	vsel vm12, s7, v4;
	s31 =	sshrl.u32 s26, $0x1F;
	s12 =	sshra.s32 s11, $0x1F  }
0x52f: {  	v4 =	vsel vm10, s14, v4;
	s10 =	sshrl.u32 s23, $0x1F;
	s28 =	sshrl.u32 s9, $0x1F;
	v58 =	vmov s31;
	s31 =	sshra.s32 s9, $0xD;
	v59 =	vmov s12  }
0x530: {  	s24 =	sshra.s32 s24, $0xD;
	v61 =	vmov s10;
	s9 =	sshra.s32 s9, $0x1F;
	v60 =	vmov s28;
	s28 =	sshra.s32 s6, $0xD;
	v9 =	vsel vm4, s31, v59  }
0x531: {  	v11 =	vsel vm1, s17, v61;
	s6 =	sshra.s32 s6, $0x1F;
	v8 =	vsel vm1, s30, v58;
	s30 =	sshra.s32 s20, $0x1F;
	s20 =	smulhi.u32 $0x14F8B589, s4;
	v9 =	vsel vm7, s9, v9  }
0x532: {  	v4 =	vperm.xlane v4, v1;
	v11 =	vsel vm2, s19, v11;
	s19 =	sshra.s32 s26, $0xD;
	s4 =	sshra.s32 s4, $0x1F;
	s14 =	smul.u32 $0x14F8B589, s30;
	v9 =	vsel vm1, s28, v9  }
0x533: {  	v10 =	vnsel vm4, $0x0, v60;
	v11 =	vsel vm5, s0, v11;
	s30 =	sshrl.u32 s5, $0x1F;
	s4 =	smul.u32 $0x14F8B589, s4;
	s9 =	sshra.s32 s1, $0xD;
	v9 =	vsel vm11, s6, v9  }
0x534: {  	v62 =	vmov s19;
	v8 =	vsel vm2, s13, v8;
	s31 =	smulhi.u32 $0x14F8B589, s2;
	s2 =	sshra.s32 s2, $0x1F;
	s1 =	sshra.s32 s1, $0x1F;
	v9 =	vsel vm2, s9, v9  }
0x535: {  	v10 =	vsel vm1, s8, v10;
	s13 =	sshra.s32 s5, $0xD;
	v8 =	vsel vm5, s15, v8;
	s2 =	smul.u32 $0x14F8B589, s2;
	s15 =	sshra.s32 s5, $0x1F;
	v9 =	vsel vm0, s1, v9  }
0x536: {  	v10 =	vsel vm2, s16, v10;
	vm7 =	vmmov vm3;
	s3 =	sadd.s32 s14, s3;
	s4 =	sadd.s32 s4, s20;
	s20 =	sshra.s32 s23, $0xD;
	v9 =	vsel vm5, s13, v9  }
0x537: {  	v10 =	vsel vm5, s30, v10;
	v8 =	vcombine.low v11, v8;
	s28 =	sshra.s32 s21, $0xD;
	s12 =	sshrl.u32 s3, $0x1F;
	s17 =	sshra.s32 s3, $0xD;
	v9 =	vsel vm13, s15, v9  }
0x538: {  	v11 =	vsel vm1, s24, v62;
	s14 =	sshrl.u32 s4, $0x1F;
	s2 =	sadd.s32 s2, s31;
	s23 =	sshra.s32 s3, $0x1F;
	v63 =	vmov s20;
	v9 =	vsel vm8, s17, v9  }
0x539: {  	s26 =	sshra.s32 s4, $0xD;
	s31 =	sshra.s32 s4, $0x1F;
	v11 =	vsel vm2, s28, v11;
	s4 =	sshra.s32 s29, $0xD;
	v10 =	vsel vm8, s12, v10;
	v9 =	vsel vm14, s23, v9  }
0x53a: {  	s30 =	sshra.s32 s22, $0xD;
	v12 =	vsel vm1, s25, v63;
	v11 =	vsel vm5, s4, v11;
	v9 =	vsel vm15, s26, v9  }
0x53b: {  	s5 =	sshra.s32 s18, $0xD;
	s16 =	sshrl.u32 s2, $0x1F;
	s6 =	sshra.s32 s2, $0xD;
	v10 =	vsel vm15, s14, v10;
	v12 =	vsel vm2, s30, v12;
	v9 =	vsel vm9, s31, v9  }
0x53c: {  	s7 =	sshrl.u32 s11, $0x1F;
	s8 =	sshra.s32 s2, $0x1F;
	v10 =	vsel vm3, s16, v10;
	v12 =	vsel vm5, s5, v12;
	v9 =	vsel vm7, s6, v9  }
0x53d: {  	s9 =	sshra.s32 s11, $0xD;
	v10 =	vsel vm10, s7, v10;
	v11 =	vcombine.low v12, v11;
	v9 =	vsel vm12, s8, v9  }
0x53e: {  	v8 =	vperm.xlane v8, v0;
	v10 =	vperm.xlane v10, v1;
	v9 =	vsel vm10, s9, v9  }
0x53f: {  	v11 =	vperm.xlane v11, v0;
	v9 =	vperm.xlane v9, v1  }
0x540: {  	v5 =	vsel vm6, v6, v5;
	v4 =	vsel vm6, v4, v7  }
0x541: {  	v4 =	vadd.s32 v5, v4;
	v10 =	vsel vm6, v10, v8;
	v11 =	vsel vm6, v9, v11  }
0x542: {  	v4 =	vmul.u32 $0x186A0, v4;
	v5 =	vadd.s32 v10, v11  }
0x543: {  	v5 =	vmul.u32 $0x186A0, v5  }
0x544: {  	v2 =	vsub.s32 v2, v4  }
0x545: {  	v4 =	vadd.s32 $0x186A0, v2;
	vm12 =	vlt.s32 v2, $0x0;
	v3 =	vsub.s32 v3, v5  }
0x546: {  	s10 =	sld [smem:$0x7F7];
	v2 =	vsel vm12, v4, v2;
	vm12 =	vlt.s32 v3, $0x0;
	v12 =	vadd.s32 $0x186A0, v3  }
0x547: {  	[tilespmem:$0x880] =	vst v2;
	v2 =	vsel vm12, v12, v3  }
0x548: {  	s11 =	simm.s32 $0x9C00;
	s12 =	rddreg [dreg:$0x2];
	s13 =	simm.s32 $0x20;
	[tilespmem:$0x890] =	vst v2  }
0x549: {  	[tilespmem:s11], [sflag:$0x1] =	stream.indirect.gather [hbm4b:s12+s13], $0x80, s10, s13, $0xb8;
	[tilespmem:$0x10C00] =	vst v63  }
0x54a: {  	v2 =	vld [tilespmem:$0x140];
	_ =	sdelay $0x1  }
0x54b: {  	v3 =	vld [tilespmem:$0x340];
	_ =	sdelay $0x2  }
0x54c: {  	v2 =	vmul.u32 $0x1F, v2;
	_ =	sdelay $0x1  }
0x54d: {  	v2 =	vadd.s32 v3, v2  }
0x54e: {  	(v2sf) =	vpush v2, $0xD;
	_ =	sdelay $0x1  }
0x54f: {  	(v2sf) =	vpush v2, $0xC;
	_ =	sdelay $0x1  }
0x550: {  	(v2sf) =	vpush v2, $0xE;
	_ =	sdelay $0x1  }
0x551: {  	(v2sf) =	vpush v2, $0xF;
	_ =	sdelay $0x1  }
0x552: {  	(v2sf) =	vpush v2, $0x9;
	_ =	sdelay $0x1  }
0x553: {  	(v2sf) =	vpush v2, $0x8;
	_ =	sdelay $0x1  }
0x554: {  	(v2sf) =	vpush v2, $0xA;
	_ =	sdelay $0x1  }
0x555: {  	(v2sf) =	vpush v2, $0xB  }
0x556: {  	s14 =	spop (v2sf)  }
0x557: {  	(v2sf) =	vpush v2, $0x0;
	s5 =	smulhi.u32 $0x14F8B589, s14;
	s1 =	sshra.s32 s14, $0x1F  }
0x558: {  	(v2sf) =	vpush v2, $0x1;
	s15 =	spop (v2sf);
	s20 =	smul.u32 $0x14F8B589, s1  }
0x559: {  	(v2sf) =	vpush v2, $0x2;
	s10 =	smulhi.u32 $0x14F8B589, s15;
	s2 =	sshra.s32 s15, $0x1F  }
0x55a: {  	s16 =	spop (v2sf);
	s4 =	smul.u32 $0x14F8B589, s2  }
0x55b: {  	s25 =	smulhi.u32 $0x14F8B589, s16;
	s28 =	sshra.s32 s16, $0x1F  }
0x55c: {  	(v2sf) =	vpush v2, $0x3;
	s17 =	spop (v2sf);
	s8 =	smul.u32 $0x14F8B589, s28  }
0x55d: {  	s26 =	smulhi.u32 $0x14F8B589, s17;
	s1 =	sshra.s32 s17, $0x1F  }
0x55e: {  	v3 =	vld [tilespmem:$0x150];
	s18 =	spop (v2sf);
	s7 =	smul.u32 $0x14F8B589, s1  }
0x55f: {  	(v2sf) =	vpush v2, $0x4;
	s28 =	smulhi.u32 $0x14F8B589, s18;
	s6 =	sshra.s32 s18, $0x1F  }
0x560: {  	v13 =	vld [tilespmem:$0x350];
	s19 =	spop (v2sf);
	s0 =	smul.u32 $0x14F8B589, s6  }
0x561: {  	(v2sf) =	vpush v2, $0x5;
	s31 =	smulhi.u32 $0x14F8B589, s19;
	s9 =	sshra.s32 s19, $0x1F  }
0x562: {  	s21 =	spop (v2sf);
	s6 =	smul.u32 $0x14F8B589, s9  }
0x563: {  	v3 =	vmul.u32 $0x1F, v3;
	(v2sf) =	vpush v2, $0x6;
	s11 =	smulhi.u32 $0x14F8B589, s21;
	s13 =	sshra.s32 s21, $0x1F  }
0x564: {  	(v2sf) =	vpush v2, $0x7;
	s5 =	sadd.s32 s20, s5;
	s22 =	spop (v2sf);
	s12 =	smul.u32 $0x14F8B589, s13  }
0x565: {  	v3 =	vadd.s32 v13, v3;
	[smem:$0x77F] =	sst s5;
	s13 =	smulhi.u32 $0x14F8B589, s22;
	s14 =	sshra.s32 s22, $0x1F  }
0x566: {  	(v2sf) =	vpush v3, $0xD;
	s23 =	spop (v2sf);
	s18 =	smul.u32 $0x14F8B589, s14  }
0x567: {  	s29 =	spop (v2sf);
	s14 =	smulhi.u32 $0x14F8B589, s23;
	s15 =	sshra.s32 s23, $0x1F  }
0x568: {  	s30 =	spop (v2sf);
	s3 =	smul.u32 $0x14F8B589, s15  }
0x569: {  	(v2sf) =	vpush v3, $0xC;
	[smem:$0x771] =	sst s12;
	s16 =	smulhi.u32 $0x14F8B589, s29;
	s17 =	sshra.s32 s29, $0x1F  }
0x56a: {  	(v2sf) =	vpush v3, $0xE;
	[smem:$0x772] =	sst s13;
	s9 =	smul.u32 $0x14F8B589, s17  }
0x56b: {  	s2 =	spop (v2sf);
	s21 =	smulhi.u32 $0x14F8B589, s30;
	s19 =	sshra.s32 s30, $0x1F  }
0x56c: {  	[smem:$0x774] =	sst s16;
	s16 =	smul.u32 $0x14F8B589, s19  }
0x56d: {  	[smem:$0x773] =	sst s14;
	s22 =	smulhi.u32 $0x14F8B589, s2;
	s29 =	sshra.s32 s2, $0x1F  }
0x56e: {  	s24 =	spop (v2sf);
	s2 =	smul.u32 $0x14F8B589, s29  }
0x56f: {  	s30 =	smulhi.u32 $0x14F8B589, s24;
	s12 =	sshra.s32 s24, $0x1F;
	[smem:$0x775] =	sst s22  }
0x570: {  	(v2sf) =	vpush v3, $0xF;
	s15 =	smul.u32 $0x14F8B589, s12;
	s13 =	spop (v2sf)  }
0x571: {  	[smem:$0x776] =	sst s30;
	s17 =	smulhi.u32 $0x14F8B589, s13;
	s14 =	sshra.s32 s13, $0x1F  }
0x572: {  	(v2sf) =	vpush v3, $0x9;
	s19 =	spop (v2sf);
	s13 =	smul.u32 $0x14F8B589, s14  }
0x573: {  	s22 =	smulhi.u32 $0x14F8B589, s19;
	s14 =	sshra.s32 s19, $0x1F;
	s23 =	spop (v2sf)  }
0x574: {  	[smem:$0x777] =	sst s17;
	s12 =	smul.u32 $0x14F8B589, s14  }
0x575: {  	s24 =	smulhi.u32 $0x14F8B589, s23;
	s14 =	sshra.s32 s23, $0x1F;
	s29 =	spop (v2sf)  }
0x576: {  	[smem:$0x778] =	sst s22;
	s1 =	smul.u32 $0x14F8B589, s14  }
0x577: {  	s26 =	sadd.s32 s7, s26;
	(v2sf) =	vpush v3, $0x8;
	s30 =	smulhi.u32 $0x14F8B589, s29;
	s14 =	sld [smem:$0x771]  }
0x578: {  	s19 =	sshra.s32 s29, $0x1F;
	s23 =	spop (v2sf);
	[smem:$0x779] =	sst s24  }
0x579: {  	(v2sf) =	vpush v3, $0xA;
	s22 =	smul.u32 $0x14F8B589, s19;
	s19 =	sshra.s32 s23, $0x1F;
	s5 =	spop (v2sf)  }
0x57a: {  	s29 =	sadd.s32 s8, s25;
	[smem:$0x77A] =	sst s30;
	s25 =	smul.u32 $0x14F8B589, s19  }
0x57b: {  	(v2sf) =	vpush v3, $0xB;
	s7 =	smulhi.u32 $0x14F8B589, s5;
	s19 =	sshra.s32 s5, $0x1F;
	s5 =	sld [smem:$0x773]  }
0x57c: {  	s24 =	smulhi.u32 $0x14F8B589, s23;
	s30 =	sadd.s32 s4, s10;
	s4 =	sld [smem:$0x776]  }
0x57d: {  	(v2sf) =	vpush v3, $0x0;
	[smem:$0x77B] =	sst s22  }
0x57e: {  	s20 =	sadd.s32 s6, s31;
	[smem:$0x77C] =	sst s24  }
0x57f: {  	s21 =	sadd.s32 s16, s21;
	s8 =	spop (v2sf);
	[smem:$0x77D] =	sst s25  }
0x580: {  	s23 =	sadd.s32 s0, s28;
	s28 =	smul.u32 $0x14F8B589, s19;
	s25 =	sld [smem:$0x772]  }
0x581: {  	s31 =	smulhi.u32 $0x14F8B589, s8;
	s10 =	sshra.s32 s8, $0x1F;
	s17 =	spop (v2sf)  }
0x582: {  	s19 =	sadd.s32 s14, s11;
	s8 =	sld [smem:$0x774];
	s0 =	sshra.s32 s17, $0x1F  }
0x583: {  	s22 =	sadd.s32 s18, s25;
	s25 =	smulhi.u32 $0x14F8B589, s17;
	s17 =	sld [smem:$0x775]  }
0x584: {  	[smem:$0x77E] =	sst s7;
	s24 =	smul.u32 $0x14F8B589, s10;
	s5 =	sadd.s32 s3, s5  }
0x585: {  	s15 =	sadd.s32 s15, s4;
	s7 =	sadd.s32 s9, s8;
	s8 =	sld [smem:$0x777]  }
0x586: {  	s18 =	smul.u32 $0x14F8B589, s0;
	s16 =	sadd.s32 s2, s17;
	s6 =	spop (v2sf)  }
0x587: {  	s17 =	sld [smem:$0x778];
	s14 =	smulhi.u32 $0x14F8B589, s6;
	s0 =	sshra.s32 s6, $0x1F  }
0x588: {  	s13 =	sadd.s32 s13, s8;
	s9 =	spop (v2sf);
	s11 =	smul.u32 $0x14F8B589, s0  }
0x589: {  	(v2sf) =	vpush v3, $0x1;
	s2 =	sld [smem:$0x77A];
	s10 =	smulhi.u32 $0x14F8B589, s9;
	s0 =	sshra.s32 s9, $0x1F  }
0x58a: {  	s6 =	spop (v2sf);
	s12 =	sadd.s32 s12, s17;
	s9 =	smul.u32 $0x14F8B589, s0  }
0x58b: {  	(v2sf) =	vpush v3, $0x2;
	s17 =	sld [smem:$0x779];
	s8 =	smulhi.u32 $0x14F8B589, s6;
	s0 =	sshra.s32 s6, $0x1F  }
0x58c: {  	s24 =	sadd.s32 s24, s31;
	s3 =	spop (v2sf);
	s6 =	smul.u32 $0x14F8B589, s0  }
0x58d: {  	s4 =	smulhi.u32 $0x14F8B589, s3;
	s0 =	sshra.s32 s3, $0x1F;
	s3 =	sld [smem:$0x77B]  }
0x58e: {  	[smem:$0x783] =	sst s24  }
0x58f: {  	s24 =	sld [smem:$0x77F]  }
0x590: {  	s17 =	sadd.s32 s1, s17;
	s1 =	sadd.s32 s3, s2;
	s2 =	sld [smem:$0x77D]  }
0x591: {  	[smem:$0x780] =	sst s1  }
0x592: {  	s1 =	sld [smem:$0x77C]  }
0x593: {  	s25 =	sadd.s32 s18, s25;
	s11 =	sadd.s32 s11, s14;
	s14 =	sshra.s32 s23, $0xD  }
0x594: {  	[smem:$0x784] =	sst s11;
	s9 =	sadd.s32 s9, s10;
	s10 =	sshra.s32 s30, $0xD  }
0x595: {  	s11 =	sshra.s32 s20, $0xD;
	[smem:$0x785] =	sst s9;
	s1 =	sadd.s32 s2, s1  }
0x596: {  	s6 =	sadd.s32 s6, s8;
	s8 =	sshra.s32 s24, $0xD;
	[smem:$0x781] =	sst s1  }
0x597: {  	s9 =	sshra.s32 s29, $0xD;
	v19 =	vmov s11;
	s3 =	smul.u32 $0x14F8B589, s0;
	s1 =	sld [smem:$0x77E]  }
0x598: {  	s0 =	spop (v2sf);
	[smem:$0x786] =	sst s6;
	v9 =	vsel vm1, s14, v19;
	s14 =	sshrl.u32 s25, $0x1F  }
0x599: {  	(v2sf) =	vpush v3, $0x3;
	s6 =	sadd.s32 s3, s4;
	s3 =	sshrl.u32 s30, $0x1F;
	s2 =	smulhi.u32 $0x14F8B589, s0  }
0x59a: {  	(v2sf) =	vpush v3, $0x4;
	s0 =	sshra.s32 s0, $0x1F;
	s1 =	sadd.s32 s28, s1;
	s28 =	spop (v2sf)  }
0x59b: {  	s30 =	sshrl.u32 s29, $0x1F;
	[smem:$0x782] =	sst s1;
	s1 =	smul.u32 $0x14F8B589, s0  }
0x59c: {  	s29 =	sshrl.u32 s26, $0x1F;
	(v2sf) =	vpush v3, $0x5;
	s31 =	smulhi.u32 $0x14F8B589, s28;
	s28 =	sshra.s32 s28, $0x1F  }
0x59d: {  	v15 =	vmov s3;
	s3 =	sshrl.u32 s15, $0x1F;
	(v2sf) =	vpush v3, $0x6;
	s0 =	sshra.s32 s5, $0xD;
	s18 =	smul.u32 $0x14F8B589, s28  }
0x59e: {  	(v2sf) =	vpush v3, $0x7;
	s28 =	sshra.s32 s17, $0x1F;
	s1 =	sadd.s32 s1, s2;
	s2 =	sshrl.u32 s24, $0x1F  }
0x59f: {  	v18 =	vmov s10;
	s24 =	sshra.s32 s26, $0xD;
	s26 =	sshrl.u32 s23, $0x1F;
	s23 =	sshrl.u32 s20, $0x1F  }
0x5a0: {  	v8 =	vsel vm1, s8, v18;
	s20 =	sshrl.u32 s19, $0x1F;
	s19 =	sshra.s32 s19, $0xD;
	v14 =	vmov s28;
	s28 =	sshrl.u32 s7, $0x1F  }
0x5a1: {  	vm9 =	vcmask $0x1714;
	vm12 =	vcmask $0x704;
	v8 =	vsel vm2, s9, v8;
	s4 =	sadd.s32 s18, s31;
	s31 =	sshrl.u32 s22, $0x1F;
	s18 =	sshra.s32 s22, $0xD  }
0x5a2: {  	s22 =	sshrl.u32 s5, $0x1F;
	v4 =	vsel vm4, s0, v14;
	s5 =	sshra.s32 s5, $0x1F;
	s0 =	sshra.s32 s7, $0xD;
	v5 =	vsel vm1, s2, v15;
	v17 =	vmov s23  }
0x5a3: {  	s2 =	sshrl.u32 s16, $0x1F;
	v8 =	vsel vm5, s24, v8;
	v9 =	vsel vm2, s19, v9;
	s24 =	sld [smem:$0x785];
	v16 =	vmov s22;
	s22 =	sshra.s32 s7, $0x1F  }
0x5a4: {  	v4 =	vsel vm12, s5, v4;
	s5 =	sshrl.u32 s21, $0x1F;
	s7 =	sshra.s32 s21, $0xD;
	v5 =	vsel vm2, s30, v5;
	s30 =	sshrl.u32 s13, $0x1F;
	v7 =	vsel vm1, s26, v17  }
0x5a5: {  	s26 =	sshra.s32 s12, $0xD;
	v9 =	vsel vm5, s18, v9;
	s18 =	sshra.s32 s6, $0xD;
	v4 =	vsel vm1, s0, v4;
	v6 =	vnsel vm4, $0x0, v16;
	s0 =	sshra.s32 s21, $0x1F  }
0x5a6: {  	s21 =	sshra.s32 s16, $0xD;
	s16 =	sshra.s32 s16, $0x1F;
	v5 =	vsel vm5, s29, v5;
	s29 =	sshrl.u32 s12, $0x1F;
	v6 =	vsel vm1, s28, v6;
	v4 =	vsel vm11, s22, v4  }
0x5a7: {  	v7 =	vsel vm2, s20, v7;
	s20 =	sld [smem:$0x783];
	s22 =	sshra.s32 s15, $0xD;
	s28 =	sshra.s32 s13, $0xD;
	v6 =	vsel vm2, s5, v6;
	v4 =	vsel vm2, s7, v4  }
0x5a8: {  	s13 =	sshra.s32 s13, $0x1F;
	s5 =	sshra.s32 s15, $0x1F;
	s15 =	spop (v2sf);
	v6 =	vsel vm5, s2, v6;
	v4 =	vsel vm9, s0, v4  }
0x5a9: {  	vm0 =	vmmov vm10;
	s19 =	sshrl.u32 s24, $0x1F;
	s23 =	spop (v2sf);
	v6 =	vsel vm8, s3, v6;
	v4 =	vsel vm5, s21, v4;
	s21 =	sld [smem:$0x782]  }
0x5aa: {  	vm10 =	vmmov vm8;
	v6 =	vsel vm15, s30, v6;
	v4 =	vsel vm13, s16, v4;
	s30 =	sshrl.u32 s17, $0x1F;
	s16 =	sshra.s32 s17, $0xD;
	s17 =	smulhi.u32 $0x14F8B589, s15  }
0x5ab: {  	s15 =	sshra.s32 s15, $0x1F;
	v4 =	vsel vm10, s22, v4;
	s22 =	sld [smem:$0x780];
	s3 =	spop (v2sf)  }
0x5ac: {  	vm3 =	vmmov vm15;
	v7 =	vsel vm5, s31, v7;
	v6 =	vsel vm7, s29, v6;
	s29 =	smov.u32 s25;
	s25 =	sld [smem:$0x786];
	s2 =	spop (v2sf)  }
0x5ad: {  	v20 =	vcombine.low v9, v8;
	s7 =	sshra.s32 s12, $0x1F;
	v5 =	vcombine.low v7, v5;
	v4 =	vsel vm14, s5, v4;
	s5 =	smul.u32 $0x14F8B589, s15;
	s31 =	spop (v2sf)  }
0x5ae: {  	vm15 =	vmmov vm13;
	vm13 =	vcmask $0x2F2C;
	v4 =	vsel vm3, s28, v4;
	s28 =	sld [smem:$0x781];
	s10 =	smulhi.u32 $0x14F8B589, s31;
	s31 =	sshra.s32 s31, $0x1F  }
0x5af: {  	v7 =	vperm.xlane v20, v0;
	vm8 =	vmmov vm7;
	s9 =	sshrl.u32 s21, $0x1F;
	s8 =	sshrl.u32 s22, $0x1F;
	v4 =	vsel vm13, s13, v4;
	s12 =	smul.u32 $0x14F8B589, s31  }
0x5b0: {  	vm7 =	vmmov vm10;
	vm10 =	vcmask $0x3734;
	s13 =	sshrl.u32 s20, $0x1F;
	s0 =	sshrl.u32 s25, $0x1F;
	s5 =	sadd.s32 s5, s17;
	v4 =	vsel vm8, s26, v4  }
0x5b1: {  	v5 =	vperm.xlane v5, v0;
	v6 =	vsel vm0, s30, v6;
	s26 =	sld [smem:$0x784];
	s30 =	sshrl.u32 s28, $0x1F;
	v4 =	vsel vm10, s7, v4;
	s11 =	sadd.s32 s12, s10  }
0x5b2: {  	v6 =	vperm.xlane v6, v1;
	s17 =	sshra.s32 s23, $0x1F;
	s7 =	smulhi.u32 $0x14F8B589, s3;
	v4 =	vsel vm0, s16, v4;
	v21 =	vmov s30;
	s16 =	sshra.s32 s11, $0x1F  }
0x5b3: {  	s3 =	sshra.s32 s3, $0x1F;
	s30 =	sshra.s32 s1, $0xD;
	vm0 =	vmmov vm8;
	s31 =	sshrl.u32 s6, $0x1F;
	v8 =	vsel vm1, s8, v21;
	v22 =	vmov s16  }
0x5b4: {  	s3 =	smul.u32 $0x14F8B589, s3;
	s15 =	sshrl.u32 s26, $0x1F;
	s6 =	sshra.s32 s6, $0x1F;
	v4 =	vperm.xlane v4, v1;
	v23 =	vmov s31;
	v9 =	vsel vm4, s18, v22  }
0x5b5: {  	s8 =	smulhi.u32 $0x14F8B589, s23;
	s23 =	sshrl.u32 s4, $0x1F;
	v8 =	vsel vm2, s9, v8;
	s31 =	sshrl.u32 s5, $0x1F;
	v24 =	vmov s15;
	v9 =	vsel vm12, s6, v9  }
0x5b6: {  	s3 =	sadd.s32 s3, s7;
	s10 =	sshrl.u32 s1, $0x1F;
	v10 =	vnsel vm4, $0x0, v23;
	s1 =	sshra.s32 s1, $0x1F;
	v8 =	vsel vm5, s13, v8;
	v9 =	vsel vm1, s30, v9  }
0x5b7: {  	v11 =	vsel vm1, s14, v24;
	s12 =	sshra.s32 s26, $0xD;
	v10 =	vsel vm1, s10, v10;
	s16 =	smul.u32 $0x14F8B589, s17;
	s17 =	sshra.s32 s4, $0xD;
	v9 =	vsel vm11, s1, v9  }
0x5b8: {  	s15 =	sshra.s32 s29, $0xD;
	s13 =	smulhi.u32 $0x14F8B589, s2;
	v11 =	vsel vm2, s19, v11;
	v26 =	vmov s12;
	s18 =	sshra.s32 s4, $0x1F;
	v9 =	vsel vm2, s17, v9  }
0x5b9: {  	s2 =	sshra.s32 s2, $0x1F;
	s10 =	sshra.s32 s28, $0xD;
	v10 =	vsel vm2, s23, v10;
	v11 =	vsel vm5, s0, v11;
	s30 =	sshra.s32 s5, $0xD;
	v9 =	vsel vm9, s18, v9  }
0x5ba: {  	s2 =	smul.u32 $0x14F8B589, s2;
	v25 =	vmov s10;
	v12 =	vsel vm1, s15, v26;
	s8 =	sadd.s32 s16, s8;
	s6 =	sshra.s32 s5, $0x1F;
	v9 =	vsel vm5, s30, v9  }
0x5bb: {  	s14 =	sshra.s32 s22, $0xD;
	v10 =	vsel vm5, s31, v10;
	v8 =	vcombine.low v11, v8;
	s23 =	sshrl.u32 s8, $0x1F;
	s9 =	sshra.s32 s8, $0xD;
	v9 =	vsel vm15, s6, v9  }
0x5bc: {  	s31 =	sshrl.u32 s3, $0x1F;
	s2 =	sadd.s32 s2, s13;
	v11 =	vsel vm1, s14, v25;
	s13 =	sshra.s32 s8, $0x1F;
	v10 =	vsel vm7, s23, v10;
	v9 =	vsel vm7, s9, v9  }
0x5bd: {  	s16 =	sshra.s32 s3, $0xD;
	v8 =	vperm.xlane v8, v0;
	v10 =	vsel vm3, s31, v10;
	s17 =	sshra.s32 s21, $0xD;
	s18 =	sshra.s32 s24, $0xD;
	v9 =	vsel vm14, s13, v9  }
0x5be: {  	s22 =	sshra.s32 s25, $0xD;
	s19 =	sshra.s32 s3, $0x1F;
	s21 =	sshra.s32 s20, $0xD;
	v11 =	vsel vm2, s17, v11;
	v12 =	vsel vm2, s18, v12;
	v9 =	vsel vm3, s16, v9  }
0x5bf: {  	s7 =	sshrl.u32 s2, $0x1F;
	s23 =	sshra.s32 s2, $0xD;
	v11 =	vsel vm5, s21, v11;
	v12 =	vsel vm5, s22, v12;
	v9 =	vsel vm13, s19, v9  }
0x5c0: {  	s25 =	sshra.s32 s2, $0x1F;
	v10 =	vsel vm8, s7, v10;
	v11 =	vcombine.low v12, v11;
	v9 =	vsel vm0, s23, v9  }
0x5c1: {  	s26 =	sshra.s32 s11, $0xD;
	vm8 =	vmmov vm3;
	s24 =	sshrl.u32 s11, $0x1F;
	vm3 =	vcmask $0x3B38;
	v9 =	vsel vm10, s25, v9  }
0x5c2: {  	v11 =	vperm.xlane v11, v0;
	v10 =	vsel vm3, s24, v10;
	v9 =	vsel vm3, s26, v9  }
0x5c3: {  	v10 =	vperm.xlane v10, v1;
	v9 =	vperm.xlane v9, v1  }
0x5c4: {  	v5 =	vsel vm6, v6, v5;
	v4 =	vsel vm6, v4, v7  }
0x5c5: {  	v4 =	vadd.s32 v5, v4;
	v27 =	vsel vm6, v10, v8;
	v28 =	vsel vm6, v9, v11  }
0x5c6: {  	v4 =	vmul.u32 $0x186A0, v4;
	v5 =	vadd.s32 v27, v28  }
0x5c7: {  	v5 =	vmul.u32 $0x186A0, v5  }
0x5c8: {  	v2 =	vsub.s32 v2, v4  }
0x5c9: {  	v4 =	vadd.s32 $0x186A0, v2;
	vm15 =	vlt.s32 v2, $0x0;
	v3 =	vsub.s32 v3, v5  }
0x5ca: {  	s28 =	sld [smem:$0x7F8];
	v2 =	vsel vm15, v4, v2;
	vm13 =	vlt.s32 v3, $0x0;
	v29 =	vadd.s32 $0x186A0, v3  }
0x5cb: {  	[tilespmem:$0x900] =	vst v2;
	v2 =	vsel vm13, v29, v3  }
0x5cc: {  	s29 =	simm.s32 $0xAC00;
	s31 =	simm.s32 $0x20;
	s30 =	rddreg [dreg:$0x2];
	[tilespmem:$0x910] =	vst v2  }
0x5cd: {  	[tilespmem:s29], [sflag:$0x1] =	stream.indirect.gather [hbm4b:s30+s31], $0x80, s28, s31, $0xb8;
	[tilespmem:$0x10C00] =	vst v63  }
0x5ce: {  	v2 =	vld [tilespmem:$0x160];
	_ =	sdelay $0x1  }
0x5cf: {  	v3 =	vld [tilespmem:$0x360];
	_ =	sdelay $0x2  }
0x5d0: {  	v2 =	vmul.u32 $0x1F, v2;
	_ =	sdelay $0x1  }
0x5d1: {  	v2 =	vadd.s32 v3, v2  }
0x5d2: {  	(v2sf) =	vpush v2, $0xD;
	_ =	sdelay $0x1  }
0x5d3: {  	(v2sf) =	vpush v2, $0xC;
	_ =	sdelay $0x1  }
0x5d4: {  	(v2sf) =	vpush v2, $0xE;
	_ =	sdelay $0x1  }
0x5d5: {  	(v2sf) =	vpush v2, $0xF;
	_ =	sdelay $0x1  }
0x5d6: {  	(v2sf) =	vpush v2, $0x9;
	_ =	sdelay $0x1  }
0x5d7: {  	(v2sf) =	vpush v2, $0x8;
	_ =	sdelay $0x1  }
0x5d8: {  	(v2sf) =	vpush v2, $0xA;
	_ =	sdelay $0x1  }
0x5d9: {  	(v2sf) =	vpush v2, $0xB  }
0x5da: {  	s3 =	spop (v2sf)  }
0x5db: {  	(v2sf) =	vpush v2, $0x0;
	s0 =	smulhi.u32 $0x14F8B589, s3;
	s1 =	sshra.s32 s3, $0x1F  }
0x5dc: {  	s4 =	spop (v2sf);
	s17 =	smul.u32 $0x14F8B589, s1  }
0x5dd: {  	(v2sf) =	vpush v2, $0x1;
	s1 =	smulhi.u32 $0x14F8B589, s4;
	s2 =	sshra.s32 s4, $0x1F  }
0x5de: {  	s5 =	spop (v2sf);
	s18 =	smul.u32 $0x14F8B589, s2  }
0x5df: {  	(v2sf) =	vpush v2, $0x2;
	s8 =	smulhi.u32 $0x14F8B589, s5;
	s2 =	sshra.s32 s5, $0x1F  }
0x5e0: {  	s6 =	spop (v2sf);
	s4 =	smul.u32 $0x14F8B589, s2  }
0x5e1: {  	(v2sf) =	vpush v2, $0x3;
	s9 =	smulhi.u32 $0x14F8B589, s6;
	s2 =	sshra.s32 s6, $0x1F  }
0x5e2: {  	s7 =	spop (v2sf);
	s14 =	smul.u32 $0x14F8B589, s2  }
0x5e3: {  	(v2sf) =	vpush v2, $0x4;
	s10 =	smulhi.u32 $0x14F8B589, s7;
	s2 =	sshra.s32 s7, $0x1F  }
0x5e4: {  	v3 =	vld [tilespmem:$0x170];
	s11 =	spop (v2sf);
	s3 =	smul.u32 $0x14F8B589, s2  }
0x5e5: {  	(v2sf) =	vpush v2, $0x5;
	s20 =	smulhi.u32 $0x14F8B589, s11;
	s2 =	sshra.s32 s11, $0x1F  }
0x5e6: {  	v30 =	vld [tilespmem:$0x370];
	s12 =	spop (v2sf);
	s6 =	smul.u32 $0x14F8B589, s2  }
0x5e7: {  	(v2sf) =	vpush v2, $0x6;
	s23 =	smulhi.u32 $0x14F8B589, s12;
	s2 =	sshra.s32 s12, $0x1F  }
0x5e8: {  	s13 =	spop (v2sf);
	s19 =	smul.u32 $0x14F8B589, s2  }
0x5e9: {  	v3 =	vmul.u32 $0x1F, v3;
	(v2sf) =	vpush v2, $0x7;
	s15 =	smulhi.u32 $0x14F8B589, s13;
	s2 =	sshra.s32 s13, $0x1F  }
0x5ea: {  	s0 =	sadd.s32 s17, s0;
	s24 =	smul.u32 $0x14F8B589, s2;
	s16 =	spop (v2sf)  }
0x5eb: {  	v3 =	vadd.s32 v30, v3;
	[smem:$0x795] =	sst s0;
	s21 =	smulhi.u32 $0x14F8B589, s16;
	s2 =	sshra.s32 s16, $0x1F  }
0x5ec: {  	(v2sf) =	vpush v3, $0xD;
	s22 =	spop (v2sf);
	s7 =	smul.u32 $0x14F8B589, s2  }
0x5ed: {  	[smem:$0x787] =	sst s15;
	s25 =	smulhi.u32 $0x14F8B589, s22;
	s2 =	sshra.s32 s22, $0x1F  }
0x5ee: {  	(v2sf) =	vpush v3, $0xC;
	s26 =	spop (v2sf);
	s5 =	smul.u32 $0x14F8B589, s2  }
0x5ef: {  	[smem:$0x788] =	sst s21;
	s28 =	smulhi.u32 $0x14F8B589, s26;
	s2 =	sshra.s32 s26, $0x1F  }
0x5f0: {  	s29 =	spop (v2sf);
	s21 =	smul.u32 $0x14F8B589, s2  }
0x5f1: {  	(v2sf) =	vpush v3, $0xE;
	[smem:$0x789] =	sst s25;
	s30 =	smulhi.u32 $0x14F8B589, s29;
	s2 =	sshra.s32 s29, $0x1F  }
0x5f2: {  	s31 =	spop (v2sf);
	s16 =	smul.u32 $0x14F8B589, s2  }
0x5f3: {  	[smem:$0x78A] =	sst s28;
	s12 =	smulhi.u32 $0x14F8B589, s31;
	s2 =	sshra.s32 s31, $0x1F  }
0x5f4: {  	(v2sf) =	vpush v3, $0xF;
	s13 =	spop (v2sf);
	s15 =	smul.u32 $0x14F8B589, s2  }
0x5f5: {  	(v2sf) =	vpush v3, $0x9;
	[smem:$0x78B] =	sst s30;
	s22 =	smulhi.u32 $0x14F8B589, s13;
	s2 =	sshra.s32 s13, $0x1F  }
0x5f6: {  	s25 =	spop (v2sf);
	s13 =	smul.u32 $0x14F8B589, s2  }
0x5f7: {  	[smem:$0x78C] =	sst s12;
	s26 =	smulhi.u32 $0x14F8B589, s25;
	s2 =	sshra.s32 s25, $0x1F  }
0x5f8: {  	s28 =	spop (v2sf);
	s12 =	smul.u32 $0x14F8B589, s2  }
0x5f9: {  	(v2sf) =	vpush v3, $0x8;
	[smem:$0x78D] =	sst s22;
	s29 =	smulhi.u32 $0x14F8B589, s28;
	s2 =	sshra.s32 s28, $0x1F  }
0x5fa: {  	s28 =	sadd.s32 s18, s1;
	s18 =	sadd.s32 s3, s10;
	s3 =	sld [smem:$0x787]  }
0x5fb: {  	s11 =	smul.u32 $0x14F8B589, s2;
	s30 =	spop (v2sf)  }
0x5fc: {  	(v2sf) =	vpush v3, $0xA;
	[smem:$0x78E] =	sst s26;
	s31 =	smulhi.u32 $0x14F8B589, s30;
	s2 =	sshra.s32 s30, $0x1F  }
0x5fd: {  	s25 =	spop (v2sf);
	s22 =	smul.u32 $0x14F8B589, s2  }
0x5fe: {  	(v2sf) =	vpush v3, $0xB;
	[smem:$0x78F] =	sst s29;
	s26 =	smulhi.u32 $0x14F8B589, s25  }
0x5ff: {  	s2 =	sshra.s32 s25, $0x1F;
	s25 =	sadd.s32 s4, s8;
	s4 =	sld [smem:$0x788]  }
0x600: {  	s30 =	spop (v2sf);
	s8 =	sld [smem:$0x789]  }
0x601: {  	s17 =	sadd.s32 s6, s20;
	[smem:$0x790] =	sst s31;
	s29 =	smul.u32 $0x14F8B589, s2  }
0x602: {  	s19 =	sadd.s32 s19, s23;
	s31 =	smulhi.u32 $0x14F8B589, s30;
	[smem:$0x791] =	sst s22  }
0x603: {  	s0 =	sshra.s32 s30, $0x1F;
	s1 =	spop (v2sf);
	[smem:$0x792] =	sst s26  }
0x604: {  	s24 =	sadd.s32 s24, s3;
	s26 =	smul.u32 $0x14F8B589, s0;
	s2 =	spop (v2sf)  }
0x605: {  	s0 =	sshra.s32 s1, $0x1F;
	[smem:$0x793] =	sst s29;
	s29 =	smulhi.u32 $0x14F8B589, s1  }
0x606: {  	s22 =	sadd.s32 s14, s9;
	s9 =	sld [smem:$0x78A];
	s20 =	smul.u32 $0x14F8B589, s0  }
0x607: {  	(v2sf) =	vpush v3, $0x0;
	[smem:$0x794] =	sst s31;
	s23 =	smulhi.u32 $0x14F8B589, s2;
	s0 =	sshra.s32 s2, $0x1F  }
0x608: {  	s7 =	sadd.s32 s7, s4;
	s6 =	spop (v2sf);
	s31 =	sld [smem:$0x78B]  }
0x609: {  	s5 =	sadd.s32 s5, s8;
	s2 =	sld [smem:$0x78C];
	s14 =	smul.u32 $0x14F8B589, s0  }
0x60a: {  	(v2sf) =	vpush v3, $0x1;
	s4 =	sld [smem:$0x78D];
	s10 =	smulhi.u32 $0x14F8B589, s6;
	s0 =	sshra.s32 s6, $0x1F  }
0x60b: {  	s30 =	spop (v2sf);
	s21 =	sadd.s32 s21, s9;
	s9 =	smul.u32 $0x14F8B589, s0  }
0x60c: {  	s1 =	sld [smem:$0x790];
	s8 =	smulhi.u32 $0x14F8B589, s30;
	s0 =	sshra.s32 s30, $0x1F  }
0x60d: {  	s3 =	spop (v2sf);
	s30 =	sld [smem:$0x78E];
	s29 =	sadd.s32 s20, s29  }
0x60e: {  	s16 =	sadd.s32 s16, s31;
	s15 =	sadd.s32 s15, s2;
	s6 =	smul.u32 $0x14F8B589, s0  }
0x60f: {  	(v2sf) =	vpush v3, $0x2;
	s13 =	sadd.s32 s13, s4;
	s2 =	sld [smem:$0x78F];
	s14 =	sadd.s32 s14, s23  }
0x610: {  	s4 =	smulhi.u32 $0x14F8B589, s3;
	s0 =	sshra.s32 s3, $0x1F;
	[smem:$0x799] =	sst s14  }
0x611: {  	s23 =	sshrl.u32 s22, $0x1F;
	s9 =	sadd.s32 s9, s10;
	s10 =	sld [smem:$0x795]  }
0x612: {  	s3 =	smul.u32 $0x14F8B589, s0;
	s12 =	sadd.s32 s12, s30;
	s30 =	sld [smem:$0x791]  }
0x613: {  	[smem:$0x79A] =	sst s9;
	s6 =	sadd.s32 s6, s8;
	s11 =	sadd.s32 s11, s2  }
0x614: {  	[smem:$0x79B] =	sst s6;
	s3 =	sadd.s32 s3, s4;
	s4 =	sshrl.u32 s28, $0x1F  }
0x615: {  	s28 =	sshra.s32 s28, $0xD;
	[smem:$0x79C] =	sst s3;
	s8 =	sshra.s32 s10, $0xD  }
0x616: {  	s1 =	sadd.s32 s30, s1;
	s30 =	sld [smem:$0x793];
	s31 =	spop (v2sf)  }
0x617: {  	s2 =	smulhi.u32 $0x14F8B589, s31;
	s0 =	sshra.s32 s31, $0x1F;
	s31 =	sld [smem:$0x792]  }
0x618: {  	s14 =	sshra.s32 s11, $0x1F;
	[smem:$0x796] =	sst s1;
	s1 =	smul.u32 $0x14F8B589, s0  }
0x619: {  	s3 =	sshra.s32 s17, $0xD;
	v31 =	vmov s14;
	s14 =	sshrl.u32 s5, $0x1F;
	s0 =	spop (v2sf)  }
0x61a: {  	(v2sf) =	vpush v3, $0x3;
	s31 =	sadd.s32 s30, s31;
	s30 =	sld [smem:$0x794];
	s9 =	sadd.s32 s1, s2  }
0x61b: {  	(v2sf) =	vpush v3, $0x4;
	s2 =	sshrl.u32 s10, $0x1F;
	s10 =	sshra.s32 s22, $0xD;
	s22 =	sshra.s32 s18, $0xD  }
0x61c: {  	(v2sf) =	vpush v3, $0x5;
	v36 =	vmov s3;
	[smem:$0x797] =	sst s31;
	s31 =	smulhi.u32 $0x14F8B589, s0;
	s0 =	sshra.s32 s0, $0x1F  }
0x61d: {  	(v2sf) =	vpush v3, $0x6;
	v32 =	vmov s4;
	v9 =	vsel vm1, s22, v36;
	s22 =	sld [smem:$0x79B];
	s0 =	smul.u32 $0x14F8B589, s0;
	s26 =	sadd.s32 s26, s30  }
0x61e: {  	(v2sf) =	vpush v3, $0x7;
	v5 =	vsel vm1, s2, v32;
	s2 =	sshrl.u32 s16, $0x1F;
	s30 =	spop (v2sf);
	[smem:$0x798] =	sst s26  }
0x61f: {  	s20 =	smulhi.u32 $0x14F8B589, s30;
	s26 =	sshra.s32 s30, $0x1F;
	s6 =	sadd.s32 s0, s31  }
0x620: {  	s31 =	sshrl.u32 s24, $0x1F;
	s0 =	sshra.s32 s7, $0xD;
	s30 =	smul.u32 $0x14F8B589, s26  }
0x621: {  	v35 =	vmov s28;
	s26 =	sshrl.u32 s18, $0x1F;
	s18 =	sshra.s32 s24, $0xD;
	s24 =	sshrl.u32 s7, $0x1F  }
0x622: {  	v8 =	vsel vm1, s8, v35;
	v4 =	vsel vm4, s0, v31;
	s7 =	sshra.s32 s7, $0x1F;
	s0 =	sshra.s32 s5, $0xD;
	s8 =	sshrl.u32 s6, $0x1F  }
0x623: {  	v33 =	vmov s24;
	v4 =	vsel vm12, s7, v4;
	s24 =	sshra.s32 s5, $0x1F;
	s5 =	sshrl.u32 s21, $0x1F;
	s7 =	sshra.s32 s21, $0xD  }
0x624: {  	s1 =	sadd.s32 s30, s20;
	s20 =	sshrl.u32 s25, $0x1F;
	s25 =	sshra.s32 s25, $0xD  }
0x625: {  	vm13 =	vcmask $0xF0C;
	s30 =	sshrl.u32 s17, $0x1F;
	s17 =	sshrl.u32 s19, $0x1F;
	s19 =	sshra.s32 s19, $0xD;
	v6 =	vnsel vm4, $0x0, v33  }
0x626: {  	v4 =	vsel vm1, s0, v4;
	s0 =	sshra.s32 s21, $0x1F;
	s21 =	sshra.s32 s16, $0xD;
	v5 =	vsel vm2, s20, v5;
	v6 =	vsel vm1, s14, v6;
	s14 =	sshra.s32 s16, $0x1F  }
0x627: {  	v4 =	vsel vm13, s24, v4;
	s24 =	sshrl.u32 s15, $0x1F;
	s16 =	sshra.s32 s15, $0xD;
	v34 =	vmov s30;
	v8 =	vsel vm2, s25, v8;
	s25 =	sld [smem:$0x799]  }
0x628: {  	v9 =	vsel vm2, s19, v9;
	s19 =	sshrl.u32 s22, $0x1F;
	v6 =	vsel vm2, s5, v6;
	v4 =	vsel vm2, s7, v4;
	s5 =	sshra.s32 s15, $0x1F;
	s7 =	sshrl.u32 s13, $0x1F  }
0x629: {  	vm11 =	vmmov vm9;
	v5 =	vsel vm5, s23, v5;
	s15 =	spop (v2sf);
	v7 =	vsel vm1, s26, v34;
	s23 =	sshra.s32 s12, $0xD;
	s26 =	sshrl.u32 s11, $0x1F  }
0x62a: {  	v9 =	vsel vm5, s18, v9;
	s18 =	sld [smem:$0x79C];
	v4 =	vsel vm11, s0, v4;
	s0 =	sshra.s32 s13, $0xD;
	s20 =	spop (v2sf)  }
0x62b: {  	vm15 =	vcmask $0x1F1C;
	v6 =	vsel vm5, s2, v6;
	s13 =	sshra.s32 s13, $0x1F;
	v4 =	vsel vm5, s21, v4;
	s4 =	spop (v2sf);
	s21 =	sld [smem:$0x798]  }
0x62c: {  	v6 =	vsel vm7, s24, v6;
	s24 =	sshrl.u32 s12, $0x1F;
	s3 =	smulhi.u32 $0x14F8B589, s20;
	v4 =	vsel vm15, s14, v4;
	s2 =	spop (v2sf)  }
0x62d: {  	v7 =	vsel vm2, s17, v7;
	v6 =	vsel vm8, s7, v6;
	s7 =	sshra.s32 s12, $0x1F;
	v4 =	vsel vm7, s16, v4;
	s16 =	smulhi.u32 $0x14F8B589, s15;
	s30 =	spop (v2sf)  }
0x62e: {  	v8 =	vsel vm5, s10, v8;
	v7 =	vsel vm5, s31, v7;
	s12 =	sshra.s32 s15, $0x1F;
	v6 =	vsel vm0, s24, v6;
	s24 =	sld [smem:$0x796];
	s31 =	smulhi.u32 $0x14F8B589, s30  }
0x62f: {  	vm9 =	vcmask $0x2F2C;
	v37 =	vcombine.low v9, v8;
	s14 =	sshra.s32 s11, $0xD;
	v4 =	vsel vm14, s5, v4;
	s11 =	sshra.s32 s30, $0x1F;
	s5 =	smul.u32 $0x14F8B589, s12  }
0x630: {  	vm10 =	vmmov vm7;
	s17 =	sshrl.u32 s25, $0x1F;
	v5 =	vcombine.low v7, v5;
	v6 =	vsel vm3, s26, v6;
	s26 =	sld [smem:$0x797];
	s11 =	smul.u32 $0x14F8B589, s11  }
0x631: {  	v7 =	vperm.xlane v37, v0;
	vm7 =	vmmov vm8;
	s15 =	sshrl.u32 s29, $0x1F;
	v4 =	vsel vm8, s0, v4;
	s0 =	sshrl.u32 s18, $0x1F;
	s28 =	sshrl.u32 s24, $0x1F  }
0x632: {  	v5 =	vperm.xlane v5, v0;
	vm8 =	vmmov vm0;
	v4 =	vsel vm9, s13, v4;
	s13 =	sshrl.u32 s21, $0x1F;
	s5 =	sadd.s32 s5, s16;
	s11 =	sadd.s32 s11, s31  }
0x633: {  	v6 =	vperm.xlane v6, v1;
	s16 =	sshra.s32 s20, $0x1F;
	s30 =	sshrl.u32 s26, $0x1F;
	v4 =	vsel vm0, s23, v4;
	vm0 =	vcmask $0x3734;
	s12 =	sshra.s32 s11, $0x1F  }
0x634: {  	s20 =	sshra.s32 s9, $0xD;
	s23 =	sld [smem:$0x79A];
	s31 =	sshrl.u32 s9, $0x1F;
	v4 =	vsel vm0, s7, v4;
	v38 =	vmov s30;
	v39 =	vmov s12  }
0x635: {  	s9 =	sshra.s32 s9, $0x1F;
	v40 =	vmov s31;
	s7 =	smulhi.u32 $0x14F8B589, s4;
	s4 =	sshra.s32 s4, $0x1F;
	v4 =	vsel vm3, s14, v4;
	v9 =	vsel vm4, s20, v39  }
0x636: {  	s30 =	sshra.s32 s6, $0xD;
	s31 =	sshrl.u32 s5, $0x1F;
	v8 =	vsel vm1, s28, v38;
	s14 =	smul.u32 $0x14F8B589, s16;
	v10 =	vnsel vm4, $0x0, v40;
	v9 =	vsel vm12, s9, v9  }
0x637: {  	s6 =	sshra.s32 s6, $0x1F;
	s28 =	sshrl.u32 s1, $0x1F;
	s4 =	smul.u32 $0x14F8B589, s4;
	v4 =	vperm.xlane v4, v1;
	v8 =	vsel vm2, s13, v8;
	v9 =	vsel vm1, s30, v9  }
0x638: {  	s16 =	smulhi.u32 $0x14F8B589, s2;
	s10 =	sshrl.u32 s23, $0x1F;
	v10 =	vsel vm1, s8, v10;
	s20 =	sshra.s32 s1, $0xD;
	v8 =	vsel vm5, s15, v8;
	v9 =	vsel vm13, s6, v9  }
0x639: {  	s2 =	sshra.s32 s2, $0x1F;
	s1 =	sshra.s32 s1, $0x1F;
	s12 =	sshra.s32 s23, $0xD;
	v41 =	vmov s10;
	v10 =	vsel vm2, s28, v10;
	v9 =	vsel vm2, s20, v9  }
0x63a: {  	s3 =	sadd.s32 s14, s3;
	s10 =	sshra.s32 s26, $0xD;
	v43 =	vmov s12;
	v11 =	vsel vm1, s17, v41;
	s30 =	sshra.s32 s5, $0xD;
	v9 =	vsel vm11, s1, v9  }
0x63b: {  	s4 =	sadd.s32 s4, s7;
	s7 =	sshra.s32 s5, $0x1F;
	s15 =	sshra.s32 s25, $0xD;
	v10 =	vsel vm5, s31, v10;
	v42 =	vmov s10;
	v9 =	vsel vm5, s30, v9  }
0x63c: {  	s2 =	smul.u32 $0x14F8B589, s2;
	s28 =	sshrl.u32 s3, $0x1F;
	s9 =	sshra.s32 s3, $0xD;
	v12 =	vsel vm1, s15, v43;
	v11 =	vsel vm2, s19, v11;
	v9 =	vsel vm15, s7, v9  }
0x63d: {  	s31 =	sshrl.u32 s4, $0x1F;
	s13 =	sshra.s32 s3, $0x1F;
	v10 =	vsel vm10, s28, v10;
	s19 =	sshra.s32 s22, $0xD;
	v11 =	vsel vm5, s0, v11;
	v9 =	vsel vm10, s9, v9  }
0x63e: {  	s14 =	sshra.s32 s24, $0xD;
	s2 =	sadd.s32 s2, s16;
	s16 =	sshra.s32 s4, $0xD;
	v10 =	vsel vm7, s31, v10;
	v12 =	vsel vm2, s19, v12;
	v9 =	vsel vm14, s13, v9  }
0x63f: {  	s17 =	sshra.s32 s21, $0xD;
	s8 =	sshrl.u32 s2, $0x1F;
	s20 =	sshra.s32 s4, $0x1F;
	v8 =	vcombine.low v11, v8;
	v11 =	vsel vm1, s14, v42;
	v9 =	vsel vm7, s16, v9  }
0x640: {  	s21 =	sshra.s32 s29, $0xD;
	s22 =	sshra.s32 s18, $0xD;
	s23 =	sshra.s32 s2, $0xD;
	v10 =	vsel vm8, s8, v10;
	v11 =	vsel vm2, s17, v11;
	v9 =	vsel vm9, s20, v9  }
0x641: {  	s24 =	sshrl.u32 s11, $0x1F;
	s25 =	sshra.s32 s2, $0x1F;
	v12 =	vsel vm5, s22, v12;
	v11 =	vsel vm5, s21, v11;
	v9 =	vsel vm8, s23, v9  }
0x642: {  	s26 =	sshra.s32 s11, $0xD;
	v10 =	vsel vm3, s24, v10;
	v11 =	vcombine.low v12, v11;
	v9 =	vsel vm0, s25, v9  }
0x643: {  	v8 =	vperm.xlane v8, v0;
	v10 =	vperm.xlane v10, v1;
	v9 =	vsel vm3, s26, v9  }
0x644: {  	v11 =	vperm.xlane v11, v0;
	v9 =	vperm.xlane v9, v1  }
0x645: {  	v5 =	vsel vm6, v6, v5;
	v4 =	vsel vm6, v4, v7  }
0x646: {  	v4 =	vadd.s32 v5, v4;
	v44 =	vsel vm6, v10, v8;
	v45 =	vsel vm6, v9, v11  }
0x647: {  	v4 =	vmul.u32 $0x186A0, v4;
	v5 =	vadd.s32 v44, v45  }
0x648: {  	v5 =	vmul.u32 $0x186A0, v5  }
0x649: {  	vm11 =	vmmov vm14;
	v2 =	vsub.s32 v2, v4  }
0x64a: {  	v4 =	vadd.s32 $0x186A0, v2;
	vm14 =	vlt.s32 v2, $0x0;
	v3 =	vsub.s32 v3, v5  }
0x64b: {  	s28 =	sld [smem:$0x7F9];
	v2 =	vsel vm14, v4, v2;
	vm14 =	vlt.s32 v3, $0x0;
	v46 =	vadd.s32 $0x186A0, v3  }
0x64c: {  	[tilespmem:$0x980] =	vst v2;
	v2 =	vsel vm14, v46, v3  }
0x64d: {  	s29 =	simm.s32 $0xBC00;
	s31 =	simm.s32 $0x20;
	s30 =	rddreg [dreg:$0x2];
	[tilespmem:$0x990] =	vst v2  }
0x64e: {  	[tilespmem:s29], [sflag:$0x1] =	stream.indirect.gather [hbm4b:s30+s31], $0x80, s28, s31, $0xb8;
	[tilespmem:$0x10C00] =	vst v63  }
0x64f: {  	v2 =	vld [tilespmem:$0x180];
	_ =	sdelay $0x1  }
0x650: {  	v3 =	vld [tilespmem:$0x380];
	_ =	sdelay $0x2  }
0x651: {  	v2 =	vmul.u32 $0x1F, v2;
	_ =	sdelay $0x1  }
0x652: {  	v2 =	vadd.s32 v3, v2  }
0x653: {  	(v2sf) =	vpush v2, $0xD;
	_ =	sdelay $0x1  }
0x654: {  	(v2sf) =	vpush v2, $0xC;
	_ =	sdelay $0x1  }
0x655: {  	(v2sf) =	vpush v2, $0xE;
	_ =	sdelay $0x1  }
0x656: {  	(v2sf) =	vpush v2, $0xF;
	_ =	sdelay $0x1  }
0x657: {  	(v2sf) =	vpush v2, $0x9;
	_ =	sdelay $0x1  }
0x658: {  	(v2sf) =	vpush v2, $0x8;
	_ =	sdelay $0x1  }
0x659: {  	(v2sf) =	vpush v2, $0xA;
	_ =	sdelay $0x1  }
0x65a: {  	(v2sf) =	vpush v2, $0xB  }
0x65b: {  	s3 =	spop (v2sf)  }
0x65c: {  	(v2sf) =	vpush v2, $0x0;
	s0 =	smulhi.u32 $0x14F8B589, s3;
	s1 =	sshra.s32 s3, $0x1F  }
0x65d: {  	s4 =	spop (v2sf);
	s17 =	smul.u32 $0x14F8B589, s1  }
0x65e: {  	(v2sf) =	vpush v2, $0x1;
	s1 =	smulhi.u32 $0x14F8B589, s4;
	s2 =	sshra.s32 s4, $0x1F  }
0x65f: {  	s5 =	spop (v2sf);
	s18 =	smul.u32 $0x14F8B589, s2  }
0x660: {  	(v2sf) =	vpush v2, $0x2;
	s8 =	smulhi.u32 $0x14F8B589, s5;
	s2 =	sshra.s32 s5, $0x1F  }
0x661: {  	s6 =	spop (v2sf);
	s4 =	smul.u32 $0x14F8B589, s2  }
0x662: {  	(v2sf) =	vpush v2, $0x3;
	s9 =	smulhi.u32 $0x14F8B589, s6;
	s2 =	sshra.s32 s6, $0x1F  }
0x663: {  	s7 =	spop (v2sf);
	s14 =	smul.u32 $0x14F8B589, s2  }
0x664: {  	v3 =	vld [tilespmem:$0x190];
	(v2sf) =	vpush v2, $0x4;
	s10 =	smulhi.u32 $0x14F8B589, s7;
	s2 =	sshra.s32 s7, $0x1F  }
0x665: {  	s11 =	spop (v2sf);
	s3 =	smul.u32 $0x14F8B589, s2  }
0x666: {  	v47 =	vld [tilespmem:$0x390];
	(v2sf) =	vpush v2, $0x5;
	s20 =	smulhi.u32 $0x14F8B589, s11;
	s2 =	sshra.s32 s11, $0x1F  }
0x667: {  	s12 =	spop (v2sf);
	s6 =	smul.u32 $0x14F8B589, s2  }
0x668: {  	(v2sf) =	vpush v2, $0x6;
	s23 =	smulhi.u32 $0x14F8B589, s12;
	s2 =	sshra.s32 s12, $0x1F  }
0x669: {  	v3 =	vmul.u32 $0x1F, v3;
	s13 =	spop (v2sf);
	s19 =	smul.u32 $0x14F8B589, s2  }
0x66a: {  	(v2sf) =	vpush v2, $0x7;
	s15 =	smulhi.u32 $0x14F8B589, s13;
	s2 =	sshra.s32 s13, $0x1F  }
0x66b: {  	v3 =	vadd.s32 v47, v3;
	s0 =	sadd.s32 s17, s0;
	s24 =	smul.u32 $0x14F8B589, s2;
	s16 =	spop (v2sf)  }
0x66c: {  	[smem:$0x7AB] =	sst s0;
	(v2sf) =	vpush v3, $0xD;
	s21 =	smulhi.u32 $0x14F8B589, s16;
	s2 =	sshra.s32 s16, $0x1F  }
0x66d: {  	s22 =	spop (v2sf);
	s7 =	smul.u32 $0x14F8B589, s2  }
0x66e: {  	[smem:$0x79D] =	sst s15;
	(v2sf) =	vpush v3, $0xC;
	s25 =	smulhi.u32 $0x14F8B589, s22;
	s2 =	sshra.s32 s22, $0x1F  }
0x66f: {  	s26 =	spop (v2sf);
	s5 =	smul.u32 $0x14F8B589, s2  }
0x670: {  	(v2sf) =	vpush v3, $0xE;
	[smem:$0x79E] =	sst s21;
	s28 =	smulhi.u32 $0x14F8B589, s26;
	s2 =	sshra.s32 s26, $0x1F  }
0x671: {  	s29 =	spop (v2sf);
	s21 =	smul.u32 $0x14F8B589, s2  }
0x672: {  	[smem:$0x79F] =	sst s25;
	s30 =	smulhi.u32 $0x14F8B589, s29;
	s2 =	sshra.s32 s29, $0x1F  }
0x673: {  	s31 =	spop (v2sf);
	s16 =	smul.u32 $0x14F8B589, s2  }
0x674: {  	[smem:$0x7A0] =	sst s28;
	s12 =	smulhi.u32 $0x14F8B589, s31;
	s2 =	sshra.s32 s31, $0x1F  }
0x675: {  	(v2sf) =	vpush v3, $0xF;
	s13 =	spop (v2sf);
	s15 =	smul.u32 $0x14F8B589, s2  }
0x676: {  	[smem:$0x7A1] =	sst s30;
	s22 =	smulhi.u32 $0x14F8B589, s13;
	s2 =	sshra.s32 s13, $0x1F  }
0x677: {  	s25 =	spop (v2sf);
	s13 =	smul.u32 $0x14F8B589, s2  }
0x678: {  	[smem:$0x7A2] =	sst s12;
	s26 =	smulhi.u32 $0x14F8B589, s25;
	s2 =	sshra.s32 s25, $0x1F  }
0x679: {  	(v2sf) =	vpush v3, $0x9;
	s28 =	spop (v2sf);
	s12 =	smul.u32 $0x14F8B589, s2  }
0x67a: {  	[smem:$0x7A3] =	sst s22;
	s29 =	smulhi.u32 $0x14F8B589, s28;
	s2 =	sshra.s32 s28, $0x1F  }
0x67b: {  	s11 =	smul.u32 $0x14F8B589, s2;
	s30 =	spop (v2sf)  }
0x67c: {  	(v2sf) =	vpush v3, $0x8;
	[smem:$0x7A4] =	sst s26;
	s31 =	smulhi.u32 $0x14F8B589, s30;
	s2 =	sshra.s32 s30, $0x1F  }
0x67d: {  	s25 =	spop (v2sf);
	s22 =	smul.u32 $0x14F8B589, s2  }
0x67e: {  	(v2sf) =	vpush v3, $0xA;
	[smem:$0x7A5] =	sst s29;
	s26 =	smulhi.u32 $0x14F8B589, s25  }
0x67f: {  	s2 =	sshra.s32 s25, $0x1F;
	s30 =	spop (v2sf);
	[smem:$0x7A6] =	sst s31  }
0x680: {  	(v2sf) =	vpush v3, $0xB;
	s29 =	smul.u32 $0x14F8B589, s2;
	[smem:$0x7A7] =	sst s22  }
0x681: {  	(v2sf) =	vpush v3, $0x0;
	s31 =	smulhi.u32 $0x14F8B589, s30;
	[smem:$0x7A8] =	sst s26  }
0x682: {  	(v2sf) =	vpush v3, $0x1;
	[smem:$0x7A9] =	sst s29  }
0x683: {  	(v2sf) =	vpush v3, $0x2;
	[smem:$0x7AA] =	sst s31  }
0x684: {  	s17 =	sadd.s32 s6, s20;
	s28 =	sadd.s32 s18, s1;
	s1 =	spop (v2sf)  }
0x685: {  	s18 =	sadd.s32 s3, s10;
	s0 =	sshra.s32 s30, $0x1F;
	s3 =	sld [smem:$0x79D]  }
0x686: {  	s25 =	sadd.s32 s4, s8;
	s26 =	smul.u32 $0x14F8B589, s0;
	s4 =	sld [smem:$0x79E]  }
0x687: {  	s22 =	sadd.s32 s14, s9;
	s29 =	smulhi.u32 $0x14F8B589, s1;
	s8 =	sld [smem:$0x79F]  }
0x688: {  	s0 =	sshra.s32 s1, $0x1F;
	s2 =	spop (v2sf);
	s9 =	sld [smem:$0x7A0]  }
0x689: {  	s19 =	sadd.s32 s19, s23;
	s31 =	sld [smem:$0x7A1];
	s20 =	smul.u32 $0x14F8B589, s0  }
0x68a: {  	s1 =	sld [smem:$0x7A6];
	s23 =	smulhi.u32 $0x14F8B589, s2;
	s0 =	sshra.s32 s2, $0x1F  }
0x68b: {  	s6 =	spop (v2sf);
	s14 =	smul.u32 $0x14F8B589, s0  }
0x68c: {  	s2 =	sld [smem:$0x7A2];
	s10 =	smulhi.u32 $0x14F8B589, s6;
	s0 =	sshra.s32 s6, $0x1F  }
0x68d: {  	s30 =	spop (v2sf);
	s24 =	sadd.s32 s24, s3;
	s7 =	sadd.s32 s7, s4  }
0x68e: {  	s5 =	sadd.s32 s5, s8;
	s21 =	sadd.s32 s21, s9;
	s9 =	smul.u32 $0x14F8B589, s0  }
0x68f: {  	s16 =	sadd.s32 s16, s31;
	s8 =	smulhi.u32 $0x14F8B589, s30;
	s4 =	sld [smem:$0x7A3]  }
0x690: {  	s0 =	sshra.s32 s30, $0x1F;
	s3 =	spop (v2sf);
	s30 =	sld [smem:$0x7A4]  }
0x691: {  	s29 =	sadd.s32 s20, s29;
	s15 =	sadd.s32 s15, s2;
	s6 =	smul.u32 $0x14F8B589, s0  }
0x692: {  	s0 =	sshra.s32 s3, $0x1F;
	s2 =	sld [smem:$0x7A5];
	s14 =	sadd.s32 s14, s23  }
0x693: {  	s23 =	sshrl.u32 s22, $0x1F;
	[smem:$0x7AF] =	sst s14;
	s9 =	sadd.s32 s9, s10  }
0x694: {  	s10 =	sld [smem:$0x7AB];
	s13 =	sadd.s32 s13, s4;
	s4 =	smulhi.u32 $0x14F8B589, s3  }
0x695: {  	s12 =	sadd.s32 s12, s30;
	s3 =	smul.u32 $0x14F8B589, s0;
	s30 =	sld [smem:$0x7A7]  }
0x696: {  	[smem:$0x7B0] =	sst s9;
	s6 =	sadd.s32 s6, s8;
	s11 =	sadd.s32 s11, s2  }
0x697: {  	[smem:$0x7B1] =	sst s6;
	s31 =	spop (v2sf);
	s3 =	sadd.s32 s3, s4  }
0x698: {  	s2 =	smulhi.u32 $0x14F8B589, s31;
	s0 =	sshra.s32 s31, $0x1F;
	s31 =	sld [smem:$0x7A8]  }
0x699: {  	s8 =	sshra.s32 s10, $0xD;
	s1 =	sadd.s32 s30, s1;
	s30 =	sld [smem:$0x7A9]  }
0x69a: {  	s4 =	sshrl.u32 s28, $0x1F;
	s28 =	sshra.s32 s28, $0xD;
	[smem:$0x7B2] =	sst s3  }
0x69b: {  	s14 =	sshra.s32 s11, $0x1F;
	[smem:$0x7AC] =	sst s1;
	s1 =	smul.u32 $0x14F8B589, s0  }
0x69c: {  	s3 =	sshra.s32 s17, $0xD;
	v48 =	vmov s14;
	s14 =	sshrl.u32 s5, $0x1F;
	s0 =	spop (v2sf)  }
0x69d: {  	(v2sf) =	vpush v3, $0x3;
	s31 =	sadd.s32 s30, s31;
	s30 =	sld [smem:$0x7AA];
	s9 =	sadd.s32 s1, s2  }
0x69e: {  	(v2sf) =	vpush v3, $0x4;
	s2 =	sshrl.u32 s10, $0x1F;
	s10 =	sshra.s32 s22, $0xD;
	s22 =	sshra.s32 s18, $0xD  }
0x69f: {  	(v2sf) =	vpush v3, $0x5;
	v53 =	vmov s3;
	[smem:$0x7AD] =	sst s31;
	s31 =	smulhi.u32 $0x14F8B589, s0;
	s0 =	sshra.s32 s0, $0x1F  }
0x6a0: {  	(v2sf) =	vpush v3, $0x6;
	v49 =	vmov s4;
	v9 =	vsel vm1, s22, v53;
	s22 =	sld [smem:$0x7B1];
	s0 =	smul.u32 $0x14F8B589, s0;
	s26 =	sadd.s32 s26, s30  }
0x6a1: {  	(v2sf) =	vpush v3, $0x7;
	v5 =	vsel vm1, s2, v49;
	s2 =	sshrl.u32 s16, $0x1F;
	s30 =	spop (v2sf);
	[smem:$0x7AE] =	sst s26  }
0x6a2: {  	s20 =	smulhi.u32 $0x14F8B589, s30;
	s26 =	sshra.s32 s30, $0x1F;
	s6 =	sadd.s32 s0, s31  }
0x6a3: {  	s31 =	sshrl.u32 s24, $0x1F;
	s0 =	sshra.s32 s7, $0xD;
	s30 =	smul.u32 $0x14F8B589, s26  }
0x6a4: {  	v52 =	vmov s28;
	s26 =	sshrl.u32 s18, $0x1F;
	s18 =	sshra.s32 s24, $0xD;
	s24 =	sshrl.u32 s7, $0x1F  }
0x6a5: {  	v8 =	vsel vm1, s8, v52;
	v4 =	vsel vm4, s0, v48;
	s7 =	sshra.s32 s7, $0x1F;
	s0 =	sshra.s32 s5, $0xD;
	s8 =	sshrl.u32 s6, $0x1F  }
0x6a6: {  	v50 =	vmov s24;
	v4 =	vsel vm12, s7, v4;
	s24 =	sshra.s32 s5, $0x1F;
	s5 =	sshrl.u32 s21, $0x1F;
	s7 =	sshra.s32 s21, $0xD  }
0x6a7: {  	s1 =	sadd.s32 s30, s20;
	s20 =	sshrl.u32 s25, $0x1F;
	s25 =	sshra.s32 s25, $0xD  }
0x6a8: {  	s30 =	sshrl.u32 s17, $0x1F;
	s17 =	sshrl.u32 s19, $0x1F;
	s19 =	sshra.s32 s19, $0xD;
	v6 =	vnsel vm4, $0x0, v50  }
0x6a9: {  	v4 =	vsel vm1, s0, v4;
	s0 =	sshra.s32 s21, $0x1F;
	s21 =	sshra.s32 s16, $0xD;
	v5 =	vsel vm2, s20, v5;
	v6 =	vsel vm1, s14, v6;
	s14 =	sshra.s32 s16, $0x1F  }
0x6aa: {  	v4 =	vsel vm13, s24, v4;
	s24 =	sshrl.u32 s15, $0x1F;
	s16 =	sshra.s32 s15, $0xD;
	v51 =	vmov s30;
	v8 =	vsel vm2, s25, v8;
	s25 =	sld [smem:$0x7AF]  }
0x6ab: {  	v9 =	vsel vm2, s19, v9;
	s19 =	sshrl.u32 s22, $0x1F;
	v6 =	vsel vm2, s5, v6;
	v4 =	vsel vm2, s7, v4;
	s5 =	sshra.s32 s15, $0x1F;
	s7 =	sshrl.u32 s13, $0x1F  }
0x6ac: {  	vm14 =	vcmask $0x1714;
	v5 =	vsel vm5, s23, v5;
	s15 =	spop (v2sf);
	v7 =	vsel vm1, s26, v51;
	s23 =	sshra.s32 s12, $0xD;
	s26 =	sshrl.u32 s11, $0x1F  }
0x6ad: {  	v9 =	vsel vm5, s18, v9;
	s18 =	sld [smem:$0x7B2];
	v4 =	vsel vm14, s0, v4;
	s0 =	sshra.s32 s13, $0xD;
	s20 =	spop (v2sf)  }
0x6ae: {  	v6 =	vsel vm5, s2, v6;
	s13 =	sshra.s32 s13, $0x1F;
	v4 =	vsel vm5, s21, v4;
	s4 =	spop (v2sf);
	s21 =	sld [smem:$0x7AE]  }
0x6af: {  	vm0 =	vmmov vm10;
	v6 =	vsel vm10, s24, v6;
	s24 =	sshrl.u32 s12, $0x1F;
	s3 =	smulhi.u32 $0x14F8B589, s20;
	v4 =	vsel vm15, s14, v4;
	s2 =	spop (v2sf)  }
0x6b0: {  	v7 =	vsel vm2, s17, v7;
	v6 =	vsel vm7, s7, v6;
	s7 =	sshra.s32 s12, $0x1F;
	v4 =	vsel vm0, s16, v4;
	s16 =	smulhi.u32 $0x14F8B589, s15;
	s30 =	spop (v2sf)  }
0x6b1: {  	v8 =	vsel vm5, s10, v8;
	v7 =	vsel vm5, s31, v7;
	s12 =	sshra.s32 s15, $0x1F;
	v6 =	vsel vm8, s24, v6;
	s24 =	sld [smem:$0x7AC];
	s31 =	smulhi.u32 $0x14F8B589, s30  }
0x6b2: {  	v54 =	vcombine.low v9, v8;
	s14 =	sshra.s32 s11, $0xD;
	v5 =	vcombine.low v7, v5;
	v4 =	vsel vm11, s5, v4;
	s11 =	sshra.s32 s30, $0x1F;
	s5 =	smul.u32 $0x14F8B589, s12  }
0x6b3: {  	vm10 =	vmmov vm15;
	s17 =	sshrl.u32 s25, $0x1F;
	vm15 =	vcmask $0x2F2C;
	v6 =	vsel vm3, s26, v6;
	s26 =	sld [smem:$0x7AD];
	s11 =	smul.u32 $0x14F8B589, s11  }
0x6b4: {  	s15 =	sshrl.u32 s29, $0x1F;
	v5 =	vperm.xlane v5, v0;
	v4 =	vsel vm7, s0, v4;
	s0 =	sshrl.u32 s18, $0x1F;
	v6 =	vperm.xlane v6, v1;
	s28 =	sshrl.u32 s24, $0x1F  }
0x6b5: {  	vm9 =	vcmask $0x3734;
	v4 =	vsel vm15, s13, v4;
	s13 =	sshrl.u32 s21, $0x1F;
	s5 =	sadd.s32 s5, s16;
	s11 =	sadd.s32 s11, s31  }
0x6b6: {  	v7 =	vperm.xlane v54, v0;
	s16 =	sshra.s32 s20, $0x1F;
	s30 =	sshrl.u32 s26, $0x1F;
	v4 =	vsel vm8, s23, v4;
	v5 =	vsel vm6, v6, v5;
	s12 =	sshra.s32 s11, $0x1F  }
0x6b7: {  	s20 =	sshra.s32 s9, $0xD;
	s23 =	sld [smem:$0x7B0];
	s31 =	sshrl.u32 s9, $0x1F;
	v4 =	vsel vm9, s7, v4;
	v55 =	vmov s30;
	v56 =	vmov s12  }
0x6b8: {  	s9 =	sshra.s32 s9, $0x1F;
	v57 =	vmov s31;
	s7 =	smulhi.u32 $0x14F8B589, s4;
	s4 =	sshra.s32 s4, $0x1F;
	v4 =	vsel vm3, s14, v4;
	v9 =	vsel vm4, s20, v56  }
0x6b9: {  	s30 =	sshra.s32 s6, $0xD;
	s31 =	sshrl.u32 s5, $0x1F;
	v8 =	vsel vm1, s28, v55;
	s14 =	smul.u32 $0x14F8B589, s16;
	v10 =	vnsel vm4, $0x0, v57;
	v9 =	vsel vm12, s9, v9  }
0x6ba: {  	s6 =	sshra.s32 s6, $0x1F;
	s28 =	sshrl.u32 s1, $0x1F;
	s4 =	smul.u32 $0x14F8B589, s4;
	v4 =	vperm.xlane v4, v1;
	v8 =	vsel vm2, s13, v8;
	v9 =	vsel vm1, s30, v9  }
0x6bb: {  	s16 =	smulhi.u32 $0x14F8B589, s2;
	s10 =	sshrl.u32 s23, $0x1F;
	v10 =	vsel vm1, s8, v10;
	s20 =	sshra.s32 s1, $0xD;
	v8 =	vsel vm5, s15, v8;
	v9 =	vsel vm13, s6, v9  }
0x6bc: {  	s2 =	sshra.s32 s2, $0x1F;
	s1 =	sshra.s32 s1, $0x1F;
	s12 =	sshra.s32 s23, $0xD;
	v58 =	vmov s10;
	v10 =	vsel vm2, s28, v10;
	v9 =	vsel vm2, s20, v9  }
0x6bd: {  	s3 =	sadd.s32 s14, s3;
	s10 =	sshra.s32 s26, $0xD;
	v60 =	vmov s12;
	v11 =	vsel vm1, s17, v58;
	s30 =	sshra.s32 s5, $0xD;
	v9 =	vsel vm14, s1, v9  }
0x6be: {  	s4 =	sadd.s32 s4, s7;
	s7 =	sshra.s32 s5, $0x1F;
	s15 =	sshra.s32 s25, $0xD;
	v10 =	vsel vm5, s31, v10;
	v59 =	vmov s10;
	v9 =	vsel vm5, s30, v9  }
0x6bf: {  	s2 =	smul.u32 $0x14F8B589, s2;
	s28 =	sshrl.u32 s3, $0x1F;
	s9 =	sshra.s32 s3, $0xD;
	v12 =	vsel vm1, s15, v60;
	v11 =	vsel vm2, s19, v11;
	v9 =	vsel vm10, s7, v9  }
0x6c0: {  	s31 =	sshrl.u32 s4, $0x1F;
	s13 =	sshra.s32 s3, $0x1F;
	v10 =	vsel vm0, s28, v10;
	s19 =	sshra.s32 s22, $0xD;
	v11 =	vsel vm5, s0, v11;
	v9 =	vsel vm0, s9, v9  }
0x6c1: {  	s14 =	sshra.s32 s24, $0xD;
	s2 =	sadd.s32 s2, s16;
	s16 =	sshra.s32 s4, $0xD;
	v10 =	vsel vm7, s31, v10;
	v12 =	vsel vm2, s19, v12;
	v9 =	vsel vm11, s13, v9  }
0x6c2: {  	s17 =	sshra.s32 s21, $0xD;
	s8 =	sshrl.u32 s2, $0x1F;
	s20 =	sshra.s32 s4, $0x1F;
	v8 =	vcombine.low v11, v8;
	v11 =	vsel vm1, s14, v59;
	v9 =	vsel vm7, s16, v9  }
0x6c3: {  	s21 =	sshra.s32 s29, $0xD;
	s22 =	sshra.s32 s18, $0xD;
	s23 =	sshra.s32 s2, $0xD;
	v10 =	vsel vm8, s8, v10;
	v11 =	vsel vm2, s17, v11;
	v9 =	vsel vm15, s20, v9  }
0x6c4: {  	s24 =	sshrl.u32 s11, $0x1F;
	s25 =	sshra.s32 s2, $0x1F;
	v12 =	vsel vm5, s22, v12;
	v11 =	vsel vm5, s21, v11;
	v9 =	vsel vm8, s23, v9  }
0x6c5: {  	s26 =	sshra.s32 s11, $0xD;
	v10 =	vsel vm3, s24, v10;
	v11 =	vcombine.low v12, v11;
	v9 =	vsel vm9, s25, v9  }
0x6c6: {  	v8 =	vperm.xlane v8, v0;
	v10 =	vperm.xlane v10, v1;
	v9 =	vsel vm3, s26, v9  }
0x6c7: {  	v4 =	vsel vm6, v4, v7;
	v11 =	vperm.xlane v11, v0;
	v9 =	vperm.xlane v9, v1  }
0x6c8: {  	v4 =	vadd.s32 v5, v4  }
0x6c9: {  	v4 =	vmul.u32 $0x186A0, v4;
	v61 =	vsel vm6, v10, v8;
	v62 =	vsel vm6, v9, v11  }
0x6ca: {  	v5 =	vadd.s32 v61, v62  }
0x6cb: {  	v2 =	vsub.s32 v2, v4;
	v5 =	vmul.u32 $0x186A0, v5  }
0x6cc: {  	v4 =	vadd.s32 $0x186A0, v2  }
0x6cd: {  	vm11 =	vmmov vm15;
	vm15 =	vlt.s32 v2, $0x0;
	v3 =	vsub.s32 v3, v5  }
0x6ce: {  	s28 =	sld [smem:$0x7FA];
	v2 =	vsel vm15, v4, v2;
	vm15 =	vlt.s32 v3, $0x0;
	v63 =	vadd.s32 $0x186A0, v3  }
0x6cf: {  	[tilespmem:$0xA00] =	vst v2;
	v2 =	vsel vm15, v63, v3  }
0x6d0: {  	s29 =	simm.s32 $0xCC00;
	s31 =	simm.s32 $0x20;
	s30 =	rddreg [dreg:$0x2];
	[tilespmem:$0xA10] =	vst v2  }
0x6d1: {  	[tilespmem:s29], [sflag:$0x1] =	stream.indirect.gather [hbm4b:s30+s31], $0x80, s28, s31, $0xb8;
	[tilespmem:$0x10C00] =	vst v63  }
0x6d2: {  	v2 =	vld [tilespmem:$0x1A0];
	_ =	sdelay $0x1  }
0x6d3: {  	v3 =	vld [tilespmem:$0x3A0];
	_ =	sdelay $0x2  }
0x6d4: {  	v2 =	vmul.u32 $0x1F, v2;
	_ =	sdelay $0x1  }
0x6d5: {  	v2 =	vadd.s32 v3, v2  }
0x6d6: {  	(v2sf) =	vpush v2, $0xD;
	_ =	sdelay $0x1  }
0x6d7: {  	(v2sf) =	vpush v2, $0xC;
	_ =	sdelay $0x1  }
0x6d8: {  	(v2sf) =	vpush v2, $0xE;
	_ =	sdelay $0x1  }
0x6d9: {  	(v2sf) =	vpush v2, $0xF;
	_ =	sdelay $0x1  }
0x6da: {  	(v2sf) =	vpush v2, $0x9;
	_ =	sdelay $0x1  }
0x6db: {  	(v2sf) =	vpush v2, $0x8;
	_ =	sdelay $0x1  }
0x6dc: {  	(v2sf) =	vpush v2, $0xA;
	_ =	sdelay $0x1  }
0x6dd: {  	(v2sf) =	vpush v2, $0xB  }
0x6de: {  	s3 =	spop (v2sf)  }
0x6df: {  	(v2sf) =	vpush v2, $0x0;
	s0 =	smulhi.u32 $0x14F8B589, s3;
	s1 =	sshra.s32 s3, $0x1F  }
0x6e0: {  	s4 =	spop (v2sf);
	s17 =	smul.u32 $0x14F8B589, s1  }
0x6e1: {  	(v2sf) =	vpush v2, $0x1;
	s1 =	smulhi.u32 $0x14F8B589, s4;
	s2 =	sshra.s32 s4, $0x1F  }
0x6e2: {  	s5 =	spop (v2sf);
	s18 =	smul.u32 $0x14F8B589, s2  }
0x6e3: {  	(v2sf) =	vpush v2, $0x2;
	s8 =	smulhi.u32 $0x14F8B589, s5;
	s2 =	sshra.s32 s5, $0x1F  }
0x6e4: {  	s6 =	spop (v2sf);
	s4 =	smul.u32 $0x14F8B589, s2  }
0x6e5: {  	(v2sf) =	vpush v2, $0x3;
	s9 =	smulhi.u32 $0x14F8B589, s6;
	s2 =	sshra.s32 s6, $0x1F  }
0x6e6: {  	s7 =	spop (v2sf);
	s14 =	smul.u32 $0x14F8B589, s2  }
0x6e7: {  	(v2sf) =	vpush v2, $0x4;
	s10 =	smulhi.u32 $0x14F8B589, s7;
	s2 =	sshra.s32 s7, $0x1F  }
0x6e8: {  	v3 =	vld [tilespmem:$0x1B0];
	s11 =	spop (v2sf);
	s3 =	smul.u32 $0x14F8B589, s2  }
0x6e9: {  	(v2sf) =	vpush v2, $0x5;
	s20 =	smulhi.u32 $0x14F8B589, s11;
	s2 =	sshra.s32 s11, $0x1F  }
0x6ea: {  	v8 =	vld [tilespmem:$0x3B0];
	s12 =	spop (v2sf);
	s6 =	smul.u32 $0x14F8B589, s2  }
0x6eb: {  	(v2sf) =	vpush v2, $0x6;
	s23 =	smulhi.u32 $0x14F8B589, s12;
	s2 =	sshra.s32 s12, $0x1F  }
0x6ec: {  	s13 =	spop (v2sf);
	s19 =	smul.u32 $0x14F8B589, s2  }
0x6ed: {  	v3 =	vmul.u32 $0x1F, v3;
	(v2sf) =	vpush v2, $0x7;
	s15 =	smulhi.u32 $0x14F8B589, s13;
	s2 =	sshra.s32 s13, $0x1F  }
0x6ee: {  	s0 =	sadd.s32 s17, s0;
	s24 =	smul.u32 $0x14F8B589, s2;
	s16 =	spop (v2sf)  }
0x6ef: {  	v3 =	vadd.s32 v8, v3;
	[smem:$0x7C1] =	sst s0;
	s21 =	smulhi.u32 $0x14F8B589, s16;
	s2 =	sshra.s32 s16, $0x1F  }
0x6f0: {  	(v2sf) =	vpush v3, $0xD;
	s22 =	spop (v2sf);
	s7 =	smul.u32 $0x14F8B589, s2  }
0x6f1: {  	[smem:$0x7B3] =	sst s15;
	s25 =	smulhi.u32 $0x14F8B589, s22;
	s2 =	sshra.s32 s22, $0x1F  }
0x6f2: {  	(v2sf) =	vpush v3, $0xC;
	s26 =	spop (v2sf);
	s5 =	smul.u32 $0x14F8B589, s2  }
0x6f3: {  	[smem:$0x7B4] =	sst s21;
	s28 =	smulhi.u32 $0x14F8B589, s26;
	s2 =	sshra.s32 s26, $0x1F  }
0x6f4: {  	s29 =	spop (v2sf);
	s21 =	smul.u32 $0x14F8B589, s2  }
0x6f5: {  	(v2sf) =	vpush v3, $0xE;
	[smem:$0x7B5] =	sst s25;
	s30 =	smulhi.u32 $0x14F8B589, s29;
	s2 =	sshra.s32 s29, $0x1F  }
0x6f6: {  	s31 =	spop (v2sf);
	s16 =	smul.u32 $0x14F8B589, s2  }
0x6f7: {  	[smem:$0x7B6] =	sst s28;
	s12 =	smulhi.u32 $0x14F8B589, s31;
	s2 =	sshra.s32 s31, $0x1F  }
0x6f8: {  	(v2sf) =	vpush v3, $0xF;
	s13 =	spop (v2sf);
	s15 =	smul.u32 $0x14F8B589, s2  }
0x6f9: {  	(v2sf) =	vpush v3, $0x9;
	[smem:$0x7B7] =	sst s30;
	s22 =	smulhi.u32 $0x14F8B589, s13;
	s2 =	sshra.s32 s13, $0x1F  }
0x6fa: {  	s25 =	spop (v2sf);
	s13 =	smul.u32 $0x14F8B589, s2  }
0x6fb: {  	[smem:$0x7B8] =	sst s12;
	s26 =	smulhi.u32 $0x14F8B589, s25;
	s2 =	sshra.s32 s25, $0x1F  }
0x6fc: {  	s28 =	spop (v2sf);
	s12 =	smul.u32 $0x14F8B589, s2  }
0x6fd: {  	(v2sf) =	vpush v3, $0x8;
	[smem:$0x7B9] =	sst s22;
	s29 =	smulhi.u32 $0x14F8B589, s28;
	s2 =	sshra.s32 s28, $0x1F  }
0x6fe: {  	s28 =	sadd.s32 s18, s1;
	s18 =	sadd.s32 s3, s10;
	s3 =	sld [smem:$0x7B3]  }
0x6ff: {  	s11 =	smul.u32 $0x14F8B589, s2;
	s30 =	spop (v2sf)  }
0x700: {  	(v2sf) =	vpush v3, $0xA;
	[smem:$0x7BA] =	sst s26;
	s31 =	smulhi.u32 $0x14F8B589, s30;
	s2 =	sshra.s32 s30, $0x1F  }
0x701: {  	s25 =	spop (v2sf);
	s22 =	smul.u32 $0x14F8B589, s2  }
0x702: {  	(v2sf) =	vpush v3, $0xB;
	[smem:$0x7BB] =	sst s29;
	s26 =	smulhi.u32 $0x14F8B589, s25  }
0x703: {  	s2 =	sshra.s32 s25, $0x1F;
	s25 =	sadd.s32 s4, s8;
	s4 =	sld [smem:$0x7B4]  }
0x704: {  	s30 =	spop (v2sf);
	s8 =	sld [smem:$0x7B5]  }
0x705: {  	s17 =	sadd.s32 s6, s20;
	[smem:$0x7BC] =	sst s31;
	s29 =	smul.u32 $0x14F8B589, s2  }
0x706: {  	s19 =	sadd.s32 s19, s23;
	s31 =	smulhi.u32 $0x14F8B589, s30;
	[smem:$0x7BD] =	sst s22  }
0x707: {  	s0 =	sshra.s32 s30, $0x1F;
	s1 =	spop (v2sf);
	[smem:$0x7BE] =	sst s26  }
0x708: {  	s24 =	sadd.s32 s24, s3;
	s26 =	smul.u32 $0x14F8B589, s0;
	s2 =	spop (v2sf)  }
0x709: {  	s0 =	sshra.s32 s1, $0x1F;
	[smem:$0x7BF] =	sst s29;
	s29 =	smulhi.u32 $0x14F8B589, s1  }
0x70a: {  	s22 =	sadd.s32 s14, s9;
	s9 =	sld [smem:$0x7B6];
	s20 =	smul.u32 $0x14F8B589, s0  }
0x70b: {  	(v2sf) =	vpush v3, $0x0;
	[smem:$0x7C0] =	sst s31;
	s23 =	smulhi.u32 $0x14F8B589, s2;
	s0 =	sshra.s32 s2, $0x1F  }
0x70c: {  	s7 =	sadd.s32 s7, s4;
	s6 =	spop (v2sf);
	s31 =	sld [smem:$0x7B7]  }
0x70d: {  	s5 =	sadd.s32 s5, s8;
	s2 =	sld [smem:$0x7B8];
	s14 =	smul.u32 $0x14F8B589, s0  }
0x70e: {  	(v2sf) =	vpush v3, $0x1;
	s4 =	sld [smem:$0x7B9];
	s10 =	smulhi.u32 $0x14F8B589, s6;
	s0 =	sshra.s32 s6, $0x1F  }
0x70f: {  	s30 =	spop (v2sf);
	s21 =	sadd.s32 s21, s9;
	s9 =	smul.u32 $0x14F8B589, s0  }
0x710: {  	s1 =	sld [smem:$0x7BC];
	s8 =	smulhi.u32 $0x14F8B589, s30;
	s0 =	sshra.s32 s30, $0x1F  }
0x711: {  	s3 =	spop (v2sf);
	s30 =	sld [smem:$0x7BA];
	s29 =	sadd.s32 s20, s29  }
0x712: {  	(v2sf) =	vpush v3, $0x2;
	s16 =	sadd.s32 s16, s31;
	s15 =	sadd.s32 s15, s2;
	s6 =	smul.u32 $0x14F8B589, s0  }
0x713: {  	s13 =	sadd.s32 s13, s4;
	s2 =	sld [smem:$0x7BB];
	s14 =	sadd.s32 s14, s23  }
0x714: {  	s4 =	smulhi.u32 $0x14F8B589, s3;
	s0 =	sshra.s32 s3, $0x1F;
	[smem:$0x7C5] =	sst s14  }
0x715: {  	s23 =	sshrl.u32 s22, $0x1F;
	s9 =	sadd.s32 s9, s10;
	s10 =	sld [smem:$0x7C1]  }
0x716: {  	s3 =	smul.u32 $0x14F8B589, s0;
	s12 =	sadd.s32 s12, s30;
	s30 =	sld [smem:$0x7BD]  }
0x717: {  	[smem:$0x7C6] =	sst s9;
	s6 =	sadd.s32 s6, s8;
	s11 =	sadd.s32 s11, s2  }
0x718: {  	[smem:$0x7C7] =	sst s6;
	s3 =	sadd.s32 s3, s4;
	s4 =	sshrl.u32 s28, $0x1F  }
0x719: {  	s28 =	sshra.s32 s28, $0xD;
	[smem:$0x7C8] =	sst s3;
	s8 =	sshra.s32 s10, $0xD  }
0x71a: {  	s1 =	sadd.s32 s30, s1;
	s30 =	sld [smem:$0x7BF];
	s31 =	spop (v2sf)  }
0x71b: {  	s2 =	smulhi.u32 $0x14F8B589, s31;
	s0 =	sshra.s32 s31, $0x1F;
	s31 =	sld [smem:$0x7BE]  }
0x71c: {  	s14 =	sshra.s32 s11, $0x1F;
	[smem:$0x7C2] =	sst s1;
	s1 =	smul.u32 $0x14F8B589, s0  }
0x71d: {  	s3 =	sshra.s32 s17, $0xD;
	v9 =	vmov s14;
	s14 =	sshrl.u32 s5, $0x1F;
	s0 =	spop (v2sf)  }
0x71e: {  	(v2sf) =	vpush v3, $0x3;
	s31 =	sadd.s32 s30, s31;
	s30 =	sld [smem:$0x7C0];
	s9 =	sadd.s32 s1, s2  }
0x71f: {  	(v2sf) =	vpush v3, $0x4;
	s2 =	sshrl.u32 s10, $0x1F;
	s10 =	sshra.s32 s22, $0xD;
	s22 =	sshra.s32 s18, $0xD  }
0x720: {  	(v2sf) =	vpush v3, $0x5;
	[smem:$0x7C3] =	sst s31;
	s31 =	smulhi.u32 $0x14F8B589, s0;
	s0 =	sshra.s32 s0, $0x1F  }
0x721: {  	(v2sf) =	vpush v3, $0x6;
	v10 =	vmov s4;
	s0 =	smul.u32 $0x14F8B589, s0;
	s26 =	sadd.s32 s26, s30;
	s30 =	spop (v2sf)  }
0x722: {  	(v2sf) =	vpush v3, $0x7;
	v5 =	vsel vm1, s2, v10;
	s2 =	sshrl.u32 s16, $0x1F;
	[smem:$0x7C4] =	sst s26;
	s20 =	smulhi.u32 $0x14F8B589, s30  }
0x723: {  	s26 =	sshra.s32 s30, $0x1F;
	s6 =	sadd.s32 s0, s31;
	s31 =	sshrl.u32 s24, $0x1F  }
0x724: {  	s0 =	sshra.s32 s7, $0xD;
	s30 =	smul.u32 $0x14F8B589, s26;
	s26 =	sshrl.u32 s18, $0x1F  }
0x725: {  	v13 =	vmov s28;
	v14 =	vmov s3;
	s18 =	sshra.s32 s24, $0xD;
	s24 =	sshrl.u32 s7, $0x1F;
	s7 =	sshra.s32 s7, $0x1F  }
0x726: {  	v8 =	vsel vm1, s8, v13;
	v4 =	vsel vm4, s0, v9;
	s0 =	sshra.s32 s5, $0xD;
	v9 =	vsel vm1, s22, v14;
	s22 =	sld [smem:$0x7C7];
	s8 =	sshrl.u32 s6, $0x1F  }
0x727: {  	v11 =	vmov s24;
	v4 =	vsel vm12, s7, v4;
	s24 =	sshra.s32 s5, $0x1F;
	s5 =	sshrl.u32 s21, $0x1F;
	s7 =	sshra.s32 s21, $0xD  }
0x728: {  	s1 =	sadd.s32 s30, s20;
	s20 =	sshrl.u32 s25, $0x1F;
	s25 =	sshra.s32 s25, $0xD  }
0x729: {  	s30 =	sshrl.u32 s17, $0x1F;
	s17 =	sshrl.u32 s19, $0x1F;
	s19 =	sshra.s32 s19, $0xD;
	v6 =	vnsel vm4, $0x0, v11  }
0x72a: {  	v4 =	vsel vm1, s0, v4;
	s0 =	sshra.s32 s21, $0x1F;
	s21 =	sshra.s32 s16, $0xD;
	v5 =	vsel vm2, s20, v5;
	v6 =	vsel vm1, s14, v6;
	s14 =	sshra.s32 s16, $0x1F  }
0x72b: {  	v4 =	vsel vm13, s24, v4;
	s24 =	sshrl.u32 s15, $0x1F;
	s16 =	sshra.s32 s15, $0xD;
	v12 =	vmov s30;
	v8 =	vsel vm2, s25, v8;
	s25 =	sld [smem:$0x7C5]  }
0x72c: {  	v9 =	vsel vm2, s19, v9;
	s19 =	sshrl.u32 s22, $0x1F;
	v6 =	vsel vm2, s5, v6;
	v4 =	vsel vm2, s7, v4;
	s5 =	sshra.s32 s15, $0x1F;
	s7 =	sshrl.u32 s13, $0x1F  }
0x72d: {  	v5 =	vsel vm5, s23, v5;
	s15 =	spop (v2sf);
	v7 =	vsel vm1, s26, v12;
	s23 =	sshra.s32 s12, $0xD;
	s26 =	sshrl.u32 s11, $0x1F  }
0x72e: {  	v9 =	vsel vm5, s18, v9;
	s18 =	sld [smem:$0x7C8];
	v4 =	vsel vm14, s0, v4;
	s0 =	sshra.s32 s13, $0xD;
	s20 =	spop (v2sf)  }
0x72f: {  	vm15 =	vcmask $0x1F1C;
	v6 =	vsel vm5, s2, v6;
	s13 =	sshra.s32 s13, $0x1F;
	v4 =	vsel vm5, s21, v4;
	s4 =	spop (v2sf);
	s21 =	sld [smem:$0x7C4]  }
0x730: {  	vm10 =	vmmov vm7;
	v6 =	vsel vm0, s24, v6;
	s24 =	sshrl.u32 s12, $0x1F;
	s3 =	smulhi.u32 $0x14F8B589, s20;
	v4 =	vsel vm15, s14, v4;
	s2 =	spop (v2sf)  }
0x731: {  	v7 =	vsel vm2, s17, v7;
	v6 =	vsel vm10, s7, v6;
	s7 =	sshra.s32 s12, $0x1F;
	v4 =	vsel vm0, s16, v4;
	s16 =	smulhi.u32 $0x14F8B589, s15;
	s30 =	spop (v2sf)  }
0x732: {  	vm9 =	vcmask $0x2724;
	v7 =	vsel vm5, s31, v7;
	s12 =	sshra.s32 s15, $0x1F;
	v6 =	vsel vm8, s24, v6;
	s24 =	sld [smem:$0x7C2];
	s31 =	smulhi.u32 $0x14F8B589, s30  }
0x733: {  	v8 =	vsel vm5, s10, v8;
	s14 =	sshra.s32 s11, $0xD;
	v4 =	vsel vm9, s5, v4;
	s11 =	sshra.s32 s30, $0x1F;
	s5 =	smul.u32 $0x14F8B589, s12  }
0x734: {  	v15 =	vcombine.low v9, v8;
	s17 =	sshrl.u32 s25, $0x1F;
	v5 =	vcombine.low v7, v5;
	v6 =	vsel vm3, s26, v6;
	s26 =	sld [smem:$0x7C3];
	s11 =	smul.u32 $0x14F8B589, s11  }
0x735: {  	vm7 =	vmmov vm4;
	vm4 =	vmmov vm10;
	s15 =	sshrl.u32 s29, $0x1F;
	v4 =	vsel vm10, s0, v4;
	s0 =	sshrl.u32 s18, $0x1F;
	s28 =	sshrl.u32 s24, $0x1F  }
0x736: {  	v7 =	vperm.xlane v15, v0;
	v5 =	vperm.xlane v5, v0;
	v4 =	vsel vm11, s13, v4;
	s13 =	sshrl.u32 s21, $0x1F;
	s5 =	sadd.s32 s5, s16;
	s11 =	sadd.s32 s11, s31  }
0x737: {  	vm10 =	vcmask $0x3734;
	v6 =	vperm.xlane v6, v1;
	s16 =	sshra.s32 s20, $0x1F;
	s30 =	sshrl.u32 s26, $0x1F;
	v4 =	vsel vm8, s23, v4;
	s12 =	sshra.s32 s11, $0x1F  }
0x738: {  	s20 =	sshra.s32 s9, $0xD;
	s23 =	sld [smem:$0x7C6];
	s31 =	sshrl.u32 s9, $0x1F;
	v4 =	vsel vm10, s7, v4;
	v16 =	vmov s30;
	v17 =	vmov s12  }
0x739: {  	s9 =	sshra.s32 s9, $0x1F;
	v18 =	vmov s31;
	s7 =	smulhi.u32 $0x14F8B589, s4;
	s4 =	sshra.s32 s4, $0x1F;
	v4 =	vsel vm3, s14, v4;
	v9 =	vsel vm7, s20, v17  }
0x73a: {  	s30 =	sshra.s32 s6, $0xD;
	s31 =	sshrl.u32 s5, $0x1F;
	v8 =	vsel vm1, s28, v16;
	s14 =	smul.u32 $0x14F8B589, s16;
	v10 =	vnsel vm7, $0x0, v18;
	v9 =	vsel vm12, s9, v9  }
0x73b: {  	s6 =	sshra.s32 s6, $0x1F;
	s28 =	sshrl.u32 s1, $0x1F;
	s4 =	smul.u32 $0x14F8B589, s4;
	v4 =	vperm.xlane v4, v1;
	v8 =	vsel vm2, s13, v8;
	v9 =	vsel vm1, s30, v9  }
0x73c: {  	s16 =	smulhi.u32 $0x14F8B589, s2;
	s10 =	sshrl.u32 s23, $0x1F;
	v10 =	vsel vm1, s8, v10;
	s20 =	sshra.s32 s1, $0xD;
	v8 =	vsel vm5, s15, v8;
	v9 =	vsel vm13, s6, v9  }
0x73d: {  	s2 =	sshra.s32 s2, $0x1F;
	s1 =	sshra.s32 s1, $0x1F;
	s12 =	sshra.s32 s23, $0xD;
	v19 =	vmov s10;
	v10 =	vsel vm2, s28, v10;
	v9 =	vsel vm2, s20, v9  }
0x73e: {  	s3 =	sadd.s32 s14, s3;
	s10 =	sshra.s32 s26, $0xD;
	v21 =	vmov s12;
	v11 =	vsel vm1, s17, v19;
	s30 =	sshra.s32 s5, $0xD;
	v9 =	vsel vm14, s1, v9  }
0x73f: {  	s4 =	sadd.s32 s4, s7;
	s7 =	sshra.s32 s5, $0x1F;
	s15 =	sshra.s32 s25, $0xD;
	v10 =	vsel vm5, s31, v10;
	v20 =	vmov s10;
	v9 =	vsel vm5, s30, v9  }
0x740: {  	s2 =	smul.u32 $0x14F8B589, s2;
	s28 =	sshrl.u32 s3, $0x1F;
	s9 =	sshra.s32 s3, $0xD;
	v12 =	vsel vm1, s15, v21;
	v11 =	vsel vm2, s19, v11;
	v9 =	vsel vm15, s7, v9  }
0x741: {  	s31 =	sshrl.u32 s4, $0x1F;
	s13 =	sshra.s32 s3, $0x1F;
	v10 =	vsel vm0, s28, v10;
	s19 =	sshra.s32 s22, $0xD;
	v11 =	vsel vm5, s0, v11;
	v9 =	vsel vm0, s9, v9  }
0x742: {  	s14 =	sshra.s32 s24, $0xD;
	s2 =	sadd.s32 s2, s16;
	s16 =	sshra.s32 s4, $0xD;
	v10 =	vsel vm4, s31, v10;
	v12 =	vsel vm2, s19, v12;
	v9 =	vsel vm9, s13, v9  }
0x743: {  	s17 =	sshra.s32 s21, $0xD;
	s8 =	sshrl.u32 s2, $0x1F;
	s20 =	sshra.s32 s4, $0x1F;
	v8 =	vcombine.low v11, v8;
	v11 =	vsel vm1, s14, v20;
	v9 =	vsel vm4, s16, v9  }
0x744: {  	s21 =	sshra.s32 s29, $0xD;
	s22 =	sshra.s32 s18, $0xD;
	s23 =	sshra.s32 s2, $0xD;
	v10 =	vsel vm8, s8, v10;
	v11 =	vsel vm2, s17, v11;
	v9 =	vsel vm11, s20, v9  }
0x745: {  	s24 =	sshrl.u32 s11, $0x1F;
	s25 =	sshra.s32 s2, $0x1F;
	v12 =	vsel vm5, s22, v12;
	v11 =	vsel vm5, s21, v11;
	v9 =	vsel vm8, s23, v9  }
0x746: {  	s26 =	sshra.s32 s11, $0xD;
	v10 =	vsel vm3, s24, v10;
	v11 =	vcombine.low v12, v11;
	v9 =	vsel vm10, s25, v9  }
0x747: {  	v8 =	vperm.xlane v8, v0;
	v10 =	vperm.xlane v10, v1;
	v9 =	vsel vm3, s26, v9  }
0x748: {  	v11 =	vperm.xlane v11, v0;
	v9 =	vperm.xlane v9, v1  }
0x749: {  	v5 =	vsel vm6, v6, v5;
	v4 =	vsel vm6, v4, v7  }
0x74a: {  	v4 =	vadd.s32 v5, v4;
	v22 =	vsel vm6, v10, v8;
	v23 =	vsel vm6, v9, v11  }
0x74b: {  	v4 =	vmul.u32 $0x186A0, v4;
	v5 =	vadd.s32 v22, v23  }
0x74c: {  	v5 =	vmul.u32 $0x186A0, v5  }
0x74d: {  	v2 =	vsub.s32 v2, v4  }
0x74e: {  	v4 =	vadd.s32 $0x186A0, v2;
	vm9 =	vlt.s32 v2, $0x0;
	v3 =	vsub.s32 v3, v5  }
0x74f: {  	s28 =	sld [smem:$0x7FB];
	v2 =	vsel vm9, v4, v2;
	vm9 =	vlt.s32 v3, $0x0;
	v24 =	vadd.s32 $0x186A0, v3  }
0x750: {  	[tilespmem:$0xA80] =	vst v2;
	v2 =	vsel vm9, v24, v3  }
0x751: {  	s29 =	simm.s32 $0xDC00;
	s31 =	simm.s32 $0x20;
	s30 =	rddreg [dreg:$0x2];
	[tilespmem:$0xA90] =	vst v2  }
0x752: {  	[tilespmem:s29], [sflag:$0x1] =	stream.indirect.gather [hbm4b:s30+s31], $0x80, s28, s31, $0xb8;
	[tilespmem:$0x10C00] =	vst v63  }
0x753: {  	v2 =	vld [tilespmem:$0x1C0];
	_ =	sdelay $0x1  }
0x754: {  	v3 =	vld [tilespmem:$0x3C0];
	_ =	sdelay $0x2  }
0x755: {  	v2 =	vmul.u32 $0x1F, v2;
	_ =	sdelay $0x1  }
0x756: {  	v2 =	vadd.s32 v3, v2  }
0x757: {  	(v2sf) =	vpush v2, $0xD;
	_ =	sdelay $0x1  }
0x758: {  	(v2sf) =	vpush v2, $0xC;
	_ =	sdelay $0x1  }
0x759: {  	(v2sf) =	vpush v2, $0xE;
	_ =	sdelay $0x1  }
0x75a: {  	(v2sf) =	vpush v2, $0xF;
	_ =	sdelay $0x1  }
0x75b: {  	(v2sf) =	vpush v2, $0x9;
	_ =	sdelay $0x1  }
0x75c: {  	(v2sf) =	vpush v2, $0x8;
	_ =	sdelay $0x1  }
0x75d: {  	(v2sf) =	vpush v2, $0xA;
	_ =	sdelay $0x1  }
0x75e: {  	(v2sf) =	vpush v2, $0xB  }
0x75f: {  	s3 =	spop (v2sf)  }
0x760: {  	(v2sf) =	vpush v2, $0x0;
	s0 =	smulhi.u32 $0x14F8B589, s3;
	s1 =	sshra.s32 s3, $0x1F  }
0x761: {  	s4 =	spop (v2sf);
	s17 =	smul.u32 $0x14F8B589, s1  }
0x762: {  	(v2sf) =	vpush v2, $0x1;
	s1 =	smulhi.u32 $0x14F8B589, s4;
	s2 =	sshra.s32 s4, $0x1F  }
0x763: {  	s5 =	spop (v2sf);
	s18 =	smul.u32 $0x14F8B589, s2  }
0x764: {  	(v2sf) =	vpush v2, $0x2;
	s8 =	smulhi.u32 $0x14F8B589, s5;
	s2 =	sshra.s32 s5, $0x1F  }
0x765: {  	s6 =	spop (v2sf);
	s4 =	smul.u32 $0x14F8B589, s2  }
0x766: {  	(v2sf) =	vpush v2, $0x3;
	s9 =	smulhi.u32 $0x14F8B589, s6;
	s2 =	sshra.s32 s6, $0x1F  }
0x767: {  	s7 =	spop (v2sf);
	s14 =	smul.u32 $0x14F8B589, s2  }
0x768: {  	(v2sf) =	vpush v2, $0x4;
	s10 =	smulhi.u32 $0x14F8B589, s7;
	s2 =	sshra.s32 s7, $0x1F  }
0x769: {  	v3 =	vld [tilespmem:$0x1D0];
	s11 =	spop (v2sf);
	s3 =	smul.u32 $0x14F8B589, s2  }
0x76a: {  	(v2sf) =	vpush v2, $0x5;
	s20 =	smulhi.u32 $0x14F8B589, s11;
	s2 =	sshra.s32 s11, $0x1F  }
0x76b: {  	v25 =	vld [tilespmem:$0x3D0];
	s12 =	spop (v2sf);
	s6 =	smul.u32 $0x14F8B589, s2  }
0x76c: {  	(v2sf) =	vpush v2, $0x6;
	s23 =	smulhi.u32 $0x14F8B589, s12;
	s2 =	sshra.s32 s12, $0x1F  }
0x76d: {  	s13 =	spop (v2sf);
	s19 =	smul.u32 $0x14F8B589, s2  }
0x76e: {  	v3 =	vmul.u32 $0x1F, v3;
	(v2sf) =	vpush v2, $0x7;
	s15 =	smulhi.u32 $0x14F8B589, s13;
	s2 =	sshra.s32 s13, $0x1F  }
0x76f: {  	s0 =	sadd.s32 s17, s0;
	s24 =	smul.u32 $0x14F8B589, s2;
	s16 =	spop (v2sf)  }
0x770: {  	v3 =	vadd.s32 v25, v3;
	[smem:$0x7D7] =	sst s0;
	s21 =	smulhi.u32 $0x14F8B589, s16;
	s2 =	sshra.s32 s16, $0x1F  }
0x771: {  	(v2sf) =	vpush v3, $0xD;
	s22 =	spop (v2sf);
	s7 =	smul.u32 $0x14F8B589, s2  }
0x772: {  	[smem:$0x7C9] =	sst s15;
	s25 =	smulhi.u32 $0x14F8B589, s22;
	s2 =	sshra.s32 s22, $0x1F  }
0x773: {  	(v2sf) =	vpush v3, $0xC;
	s26 =	spop (v2sf);
	s5 =	smul.u32 $0x14F8B589, s2  }
0x774: {  	[smem:$0x7CA] =	sst s21;
	s28 =	smulhi.u32 $0x14F8B589, s26;
	s2 =	sshra.s32 s26, $0x1F  }
0x775: {  	s29 =	spop (v2sf);
	s21 =	smul.u32 $0x14F8B589, s2  }
0x776: {  	(v2sf) =	vpush v3, $0xE;
	[smem:$0x7CB] =	sst s25;
	s30 =	smulhi.u32 $0x14F8B589, s29;
	s2 =	sshra.s32 s29, $0x1F  }
0x777: {  	s31 =	spop (v2sf);
	s16 =	smul.u32 $0x14F8B589, s2  }
0x778: {  	[smem:$0x7CC] =	sst s28;
	s12 =	smulhi.u32 $0x14F8B589, s31;
	s2 =	sshra.s32 s31, $0x1F  }
0x779: {  	(v2sf) =	vpush v3, $0xF;
	s13 =	spop (v2sf);
	s15 =	smul.u32 $0x14F8B589, s2  }
0x77a: {  	(v2sf) =	vpush v3, $0x9;
	[smem:$0x7CD] =	sst s30;
	s22 =	smulhi.u32 $0x14F8B589, s13;
	s2 =	sshra.s32 s13, $0x1F  }
0x77b: {  	s25 =	spop (v2sf);
	s13 =	smul.u32 $0x14F8B589, s2  }
0x77c: {  	[smem:$0x7CE] =	sst s12;
	s26 =	smulhi.u32 $0x14F8B589, s25;
	s2 =	sshra.s32 s25, $0x1F  }
0x77d: {  	s28 =	spop (v2sf);
	s12 =	smul.u32 $0x14F8B589, s2  }
0x77e: {  	(v2sf) =	vpush v3, $0x8;
	[smem:$0x7CF] =	sst s22;
	s29 =	smulhi.u32 $0x14F8B589, s28;
	s2 =	sshra.s32 s28, $0x1F  }
0x77f: {  	s28 =	sadd.s32 s18, s1;
	s18 =	sadd.s32 s3, s10;
	s3 =	sld [smem:$0x7C9]  }
0x780: {  	s11 =	smul.u32 $0x14F8B589, s2;
	s30 =	spop (v2sf)  }
0x781: {  	(v2sf) =	vpush v3, $0xA;
	[smem:$0x7D0] =	sst s26;
	s31 =	smulhi.u32 $0x14F8B589, s30;
	s2 =	sshra.s32 s30, $0x1F  }
0x782: {  	s25 =	spop (v2sf);
	s22 =	smul.u32 $0x14F8B589, s2  }
0x783: {  	(v2sf) =	vpush v3, $0xB;
	[smem:$0x7D1] =	sst s29;
	s26 =	smulhi.u32 $0x14F8B589, s25  }
0x784: {  	s2 =	sshra.s32 s25, $0x1F;
	s25 =	sadd.s32 s4, s8;
	s4 =	sld [smem:$0x7CA]  }
0x785: {  	s30 =	spop (v2sf);
	s8 =	sld [smem:$0x7CB]  }
0x786: {  	s17 =	sadd.s32 s6, s20;
	[smem:$0x7D2] =	sst s31;
	s29 =	smul.u32 $0x14F8B589, s2  }
0x787: {  	s19 =	sadd.s32 s19, s23;
	s31 =	smulhi.u32 $0x14F8B589, s30;
	[smem:$0x7D3] =	sst s22  }
0x788: {  	s0 =	sshra.s32 s30, $0x1F;
	s1 =	spop (v2sf);
	[smem:$0x7D4] =	sst s26  }
0x789: {  	s24 =	sadd.s32 s24, s3;
	s26 =	smul.u32 $0x14F8B589, s0;
	s2 =	spop (v2sf)  }
0x78a: {  	s0 =	sshra.s32 s1, $0x1F;
	[smem:$0x7D5] =	sst s29;
	s29 =	smulhi.u32 $0x14F8B589, s1  }
0x78b: {  	s22 =	sadd.s32 s14, s9;
	s9 =	sld [smem:$0x7CC];
	s20 =	smul.u32 $0x14F8B589, s0  }
0x78c: {  	(v2sf) =	vpush v3, $0x0;
	[smem:$0x7D6] =	sst s31;
	s23 =	smulhi.u32 $0x14F8B589, s2;
	s0 =	sshra.s32 s2, $0x1F  }
0x78d: {  	s7 =	sadd.s32 s7, s4;
	s6 =	spop (v2sf);
	s31 =	sld [smem:$0x7CD]  }
0x78e: {  	s5 =	sadd.s32 s5, s8;
	s2 =	sld [smem:$0x7CE];
	s14 =	smul.u32 $0x14F8B589, s0  }
0x78f: {  	s4 =	sld [smem:$0x7CF];
	s10 =	smulhi.u32 $0x14F8B589, s6;
	s0 =	sshra.s32 s6, $0x1F  }
0x790: {  	(v2sf) =	vpush v3, $0x1;
	s30 =	spop (v2sf);
	s21 =	sadd.s32 s21, s9;
	s9 =	smul.u32 $0x14F8B589, s0  }
0x791: {  	s1 =	sld [smem:$0x7D2];
	s8 =	smulhi.u32 $0x14F8B589, s30;
	s0 =	sshra.s32 s30, $0x1F  }
0x792: {  	s3 =	spop (v2sf);
	s30 =	sld [smem:$0x7D0];
	s29 =	sadd.s32 s20, s29  }
0x793: {  	s16 =	sadd.s32 s16, s31;
	s15 =	sadd.s32 s15, s2;
	s6 =	smul.u32 $0x14F8B589, s0  }
0x794: {  	(v2sf) =	vpush v3, $0x2;
	s13 =	sadd.s32 s13, s4;
	s2 =	sld [smem:$0x7D1];
	s14 =	sadd.s32 s14, s23  }
0x795: {  	s4 =	smulhi.u32 $0x14F8B589, s3;
	s0 =	sshra.s32 s3, $0x1F;
	[smem:$0x7DB] =	sst s14  }
0x796: {  	s23 =	sshrl.u32 s22, $0x1F;
	s9 =	sadd.s32 s9, s10;
	s10 =	sld [smem:$0x7D7]  }
0x797: {  	s3 =	smul.u32 $0x14F8B589, s0;
	s12 =	sadd.s32 s12, s30;
	s30 =	sld [smem:$0x7D3]  }
0x798: {  	[smem:$0x7DC] =	sst s9;
	s6 =	sadd.s32 s6, s8;
	s11 =	sadd.s32 s11, s2  }
0x799: {  	[smem:$0x7DD] =	sst s6;
	s3 =	sadd.s32 s3, s4;
	s4 =	sshrl.u32 s28, $0x1F  }
0x79a: {  	s28 =	sshra.s32 s28, $0xD;
	[smem:$0x7DE] =	sst s3;
	s8 =	sshra.s32 s10, $0xD  }
0x79b: {  	s1 =	sadd.s32 s30, s1;
	s30 =	sld [smem:$0x7D5];
	s31 =	spop (v2sf)  }
0x79c: {  	s2 =	smulhi.u32 $0x14F8B589, s31;
	s0 =	sshra.s32 s31, $0x1F;
	s31 =	sld [smem:$0x7D4]  }
0x79d: {  	s3 =	sshra.s32 s17, $0xD;
	s14 =	sshra.s32 s11, $0x1F;
	v27 =	vmov s4;
	s4 =	sshrl.u32 s15, $0x1F  }
0x79e: {  	(v2sf) =	vpush v3, $0x3;
	v26 =	vmov s14;
	s14 =	sshrl.u32 s5, $0x1F;
	[smem:$0x7D8] =	sst s1;
	s1 =	smul.u32 $0x14F8B589, s0  }
0x79f: {  	(v2sf) =	vpush v3, $0x4;
	s0 =	spop (v2sf);
	s31 =	sadd.s32 s30, s31;
	s30 =	sld [smem:$0x7D6]  }
0x7a0: {  	s9 =	sadd.s32 s1, s2;
	s2 =	sshrl.u32 s10, $0x1F;
	s10 =	sshra.s32 s22, $0xD  }
0x7a1: {  	v31 =	vmov s3;
	s22 =	sshra.s32 s18, $0xD;
	[smem:$0x7D9] =	sst s31;
	s31 =	smulhi.u32 $0x14F8B589, s0  }
0x7a2: {  	(v2sf) =	vpush v3, $0x5;
	s0 =	sshra.s32 s0, $0x1F;
	v5 =	vsel vm1, s2, v27;
	s2 =	sshrl.u32 s16, $0x1F;
	v9 =	vsel vm1, s22, v31;
	s22 =	sld [smem:$0x7DD]  }
0x7a3: {  	(v2sf) =	vpush v3, $0x6;
	s0 =	smul.u32 $0x14F8B589, s0;
	s26 =	sadd.s32 s26, s30;
	s30 =	spop (v2sf)  }
0x7a4: {  	(v2sf) =	vpush v3, $0x7;
	[smem:$0x7DA] =	sst s26;
	s20 =	smulhi.u32 $0x14F8B589, s30;
	s26 =	sshra.s32 s30, $0x1F  }
0x7a5: {  	s6 =	sadd.s32 s0, s31;
	s31 =	sshrl.u32 s24, $0x1F;
	s0 =	sshra.s32 s7, $0xD  }
0x7a6: {  	s30 =	smul.u32 $0x14F8B589, s26;
	s26 =	sshrl.u32 s18, $0x1F;
	s18 =	sshra.s32 s24, $0xD  }
0x7a7: {  	v30 =	vmov s28;
	s24 =	sshrl.u32 s7, $0x1F;
	v4 =	vsel vm7, s0, v26;
	s7 =	sshra.s32 s7, $0x1F;
	s0 =	sshra.s32 s5, $0xD  }
0x7a8: {  	v8 =	vsel vm1, s8, v30;
	s5 =	sshra.s32 s5, $0x1F;
	s8 =	sshrl.u32 s6, $0x1F;
	v4 =	vsel vm12, s7, v4;
	s7 =	sshrl.u32 s21, $0x1F  }
0x7a9: {  	v28 =	vmov s24;
	s24 =	sshra.s32 s21, $0xD;
	s1 =	sadd.s32 s30, s20;
	s20 =	sshrl.u32 s25, $0x1F  }
0x7aa: {  	s25 =	sshra.s32 s25, $0xD;
	s30 =	sshrl.u32 s17, $0x1F;
	s17 =	sshrl.u32 s19, $0x1F  }
0x7ab: {  	vm10 =	vmmov vm12;
	s19 =	sshra.s32 s19, $0xD;
	v4 =	vsel vm1, s0, v4;
	v6 =	vnsel vm7, $0x0, v28;
	s0 =	sshra.s32 s21, $0x1F;
	s21 =	sshra.s32 s16, $0xD  }
0x7ac: {  	v5 =	vsel vm2, s20, v5;
	v6 =	vsel vm1, s14, v6;
	v4 =	vsel vm13, s5, v4;
	s14 =	sshra.s32 s16, $0x1F;
	s16 =	sshra.s32 s15, $0xD;
	s5 =	sshra.s32 s15, $0x1F  }
0x7ad: {  	s15 =	spop (v2sf);
	v29 =	vmov s30;
	s30 =	sshrl.u32 s12, $0x1F;
	v8 =	vsel vm2, s25, v8;
	s25 =	sld [smem:$0x7DB];
	v9 =	vsel vm2, s19, v9  }
0x7ae: {  	s19 =	sshrl.u32 s22, $0x1F;
	v5 =	vsel vm5, s23, v5;
	v6 =	vsel vm2, s7, v6;
	v4 =	vsel vm2, s24, v4;
	s24 =	sshrl.u32 s13, $0x1F;
	s20 =	spop (v2sf)  }
0x7af: {  	s23 =	sshra.s32 s12, $0xD;
	s7 =	sshra.s32 s12, $0x1F;
	v9 =	vsel vm5, s18, v9;
	s18 =	sld [smem:$0x7DE];
	v6 =	vsel vm5, s2, v6;
	v4 =	vsel vm14, s0, v4  }
0x7b0: {  	v7 =	vsel vm1, s26, v29;
	s0 =	sshra.s32 s13, $0xD;
	s13 =	sshra.s32 s13, $0x1F;
	s3 =	smulhi.u32 $0x14F8B589, s20;
	v6 =	vsel vm0, s4, v6;
	v4 =	vsel vm5, s21, v4  }
0x7b1: {  	v7 =	vsel vm2, s17, v7;
	s4 =	spop (v2sf);
	s21 =	sld [smem:$0x7DA];
	s17 =	sshrl.u32 s25, $0x1F;
	v6 =	vsel vm4, s24, v6;
	v4 =	vsel vm15, s14, v4  }
0x7b2: {  	vm9 =	vcmask $0x2724;
	s24 =	sshrl.u32 s11, $0x1F;
	s2 =	spop (v2sf);
	v6 =	vsel vm8, s30, v6;
	v4 =	vsel vm0, s16, v4;
	s16 =	smulhi.u32 $0x14F8B589, s15  }
0x7b3: {  	vm12 =	vmmov vm14;
	v8 =	vsel vm5, s10, v8;
	s14 =	sshra.s32 s11, $0xD;
	s26 =	spop (v2sf);
	v6 =	vsel vm3, s24, v6;
	s24 =	sld [smem:$0x7D8]  }
0x7b4: {  	vm14 =	vmmov vm0;
	v32 =	vcombine.low v9, v8;
	v4 =	vsel vm9, s5, v4;
	s12 =	smulhi.u32 $0x14F8B589, s26;
	s11 =	sshra.s32 s26, $0x1F;
	s26 =	sld [smem:$0x7D9]  }
0x7b5: {  	v7 =	vsel vm5, s31, v7;
	vm0 =	vcmask $0x2F2C;
	s5 =	sshra.s32 s15, $0x1F;
	s15 =	sshrl.u32 s29, $0x1F;
	v4 =	vsel vm4, s0, v4;
	s28 =	smul.u32 $0x14F8B589, s11  }
0x7b6: {  	vm11 =	vmmov vm13;
	v5 =	vcombine.low v7, v5;
	s5 =	smul.u32 $0x14F8B589, s5;
	s0 =	sshrl.u32 s18, $0x1F;
	v4 =	vsel vm0, s13, v4;
	s13 =	sshrl.u32 s21, $0x1F  }
0x7b7: {  	vm13 =	vmmov vm15;
	vm15 =	vcmask $0x3734;
	v7 =	vperm.xlane v32, v0;
	s30 =	sshrl.u32 s24, $0x1F;
	s31 =	sshrl.u32 s26, $0x1F;
	s11 =	sadd.s32 s28, s12  }
0x7b8: {  	v5 =	vperm.xlane v5, v0;
	v4 =	vsel vm8, s23, v4;
	s23 =	sld [smem:$0x7DC];
	s5 =	sadd.s32 s5, s16;
	v33 =	vmov s31;
	s12 =	sshra.s32 s11, $0x1F  }
0x7b9: {  	s28 =	sshra.s32 s20, $0x1F;
	s16 =	sshra.s32 s6, $0xD;
	v4 =	vsel vm15, s7, v4;
	v8 =	vsel vm1, s30, v33;
	v34 =	vmov s12;
	s30 =	sshra.s32 s9, $0xD  }
0x7ba: {  	v6 =	vperm.xlane v6, v1;
	s7 =	sshrl.u32 s9, $0x1F;
	v4 =	vsel vm3, s14, v4;
	s14 =	smul.u32 $0x14F8B589, s28;
	s9 =	sshra.s32 s9, $0x1F;
	v9 =	vsel vm7, s30, v34  }
0x7bb: {  	s6 =	sshra.s32 s6, $0x1F;
	s31 =	sshrl.u32 s1, $0x1F;
	v35 =	vmov s7;
	s7 =	smulhi.u32 $0x14F8B589, s4;
	v4 =	vperm.xlane v4, v1;
	v9 =	vsel vm10, s9, v9  }
0x7bc: {  	s20 =	sshrl.u32 s5, $0x1F;
	s4 =	sshra.s32 s4, $0x1F;
	s28 =	smulhi.u32 $0x14F8B589, s2;
	v8 =	vsel vm2, s13, v8;
	v10 =	vnsel vm7, $0x0, v35;
	v9 =	vsel vm1, s16, v9  }
0x7bd: {  	s10 =	sshrl.u32 s23, $0x1F;
	s4 =	smul.u32 $0x14F8B589, s4;
	s30 =	sshra.s32 s1, $0xD;
	v8 =	vsel vm5, s15, v8;
	v10 =	vsel vm1, s8, v10;
	v9 =	vsel vm11, s6, v9  }
0x7be: {  	s1 =	sshra.s32 s1, $0x1F;
	v36 =	vmov s10;
	s3 =	sadd.s32 s14, s3;
	s14 =	sshra.s32 s26, $0xD;
	v10 =	vsel vm2, s31, v10;
	v9 =	vsel vm2, s30, v9  }
0x7bf: {  	s15 =	sshra.s32 s23, $0xD;
	v11 =	vsel vm1, s17, v36;
	s4 =	sadd.s32 s4, s7;
	s7 =	sshra.s32 s5, $0xD;
	v37 =	vmov s14;
	v9 =	vsel vm12, s1, v9  }
0x7c0: {  	s2 =	sshra.s32 s2, $0x1F;
	s10 =	sshra.s32 s5, $0x1F;
	s31 =	sshrl.u32 s3, $0x1F;
	v38 =	vmov s15;
	v10 =	vsel vm5, s20, v10;
	v9 =	vsel vm5, s7, v9  }
0x7c1: {  	s2 =	smul.u32 $0x14F8B589, s2;
	s13 =	sshra.s32 s3, $0xD;
	v11 =	vsel vm2, s19, v11;
	s19 =	sshra.s32 s25, $0xD;
	v10 =	vsel vm14, s31, v10;
	v9 =	vsel vm13, s10, v9  }
0x7c2: {  	s23 =	sshra.s32 s22, $0xD;
	s16 =	sshra.s32 s3, $0x1F;
	s9 =	sshrl.u32 s4, $0x1F;
	v11 =	vsel vm5, s0, v11;
	v12 =	vsel vm1, s19, v38;
	v9 =	vsel vm14, s13, v9  }
0x7c3: {  	s2 =	sadd.s32 s2, s28;
	s17 =	sshra.s32 s24, $0xD;
	s20 =	sshra.s32 s4, $0xD;
	v10 =	vsel vm4, s9, v10;
	v8 =	vcombine.low v11, v8;
	v9 =	vsel vm9, s16, v9  }
0x7c4: {  	s21 =	sshra.s32 s21, $0xD;
	s12 =	sshrl.u32 s2, $0x1F;
	s24 =	sshra.s32 s4, $0x1F;
	v11 =	vsel vm1, s17, v37;
	v12 =	vsel vm2, s23, v12;
	v9 =	vsel vm4, s20, v9  }
0x7c5: {  	s26 =	sshra.s32 s18, $0xD;
	s25 =	sshra.s32 s29, $0xD;
	s28 =	sshra.s32 s2, $0xD;
	v10 =	vsel vm8, s12, v10;
	v11 =	vsel vm2, s21, v11;
	v9 =	vsel vm0, s24, v9  }
0x7c6: {  	s29 =	sshrl.u32 s11, $0x1F;
	s30 =	sshra.s32 s2, $0x1F;
	v12 =	vsel vm5, s26, v12;
	v11 =	vsel vm5, s25, v11;
	v9 =	vsel vm8, s28, v9  }
0x7c7: {  	s31 =	sshra.s32 s11, $0xD;
	v10 =	vsel vm3, s29, v10;
	v11 =	vcombine.low v12, v11;
	v9 =	vsel vm15, s30, v9  }
0x7c8: {  	v8 =	vperm.xlane v8, v0;
	v10 =	vperm.xlane v10, v1;
	v9 =	vsel vm3, s31, v9  }
0x7c9: {  	v11 =	vperm.xlane v11, v0;
	v9 =	vperm.xlane v9, v1  }
0x7ca: {  	v5 =	vsel vm6, v6, v5;
	v4 =	vsel vm6, v4, v7  }
0x7cb: {  	v4 =	vadd.s32 v5, v4;
	v39 =	vsel vm6, v10, v8;
	v40 =	vsel vm6, v9, v11  }
0x7cc: {  	v4 =	vmul.u32 $0x186A0, v4;
	v5 =	vadd.s32 v39, v40  }
0x7cd: {  	v5 =	vmul.u32 $0x186A0, v5  }
0x7ce: {  	vm10 =	vmmov vm9;
	v2 =	vsub.s32 v2, v4  }
0x7cf: {  	v4 =	vadd.s32 $0x186A0, v2;
	vm9 =	vlt.s32 v2, $0x0;
	v3 =	vsub.s32 v3, v5  }
0x7d0: {  	s1 =	sld [smem:$0x7FC];
	v2 =	vsel vm9, v4, v2;
	vm9 =	vlt.s32 v3, $0x0;
	v41 =	vadd.s32 $0x186A0, v3  }
0x7d1: {  	[tilespmem:$0xB00] =	vst v2;
	v2 =	vsel vm9, v41, v3  }
0x7d2: {  	s5 =	simm.s32 $0x20;
	s4 =	rddreg [dreg:$0x2];
	s2 =	simm.s32 $0xEC00;
	[tilespmem:$0xB10] =	vst v2  }
0x7d3: {  	[tilespmem:s2], [sflag:$0x1] =	stream.indirect.gather [hbm4b:s4+s5], $0x80, s1, s5, $0xb8;
	[tilespmem:$0x10C00] =	vst v63  }
0x7d4: {  	v2 =	vld [tilespmem:$0x1E0];
	_ =	sdelay $0x1  }
0x7d5: {  	v3 =	vld [tilespmem:$0x3E0];
	_ =	sdelay $0x2  }
0x7d6: {  	v2 =	vmul.u32 $0x1F, v2;
	_ =	sdelay $0x1  }
0x7d7: {  	v2 =	vadd.s32 v3, v2  }
0x7d8: {  	(v2sf) =	vpush v2, $0xD;
	_ =	sdelay $0x1  }
0x7d9: {  	(v2sf) =	vpush v2, $0xC;
	_ =	sdelay $0x1  }
0x7da: {  	(v2sf) =	vpush v2, $0xE;
	_ =	sdelay $0x1  }
0x7db: {  	(v2sf) =	vpush v2, $0xF;
	_ =	sdelay $0x1  }
0x7dc: {  	(v2sf) =	vpush v2, $0x9;
	_ =	sdelay $0x1  }
0x7dd: {  	(v2sf) =	vpush v2, $0x8;
	_ =	sdelay $0x1  }
0x7de: {  	(v2sf) =	vpush v2, $0xA;
	_ =	sdelay $0x1  }
0x7df: {  	(v2sf) =	vpush v2, $0xB  }
0x7e0: {  	s6 =	spop (v2sf)  }
0x7e1: {  	(v2sf) =	vpush v2, $0x0;
	s0 =	smulhi.u32 $0x14F8B589, s6;
	s1 =	sshra.s32 s6, $0x1F  }
0x7e2: {  	s7 =	spop (v2sf);
	s15 =	smul.u32 $0x14F8B589, s1  }
0x7e3: {  	(v2sf) =	vpush v2, $0x1;
	s1 =	smulhi.u32 $0x14F8B589, s7;
	s2 =	sshra.s32 s7, $0x1F  }
0x7e4: {  	s8 =	spop (v2sf);
	s17 =	smul.u32 $0x14F8B589, s2  }
0x7e5: {  	(v2sf) =	vpush v2, $0x2;
	s3 =	smulhi.u32 $0x14F8B589, s8;
	s2 =	sshra.s32 s8, $0x1F  }
0x7e6: {  	s9 =	spop (v2sf);
	s20 =	smul.u32 $0x14F8B589, s2  }
0x7e7: {  	(v2sf) =	vpush v2, $0x3;
	s6 =	smulhi.u32 $0x14F8B589, s9;
	s2 =	sshra.s32 s9, $0x1F  }
0x7e8: {  	s10 =	spop (v2sf);
	s21 =	smul.u32 $0x14F8B589, s2  }
0x7e9: {  	(v2sf) =	vpush v2, $0x4;
	s8 =	smulhi.u32 $0x14F8B589, s10;
	s2 =	sshra.s32 s10, $0x1F  }
0x7ea: {  	v3 =	vld [tilespmem:$0x1F0];
	s11 =	spop (v2sf);
	s23 =	smul.u32 $0x14F8B589, s2  }
0x7eb: {  	(v2sf) =	vpush v2, $0x5;
	s9 =	smulhi.u32 $0x14F8B589, s11;
	s2 =	sshra.s32 s11, $0x1F  }
0x7ec: {  	v42 =	vld [tilespmem:$0x3F0];
	s12 =	spop (v2sf);
	s11 =	smul.u32 $0x14F8B589, s2  }
0x7ed: {  	(v2sf) =	vpush v2, $0x6;
	s10 =	smulhi.u32 $0x14F8B589, s12;
	s2 =	sshra.s32 s12, $0x1F  }
0x7ee: {  	s13 =	spop (v2sf);
	(v2sf) =	vpush v2, $0x7;
	s7 =	smul.u32 $0x14F8B589, s2  }
0x7ef: {  	v3 =	vmul.u32 $0x1F, v3;
	s12 =	smulhi.u32 $0x14F8B589, s13;
	s2 =	sshra.s32 s13, $0x1F  }
0x7f0: {  	s24 =	smul.u32 $0x14F8B589, s2;
	s14 =	spop (v2sf)  }
0x7f1: {  	v3 =	vadd.s32 v42, v3;
	s16 =	smulhi.u32 $0x14F8B589, s14;
	s4 =	sshra.s32 s14, $0x1F  }
0x7f2: {  	s0 =	sadd.s32 s15, s0;
	(v2sf) =	vpush v3, $0xD;
	s18 =	spop (v2sf);
	s2 =	smul.u32 $0x14F8B589, s4  }
0x7f3: {  	[smem:$0x7EC] =	sst s0;
	s19 =	smulhi.u32 $0x14F8B589, s18;
	s4 =	sshra.s32 s18, $0x1F  }
0x7f4: {  	(v2sf) =	vpush v3, $0xC;
	s22 =	spop (v2sf);
	s5 =	smul.u32 $0x14F8B589, s4  }
0x7f5: {  	[smem:$0x7DF] =	sst s16;
	s25 =	smulhi.u32 $0x14F8B589, s22;
	s4 =	sshra.s32 s22, $0x1F  }
0x7f6: {  	s26 =	spop (v2sf);
	s22 =	smul.u32 $0x14F8B589, s4  }
0x7f7: {  	(v2sf) =	vpush v3, $0xE;
	[smem:$0x7E0] =	sst s19;
	s28 =	smulhi.u32 $0x14F8B589, s26;
	s4 =	sshra.s32 s26, $0x1F  }
0x7f8: {  	s29 =	spop (v2sf);
	s18 =	smul.u32 $0x14F8B589, s4  }
0x7f9: {  	[smem:$0x7E1] =	sst s25;
	s30 =	smulhi.u32 $0x14F8B589, s29;
	s4 =	sshra.s32 s29, $0x1F  }
0x7fa: {  	s31 =	spop (v2sf);
	s16 =	smul.u32 $0x14F8B589, s4  }
0x7fb: {  	(v2sf) =	vpush v3, $0xF;
	[smem:$0x7E2] =	sst s28;
	s14 =	smulhi.u32 $0x14F8B589, s31  }
0x7fc: {  	(v2sf) =	vpush v3, $0x9;
	s19 =	spop (v2sf);
	[smem:$0x7E3] =	sst s30  }
0x7fd: {  	s4 =	sshra.s32 s31, $0x1F;
	s25 =	smulhi.u32 $0x14F8B589, s19;
	s26 =	spop (v2sf)  }
0x7fe: {  	[smem:$0x7E4] =	sst s14;
	s14 =	smul.u32 $0x14F8B589, s4;
	s4 =	sshra.s32 s19, $0x1F  }
0x7ff: {  	(v2sf) =	vpush v3, $0x8;
	s28 =	smulhi.u32 $0x14F8B589, s26;
	s19 =	sadd.s32 s7, s10;
	s7 =	sld [smem:$0x7DF]  }
0x800: {  	s10 =	sld [smem:$0x7E1];
	s13 =	smul.u32 $0x14F8B589, s4;
	s4 =	sshra.s32 s26, $0x1F  }
0x801: {  	(v2sf) =	vpush v3, $0xA;
	s31 =	smul.u32 $0x14F8B589, s4;
	s29 =	spop (v2sf)  }
0x802: {  	[smem:$0x7E5] =	sst s25;
	s30 =	smulhi.u32 $0x14F8B589, s29;
	s4 =	sshra.s32 s29, $0x1F  }
0x803: {  	(v2sf) =	vpush v3, $0xB;
	s26 =	spop (v2sf);
	s25 =	smul.u32 $0x14F8B589, s4  }
0x804: {  	[smem:$0x7E6] =	sst s28;
	s28 =	smulhi.u32 $0x14F8B589, s26;
	s4 =	sshra.s32 s26, $0x1F  }
0x805: {  	s23 =	sadd.s32 s23, s8;
	[smem:$0x7E7] =	sst s30;
	s29 =	smul.u32 $0x14F8B589, s4  }
0x806: {  	s30 =	sadd.s32 s17, s1;
	s1 =	spop (v2sf);
	[smem:$0x7E8] =	sst s25  }
0x807: {  	[smem:$0x7E9] =	sst s28;
	s28 =	sadd.s32 s20, s3;
	s3 =	smulhi.u32 $0x14F8B589, s1  }
0x808: {  	(v2sf) =	vpush v3, $0x0;
	s4 =	sshra.s32 s1, $0x1F;
	s20 =	sadd.s32 s11, s9;
	s9 =	sld [smem:$0x7E0]  }
0x809: {  	s24 =	sadd.s32 s24, s12;
	[smem:$0x7EA] =	sst s29;
	s25 =	smul.u32 $0x14F8B589, s4  }
0x80a: {  	s26 =	sadd.s32 s21, s6;
	s4 =	spop (v2sf);
	[smem:$0x7EB] =	sst s3  }
0x80b: {  	s21 =	smulhi.u32 $0x14F8B589, s4;
	s0 =	sshra.s32 s4, $0x1F;
	s6 =	spop (v2sf)  }
0x80c: {  	s3 =	sadd.s32 s2, s7;
	s2 =	sld [smem:$0x7E2];
	s15 =	smul.u32 $0x14F8B589, s0  }
0x80d: {  	s4 =	sld [smem:$0x7E3];
	s17 =	smulhi.u32 $0x14F8B589, s6;
	s0 =	sshra.s32 s6, $0x1F  }
0x80e: {  	s22 =	sadd.s32 s22, s10;
	s8 =	spop (v2sf);
	s11 =	smul.u32 $0x14F8B589, s0  }
0x80f: {  	s7 =	sld [smem:$0x7E4];
	s12 =	smulhi.u32 $0x14F8B589, s8;
	s0 =	sshra.s32 s8, $0x1F  }
0x810: {  	s5 =	sadd.s32 s5, s9;
	s29 =	spop (v2sf);
	s9 =	smul.u32 $0x14F8B589, s0  }
0x811: {  	s10 =	smulhi.u32 $0x14F8B589, s29;
	s0 =	sshra.s32 s29, $0x1F;
	s29 =	sld [smem:$0x7E5]  }
0x812: {  	(v2sf) =	vpush v3, $0x1;
	s18 =	sadd.s32 s18, s2;
	s16 =	sadd.s32 s16, s4;
	s6 =	spop (v2sf)  }
0x813: {  	s14 =	sadd.s32 s14, s7;
	s15 =	sadd.s32 s15, s21;
	s8 =	smul.u32 $0x14F8B589, s0  }
0x814: {  	(v2sf) =	vpush v3, $0x2;
	s7 =	smulhi.u32 $0x14F8B589, s6;
	s13 =	sadd.s32 s13, s29;
	s29 =	sld [smem:$0x7E6]  }
0x815: {  	s0 =	sshra.s32 s6, $0x1F;
	[smem:$0x7F0] =	sst s15;
	s11 =	sadd.s32 s11, s17  }
0x816: {  	(v2sf) =	vpush v3, $0x3;
	s4 =	smul.u32 $0x14F8B589, s0;
	[smem:$0x7F2] =	sst s11;
	s9 =	sadd.s32 s9, s12  }
0x817: {  	s2 =	spop (v2sf);
	s31 =	sadd.s32 s31, s29;
	s29 =	sld [smem:$0x7E8]  }
0x818: {  	s6 =	smulhi.u32 $0x14F8B589, s2;
	s0 =	sshra.s32 s2, $0x1F;
	s2 =	sld [smem:$0x7E7]  }
0x819: {  	[smem:$0x7F1] =	sst s9;
	s8 =	sadd.s32 s8, s10  }
0x81a: {  	[smem:$0x7F3] =	sst s8  }
0x81b: {  	s1 =	sadd.s32 s29, s2;
	s29 =	sld [smem:$0x7EA]  }
0x81c: {  	[smem:$0x7ED] =	sst s1  }
0x81d: {  	s10 =	sshra.s32 s20, $0xD;
	s1 =	sld [smem:$0x7E9]  }
0x81e: {  	s4 =	sadd.s32 s4, s7;
	v52 =	vmov s10;
	s10 =	sld [smem:$0x7F1]  }
0x81f: {  	s12 =	sshra.s32 s28, $0xD;
	[smem:$0x7F4] =	sst s4;
	s2 =	smul.u32 $0x14F8B589, s0  }
0x820: {  	s4 =	sshrl.u32 s20, $0x1F;
	s1 =	sadd.s32 s29, s1;
	s29 =	sld [smem:$0x7EB]  }
0x821: {  	s20 =	sshrl.u32 s19, $0x1F;
	s0 =	spop (v2sf);
	s8 =	sadd.s32 s2, s6  }
0x822: {  	[smem:$0x7EE] =	sst s1;
	s1 =	smulhi.u32 $0x14F8B589, s0;
	s0 =	sshra.s32 s0, $0x1F  }
0x823: {  	s0 =	smul.u32 $0x14F8B589, s0;
	s25 =	sadd.s32 s25, s29;
	s29 =	spop (v2sf)  }
0x824: {  	(v2sf) =	vpush v3, $0x4;
	[smem:$0x7EF] =	sst s25;
	s21 =	smulhi.u32 $0x14F8B589, s29;
	s25 =	sshra.s32 s29, $0x1F  }
0x825: {  	s29 =	spop (v2sf);
	s7 =	sadd.s32 s0, s1;
	s17 =	smul.u32 $0x14F8B589, s25  }
0x826: {  	(v2sf) =	vpush v3, $0x5;
	s0 =	sshra.s32 s31, $0x1F;
	s1 =	sshra.s32 s3, $0xD;
	s11 =	smulhi.u32 $0x14F8B589, s29  }
0x827: {  	(v2sf) =	vpush v3, $0x6;
	s15 =	sshra.s32 s29, $0x1F;
	s29 =	sld [smem:$0x7EC];
	v43 =	vmov s0;
	s0 =	sshra.s32 s5, $0xD  }
0x828: {  	(v2sf) =	vpush v3, $0x7;
	s25 =	smul.u32 $0x14F8B589, s15;
	s15 =	sshrl.u32 s3, $0x1F;
	s3 =	sshra.s32 s3, $0x1F  }
0x829: {  	v4 =	vsel vm7, s1, v43;
	s1 =	sshrl.u32 s5, $0x1F;
	s5 =	sshra.s32 s5, $0x1F;
	s9 =	sadd.s32 s17, s21  }
0x82a: {  	vm14 =	vmmov vm4;
	vm4 =	vcmask $0x704;
	s17 =	sshrl.u32 s23, $0x1F;
	s23 =	sshra.s32 s23, $0xD;
	s21 =	sshra.s32 s19, $0xD  }
0x82b: {  	s19 =	sshrl.u32 s24, $0x1F;
	s24 =	sshra.s32 s24, $0xD;
	v4 =	vsel vm4, s3, v4;
	s3 =	sshrl.u32 s22, $0x1F  }
0x82c: {  	v45 =	vmov s15;
	s15 =	sshra.s32 s22, $0xD;
	s22 =	sshra.s32 s22, $0x1F;
	s6 =	sadd.s32 s25, s11  }
0x82d: {  	v50 =	vmov s4;
	s2 =	sshrl.u32 s29, $0x1F;
	s25 =	sshra.s32 s29, $0xD;
	s29 =	sshrl.u32 s30, $0x1F;
	v4 =	vsel vm1, s0, v4  }
0x82e: {  	s11 =	sshra.s32 s30, $0xD;
	s30 =	sshrl.u32 s28, $0x1F;
	s28 =	sshrl.u32 s26, $0x1F;
	v6 =	vnsel vm7, $0x0, v45;
	v7 =	vsel vm1, s17, v50;
	v9 =	vsel vm1, s23, v52  }
0x82f: {  	s26 =	sshra.s32 s26, $0xD;
	s0 =	sshrl.u32 s18, $0x1F;
	s17 =	sshra.s32 s13, $0x1F;
	v44 =	vmov s29;
	v6 =	vsel vm1, s1, v6;
	v46 =	vsel vm11, s5, v4  }
0x830: {  	s29 =	sshrl.u32 s16, $0x1F;
	s5 =	sshra.s32 s16, $0xD;
	s16 =	sshra.s32 s16, $0x1F;
	v7 =	vsel vm2, s20, v7;
	v51 =	vmov s11;
	v9 =	vsel vm2, s21, v9  }
0x831: {  	s21 =	sshrl.u32 s7, $0x1F;
	v5 =	vsel vm1, s2, v44;
	s2 =	sshra.s32 s18, $0xD;
	s18 =	sshra.s32 s18, $0x1F;
	v49 =	vsel vm2, s15, v46;
	v7 =	vsel vm5, s19, v7  }
0x832: {  	s15 =	sshrl.u32 s14, $0x1F;
	v8 =	vsel vm1, s25, v51;
	s19 =	sld [smem:$0x7EE];
	v9 =	vsel vm5, s24, v9;
	s24 =	sshrl.u32 s9, $0x1F;
	v5 =	vsel vm2, s30, v5  }
0x833: {  	v48 =	vsel vm2, s3, v6;
	s30 =	spop (v2sf);
	v8 =	vsel vm2, s12, v8;
	s12 =	sshrl.u32 s8, $0x1F;
	v47 =	vsel vm5, s28, v5;
	s28 =	sshra.s32 s14, $0xD  }
0x834: {  	vm0 =	vcmask $0x2320;
	v6 =	vsel vm12, s22, v49;
	v5 =	vsel vm5, s0, v48;
	s0 =	sshra.s32 s14, $0x1F;
	s4 =	smulhi.u32 $0x14F8B589, s30;
	s3 =	sshra.s32 s30, $0x1F  }
0x835: {  	v6 =	vsel vm5, s2, v6;
	s30 =	spop (v2sf);
	s14 =	sshrl.u32 s13, $0x1F;
	v5 =	vsel vm0, s29, v5;
	s29 =	smul.u32 $0x14F8B589, s3  }
0x836: {  	v6 =	vsel vm13, s18, v6;
	s20 =	smulhi.u32 $0x14F8B589, s30;
	s2 =	sshra.s32 s30, $0x1F;
	s3 =	spop (v2sf)  }
0x837: {  	v8 =	vsel vm5, s26, v8;
	v53 =	vmov s12;
	s26 =	sshrl.u32 s10, $0x1F;
	v6 =	vsel vm0, s5, v6;
	s2 =	smul.u32 $0x14F8B589, s2;
	s22 =	spop (v2sf)  }
0x838: {  	vm9 =	vcmask $0x2F2C;
	s18 =	sld [smem:$0x7ED];
	v10 =	vnsel vm7, $0x0, v53;
	v6 =	vsel vm10, s16, v6;
	s25 =	smulhi.u32 $0x14F8B589, s22;
	s11 =	sshra.s32 s22, $0x1F  }
0x839: {  	v5 =	vsel vm14, s15, v5;
	s15 =	sshra.s32 s13, $0xD;
	v10 =	vsel vm1, s21, v10;
	s5 =	sshra.s32 s6, $0x1F;
	v6 =	vsel vm14, s28, v6;
	s30 =	smul.u32 $0x14F8B589, s11  }
0x83a: {  	v5 =	vsel vm8, s14, v5;
	s14 =	sshrl.u32 s31, $0x1F;
	s16 =	sshra.s32 s31, $0xD;
	v10 =	vsel vm2, s24, v10;
	s24 =	sld [smem:$0x7F4];
	v6 =	vsel vm9, s0, v6  }
0x83b: {  	s28 =	sshrl.u32 s18, $0x1F;
	v6 =	vsel vm8, s15, v6;
	s15 =	sld [smem:$0x7EF];
	s12 =	sadd.s32 s30, s25  }
0x83c: {  	v13 =	vmov s26;
	v5 =	vsel vm3, s14, v5;
	s14 =	sadd.s32 s29, s4;
	s29 =	sshrl.u32 s19, $0x1F;
	s23 =	sshra.s32 s12, $0x1F  }
0x83d: {  	v4 =	vcombine.low v7, v47;
	s13 =	sadd.s32 s2, s20;
	s4 =	sld [smem:$0x7F2];
	v54 =	vmov s29;
	s25 =	sshra.s32 s8, $0xD;
	v55 =	vmov s23  }
0x83e: {  	v56 =	vcombine.low v9, v8;
	s29 =	sshra.s32 s8, $0x1F;
	v11 =	vsel vm1, s28, v54;
	s22 =	smulhi.u32 $0x14F8B589, s3;
	s31 =	sshrl.u32 s15, $0x1F;
	v12 =	vsel vm7, s25, v55  }
0x83f: {  	v4 =	vperm.xlane v4, v0;
	s3 =	sshra.s32 s3, $0x1F;
	s11 =	sld [smem:$0x7F0];
	v11 =	vsel vm2, s31, v11;
	s31 =	sshra.s32 s7, $0xD;
	v12 =	vsel vm4, s29, v12  }
0x840: {  	v7 =	vperm.xlane v56, v0;
	s28 =	sshrl.u32 s6, $0x1F;
	v6 =	vsel vm15, s17, v6;
	s17 =	sshra.s32 s7, $0x1F;
	s3 =	smul.u32 $0x14F8B589, s3;
	v12 =	vsel vm1, s31, v12  }
0x841: {  	v10 =	vsel vm5, s28, v10;
	s28 =	sshra.s32 s9, $0x1F;
	v6 =	vsel vm3, s16, v6;
	s16 =	sshrl.u32 s13, $0x1F;
	s23 =	sshra.s32 s9, $0xD;
	v12 =	vsel vm11, s17, v12  }
0x842: {  	v5 =	vperm.xlane v5, v1;
	v6 =	vperm.xlane v6, v1;
	s0 =	sadd.s32 s3, s22;
	s30 =	sshrl.u32 s14, $0x1F;
	s20 =	sshrl.u32 s11, $0x1F;
	v12 =	vsel vm2, s23, v12  }
0x843: {  	s8 =	sshrl.u32 s4, $0x1F;
	v10 =	vsel vm0, s30, v10;
	v11 =	vsel vm5, s20, v11;
	s20 =	sld [smem:$0x7F3];
	s31 =	sshra.s32 s6, $0xD;
	v12 =	vsel vm12, s28, v12  }
0x844: {  	s2 =	sshra.s32 s18, $0xD;
	v13 =	vsel vm1, s8, v13;
	s22 =	sshrl.u32 s0, $0x1F;
	s30 =	sshra.s32 s10, $0xD;
	v10 =	vsel vm14, s16, v10;
	v12 =	vsel vm5, s31, v12  }
0x845: {  	s3 =	sshra.s32 s4, $0xD;
	v15 =	vmov s30;
	s9 =	sshra.s32 s14, $0xD;
	v10 =	vsel vm8, s22, v10;
	s29 =	sshra.s32 s19, $0xD;
	v12 =	vsel vm13, s5, v12  }
0x846: {  	v15 =	vsel vm1, s3, v15;
	s21 =	sshrl.u32 s20, $0x1F;
	v14 =	vmov s29;
	s6 =	sshra.s32 s15, $0xD;
	s15 =	sshra.s32 s14, $0x1F;
	v12 =	vsel vm0, s9, v12  }
0x847: {  	s16 =	sshra.s32 s13, $0xD;
	s25 =	sshrl.u32 s24, $0x1F;
	s8 =	sshra.s32 s20, $0xD;
	v13 =	vsel vm2, s21, v13;
	v14 =	vsel vm1, s2, v14;
	v12 =	vsel vm10, s15, v12  }
0x848: {  	s10 =	sshra.s32 s11, $0xD;
	s11 =	sshra.s32 s24, $0xD;
	v15 =	vsel vm2, s8, v15;
	s17 =	sshra.s32 s13, $0x1F;
	v13 =	vsel vm5, s25, v13;
	v12 =	vsel vm14, s16, v12  }
0x849: {  	s18 =	sshra.s32 s0, $0xD;
	v14 =	vsel vm2, s6, v14;
	v15 =	vsel vm5, s11, v15;
	v59 =	vsel vm9, s17, v12  }
0x84a: {  	s26 =	sshrl.u32 s12, $0x1F;
	s0 =	sshra.s32 s0, $0x1F;
	v14 =	vsel vm5, s10, v14;
	v57 =	vcombine.low v13, v11;
	v11 =	vsel vm8, s18, v59  }
0x84b: {  	v10 =	vsel vm3, s26, v10;
	s19 =	sshra.s32 s12, $0xD;
	v58 =	vcombine.low v15, v14;
	v11 =	vsel vm15, s0, v11  }
0x84c: {  	v10 =	vperm.xlane v10, v1;
	v8 =	vperm.xlane v57, v0;
	v11 =	vsel vm3, s19, v11  }
0x84d: {  	v9 =	vperm.xlane v58, v0;
	v11 =	vperm.xlane v11, v1  }
0x84e: {  	v4 =	vsel vm6, v5, v4;
	v60 =	vsel vm6, v6, v7  }
0x84f: {  	v4 =	vadd.s32 v4, v60;
	v61 =	vsel vm6, v10, v8;
	v62 =	vsel vm6, v11, v9  }
0x850: {  	v4 =	vmul.u32 $0x186A0, v4;
	v5 =	vadd.s32 v61, v62  }
0x851: {  	v5 =	vmul.u32 $0x186A0, v5  }
0x852: {  	v2 =	vsub.s32 v2, v4  }
0x853: {  	v4 =	vadd.s32 $0x186A0, v2;
	vm14 =	vlt.s32 v2, $0x0;
	v3 =	vsub.s32 v3, v5  }
0x854: {  	s20 =	sld [smem:$0x7FD];
	v2 =	vsel vm14, v4, v2;
	vm15 =	vlt.s32 v3, $0x0;
	v63 =	vadd.s32 $0x186A0, v3  }
0x855: {  	s4 =	simm.s32 $0x1;
	[tilespmem:$0xB80] =	vst v2;
	v3 =	vsel vm15, v63, v3  }
0x856: {  	s22 =	simm.s32 $0x20;
	s2 =	simm.s32 $0xFC00;
	s21 =	rddreg [dreg:$0x2];
	[tilespmem:$0xB90] =	vst v3  }
0x857: {  	[tilespmem:s2], [sflag:$0x1] =	stream.indirect.gather [hbm4b:s21+s22], $0x80, s20, s22, $0xb8;
	[tilespmem:$0x10C00] =	vst v63  }
0x858: {  	s1 =	sld [smem:$0x7F5];
	_ =	swait.ge [sflag:s4], $0x1000  }
0x859: {  	s23 =	sld [smem:$0x7F6]  }
0x85a: {  	[sflag:s4] =	ssyncset.done $0x0  }
0x85b: {  	s3 =	simm.s32 $0x0;
	s24 =	simm.s32 $0xC00;
	[sflag:s4] =	ssyncadd.s32 $0xFFFFF000  }
0x85c: {  	[hbm4b:s23+s3] =	stream.linear.scatter [tilespmem:s24], [sflag:$0x2], $0x1000, $0x38;
	[tilespmem:$0x10C00] =	vst v63  }
0x85d: {  	_ =	swait.ge [sflag:s4], $0x1000  }
0x85e: {  	[sflag:s4] =	ssyncset.done $0x0  }
0x85f: {  	s26 =	simm.s32 $0x1C00;
	s25 =	rddreg [dreg:$0x7];
	[sflag:s4] =	ssyncadd.s32 $0xFFFFF000  }
0x860: {  	[hbm4b:s25+s3] =	stream.linear.scatter [tilespmem:s26], [sflag:$0x2], $0x1000, $0x38;
	[tilespmem:$0x10C00] =	vst v63  }
0x861: {  	_ =	swait.ge [sflag:s4], $0x1000  }
0x862: {  	[sflag:s4] =	ssyncset.done $0x0  }
0x863: {  	s29 =	simm.s32 $0x2C00;
	s28 =	rddreg [dreg:$0x8];
	[sflag:s4] =	ssyncadd.s32 $0xFFFFF000  }
0x864: {  	[hbm4b:s28+s3] =	stream.linear.scatter [tilespmem:s29], [sflag:$0x2], $0x1000, $0x38;
	[tilespmem:$0x10C00] =	vst v63  }
0x865: {  	_ =	swait.ge [sflag:s4], $0x1000  }
0x866: {  	[sflag:s4] =	ssyncset.done $0x0  }
0x867: {  	s31 =	simm.s32 $0x3C00;
	s30 =	rddreg [dreg:$0x9];
	[sflag:s4] =	ssyncadd.s32 $0xFFFFF000  }
0x868: {  	[hbm4b:s30+s3] =	stream.linear.scatter [tilespmem:s31], [sflag:$0x2], $0x1000, $0x38;
	[tilespmem:$0x10C00] =	vst v63  }
0x869: {  	_ =	swait.ge [sflag:s4], $0x1000  }
0x86a: {  	[sflag:s4] =	ssyncset.done $0x0  }
0x86b: {  	s7 =	simm.s32 $0x4C00;
	s6 =	rddreg [dreg:$0xa];
	[sflag:s4] =	ssyncadd.s32 $0xFFFFF000  }
0x86c: {  	[hbm4b:s6+s3] =	stream.linear.scatter [tilespmem:s7], [sflag:$0x2], $0x1000, $0x38;
	[tilespmem:$0x10C00] =	vst v63  }
0x86d: {  	_ =	swait.ge [sflag:s4], $0x1000  }
0x86e: {  	[sflag:s4] =	ssyncset.done $0x0  }
0x86f: {  	s9 =	simm.s32 $0x5C00;
	s8 =	rddreg [dreg:$0xb];
	[sflag:s4] =	ssyncadd.s32 $0xFFFFF000  }
0x870: {  	[hbm4b:s8+s3] =	stream.linear.scatter [tilespmem:s9], [sflag:$0x2], $0x1000, $0x38;
	[tilespmem:$0x10C00] =	vst v63  }
0x871: {  	_ =	swait.ge [sflag:s4], $0x1000  }
0x872: {  	[sflag:s4] =	ssyncset.done $0x0  }
0x873: {  	s11 =	simm.s32 $0x6C00;
	s10 =	rddreg [dreg:$0xc];
	[sflag:s4] =	ssyncadd.s32 $0xFFFFF000  }
0x874: {  	[hbm4b:s10+s3] =	stream.linear.scatter [tilespmem:s11], [sflag:$0x2], $0x1000, $0x38;
	[tilespmem:$0x10C00] =	vst v63  }
0x875: {  	_ =	swait.ge [sflag:s4], $0x1000  }
0x876: {  	[sflag:s4] =	ssyncset.done $0x0  }
0x877: {  	s13 =	simm.s32 $0x7C00;
	s12 =	rddreg [dreg:$0xd];
	[sflag:s4] =	ssyncadd.s32 $0xFFFFF000  }
0x878: {  	[hbm4b:s12+s3] =	stream.linear.scatter [tilespmem:s13], [sflag:$0x2], $0x1000, $0x38;
	[tilespmem:$0x10C00] =	vst v63  }
0x879: {  	_ =	swait.ge [sflag:s4], $0x1000  }
0x87a: {  	[sflag:s4] =	ssyncset.done $0x0  }
0x87b: {  	s15 =	simm.s32 $0x8C00;
	s14 =	rddreg [dreg:$0xe];
	[sflag:s4] =	ssyncadd.s32 $0xFFFFF000  }
0x87c: {  	[hbm4b:s14+s3] =	stream.linear.scatter [tilespmem:s15], [sflag:$0x2], $0x1000, $0x38;
	[tilespmem:$0x10C00] =	vst v63  }
0x87d: {  	_ =	swait.ge [sflag:s4], $0x1000  }
0x87e: {  	[sflag:s4] =	ssyncset.done $0x0  }
0x87f: {  	s17 =	simm.s32 $0x9C00;
	s16 =	rddreg [dreg:$0xf];
	[sflag:s4] =	ssyncadd.s32 $0xFFFFF000  }
0x880: {  	[hbm4b:s16+s3] =	stream.linear.scatter [tilespmem:s17], [sflag:$0x2], $0x1000, $0x38;
	[tilespmem:$0x10C00] =	vst v63  }
0x881: {  	_ =	swait.ge [sflag:s4], $0x1000  }
0x882: {  	[sflag:s4] =	ssyncset.done $0x0  }
0x883: {  	s19 =	simm.s32 $0xAC00;
	s18 =	rddreg [dreg:$0x10];
	[sflag:s4] =	ssyncadd.s32 $0xFFFFF000  }
0x884: {  	[hbm4b:s18+s3] =	stream.linear.scatter [tilespmem:s19], [sflag:$0x2], $0x1000, $0x38;
	[tilespmem:$0x10C00] =	vst v63  }
0x885: {  	_ =	swait.ge [sflag:s4], $0x1000  }
0x886: {  	[sflag:s4] =	ssyncset.done $0x0  }
0x887: {  	s21 =	simm.s32 $0xBC00;
	s20 =	rddreg [dreg:$0x11];
	[sflag:s4] =	ssyncadd.s32 $0xFFFFF000  }
0x888: {  	[hbm4b:s20+s3] =	stream.linear.scatter [tilespmem:s21], [sflag:$0x2], $0x1000, $0x38;
	[tilespmem:$0x10C00] =	vst v63  }
0x889: {  	_ =	swait.ge [sflag:s4], $0x1000  }
0x88a: {  	[sflag:s4] =	ssyncset.done $0x0  }
0x88b: {  	s23 =	simm.s32 $0xCC00;
	s22 =	rddreg [dreg:$0x12];
	[sflag:s4] =	ssyncadd.s32 $0xFFFFF000  }
0x88c: {  	[hbm4b:s22+s3] =	stream.linear.scatter [tilespmem:s23], [sflag:$0x2], $0x1000, $0x38;
	[tilespmem:$0x10C00] =	vst v63  }
0x88d: {  	_ =	swait.ge [sflag:s4], $0x1000  }
0x88e: {  	[sflag:s4] =	ssyncset.done $0x0  }
0x88f: {  	s25 =	simm.s32 $0xDC00;
	s24 =	rddreg [dreg:$0x13];
	[sflag:s4] =	ssyncadd.s32 $0xFFFFF000  }
0x890: {  	[hbm4b:s24+s3] =	stream.linear.scatter [tilespmem:s25], [sflag:$0x2], $0x1000, $0x38;
	[tilespmem:$0x10C00] =	vst v63  }
0x891: {  	_ =	swait.ge [sflag:s4], $0x1000  }
0x892: {  	[sflag:s4] =	ssyncset.done $0x0  }
0x893: {  	s28 =	simm.s32 $0xEC00;
	s26 =	rddreg [dreg:$0x14];
	[sflag:s4] =	ssyncadd.s32 $0xFFFFF000  }
0x894: {  	[hbm4b:s26+s3] =	stream.linear.scatter [tilespmem:s28], [sflag:$0x2], $0x1000, $0x38;
	[tilespmem:$0x10C00] =	vst v63  }
0x895: {  	_ =	swait.ge [sflag:s4], $0x1000  }
0x896: {  	s29 =	simm.s32 $0x0;
	[sflag:s4] =	ssyncset.done $0x0  }
0x897: {  	s31 =	simm.s32 $0x2;
	s30 =	rddreg [dreg:$0x15];
	[sflag:s4] =	ssyncadd.s32 $0xFFFFF000  }
0x898: {  	[hbm4b:s30+s29] =	stream.linear.scatter [tilespmem:s2], [sflag:$0x2], $0x1000, $0x38;
	[tilespmem:$0x10C00] =	vst v63  }
0x899: {  	_ =	swait.ge [sflag:s31], $0x1000  }
0x89a: {  	[sflag:s31] =	ssyncset.done $0x0  }
0x89b: {  	[sflag:s31] =	ssyncadd.s32 $0xFFFFF000  }
0x89c: {  	_ =	swait.ge [sflag:s31], $0x1000  }
0x89d: {  	[sflag:s31] =	ssyncset.done $0x0  }
0x89e: {  	[sflag:s31] =	ssyncadd.s32 $0xFFFFF000  }
0x89f: {  	_ =	swait.ge [sflag:s31], $0x1000  }
0x8a0: {  	[sflag:s31] =	ssyncset.done $0x0  }
0x8a1: {  	[sflag:s31] =	ssyncadd.s32 $0xFFFFF000  }
0x8a2: {  	_ =	swait.ge [sflag:s31], $0x1000  }
0x8a3: {  	[sflag:s31] =	ssyncset.done $0x0  }
0x8a4: {  	[sflag:s31] =	ssyncadd.s32 $0xFFFFF000  }
0x8a5: {  	_ =	swait.ge [sflag:s31], $0x1000  }
0x8a6: {  	[sflag:s31] =	ssyncset.done $0x0  }
0x8a7: {  	[sflag:s31] =	ssyncadd.s32 $0xFFFFF000  }
0x8a8: {  	_ =	swait.ge [sflag:s31], $0x1000  }
0x8a9: {  	[sflag:s31] =	ssyncset.done $0x0  }
0x8aa: {  	[sflag:s31] =	ssyncadd.s32 $0xFFFFF000  }
0x8ab: {  	_ =	swait.ge [sflag:s31], $0x1000  }
0x8ac: {  	[sflag:s31] =	ssyncset.done $0x0  }
0x8ad: {  	[sflag:s31] =	ssyncadd.s32 $0xFFFFF000  }
0x8ae: {  	_ =	swait.ge [sflag:s31], $0x1000  }
0x8af: {  	[sflag:s31] =	ssyncset.done $0x0  }
0x8b0: {  	[sflag:s31] =	ssyncadd.s32 $0xFFFFF000  }
0x8b1: {  	_ =	swait.ge [sflag:s31], $0x1000  }
0x8b2: {  	[sflag:s31] =	ssyncset.done $0x0  }
0x8b3: {  	[sflag:s31] =	ssyncadd.s32 $0xFFFFF000  }
0x8b4: {  	_ =	swait.ge [sflag:s31], $0x1000  }
0x8b5: {  	[sflag:s31] =	ssyncset.done $0x0  }
0x8b6: {  	[sflag:s31] =	ssyncadd.s32 $0xFFFFF000  }
0x8b7: {  	_ =	swait.ge [sflag:s31], $0x1000  }
0x8b8: {  	[sflag:s31] =	ssyncset.done $0x0  }
0x8b9: {  	[sflag:s31] =	ssyncadd.s32 $0xFFFFF000  }
0x8ba: {  	_ =	swait.ge [sflag:s31], $0x1000  }
0x8bb: {  	[sflag:s31] =	ssyncset.done $0x0  }
0x8bc: {  	[sflag:s31] =	ssyncadd.s32 $0xFFFFF000  }
0x8bd: {  	_ =	swait.ge [sflag:s31], $0x1000  }
0x8be: {  	[sflag:s31] =	ssyncset.done $0x0  }
0x8bf: {  	[sflag:s31] =	ssyncadd.s32 $0xFFFFF000  }
0x8c0: {  	_ =	swait.ge [sflag:s31], $0x1000  }
0x8c1: {  	[sflag:s31] =	ssyncset.done $0x0  }
0x8c2: {  	[sflag:s31] =	ssyncadd.s32 $0xFFFFF000  }
0x8c3: {  	p0 =	sne.s32 s1, $0x1;
	_ =	swait.ge [sflag:s31], $0x1000  }
.Ltmp0:
0x8c4: {  	[sflag:s31] =	ssyncset.done $0x0;
	(pc) =	sbr.rel @p0 .LBB2_1-.Ltmp0, $4  }
0x8c5: {  	[sflag:s31] =	ssyncadd.s32 $0xFFFFF000  }
0x8c6: {  	_ =	swait.ge [sflag:s31], $0x1000  }
0x8c7: {  	[sflag:s31] =	ssyncset.done $0x0  }
0x8c8: {  	s1 =	sadd.s32 $0xFFFFFFFF, s1;
	[sflag:s31] =	ssyncadd.s32 $0xFFFFF000  }
0x8c9: {  	_ =	sfence.sel $0x180000  }
0x8ca: {  	[bflag:$0x0] =	sbarrier.arrive $0xFFFF  }
0x8cb: {  	_ =	strace $0x90000047  }
0x8cc: {  	s0 =	stileid.u32;
	[bflag:$0x2] =	sbarrier.arrive $0xFFFF  }
0x8cd: {  	p0 =	sne.s32 s0, $0x0;
	s0 =	rddreg [dreg:$0x4]  }
0x8ce: {  	s0 =	sadd.s32 @!p0 $0x100000, s0  }
0x8cf: {  	[sflag:s0] =	ssyncadd.tile.s32 @!p0 $0x1;
	_ =	shalt  }
.Lfunc_end2:
_tile_overlayer_lowered:
.L_overlay_start_2:
0x8d0: {  	(tag) =	ssettag $0x2  }
0x8d1: {  	s0 =	rddreg [dreg:$0x0];
	s2 =	stileid.u32  }
0x8d2: {  	s1 =	rddreg [dreg:$0x1];
	p0 =	sne.s32 s2, $0x0  }
0x8d3: {  	s3 =	rddreg [dreg:$0x2];
	[bflag:$0x3] =	sbarrier.arrive $0xFFFF;
	s2 =	simm.s32 @!p0 $0x1C03  }
0x8d4: {  	[timem:s3], [sflag:s2] =	dma.local @!p0 [hbm:s0], s1  }
0x8d5: {  	s0 =	simm.s32 @!p0 $0x3  }
0x8d6: {  	_ =	swait.ge @!p0 [sflag:s0], s1  }
0x8d7: {  	s1 =	ssub.s32 @!p0 $0x0, s1;
	[sflag:s0] =	ssyncset.done @!p0 $0x0  }
0x8d8: {  	[sflag:s0] =	ssyncadd.s32 @!p0 s1  }
0x8d9: {  	[bflag:$0x3] =	sbarrier.arrive $0xFFFF  }
0x8da: {  	_ =	shalt  }

</sc_bundles>
